<compile_context>
chip_gen: v7x
topology: tpu7x:2x2x1
jax: 0.10.2.dev20260603
libtpu: 0.0.44.dev20260713+nightly
codegen_flags: <defaults>
</compile_context>

<pallas_src>
import functools

import jax
import jax.numpy as jnp
from jax import lax
from jax.experimental import pallas as pl
from jax.experimental.pallas import tpu as pltpu
from jax.experimental.pallas import tpu_sc as plsc

_info = plsc.get_sparse_core_info()
_NC, _NS = _info.num_cores, _info.num_subcores
_NW = _NC * _NS

_CHUNK = 128
_NBUF = 4
_NROW = 2


@functools.lru_cache(maxsize=None)
def _build_gather(n_tokens: int, embed: int, seq_l: int):
    b_per_w = n_tokens // _NW
    n_chunks = b_per_w // _CHUNK
    rounds = n_chunks // _NBUF
    n_b = n_tokens // seq_l
    tb_n = n_b // _CHUNK
    eh = embed // 8
    assert n_tokens % _NW == 0 and b_per_w % _CHUNK == 0
    assert n_chunks % _NBUF == 0 and rounds >= 2 and embed == 64
    mesh = plsc.VectorSubcoreMesh(core_axis_name="c", subcore_axis_name="s")

    @functools.partial(
        pl.kernel,
        mesh=mesh,
        out_type=jax.ShapeDtypeStruct((seq_l * eh, tb_n, 8, _CHUNK),
                                      jnp.float32),
        scratch_types=[
            pltpu.VMEM((b_per_w,), jnp.int32),
            pltpu.VMEM((_NROW, _CHUNK), jnp.int32),
            pltpu.VMEM((_NROW, _CHUNK, embed), jnp.float32),
            pltpu.VMEM((_NBUF, eh, 1, 8, _CHUNK + 1), jnp.float32),
        ] + [pltpu.SemaphoreType.DMA] * (_NROW + _NBUF),
        compiler_params=pltpu.CompilerParams(
            use_tc_tiling_on_sc=False, needs_layout_passes=False),
    )
    def gather_kernel(idx_hbm, table_hbm, out_hbm, idx_all, gidx_v, rows_v,
                      buf_v, *sems):
        gsem, osem = sems[:_NROW], sems[_NROW:]
        wid = lax.axis_index("s") * _NC + lax.axis_index("c")
        base = wid * b_per_w
        base_blk = wid * n_chunks
        pltpu.sync_copy(idx_hbm.at[pl.ds(base, b_per_w)], idx_all)
        iota = lax.iota(jnp.int32, 16)
        zero = iota * 0

        def prep_gidx(i, rb):
            ioff = i * _CHUNK

            @plsc.parallel_loop(0, _CHUNK // 16, unroll=2)
            def _(cg):
                gidx_v[rb, pl.ds(cg * 16, 16)] = (
                    idx_all[pl.ds(ioff + cg * 16, 16)])

        def start_gather(rb):
            pltpu.async_copy(table_hbm.at[gidx_v.at[rb]], rows_v.at[rb],
                             gsem[rb])

        def wait_gather(rb):
            pltpu.make_async_copy(
                table_hbm.at[gidx_v.at[rb]], rows_v.at[rb], gsem[rb]).wait()

        ihi = iota >> 3
        ilo = iota & 7

        def permute(i, rb, b, unroll=4):
            @plsc.parallel_loop(0, _CHUNK, unroll=unroll)
            def _(c):
                for k in range(embed // 16):
                    vals = rows_v[rb, c, pl.ds(k * 16, 16)]
                    plsc.store_scatter(
                        buf_v.at[b], [ihi + 2 * k, zero, ilo, zero + c],
                        vals)

        def start_store(i, b):
            blk = base_blk + i
            l8 = (blk // tb_n) * eh
            tb = blk % tb_n
            pltpu.async_copy(
                buf_v.at[b, :, :, :, pl.ds(0, _CHUNK)],
                out_hbm.at[pl.ds(l8, eh), pl.ds(tb, 1)], osem[b])

        def wait_store(b):
            pltpu.make_async_copy(
                buf_v.at[b, :, :, :, pl.ds(0, _CHUNK)],
                out_hbm.at[pl.ds(0, eh), pl.ds(0, 1)],
                osem[b]).wait()

        for b in range(_NBUF):
            prep_gidx(b, b % _NROW)
            start_gather(b % _NROW)
            if b >= 1:
                wait_gather((b - 1) % _NROW)
                permute(b - 1, (b - 1) % _NROW, b - 1, unroll=1)
                start_store(b - 1, b - 1)

        def round_body(r, carry):
            i0 = r * _NBUF
            for b in range(_NBUF):
                rb = b % _NROW
                prev_rb = (b - 1) % _NROW
                prev_b = (b - 1) % _NBUF
                wait_store(b)
                prep_gidx(i0 + b, rb)
                start_gather(rb)
                wait_gather(prev_rb)
                permute(i0 + b - 1, prev_rb, prev_b)
                start_store(i0 + b - 1, prev_b)
            return carry

        lax.fori_loop(1, rounds, round_body, 0)

        wait_gather((n_chunks - 1) % _NROW)
        permute(n_chunks - 1, (n_chunks - 1) % _NROW, _NBUF - 1, unroll=1)
        start_store(n_chunks - 1, _NBUF - 1)
        for b in range(_NBUF):
            wait_store(b)

    return gather_kernel


def kernel(inputtokens, table):
    b, l = inputtokens.shape
    v, e = table.shape
    flat = inputtokens.T.reshape(-1).astype(jnp.int32) * 2
    table_p = jnp.pad(table, ((0, 0), (0, e))).reshape(2 * v, e)
    out = _build_gather(b * l, e, l)(flat, table_p)
    return (out.reshape(l, 8, b // 128, 8, 128)
               .transpose(2, 4, 0, 1, 3).reshape(b, l, e))

# --- scband reference (transcript-rebuilt; emitter-appended) ---
"""Pipeline reference for scband-token-embedding-74826920231420 (READ-ONLY COPY).

The authoritative reference and input builder live on the scoring server;
editing this copy changes nothing except your own understanding.
"""

import jax, jax.numpy as jnp
import numpy as np

VOCAB = 1000000
EMBED = 64
B = 4096
L = 200


def setup_inputs(seed: int = 0) -> dict:
    key = jax.random.key(seed)
    k1, k2 = jax.random.split(key)
    inputtokens = jax.random.randint(k1, (B, L), 0, VOCAB, dtype=jnp.int64)
    # Embedding table (nn.Embedding weight), padding_idx=0 row zeroed as in torch init
    table = jax.random.normal(k2, (VOCAB, EMBED), dtype=jnp.float32) * 0.02
    table = table.at[0].set(0.0)
    return {"inputtokens": inputtokens, "table": table}


def reference(inputtokens, table):
    # nn.Embedding forward: gather rows of the table by token id
    out = jnp.take(table, inputtokens, axis=0)
    return out

if __name__ == "__main__":
    import jax
    _d = setup_inputs()
    print(jax.jit(kernel)(*tuple(_d.values())))

</pallas_src>

<mosaic_0001>
#map = affine_map<(d0, d1) -> (0)>
#map1 = affine_map<(d0, d1) -> (0, 0)>
#map2 = affine_map<(d0, d1) -> (0, 0, 0, 0)>
module attributes {stable_mosaic.version = 14 : i64} {
  func.func @gather_kernel(%arg0: i32, %arg1: i32, %arg2: memref<819200xi32, #tpu.memory_space<hbm>>, %arg3: memref<2000000x64xf32, #tpu.memory_space<hbm>>, %arg4: memref<1600x32x8x128xf32, #tpu.memory_space<hbm>>, %arg5: memref<25600xi32, #tpu.memory_space<vmem>>, %arg6: memref<2x128xi32, #tpu.memory_space<vmem>>, %arg7: memref<2x128x64xf32, #tpu.memory_space<vmem>>, %arg8: memref<4x8x1x8x129xf32, #tpu.memory_space<vmem>>, %arg9: memref<!tpu.dma_semaphore, #tpu.memory_space<semaphore_mem>>, %arg10: memref<!tpu.dma_semaphore, #tpu.memory_space<semaphore_mem>>, %arg11: memref<!tpu.dma_semaphore, #tpu.memory_space<semaphore_mem>>, %arg12: memref<!tpu.dma_semaphore, #tpu.memory_space<semaphore_mem>>, %arg13: memref<!tpu.dma_semaphore, #tpu.memory_space<semaphore_mem>>, %arg14: memref<!tpu.dma_semaphore, #tpu.memory_space<semaphore_mem>>) attributes {dimension_semantics = [#tpu.dimension_semantics<core_parallel>, #tpu.dimension_semantics<subcore_parallel>], iteration_bounds = array<i64: 2, 16>, scalar_prefetch = 0 : i64, scratch_operands = 10 : i64, tpu.core_type = #tpu.core_type<sc_vector_subcore>, window_params = [{transform_indices = #map}, {transform_indices = #map1}, {transform_indices = #map2}]} {
    %mul3A = arith.constant 2 : i32
    %mul3A_0 = arith.muli %arg1, %mul3A : i32
    %add3A = arith.addi %mul3A_0, %arg0 : i32
    %mul3A_1 = arith.constant 25600 : i32
    %mul3A_2 = arith.muli %add3A, %mul3A_1 : i32
    %mul3A_3 = arith.constant 200 : i32
    %mul3A_4 = arith.muli %add3A, %mul3A_3 : i32
    "tpu.region"() ({
      %run_scoped3A = tpu.sem_alloc : memref<!tpu.dma_semaphore, #tpu.memory_space<semaphore_mem>>
      %dma_start3A_469 = tpu.memref_slice %arg2[%mul3A_2] : memref<819200xi32, #tpu.memory_space<hbm>> -> memref<25600xi32, #tpu.memory_space<hbm>>
      %dma_start3A_470 = tpu.memref_slice %arg2[%mul3A_2] : memref<819200xi32, #tpu.memory_space<hbm>> -> memref<25600xi32, #tpu.memory_space<hbm>>
      tpu.enqueue_dma source(%dma_start3A_470 : memref<25600xi32, #tpu.memory_space<hbm>>) target(%arg5 : memref<25600xi32, #tpu.memory_space<vmem>>) target_semaphore(%run_scoped3A : memref<!tpu.dma_semaphore, #tpu.memory_space<semaphore_mem>>)
      %dma_wait3A_471 = tpu.memref_slice %arg2[%mul3A_2] : memref<819200xi32, #tpu.memory_space<hbm>> -> memref<25600xi32, #tpu.memory_space<hbm>>
      %dma_wait3A_472 = tpu.memref_slice %arg2[%mul3A_2] : memref<819200xi32, #tpu.memory_space<hbm>> -> memref<25600xi32, #tpu.memory_space<hbm>>
      tpu.wait_dma2 semaphore(%run_scoped3A : memref<!tpu.dma_semaphore, #tpu.memory_space<semaphore_mem>>) src(%dma_wait3A_472 : memref<25600xi32, #tpu.memory_space<hbm>>) dst(%arg5 : memref<25600xi32, #tpu.memory_space<vmem>>)
      tpu.yield
    }) : () -> ()
    %iota3A = tpu.iota {dimensions = array<i32: 0>} : vector<16xi32>
    %mul3A_5 = arith.constant 0 : i32
    %mul3A_6 = vector.broadcast %mul3A_5 : i32 to vector<16xi32>
    %mul3A_7 = arith.muli %iota3A, %mul3A_6 : vector<16xi32>
    %shift_right_arithmetic3A = arith.constant 3 : i32
    %shift_right_arithmetic3A_8 = vector.broadcast %shift_right_arithmetic3A : i32 to vector<16xi32>
    %shift_right_arithmetic3A_9 = arith.shrsi %iota3A, %shift_right_arithmetic3A_8 : vector<16xi32>
    %and3A = arith.constant 7 : i32
    %and3A_10 = vector.broadcast %and3A : i32 to vector<16xi32>
    %and3A_11 = arith.andi %iota3A, %and3A_10 : vector<16xi32>
    %parallel_loop3A = arith.constant 0 : i32
    %parallel_loop3A_12 = arith.constant 8 : i32
    %parallel_loop3A_13 = arith.constant 1 : i32
    scf.for %parallel_loop3A_469 = %parallel_loop3A to %parallel_loop3A_12 step %parallel_loop3A_13  : i32 {
      %parallel_loop3A_470 = arith.constant 16 : i32
      %parallel_loop3A_471 = arith.muli %parallel_loop3A_469, %parallel_loop3A_470 : i32
      %parallel_loop3A_472 = arith.constant 0 : i32
      %parallel_loop3A_473 = arith.addi %parallel_loop3A_472, %parallel_loop3A_471 : i32
      %parallel_loop3A_474 = arith.index_cast %parallel_loop3A_473 : i32 to index
      %parallel_loop3A_475 = tpu.vector_load %arg5[%parallel_loop3A_474] {strides = array<i32>} : memref<25600xi32, #tpu.memory_space<vmem>>, vector<16xi32>,
      %parallel_loop3A_476 = arith.constant 16 : i32
      %parallel_loop3A_477 = arith.muli %parallel_loop3A_469, %parallel_loop3A_476 : i32
      %parallel_loop3A_478 = arith.constant 0 : i32
      %parallel_loop3A_479 = arith.index_cast %parallel_loop3A_478 : i32 to index
      %parallel_loop3A_480 = arith.index_cast %parallel_loop3A_477 : i32 to index
      %parallel_loop3A_481 = tpu.vector_load %arg6[%parallel_loop3A_479, %parallel_loop3A_480] {strides = array<i32>} : memref<2x128xi32, #tpu.memory_space<vmem>>, vector<16xi32>,
      tpu.vector_store %arg6[%parallel_loop3A_479, %parallel_loop3A_480], %parallel_loop3A_475 {strides = array<i32>} : memref<2x128xi32, #tpu.memory_space<vmem>>, vector<16xi32>,
    } {sc.loop_unroll_factor = 2 : i64, sc.parallel_access}
    %dma_start3A = arith.constant 0 : i32
    %dma_start3A_14 = arith.constant 0 : i32
    %dma_start3A_15 = arith.constant 0 : i32
    %dma_start3A_16 = arith.constant 0 : i32
    %dma_start3A_17 = tpu.memref_slice %arg7[%dma_start3A_14, %dma_start3A_15, %dma_start3A_16] : memref<2x128x64xf32, #tpu.memory_space<vmem>> -> memref<1x128x64xf32, #tpu.memory_space<vmem>>
    %dma_start3A_18 = tpu.memref_squeeze %dma_start3A_17 : memref<1x128x64xf32, #tpu.memory_space<vmem>> -> memref<128x64xf32, #tpu.memory_space<vmem>>
    %dma_start3A_19 = arith.constant 0 : i32
    %dma_start3A_20 = tpu.memref_slice %arg6[%dma_start3A, %dma_start3A_19] : memref<2x128xi32, #tpu.memory_space<vmem>> -> memref<1x128xi32, #tpu.memory_space<vmem>>
    %dma_start3A_21 = tpu.memref_squeeze %dma_start3A_20 : memref<1x128xi32, #tpu.memory_space<vmem>> -> memref<128xi32, #tpu.memory_space<vmem>>
    %dma_start3A_22 = arith.constant 0 : i32
    %dma_start3A_23 = arith.constant 0 : i32
    %dma_start3A_24 = tpu.memref_slice %arg3[%dma_start3A_22, %dma_start3A_23] : memref<2000000x64xf32, #tpu.memory_space<hbm>> -> memref<2000000x64xf32, #tpu.memory_space<hbm>>
    tpu.enqueue_indirect_dma source(%dma_start3A_24 : memref<2000000x64xf32, #tpu.memory_space<hbm>>) target(%dma_start3A_18 : memref<128x64xf32, #tpu.memory_space<vmem>>) offsets(%dma_start3A_21 : memref<128xi32, #tpu.memory_space<vmem>>) semaphore(%arg9 : memref<!tpu.dma_semaphore, #tpu.memory_space<semaphore_mem>>)
    %parallel_loop3A_25 = arith.constant 0 : i32
    %parallel_loop3A_26 = arith.constant 8 : i32
    %parallel_loop3A_27 = arith.constant 1 : i32
    scf.for %parallel_loop3A_469 = %parallel_loop3A_25 to %parallel_loop3A_26 step %parallel_loop3A_27  : i32 {
      %parallel_loop3A_470 = arith.constant 16 : i32
      %parallel_loop3A_471 = arith.muli %parallel_loop3A_469, %parallel_loop3A_470 : i32
      %parallel_loop3A_472 = arith.constant 128 : i32
      %parallel_loop3A_473 = arith.addi %parallel_loop3A_472, %parallel_loop3A_471 : i32
      %parallel_loop3A_474 = arith.index_cast %parallel_loop3A_473 : i32 to index
      %parallel_loop3A_475 = tpu.vector_load %arg5[%parallel_loop3A_474] {strides = array<i32>} : memref<25600xi32, #tpu.memory_space<vmem>>, vector<16xi32>,
      %parallel_loop3A_476 = arith.constant 16 : i32
      %parallel_loop3A_477 = arith.muli %parallel_loop3A_469, %parallel_loop3A_476 : i32
      %parallel_loop3A_478 = arith.constant 1 : i32
      %parallel_loop3A_479 = arith.index_cast %parallel_loop3A_478 : i32 to index
      %parallel_loop3A_480 = arith.index_cast %parallel_loop3A_477 : i32 to index
      %parallel_loop3A_481 = tpu.vector_load %arg6[%parallel_loop3A_479, %parallel_loop3A_480] {strides = array<i32>} : memref<2x128xi32, #tpu.memory_space<vmem>>, vector<16xi32>,
      tpu.vector_store %arg6[%parallel_loop3A_479, %parallel_loop3A_480], %parallel_loop3A_475 {strides = array<i32>} : memref<2x128xi32, #tpu.memory_space<vmem>>, vector<16xi32>,
    } {sc.loop_unroll_factor = 2 : i64, sc.parallel_access}
    %dma_start3A_28 = arith.constant 1 : i32
    %dma_start3A_29 = arith.constant 1 : i32
    %dma_start3A_30 = arith.constant 0 : i32
    %dma_start3A_31 = arith.constant 0 : i32
    %dma_start3A_32 = tpu.memref_slice %arg7[%dma_start3A_29, %dma_start3A_30, %dma_start3A_31] : memref<2x128x64xf32, #tpu.memory_space<vmem>> -> memref<1x128x64xf32, #tpu.memory_space<vmem>>
    %dma_start3A_33 = tpu.memref_squeeze %dma_start3A_32 : memref<1x128x64xf32, #tpu.memory_space<vmem>> -> memref<128x64xf32, #tpu.memory_space<vmem>>
    %dma_start3A_34 = arith.constant 0 : i32
    %dma_start3A_35 = tpu.memref_slice %arg6[%dma_start3A_28, %dma_start3A_34] : memref<2x128xi32, #tpu.memory_space<vmem>> -> memref<1x128xi32, #tpu.memory_space<vmem>>
    %dma_start3A_36 = tpu.memref_squeeze %dma_start3A_35 : memref<1x128xi32, #tpu.memory_space<vmem>> -> memref<128xi32, #tpu.memory_space<vmem>>
    %dma_start3A_37 = arith.constant 0 : i32
    %dma_start3A_38 = arith.constant 0 : i32
    %dma_start3A_39 = tpu.memref_slice %arg3[%dma_start3A_37, %dma_start3A_38] : memref<2000000x64xf32, #tpu.memory_space<hbm>> -> memref<2000000x64xf32, #tpu.memory_space<hbm>>
    tpu.enqueue_indirect_dma source(%dma_start3A_39 : memref<2000000x64xf32, #tpu.memory_space<hbm>>) target(%dma_start3A_33 : memref<128x64xf32, #tpu.memory_space<vmem>>) offsets(%dma_start3A_36 : memref<128xi32, #tpu.memory_space<vmem>>) semaphore(%arg10 : memref<!tpu.dma_semaphore, #tpu.memory_space<semaphore_mem>>)
    %dma_wait3A = arith.constant 0 : i32
    %dma_wait3A_40 = arith.constant 0 : i32
    %dma_wait3A_41 = arith.constant 0 : i32
    %dma_wait3A_42 = arith.constant 0 : i32
    %dma_wait3A_43 = tpu.memref_slice %arg7[%dma_wait3A_40, %dma_wait3A_41, %dma_wait3A_42] : memref<2x128x64xf32, #tpu.memory_space<vmem>> -> memref<1x128x64xf32, #tpu.memory_space<vmem>>
    %dma_wait3A_44 = tpu.memref_squeeze %dma_wait3A_43 : memref<1x128x64xf32, #tpu.memory_space<vmem>> -> memref<128x64xf32, #tpu.memory_space<vmem>>
    %dma_wait3A_45 = arith.constant 0 : i32
    %dma_wait3A_46 = tpu.memref_slice %arg6[%dma_wait3A, %dma_wait3A_45] : memref<2x128xi32, #tpu.memory_space<vmem>> -> memref<1x128xi32, #tpu.memory_space<vmem>>
    %dma_wait3A_47 = tpu.memref_squeeze %dma_wait3A_46 : memref<1x128xi32, #tpu.memory_space<vmem>> -> memref<128xi32, #tpu.memory_space<vmem>>
    %dma_wait3A_48 = arith.constant 0 : i32
    %dma_wait3A_49 = arith.constant 0 : i32
    %dma_wait3A_50 = tpu.memref_slice %arg3[%dma_wait3A_48, %dma_wait3A_49] : memref<2000000x64xf32, #tpu.memory_space<hbm>> -> memref<2000000x64xf32, #tpu.memory_space<hbm>>
    tpu.wait_indirect_dma semaphore(%arg9 : memref<!tpu.dma_semaphore, #tpu.memory_space<semaphore_mem>>) src(%dma_wait3A_50 : memref<2000000x64xf32, #tpu.memory_space<hbm>>) dst(%dma_wait3A_44 : memref<128x64xf32, #tpu.memory_space<vmem>>)
    %parallel_loop3A_51 = arith.constant 0 : i32
    %parallel_loop3A_52 = arith.constant 128 : i32
    %parallel_loop3A_53 = arith.constant 1 : i32
    scf.for %parallel_loop3A_469 = %parallel_loop3A_51 to %parallel_loop3A_52 step %parallel_loop3A_53  : i32 {
      %parallel_loop3A_470 = arith.constant 0 : i32
      %parallel_loop3A_471 = arith.index_cast %parallel_loop3A_470 : i32 to index
      %parallel_loop3A_472 = arith.index_cast %parallel_loop3A_469 : i32 to index
      %parallel_loop3A_473 = arith.constant 0 : index
      %parallel_loop3A_474 = tpu.vector_load %arg7[%parallel_loop3A_471, %parallel_loop3A_472, %parallel_loop3A_473] {strides = array<i32>} : memref<2x128x64xf32, #tpu.memory_space<vmem>>, vector<16xf32>,
      %parallel_loop3A_475 = arith.constant 0 : i32
      %parallel_loop3A_476 = vector.broadcast %parallel_loop3A_475 : i32 to vector<16xi32>
      %parallel_loop3A_477 = arith.addi %shift_right_arithmetic3A_9, %parallel_loop3A_476 : vector<16xi32>
      %parallel_loop3A_478 = vector.broadcast %parallel_loop3A_469 : i32 to vector<16xi32>
      %parallel_loop3A_479 = arith.addi %mul3A_7, %parallel_loop3A_478 : vector<16xi32>
      %parallel_loop3A_480 = arith.constant 0 : i32
      %parallel_loop3A_481 = arith.constant 0 : i32
      %parallel_loop3A_482 = arith.constant 0 : i32
      %parallel_loop3A_483 = arith.constant 0 : i32
      %parallel_loop3A_484 = arith.constant 0 : i32
      %parallel_loop3A_485 = tpu.memref_slice %arg8[%parallel_loop3A_480, %parallel_loop3A_481, %parallel_loop3A_482, %parallel_loop3A_483, %parallel_loop3A_484] : memref<4x8x1x8x129xf32, #tpu.memory_space<vmem>> -> memref<1x8x1x8x129xf32, #tpu.memory_space<vmem>>
      %parallel_loop3A_486 = tpu.memref_squeeze %parallel_loop3A_485 : memref<1x8x1x8x129xf32, #tpu.memory_space<vmem>> -> memref<8x1x8x129xf32, #tpu.memory_space<vmem>>
      tpu.vector_store_idx %parallel_loop3A_486[%parallel_loop3A_477, %mul3A_7, %and3A_11, %parallel_loop3A_479], %parallel_loop3A_474 : memref<8x1x8x129xf32, #tpu.memory_space<vmem>>[vector<16xi32>, vector<16xi32>, vector<16xi32>, vector<16xi32>], vector<16xf32>,
      %parallel_loop3A_487 = arith.constant 0 : i32
      %parallel_loop3A_488 = arith.index_cast %parallel_loop3A_487 : i32 to index
      %parallel_loop3A_489 = arith.index_cast %parallel_loop3A_469 : i32 to index
      %parallel_loop3A_490 = arith.constant 16 : index
      %parallel_loop3A_491 = tpu.vector_load %arg7[%parallel_loop3A_488, %parallel_loop3A_489, %parallel_loop3A_490] {strides = array<i32>} : memref<2x128x64xf32, #tpu.memory_space<vmem>>, vector<16xf32>,
      %parallel_loop3A_492 = arith.constant 2 : i32
      %parallel_loop3A_493 = vector.broadcast %parallel_loop3A_492 : i32 to vector<16xi32>
      %parallel_loop3A_494 = arith.addi %shift_right_arithmetic3A_9, %parallel_loop3A_493 : vector<16xi32>
      %parallel_loop3A_495 = vector.broadcast %parallel_loop3A_469 : i32 to vector<16xi32>
      %parallel_loop3A_496 = arith.addi %mul3A_7, %parallel_loop3A_495 : vector<16xi32>
      %parallel_loop3A_497 = arith.constant 0 : i32
      %parallel_loop3A_498 = arith.constant 0 : i32
      %parallel_loop3A_499 = arith.constant 0 : i32
      %parallel_loop3A_500 = arith.constant 0 : i32
      %parallel_loop3A_501 = arith.constant 0 : i32
      %parallel_loop3A_502 = tpu.memref_slice %arg8[%parallel_loop3A_497, %parallel_loop3A_498, %parallel_loop3A_499, %parallel_loop3A_500, %parallel_loop3A_501] : memref<4x8x1x8x129xf32, #tpu.memory_space<vmem>> -> memref<1x8x1x8x129xf32, #tpu.memory_space<vmem>>
      %parallel_loop3A_503 = tpu.memref_squeeze %parallel_loop3A_502 : memref<1x8x1x8x129xf32, #tpu.memory_space<vmem>> -> memref<8x1x8x129xf32, #tpu.memory_space<vmem>>
      tpu.vector_store_idx %parallel_loop3A_503[%parallel_loop3A_494, %mul3A_7, %and3A_11, %parallel_loop3A_496], %parallel_loop3A_491 : memref<8x1x8x129xf32, #tpu.memory_space<vmem>>[vector<16xi32>, vector<16xi32>, vector<16xi32>, vector<16xi32>], vector<16xf32>,
      %parallel_loop3A_504 = arith.constant 0 : i32
      %parallel_loop3A_505 = arith.index_cast %parallel_loop3A_504 : i32 to index
      %parallel_loop3A_506 = arith.index_cast %parallel_loop3A_469 : i32 to index
      %parallel_loop3A_507 = arith.constant 32 : index
      %parallel_loop3A_508 = tpu.vector_load %arg7[%parallel_loop3A_505, %parallel_loop3A_506, %parallel_loop3A_507] {strides = array<i32>} : memref<2x128x64xf32, #tpu.memory_space<vmem>>, vector<16xf32>,
      %parallel_loop3A_509 = arith.constant 4 : i32
      %parallel_loop3A_510 = vector.broadcast %parallel_loop3A_509 : i32 to vector<16xi32>
      %parallel_loop3A_511 = arith.addi %shift_right_arithmetic3A_9, %parallel_loop3A_510 : vector<16xi32>
      %parallel_loop3A_512 = vector.broadcast %parallel_loop3A_469 : i32 to vector<16xi32>
      %parallel_loop3A_513 = arith.addi %mul3A_7, %parallel_loop3A_512 : vector<16xi32>
      %parallel_loop3A_514 = arith.constant 0 : i32
      %parallel_loop3A_515 = arith.constant 0 : i32
      %parallel_loop3A_516 = arith.constant 0 : i32
      %parallel_loop3A_517 = arith.constant 0 : i32
      %parallel_loop3A_518 = arith.constant 0 : i32
      %parallel_loop3A_519 = tpu.memref_slice %arg8[%parallel_loop3A_514, %parallel_loop3A_515, %parallel_loop3A_516, %parallel_loop3A_517, %parallel_loop3A_518] : memref<4x8x1x8x129xf32, #tpu.memory_space<vmem>> -> memref<1x8x1x8x129xf32, #tpu.memory_space<vmem>>
      %parallel_loop3A_520 = tpu.memref_squeeze %parallel_loop3A_519 : memref<1x8x1x8x129xf32, #tpu.memory_space<vmem>> -> memref<8x1x8x129xf32, #tpu.memory_space<vmem>>
      tpu.vector_store_idx %parallel_loop3A_520[%parallel_loop3A_511, %mul3A_7, %and3A_11, %parallel_loop3A_513], %parallel_loop3A_508 : memref<8x1x8x129xf32, #tpu.memory_space<vmem>>[vector<16xi32>, vector<16xi32>, vector<16xi32>, vector<16xi32>], vector<16xf32>,
      %parallel_loop3A_521 = arith.constant 0 : i32
      %parallel_loop3A_522 = arith.index_cast %parallel_loop3A_521 : i32 to index
      %parallel_loop3A_523 = arith.index_cast %parallel_loop3A_469 : i32 to index
      %parallel_loop3A_524 = arith.constant 48 : index
      %parallel_loop3A_525 = tpu.vector_load %arg7[%parallel_loop3A_522, %parallel_loop3A_523, %parallel_loop3A_524] {strides = array<i32>} : memref<2x128x64xf32, #tpu.memory_space<vmem>>, vector<16xf32>,
      %parallel_loop3A_526 = arith.constant 6 : i32
      %parallel_loop3A_527 = vector.broadcast %parallel_loop3A_526 : i32 to vector<16xi32>
      %parallel_loop3A_528 = arith.addi %shift_right_arithmetic3A_9, %parallel_loop3A_527 : vector<16xi32>
      %parallel_loop3A_529 = vector.broadcast %parallel_loop3A_469 : i32 to vector<16xi32>
      %parallel_loop3A_530 = arith.addi %mul3A_7, %parallel_loop3A_529 : vector<16xi32>
      %parallel_loop3A_531 = arith.constant 0 : i32
      %parallel_loop3A_532 = arith.constant 0 : i32
      %parallel_loop3A_533 = arith.constant 0 : i32
      %parallel_loop3A_534 = arith.constant 0 : i32
      %parallel_loop3A_535 = arith.constant 0 : i32
      %parallel_loop3A_536 = tpu.memref_slice %arg8[%parallel_loop3A_531, %parallel_loop3A_532, %parallel_loop3A_533, %parallel_loop3A_534, %parallel_loop3A_535] : memref<4x8x1x8x129xf32, #tpu.memory_space<vmem>> -> memref<1x8x1x8x129xf32, #tpu.memory_space<vmem>>
      %parallel_loop3A_537 = tpu.memref_squeeze %parallel_loop3A_536 : memref<1x8x1x8x129xf32, #tpu.memory_space<vmem>> -> memref<8x1x8x129xf32, #tpu.memory_space<vmem>>
      tpu.vector_store_idx %parallel_loop3A_537[%parallel_loop3A_528, %mul3A_7, %and3A_11, %parallel_loop3A_530], %parallel_loop3A_525 : memref<8x1x8x129xf32, #tpu.memory_space<vmem>>[vector<16xi32>, vector<16xi32>, vector<16xi32>, vector<16xi32>], vector<16xf32>,
    } {sc.loop_unroll_factor = 1 : i64, sc.parallel_access}
    %add3A_54 = arith.constant 0 : i32
    %add3A_55 = arith.addi %mul3A_4, %add3A_54 : i32
    %jit3A = arith.constant 32 : i32
    %div3A = arith.divsi %add3A_55, %jit3A : i32
    %sign3A = arith.constant 0 : i32
    %sign3A_56 = arith.cmpi sgt, %add3A_55, %sign3A : i32
    %sign3A_57 = arith.extui %sign3A_56 : i1 to i32
    %sign3A_58 = arith.constant 0 : i32
    %sign3A_59 = arith.cmpi slt, %add3A_55, %sign3A_58 : i32
    %sign3A_60 = arith.extui %sign3A_59 : i1 to i32
    %sign3A_61 = arith.subi %sign3A_57, %sign3A_60 : i32
    %sign3A_62 = arith.constant 0 : i32
    %sign3A_63 = arith.cmpi sgt, %jit3A, %sign3A_62 : i32
    %sign3A_64 = arith.extui %sign3A_63 : i1 to i32
    %sign3A_65 = arith.constant 0 : i32
    %sign3A_66 = arith.cmpi slt, %jit3A, %sign3A_65 : i32
    %sign3A_67 = arith.extui %sign3A_66 : i1 to i32
    %sign3A_68 = arith.subi %sign3A_64, %sign3A_67 : i32
    %ne3A = arith.cmpi ne, %sign3A_61, %sign3A_68 : i32
    %rem3A = arith.remsi %add3A_55, %jit3A : i32
    %ne3A_69 = arith.constant 0 : i32
    %ne3A_70 = arith.cmpi ne, %rem3A, %ne3A_69 : i32
    %and3A_71 = arith.andi %ne3A, %ne3A_70 : i1
    %sub3A = arith.constant 1 : i32
    %sub3A_72 = arith.subi %div3A, %sub3A : i32
    %select_n3A = arith.select %and3A_71, %sub3A_72, %div3A : i32
    %mul3A_73 = arith.constant 8 : i32
    %mul3A_74 = arith.muli %select_n3A, %mul3A_73 : i32
    %jit3A_75 = arith.constant 32 : i32
    %eq3A = arith.constant 0 : i32
    %eq3A_76 = arith.cmpi eq, %jit3A_75, %eq3A : i32
    %jit3A_77 = arith.constant 1 : i32
    %select_n3A_78 = arith.select %eq3A_76, %jit3A_77, %jit3A_75 : i32
    %rem3A_79 = arith.remsi %add3A_55, %select_n3A_78 : i32
    %ne3A_80 = arith.constant 0 : i32
    %ne3A_81 = arith.cmpi ne, %rem3A_79, %ne3A_80 : i32
    %lt3A = arith.constant 0 : i32
    %lt3A_82 = arith.cmpi slt, %rem3A_79, %lt3A : i32
    %lt3A_83 = arith.constant 0 : i32
    %lt3A_84 = arith.cmpi slt, %select_n3A_78, %lt3A_83 : i32
    %ne3A_85 = arith.xori %lt3A_82, %lt3A_84 : i1
    %and3A_86 = arith.andi %ne3A_85, %ne3A_81 : i1
    %add3A_87 = arith.addi %rem3A_79, %select_n3A_78 : i32
    %select_n3A_88 = arith.select %and3A_86, %add3A_87, %rem3A_79 : i32
    %dma_start3A_89 = arith.constant 0 : i32
    %dma_start3A_90 = arith.constant 0 : i32
    %dma_start3A_91 = arith.constant 0 : i32
    %dma_start3A_92 = arith.constant 0 : i32
    %dma_start3A_93 = arith.constant 0 : i32
    %dma_start3A_94 = tpu.memref_slice %arg8[%dma_start3A_89, %dma_start3A_90, %dma_start3A_91, %dma_start3A_92, %dma_start3A_93] : memref<4x8x1x8x129xf32, #tpu.memory_space<vmem>> -> memref<1x8x1x8x128xf32, #tpu.memory_space<vmem>>
    %dma_start3A_95 = tpu.memref_squeeze %dma_start3A_94 : memref<1x8x1x8x128xf32, #tpu.memory_space<vmem>> -> memref<8x1x8x128xf32, #tpu.memory_space<vmem>>
    %dma_start3A_96 = arith.constant 0 : i32
    %dma_start3A_97 = arith.constant 0 : i32
    %dma_start3A_98 = tpu.memref_slice %arg4[%mul3A_74, %select_n3A_88, %dma_start3A_96, %dma_start3A_97] : memref<1600x32x8x128xf32, #tpu.memory_space<hbm>> -> memref<8x1x8x128xf32, #tpu.memory_space<hbm>>
    %dma_start3A_99 = arith.constant 0 : i32
    %dma_start3A_100 = arith.constant 0 : i32
    %dma_start3A_101 = tpu.memref_slice %arg4[%mul3A_74, %select_n3A_88, %dma_start3A_99, %dma_start3A_100] : memref<1600x32x8x128xf32, #tpu.memory_space<hbm>> -> memref<8x1x8x128xf32, #tpu.memory_space<hbm>>
    %dma_start3A_102 = arith.constant 0 : i32
    %dma_start3A_103 = arith.constant 0 : i32
    %dma_start3A_104 = arith.constant 0 : i32
    %dma_start3A_105 = arith.constant 0 : i32
    %dma_start3A_106 = tpu.memref_slice %arg8[%dma_start3A_89, %dma_start3A_102, %dma_start3A_103, %dma_start3A_104, %dma_start3A_105] : memref<4x8x1x8x129xf32, #tpu.memory_space<vmem>> -> memref<1x8x1x8x128xf32, #tpu.memory_space<vmem>>
    %dma_start3A_107 = tpu.memref_squeeze %dma_start3A_106 : memref<1x8x1x8x128xf32, #tpu.memory_space<vmem>> -> memref<8x1x8x128xf32, #tpu.memory_space<vmem>>
    tpu.enqueue_dma source(%dma_start3A_107 : memref<8x1x8x128xf32, #tpu.memory_space<vmem>>) target(%dma_start3A_101 : memref<8x1x8x128xf32, #tpu.memory_space<hbm>>) target_semaphore(%arg11 : memref<!tpu.dma_semaphore, #tpu.memory_space<semaphore_mem>>)
    %parallel_loop3A_108 = arith.constant 0 : i32
    %parallel_loop3A_109 = arith.constant 8 : i32
    %parallel_loop3A_110 = arith.constant 1 : i32
    scf.for %parallel_loop3A_469 = %parallel_loop3A_108 to %parallel_loop3A_109 step %parallel_loop3A_110  : i32 {
      %parallel_loop3A_470 = arith.constant 16 : i32
      %parallel_loop3A_471 = arith.muli %parallel_loop3A_469, %parallel_loop3A_470 : i32
      %parallel_loop3A_472 = arith.constant 256 : i32
      %parallel_loop3A_473 = arith.addi %parallel_loop3A_472, %parallel_loop3A_471 : i32
      %parallel_loop3A_474 = arith.index_cast %parallel_loop3A_473 : i32 to index
      %parallel_loop3A_475 = tpu.vector_load %arg5[%parallel_loop3A_474] {strides = array<i32>} : memref<25600xi32, #tpu.memory_space<vmem>>, vector<16xi32>,
      %parallel_loop3A_476 = arith.constant 16 : i32
      %parallel_loop3A_477 = arith.muli %parallel_loop3A_469, %parallel_loop3A_476 : i32
      %parallel_loop3A_478 = arith.constant 0 : i32
      %parallel_loop3A_479 = arith.index_cast %parallel_loop3A_478 : i32 to index
      %parallel_loop3A_480 = arith.index_cast %parallel_loop3A_477 : i32 to index
      %parallel_loop3A_481 = tpu.vector_load %arg6[%parallel_loop3A_479, %parallel_loop3A_480] {strides = array<i32>} : memref<2x128xi32, #tpu.memory_space<vmem>>, vector<16xi32>,
      tpu.vector_store %arg6[%parallel_loop3A_479, %parallel_loop3A_480], %parallel_loop3A_475 {strides = array<i32>} : memref<2x128xi32, #tpu.memory_space<vmem>>, vector<16xi32>,
    } {sc.loop_unroll_factor = 2 : i64, sc.parallel_access}
    %dma_start3A_111 = arith.constant 0 : i32
    %dma_start3A_112 = arith.constant 0 : i32
    %dma_start3A_113 = arith.constant 0 : i32
    %dma_start3A_114 = arith.constant 0 : i32
    %dma_start3A_115 = tpu.memref_slice %arg7[%dma_start3A_112, %dma_start3A_113, %dma_start3A_114] : memref<2x128x64xf32, #tpu.memory_space<vmem>> -> memref<1x128x64xf32, #tpu.memory_space<vmem>>
    %dma_start3A_116 = tpu.memref_squeeze %dma_start3A_115 : memref<1x128x64xf32, #tpu.memory_space<vmem>> -> memref<128x64xf32, #tpu.memory_space<vmem>>
    %dma_start3A_117 = arith.constant 0 : i32
    %dma_start3A_118 = tpu.memref_slice %arg6[%dma_start3A_111, %dma_start3A_117] : memref<2x128xi32, #tpu.memory_space<vmem>> -> memref<1x128xi32, #tpu.memory_space<vmem>>
    %dma_start3A_119 = tpu.memref_squeeze %dma_start3A_118 : memref<1x128xi32, #tpu.memory_space<vmem>> -> memref<128xi32, #tpu.memory_space<vmem>>
    %dma_start3A_120 = arith.constant 0 : i32
    %dma_start3A_121 = arith.constant 0 : i32
    %dma_start3A_122 = tpu.memref_slice %arg3[%dma_start3A_120, %dma_start3A_121] : memref<2000000x64xf32, #tpu.memory_space<hbm>> -> memref<2000000x64xf32, #tpu.memory_space<hbm>>
    tpu.enqueue_indirect_dma source(%dma_start3A_122 : memref<2000000x64xf32, #tpu.memory_space<hbm>>) target(%dma_start3A_116 : memref<128x64xf32, #tpu.memory_space<vmem>>) offsets(%dma_start3A_119 : memref<128xi32, #tpu.memory_space<vmem>>) semaphore(%arg9 : memref<!tpu.dma_semaphore, #tpu.memory_space<semaphore_mem>>)
    %dma_wait3A_123 = arith.constant 1 : i32
    %dma_wait3A_124 = arith.constant 1 : i32
    %dma_wait3A_125 = arith.constant 0 : i32
    %dma_wait3A_126 = arith.constant 0 : i32
    %dma_wait3A_127 = tpu.memref_slice %arg7[%dma_wait3A_124, %dma_wait3A_125, %dma_wait3A_126] : memref<2x128x64xf32, #tpu.memory_space<vmem>> -> memref<1x128x64xf32, #tpu.memory_space<vmem>>
    %dma_wait3A_128 = tpu.memref_squeeze %dma_wait3A_127 : memref<1x128x64xf32, #tpu.memory_space<vmem>> -> memref<128x64xf32, #tpu.memory_space<vmem>>
    %dma_wait3A_129 = arith.constant 0 : i32
    %dma_wait3A_130 = tpu.memref_slice %arg6[%dma_wait3A_123, %dma_wait3A_129] : memref<2x128xi32, #tpu.memory_space<vmem>> -> memref<1x128xi32, #tpu.memory_space<vmem>>
    %dma_wait3A_131 = tpu.memref_squeeze %dma_wait3A_130 : memref<1x128xi32, #tpu.memory_space<vmem>> -> memref<128xi32, #tpu.memory_space<vmem>>
    %dma_wait3A_132 = arith.constant 0 : i32
    %dma_wait3A_133 = arith.constant 0 : i32
    %dma_wait3A_134 = tpu.memref_slice %arg3[%dma_wait3A_132, %dma_wait3A_133] : memref<2000000x64xf32, #tpu.memory_space<hbm>> -> memref<2000000x64xf32, #tpu.memory_space<hbm>>
    tpu.wait_indirect_dma semaphore(%arg10 : memref<!tpu.dma_semaphore, #tpu.memory_space<semaphore_mem>>) src(%dma_wait3A_134 : memref<2000000x64xf32, #tpu.memory_space<hbm>>) dst(%dma_wait3A_128 : memref<128x64xf32, #tpu.memory_space<vmem>>)
    %parallel_loop3A_135 = arith.constant 0 : i32
    %parallel_loop3A_136 = arith.constant 128 : i32
    %parallel_loop3A_137 = arith.constant 1 : i32
    scf.for %parallel_loop3A_469 = %parallel_loop3A_135 to %parallel_loop3A_136 step %parallel_loop3A_137  : i32 {
      %parallel_loop3A_470 = arith.constant 1 : i32
      %parallel_loop3A_471 = arith.index_cast %parallel_loop3A_470 : i32 to index
      %parallel_loop3A_472 = arith.index_cast %parallel_loop3A_469 : i32 to index
      %parallel_loop3A_473 = arith.constant 0 : index
      %parallel_loop3A_474 = tpu.vector_load %arg7[%parallel_loop3A_471, %parallel_loop3A_472, %parallel_loop3A_473] {strides = array<i32>} : memref<2x128x64xf32, #tpu.memory_space<vmem>>, vector<16xf32>,
      %parallel_loop3A_475 = arith.constant 0 : i32
      %parallel_loop3A_476 = vector.broadcast %parallel_loop3A_475 : i32 to vector<16xi32>
      %parallel_loop3A_477 = arith.addi %shift_right_arithmetic3A_9, %parallel_loop3A_476 : vector<16xi32>
      %parallel_loop3A_478 = vector.broadcast %parallel_loop3A_469 : i32 to vector<16xi32>
      %parallel_loop3A_479 = arith.addi %mul3A_7, %parallel_loop3A_478 : vector<16xi32>
      %parallel_loop3A_480 = arith.constant 1 : i32
      %parallel_loop3A_481 = arith.constant 0 : i32
      %parallel_loop3A_482 = arith.constant 0 : i32
      %parallel_loop3A_483 = arith.constant 0 : i32
      %parallel_loop3A_484 = arith.constant 0 : i32
      %parallel_loop3A_485 = tpu.memref_slice %arg8[%parallel_loop3A_480, %parallel_loop3A_481, %parallel_loop3A_482, %parallel_loop3A_483, %parallel_loop3A_484] : memref<4x8x1x8x129xf32, #tpu.memory_space<vmem>> -> memref<1x8x1x8x129xf32, #tpu.memory_space<vmem>>
      %parallel_loop3A_486 = tpu.memref_squeeze %parallel_loop3A_485 : memref<1x8x1x8x129xf32, #tpu.memory_space<vmem>> -> memref<8x1x8x129xf32, #tpu.memory_space<vmem>>
      tpu.vector_store_idx %parallel_loop3A_486[%parallel_loop3A_477, %mul3A_7, %and3A_11, %parallel_loop3A_479], %parallel_loop3A_474 : memref<8x1x8x129xf32, #tpu.memory_space<vmem>>[vector<16xi32>, vector<16xi32>, vector<16xi32>, vector<16xi32>], vector<16xf32>,
      %parallel_loop3A_487 = arith.constant 1 : i32
      %parallel_loop3A_488 = arith.index_cast %parallel_loop3A_487 : i32 to index
      %parallel_loop3A_489 = arith.index_cast %parallel_loop3A_469 : i32 to index
      %parallel_loop3A_490 = arith.constant 16 : index
      %parallel_loop3A_491 = tpu.vector_load %arg7[%parallel_loop3A_488, %parallel_loop3A_489, %parallel_loop3A_490] {strides = array<i32>} : memref<2x128x64xf32, #tpu.memory_space<vmem>>, vector<16xf32>,
      %parallel_loop3A_492 = arith.constant 2 : i32
      %parallel_loop3A_493 = vector.broadcast %parallel_loop3A_492 : i32 to vector<16xi32>
      %parallel_loop3A_494 = arith.addi %shift_right_arithmetic3A_9, %parallel_loop3A_493 : vector<16xi32>
      %parallel_loop3A_495 = vector.broadcast %parallel_loop3A_469 : i32 to vector<16xi32>
      %parallel_loop3A_496 = arith.addi %mul3A_7, %parallel_loop3A_495 : vector<16xi32>
      %parallel_loop3A_497 = arith.constant 1 : i32
      %parallel_loop3A_498 = arith.constant 0 : i32
      %parallel_loop3A_499 = arith.constant 0 : i32
      %parallel_loop3A_500 = arith.constant 0 : i32
      %parallel_loop3A_501 = arith.constant 0 : i32
      %parallel_loop3A_502 = tpu.memref_slice %arg8[%parallel_loop3A_497, %parallel_loop3A_498, %parallel_loop3A_499, %parallel_loop3A_500, %parallel_loop3A_501] : memref<4x8x1x8x129xf32, #tpu.memory_space<vmem>> -> memref<1x8x1x8x129xf32, #tpu.memory_space<vmem>>
      %parallel_loop3A_503 = tpu.memref_squeeze %parallel_loop3A_502 : memref<1x8x1x8x129xf32, #tpu.memory_space<vmem>> -> memref<8x1x8x129xf32, #tpu.memory_space<vmem>>
      tpu.vector_store_idx %parallel_loop3A_503[%parallel_loop3A_494, %mul3A_7, %and3A_11, %parallel_loop3A_496], %parallel_loop3A_491 : memref<8x1x8x129xf32, #tpu.memory_space<vmem>>[vector<16xi32>, vector<16xi32>, vector<16xi32>, vector<16xi32>], vector<16xf32>,
      %parallel_loop3A_504 = arith.constant 1 : i32
      %parallel_loop3A_505 = arith.index_cast %parallel_loop3A_504 : i32 to index
      %parallel_loop3A_506 = arith.index_cast %parallel_loop3A_469 : i32 to index
      %parallel_loop3A_507 = arith.constant 32 : index
      %parallel_loop3A_508 = tpu.vector_load %arg7[%parallel_loop3A_505, %parallel_loop3A_506, %parallel_loop3A_507] {strides = array<i32>} : memref<2x128x64xf32, #tpu.memory_space<vmem>>, vector<16xf32>,
      %parallel_loop3A_509 = arith.constant 4 : i32
      %parallel_loop3A_510 = vector.broadcast %parallel_loop3A_509 : i32 to vector<16xi32>
      %parallel_loop3A_511 = arith.addi %shift_right_arithmetic3A_9, %parallel_loop3A_510 : vector<16xi32>
      %parallel_loop3A_512 = vector.broadcast %parallel_loop3A_469 : i32 to vector<16xi32>
      %parallel_loop3A_513 = arith.addi %mul3A_7, %parallel_loop3A_512 : vector<16xi32>
      %parallel_loop3A_514 = arith.constant 1 : i32
      %parallel_loop3A_515 = arith.constant 0 : i32
      %parallel_loop3A_516 = arith.constant 0 : i32
      %parallel_loop3A_517 = arith.constant 0 : i32
      %parallel_loop3A_518 = arith.constant 0 : i32
      %parallel_loop3A_519 = tpu.memref_slice %arg8[%parallel_loop3A_514, %parallel_loop3A_515, %parallel_loop3A_516, %parallel_loop3A_517, %parallel_loop3A_518] : memref<4x8x1x8x129xf32, #tpu.memory_space<vmem>> -> memref<1x8x1x8x129xf32, #tpu.memory_space<vmem>>
      %parallel_loop3A_520 = tpu.memref_squeeze %parallel_loop3A_519 : memref<1x8x1x8x129xf32, #tpu.memory_space<vmem>> -> memref<8x1x8x129xf32, #tpu.memory_space<vmem>>
      tpu.vector_store_idx %parallel_loop3A_520[%parallel_loop3A_511, %mul3A_7, %and3A_11, %parallel_loop3A_513], %parallel_loop3A_508 : memref<8x1x8x129xf32, #tpu.memory_space<vmem>>[vector<16xi32>, vector<16xi32>, vector<16xi32>, vector<16xi32>], vector<16xf32>,
      %parallel_loop3A_521 = arith.constant 1 : i32
      %parallel_loop3A_522 = arith.index_cast %parallel_loop3A_521 : i32 to index
      %parallel_loop3A_523 = arith.index_cast %parallel_loop3A_469 : i32 to index
      %parallel_loop3A_524 = arith.constant 48 : index
      %parallel_loop3A_525 = tpu.vector_load %arg7[%parallel_loop3A_522, %parallel_loop3A_523, %parallel_loop3A_524] {strides = array<i32>} : memref<2x128x64xf32, #tpu.memory_space<vmem>>, vector<16xf32>,
      %parallel_loop3A_526 = arith.constant 6 : i32
      %parallel_loop3A_527 = vector.broadcast %parallel_loop3A_526 : i32 to vector<16xi32>
      %parallel_loop3A_528 = arith.addi %shift_right_arithmetic3A_9, %parallel_loop3A_527 : vector<16xi32>
      %parallel_loop3A_529 = vector.broadcast %parallel_loop3A_469 : i32 to vector<16xi32>
      %parallel_loop3A_530 = arith.addi %mul3A_7, %parallel_loop3A_529 : vector<16xi32>
      %parallel_loop3A_531 = arith.constant 1 : i32
      %parallel_loop3A_532 = arith.constant 0 : i32
      %parallel_loop3A_533 = arith.constant 0 : i32
      %parallel_loop3A_534 = arith.constant 0 : i32
      %parallel_loop3A_535 = arith.constant 0 : i32
      %parallel_loop3A_536 = tpu.memref_slice %arg8[%parallel_loop3A_531, %parallel_loop3A_532, %parallel_loop3A_533, %parallel_loop3A_534, %parallel_loop3A_535] : memref<4x8x1x8x129xf32, #tpu.memory_space<vmem>> -> memref<1x8x1x8x129xf32, #tpu.memory_space<vmem>>
      %parallel_loop3A_537 = tpu.memref_squeeze %parallel_loop3A_536 : memref<1x8x1x8x129xf32, #tpu.memory_space<vmem>> -> memref<8x1x8x129xf32, #tpu.memory_space<vmem>>
      tpu.vector_store_idx %parallel_loop3A_537[%parallel_loop3A_528, %mul3A_7, %and3A_11, %parallel_loop3A_530], %parallel_loop3A_525 : memref<8x1x8x129xf32, #tpu.memory_space<vmem>>[vector<16xi32>, vector<16xi32>, vector<16xi32>, vector<16xi32>], vector<16xf32>,
    } {sc.loop_unroll_factor = 1 : i64, sc.parallel_access}
    %add3A_138 = arith.constant 1 : i32
    %add3A_139 = arith.addi %mul3A_4, %add3A_138 : i32
    %jit3A_140 = arith.constant 32 : i32
    %div3A_141 = arith.divsi %add3A_139, %jit3A_140 : i32
    %sign3A_142 = arith.constant 0 : i32
    %sign3A_143 = arith.cmpi sgt, %add3A_139, %sign3A_142 : i32
    %sign3A_144 = arith.extui %sign3A_143 : i1 to i32
    %sign3A_145 = arith.constant 0 : i32
    %sign3A_146 = arith.cmpi slt, %add3A_139, %sign3A_145 : i32
    %sign3A_147 = arith.extui %sign3A_146 : i1 to i32
    %sign3A_148 = arith.subi %sign3A_144, %sign3A_147 : i32
    %sign3A_149 = arith.constant 0 : i32
    %sign3A_150 = arith.cmpi sgt, %jit3A_140, %sign3A_149 : i32
    %sign3A_151 = arith.extui %sign3A_150 : i1 to i32
    %sign3A_152 = arith.constant 0 : i32
    %sign3A_153 = arith.cmpi slt, %jit3A_140, %sign3A_152 : i32
    %sign3A_154 = arith.extui %sign3A_153 : i1 to i32
    %sign3A_155 = arith.subi %sign3A_151, %sign3A_154 : i32
    %ne3A_156 = arith.cmpi ne, %sign3A_148, %sign3A_155 : i32
    %rem3A_157 = arith.remsi %add3A_139, %jit3A_140 : i32
    %ne3A_158 = arith.constant 0 : i32
    %ne3A_159 = arith.cmpi ne, %rem3A_157, %ne3A_158 : i32
    %and3A_160 = arith.andi %ne3A_156, %ne3A_159 : i1
    %sub3A_161 = arith.constant 1 : i32
    %sub3A_162 = arith.subi %div3A_141, %sub3A_161 : i32
    %select_n3A_163 = arith.select %and3A_160, %sub3A_162, %div3A_141 : i32
    %mul3A_164 = arith.constant 8 : i32
    %mul3A_165 = arith.muli %select_n3A_163, %mul3A_164 : i32
    %jit3A_166 = arith.constant 32 : i32
    %eq3A_167 = arith.constant 0 : i32
    %eq3A_168 = arith.cmpi eq, %jit3A_166, %eq3A_167 : i32
    %jit3A_169 = arith.constant 1 : i32
    %select_n3A_170 = arith.select %eq3A_168, %jit3A_169, %jit3A_166 : i32
    %rem3A_171 = arith.remsi %add3A_139, %select_n3A_170 : i32
    %ne3A_172 = arith.constant 0 : i32
    %ne3A_173 = arith.cmpi ne, %rem3A_171, %ne3A_172 : i32
    %lt3A_174 = arith.constant 0 : i32
    %lt3A_175 = arith.cmpi slt, %rem3A_171, %lt3A_174 : i32
    %lt3A_176 = arith.constant 0 : i32
    %lt3A_177 = arith.cmpi slt, %select_n3A_170, %lt3A_176 : i32
    %ne3A_178 = arith.xori %lt3A_175, %lt3A_177 : i1
    %and3A_179 = arith.andi %ne3A_178, %ne3A_173 : i1
    %add3A_180 = arith.addi %rem3A_171, %select_n3A_170 : i32
    %select_n3A_181 = arith.select %and3A_179, %add3A_180, %rem3A_171 : i32
    %dma_start3A_182 = arith.constant 1 : i32
    %dma_start3A_183 = arith.constant 0 : i32
    %dma_start3A_184 = arith.constant 0 : i32
    %dma_start3A_185 = arith.constant 0 : i32
    %dma_start3A_186 = arith.constant 0 : i32
    %dma_start3A_187 = tpu.memref_slice %arg8[%dma_start3A_182, %dma_start3A_183, %dma_start3A_184, %dma_start3A_185, %dma_start3A_186] : memref<4x8x1x8x129xf32, #tpu.memory_space<vmem>> -> memref<1x8x1x8x128xf32, #tpu.memory_space<vmem>>
    %dma_start3A_188 = tpu.memref_squeeze %dma_start3A_187 : memref<1x8x1x8x128xf32, #tpu.memory_space<vmem>> -> memref<8x1x8x128xf32, #tpu.memory_space<vmem>>
    %dma_start3A_189 = arith.constant 0 : i32
    %dma_start3A_190 = arith.constant 0 : i32
    %dma_start3A_191 = tpu.memref_slice %arg4[%mul3A_165, %select_n3A_181, %dma_start3A_189, %dma_start3A_190] : memref<1600x32x8x128xf32, #tpu.memory_space<hbm>> -> memref<8x1x8x128xf32, #tpu.memory_space<hbm>>
    %dma_start3A_192 = arith.constant 0 : i32
    %dma_start3A_193 = arith.constant 0 : i32
    %dma_start3A_194 = tpu.memref_slice %arg4[%mul3A_165, %select_n3A_181, %dma_start3A_192, %dma_start3A_193] : memref<1600x32x8x128xf32, #tpu.memory_space<hbm>> -> memref<8x1x8x128xf32, #tpu.memory_space<hbm>>
    %dma_start3A_195 = arith.constant 0 : i32
    %dma_start3A_196 = arith.constant 0 : i32
    %dma_start3A_197 = arith.constant 0 : i32
    %dma_start3A_198 = arith.constant 0 : i32
    %dma_start3A_199 = tpu.memref_slice %arg8[%dma_start3A_182, %dma_start3A_195, %dma_start3A_196, %dma_start3A_197, %dma_start3A_198] : memref<4x8x1x8x129xf32, #tpu.memory_space<vmem>> -> memref<1x8x1x8x128xf32, #tpu.memory_space<vmem>>
    %dma_start3A_200 = tpu.memref_squeeze %dma_start3A_199 : memref<1x8x1x8x128xf32, #tpu.memory_space<vmem>> -> memref<8x1x8x128xf32, #tpu.memory_space<vmem>>
    tpu.enqueue_dma source(%dma_start3A_200 : memref<8x1x8x128xf32, #tpu.memory_space<vmem>>) target(%dma_start3A_194 : memref<8x1x8x128xf32, #tpu.memory_space<hbm>>) target_semaphore(%arg12 : memref<!tpu.dma_semaphore, #tpu.memory_space<semaphore_mem>>)
    %parallel_loop3A_201 = arith.constant 0 : i32
    %parallel_loop3A_202 = arith.constant 8 : i32
    %parallel_loop3A_203 = arith.constant 1 : i32
    scf.for %parallel_loop3A_469 = %parallel_loop3A_201 to %parallel_loop3A_202 step %parallel_loop3A_203  : i32 {
      %parallel_loop3A_470 = arith.constant 16 : i32
      %parallel_loop3A_471 = arith.muli %parallel_loop3A_469, %parallel_loop3A_470 : i32
      %parallel_loop3A_472 = arith.constant 384 : i32
      %parallel_loop3A_473 = arith.addi %parallel_loop3A_472, %parallel_loop3A_471 : i32
      %parallel_loop3A_474 = arith.index_cast %parallel_loop3A_473 : i32 to index
      %parallel_loop3A_475 = tpu.vector_load %arg5[%parallel_loop3A_474] {strides = array<i32>} : memref<25600xi32, #tpu.memory_space<vmem>>, vector<16xi32>,
      %parallel_loop3A_476 = arith.constant 16 : i32
      %parallel_loop3A_477 = arith.muli %parallel_loop3A_469, %parallel_loop3A_476 : i32
      %parallel_loop3A_478 = arith.constant 1 : i32
      %parallel_loop3A_479 = arith.index_cast %parallel_loop3A_478 : i32 to index
      %parallel_loop3A_480 = arith.index_cast %parallel_loop3A_477 : i32 to index
      %parallel_loop3A_481 = tpu.vector_load %arg6[%parallel_loop3A_479, %parallel_loop3A_480] {strides = array<i32>} : memref<2x128xi32, #tpu.memory_space<vmem>>, vector<16xi32>,
      tpu.vector_store %arg6[%parallel_loop3A_479, %parallel_loop3A_480], %parallel_loop3A_475 {strides = array<i32>} : memref<2x128xi32, #tpu.memory_space<vmem>>, vector<16xi32>,
    } {sc.loop_unroll_factor = 2 : i64, sc.parallel_access}
    %dma_start3A_204 = arith.constant 1 : i32
    %dma_start3A_205 = arith.constant 1 : i32
    %dma_start3A_206 = arith.constant 0 : i32
    %dma_start3A_207 = arith.constant 0 : i32
    %dma_start3A_208 = tpu.memref_slice %arg7[%dma_start3A_205, %dma_start3A_206, %dma_start3A_207] : memref<2x128x64xf32, #tpu.memory_space<vmem>> -> memref<1x128x64xf32, #tpu.memory_space<vmem>>
    %dma_start3A_209 = tpu.memref_squeeze %dma_start3A_208 : memref<1x128x64xf32, #tpu.memory_space<vmem>> -> memref<128x64xf32, #tpu.memory_space<vmem>>
    %dma_start3A_210 = arith.constant 0 : i32
    %dma_start3A_211 = tpu.memref_slice %arg6[%dma_start3A_204, %dma_start3A_210] : memref<2x128xi32, #tpu.memory_space<vmem>> -> memref<1x128xi32, #tpu.memory_space<vmem>>
    %dma_start3A_212 = tpu.memref_squeeze %dma_start3A_211 : memref<1x128xi32, #tpu.memory_space<vmem>> -> memref<128xi32, #tpu.memory_space<vmem>>
    %dma_start3A_213 = arith.constant 0 : i32
    %dma_start3A_214 = arith.constant 0 : i32
    %dma_start3A_215 = tpu.memref_slice %arg3[%dma_start3A_213, %dma_start3A_214] : memref<2000000x64xf32, #tpu.memory_space<hbm>> -> memref<2000000x64xf32, #tpu.memory_space<hbm>>
    tpu.enqueue_indirect_dma source(%dma_start3A_215 : memref<2000000x64xf32, #tpu.memory_space<hbm>>) target(%dma_start3A_209 : memref<128x64xf32, #tpu.memory_space<vmem>>) offsets(%dma_start3A_212 : memref<128xi32, #tpu.memory_space<vmem>>) semaphore(%arg10 : memref<!tpu.dma_semaphore, #tpu.memory_space<semaphore_mem>>)
    %dma_wait3A_216 = arith.constant 0 : i32
    %dma_wait3A_217 = arith.constant 0 : i32
    %dma_wait3A_218 = arith.constant 0 : i32
    %dma_wait3A_219 = arith.constant 0 : i32
    %dma_wait3A_220 = tpu.memref_slice %arg7[%dma_wait3A_217, %dma_wait3A_218, %dma_wait3A_219] : memref<2x128x64xf32, #tpu.memory_space<vmem>> -> memref<1x128x64xf32, #tpu.memory_space<vmem>>
    %dma_wait3A_221 = tpu.memref_squeeze %dma_wait3A_220 : memref<1x128x64xf32, #tpu.memory_space<vmem>> -> memref<128x64xf32, #tpu.memory_space<vmem>>
    %dma_wait3A_222 = arith.constant 0 : i32
    %dma_wait3A_223 = tpu.memref_slice %arg6[%dma_wait3A_216, %dma_wait3A_222] : memref<2x128xi32, #tpu.memory_space<vmem>> -> memref<1x128xi32, #tpu.memory_space<vmem>>
    %dma_wait3A_224 = tpu.memref_squeeze %dma_wait3A_223 : memref<1x128xi32, #tpu.memory_space<vmem>> -> memref<128xi32, #tpu.memory_space<vmem>>
    %dma_wait3A_225 = arith.constant 0 : i32
    %dma_wait3A_226 = arith.constant 0 : i32
    %dma_wait3A_227 = tpu.memref_slice %arg3[%dma_wait3A_225, %dma_wait3A_226] : memref<2000000x64xf32, #tpu.memory_space<hbm>> -> memref<2000000x64xf32, #tpu.memory_space<hbm>>
    tpu.wait_indirect_dma semaphore(%arg9 : memref<!tpu.dma_semaphore, #tpu.memory_space<semaphore_mem>>) src(%dma_wait3A_227 : memref<2000000x64xf32, #tpu.memory_space<hbm>>) dst(%dma_wait3A_221 : memref<128x64xf32, #tpu.memory_space<vmem>>)
    %parallel_loop3A_228 = arith.constant 0 : i32
    %parallel_loop3A_229 = arith.constant 128 : i32
    %parallel_loop3A_230 = arith.constant 1 : i32
    scf.for %parallel_loop3A_469 = %parallel_loop3A_228 to %parallel_loop3A_229 step %parallel_loop3A_230  : i32 {
      %parallel_loop3A_470 = arith.constant 0 : i32
      %parallel_loop3A_471 = arith.index_cast %parallel_loop3A_470 : i32 to index
      %parallel_loop3A_472 = arith.index_cast %parallel_loop3A_469 : i32 to index
      %parallel_loop3A_473 = arith.constant 0 : index
      %parallel_loop3A_474 = tpu.vector_load %arg7[%parallel_loop3A_471, %parallel_loop3A_472, %parallel_loop3A_473] {strides = array<i32>} : memref<2x128x64xf32, #tpu.memory_space<vmem>>, vector<16xf32>,
      %parallel_loop3A_475 = arith.constant 0 : i32
      %parallel_loop3A_476 = vector.broadcast %parallel_loop3A_475 : i32 to vector<16xi32>
      %parallel_loop3A_477 = arith.addi %shift_right_arithmetic3A_9, %parallel_loop3A_476 : vector<16xi32>
      %parallel_loop3A_478 = vector.broadcast %parallel_loop3A_469 : i32 to vector<16xi32>
      %parallel_loop3A_479 = arith.addi %mul3A_7, %parallel_loop3A_478 : vector<16xi32>
      %parallel_loop3A_480 = arith.constant 2 : i32
      %parallel_loop3A_481 = arith.constant 0 : i32
      %parallel_loop3A_482 = arith.constant 0 : i32
      %parallel_loop3A_483 = arith.constant 0 : i32
      %parallel_loop3A_484 = arith.constant 0 : i32
      %parallel_loop3A_485 = tpu.memref_slice %arg8[%parallel_loop3A_480, %parallel_loop3A_481, %parallel_loop3A_482, %parallel_loop3A_483, %parallel_loop3A_484] : memref<4x8x1x8x129xf32, #tpu.memory_space<vmem>> -> memref<1x8x1x8x129xf32, #tpu.memory_space<vmem>>
      %parallel_loop3A_486 = tpu.memref_squeeze %parallel_loop3A_485 : memref<1x8x1x8x129xf32, #tpu.memory_space<vmem>> -> memref<8x1x8x129xf32, #tpu.memory_space<vmem>>
      tpu.vector_store_idx %parallel_loop3A_486[%parallel_loop3A_477, %mul3A_7, %and3A_11, %parallel_loop3A_479], %parallel_loop3A_474 : memref<8x1x8x129xf32, #tpu.memory_space<vmem>>[vector<16xi32>, vector<16xi32>, vector<16xi32>, vector<16xi32>], vector<16xf32>,
      %parallel_loop3A_487 = arith.constant 0 : i32
      %parallel_loop3A_488 = arith.index_cast %parallel_loop3A_487 : i32 to index
      %parallel_loop3A_489 = arith.index_cast %parallel_loop3A_469 : i32 to index
      %parallel_loop3A_490 = arith.constant 16 : index
      %parallel_loop3A_491 = tpu.vector_load %arg7[%parallel_loop3A_488, %parallel_loop3A_489, %parallel_loop3A_490] {strides = array<i32>} : memref<2x128x64xf32, #tpu.memory_space<vmem>>, vector<16xf32>,
      %parallel_loop3A_492 = arith.constant 2 : i32
      %parallel_loop3A_493 = vector.broadcast %parallel_loop3A_492 : i32 to vector<16xi32>
      %parallel_loop3A_494 = arith.addi %shift_right_arithmetic3A_9, %parallel_loop3A_493 : vector<16xi32>
      %parallel_loop3A_495 = vector.broadcast %parallel_loop3A_469 : i32 to vector<16xi32>
      %parallel_loop3A_496 = arith.addi %mul3A_7, %parallel_loop3A_495 : vector<16xi32>
      %parallel_loop3A_497 = arith.constant 2 : i32
      %parallel_loop3A_498 = arith.constant 0 : i32
      %parallel_loop3A_499 = arith.constant 0 : i32
      %parallel_loop3A_500 = arith.constant 0 : i32
      %parallel_loop3A_501 = arith.constant 0 : i32
      %parallel_loop3A_502 = tpu.memref_slice %arg8[%parallel_loop3A_497, %parallel_loop3A_498, %parallel_loop3A_499, %parallel_loop3A_500, %parallel_loop3A_501] : memref<4x8x1x8x129xf32, #tpu.memory_space<vmem>> -> memref<1x8x1x8x129xf32, #tpu.memory_space<vmem>>
      %parallel_loop3A_503 = tpu.memref_squeeze %parallel_loop3A_502 : memref<1x8x1x8x129xf32, #tpu.memory_space<vmem>> -> memref<8x1x8x129xf32, #tpu.memory_space<vmem>>
      tpu.vector_store_idx %parallel_loop3A_503[%parallel_loop3A_494, %mul3A_7, %and3A_11, %parallel_loop3A_496], %parallel_loop3A_491 : memref<8x1x8x129xf32, #tpu.memory_space<vmem>>[vector<16xi32>, vector<16xi32>, vector<16xi32>, vector<16xi32>], vector<16xf32>,
      %parallel_loop3A_504 = arith.constant 0 : i32
      %parallel_loop3A_505 = arith.index_cast %parallel_loop3A_504 : i32 to index
      %parallel_loop3A_506 = arith.index_cast %parallel_loop3A_469 : i32 to index
      %parallel_loop3A_507 = arith.constant 32 : index
      %parallel_loop3A_508 = tpu.vector_load %arg7[%parallel_loop3A_505, %parallel_loop3A_506, %parallel_loop3A_507] {strides = array<i32>} : memref<2x128x64xf32, #tpu.memory_space<vmem>>, vector<16xf32>,
      %parallel_loop3A_509 = arith.constant 4 : i32
      %parallel_loop3A_510 = vector.broadcast %parallel_loop3A_509 : i32 to vector<16xi32>
      %parallel_loop3A_511 = arith.addi %shift_right_arithmetic3A_9, %parallel_loop3A_510 : vector<16xi32>
      %parallel_loop3A_512 = vector.broadcast %parallel_loop3A_469 : i32 to vector<16xi32>
      %parallel_loop3A_513 = arith.addi %mul3A_7, %parallel_loop3A_512 : vector<16xi32>
      %parallel_loop3A_514 = arith.constant 2 : i32
      %parallel_loop3A_515 = arith.constant 0 : i32
      %parallel_loop3A_516 = arith.constant 0 : i32
      %parallel_loop3A_517 = arith.constant 0 : i32
      %parallel_loop3A_518 = arith.constant 0 : i32
      %parallel_loop3A_519 = tpu.memref_slice %arg8[%parallel_loop3A_514, %parallel_loop3A_515, %parallel_loop3A_516, %parallel_loop3A_517, %parallel_loop3A_518] : memref<4x8x1x8x129xf32, #tpu.memory_space<vmem>> -> memref<1x8x1x8x129xf32, #tpu.memory_space<vmem>>
      %parallel_loop3A_520 = tpu.memref_squeeze %parallel_loop3A_519 : memref<1x8x1x8x129xf32, #tpu.memory_space<vmem>> -> memref<8x1x8x129xf32, #tpu.memory_space<vmem>>
      tpu.vector_store_idx %parallel_loop3A_520[%parallel_loop3A_511, %mul3A_7, %and3A_11, %parallel_loop3A_513], %parallel_loop3A_508 : memref<8x1x8x129xf32, #tpu.memory_space<vmem>>[vector<16xi32>, vector<16xi32>, vector<16xi32>, vector<16xi32>], vector<16xf32>,
      %parallel_loop3A_521 = arith.constant 0 : i32
      %parallel_loop3A_522 = arith.index_cast %parallel_loop3A_521 : i32 to index
      %parallel_loop3A_523 = arith.index_cast %parallel_loop3A_469 : i32 to index
      %parallel_loop3A_524 = arith.constant 48 : index
      %parallel_loop3A_525 = tpu.vector_load %arg7[%parallel_loop3A_522, %parallel_loop3A_523, %parallel_loop3A_524] {strides = array<i32>} : memref<2x128x64xf32, #tpu.memory_space<vmem>>, vector<16xf32>,
      %parallel_loop3A_526 = arith.constant 6 : i32
      %parallel_loop3A_527 = vector.broadcast %parallel_loop3A_526 : i32 to vector<16xi32>
      %parallel_loop3A_528 = arith.addi %shift_right_arithmetic3A_9, %parallel_loop3A_527 : vector<16xi32>
      %parallel_loop3A_529 = vector.broadcast %parallel_loop3A_469 : i32 to vector<16xi32>
      %parallel_loop3A_530 = arith.addi %mul3A_7, %parallel_loop3A_529 : vector<16xi32>
      %parallel_loop3A_531 = arith.constant 2 : i32
      %parallel_loop3A_532 = arith.constant 0 : i32
      %parallel_loop3A_533 = arith.constant 0 : i32
      %parallel_loop3A_534 = arith.constant 0 : i32
      %parallel_loop3A_535 = arith.constant 0 : i32
      %parallel_loop3A_536 = tpu.memref_slice %arg8[%parallel_loop3A_531, %parallel_loop3A_532, %parallel_loop3A_533, %parallel_loop3A_534, %parallel_loop3A_535] : memref<4x8x1x8x129xf32, #tpu.memory_space<vmem>> -> memref<1x8x1x8x129xf32, #tpu.memory_space<vmem>>
      %parallel_loop3A_537 = tpu.memref_squeeze %parallel_loop3A_536 : memref<1x8x1x8x129xf32, #tpu.memory_space<vmem>> -> memref<8x1x8x129xf32, #tpu.memory_space<vmem>>
      tpu.vector_store_idx %parallel_loop3A_537[%parallel_loop3A_528, %mul3A_7, %and3A_11, %parallel_loop3A_530], %parallel_loop3A_525 : memref<8x1x8x129xf32, #tpu.memory_space<vmem>>[vector<16xi32>, vector<16xi32>, vector<16xi32>, vector<16xi32>], vector<16xf32>,
    } {sc.loop_unroll_factor = 1 : i64, sc.parallel_access}
    %add3A_231 = arith.constant 2 : i32
    %add3A_232 = arith.addi %mul3A_4, %add3A_231 : i32
    %jit3A_233 = arith.constant 32 : i32
    %div3A_234 = arith.divsi %add3A_232, %jit3A_233 : i32
    %sign3A_235 = arith.constant 0 : i32
    %sign3A_236 = arith.cmpi sgt, %add3A_232, %sign3A_235 : i32
    %sign3A_237 = arith.extui %sign3A_236 : i1 to i32
    %sign3A_238 = arith.constant 0 : i32
    %sign3A_239 = arith.cmpi slt, %add3A_232, %sign3A_238 : i32
    %sign3A_240 = arith.extui %sign3A_239 : i1 to i32
    %sign3A_241 = arith.subi %sign3A_237, %sign3A_240 : i32
    %sign3A_242 = arith.constant 0 : i32
    %sign3A_243 = arith.cmpi sgt, %jit3A_233, %sign3A_242 : i32
    %sign3A_244 = arith.extui %sign3A_243 : i1 to i32
    %sign3A_245 = arith.constant 0 : i32
    %sign3A_246 = arith.cmpi slt, %jit3A_233, %sign3A_245 : i32
    %sign3A_247 = arith.extui %sign3A_246 : i1 to i32
    %sign3A_248 = arith.subi %sign3A_244, %sign3A_247 : i32
    %ne3A_249 = arith.cmpi ne, %sign3A_241, %sign3A_248 : i32
    %rem3A_250 = arith.remsi %add3A_232, %jit3A_233 : i32
    %ne3A_251 = arith.constant 0 : i32
    %ne3A_252 = arith.cmpi ne, %rem3A_250, %ne3A_251 : i32
    %and3A_253 = arith.andi %ne3A_249, %ne3A_252 : i1
    %sub3A_254 = arith.constant 1 : i32
    %sub3A_255 = arith.subi %div3A_234, %sub3A_254 : i32
    %select_n3A_256 = arith.select %and3A_253, %sub3A_255, %div3A_234 : i32
    %mul3A_257 = arith.constant 8 : i32
    %mul3A_258 = arith.muli %select_n3A_256, %mul3A_257 : i32
    %jit3A_259 = arith.constant 32 : i32
    %eq3A_260 = arith.constant 0 : i32
    %eq3A_261 = arith.cmpi eq, %jit3A_259, %eq3A_260 : i32
    %jit3A_262 = arith.constant 1 : i32
    %select_n3A_263 = arith.select %eq3A_261, %jit3A_262, %jit3A_259 : i32
    %rem3A_264 = arith.remsi %add3A_232, %select_n3A_263 : i32
    %ne3A_265 = arith.constant 0 : i32
    %ne3A_266 = arith.cmpi ne, %rem3A_264, %ne3A_265 : i32
    %lt3A_267 = arith.constant 0 : i32
    %lt3A_268 = arith.cmpi slt, %rem3A_264, %lt3A_267 : i32
    %lt3A_269 = arith.constant 0 : i32
    %lt3A_270 = arith.cmpi slt, %select_n3A_263, %lt3A_269 : i32
    %ne3A_271 = arith.xori %lt3A_268, %lt3A_270 : i1
    %and3A_272 = arith.andi %ne3A_271, %ne3A_266 : i1
    %add3A_273 = arith.addi %rem3A_264, %select_n3A_263 : i32
    %select_n3A_274 = arith.select %and3A_272, %add3A_273, %rem3A_264 : i32
    %dma_start3A_275 = arith.constant 2 : i32
    %dma_start3A_276 = arith.constant 0 : i32
    %dma_start3A_277 = arith.constant 0 : i32
    %dma_start3A_278 = arith.constant 0 : i32
    %dma_start3A_279 = arith.constant 0 : i32
    %dma_start3A_280 = tpu.memref_slice %arg8[%dma_start3A_275, %dma_start3A_276, %dma_start3A_277, %dma_start3A_278, %dma_start3A_279] : memref<4x8x1x8x129xf32, #tpu.memory_space<vmem>> -> memref<1x8x1x8x128xf32, #tpu.memory_space<vmem>>
    %dma_start3A_281 = tpu.memref_squeeze %dma_start3A_280 : memref<1x8x1x8x128xf32, #tpu.memory_space<vmem>> -> memref<8x1x8x128xf32, #tpu.memory_space<vmem>>
    %dma_start3A_282 = arith.constant 0 : i32
    %dma_start3A_283 = arith.constant 0 : i32
    %dma_start3A_284 = tpu.memref_slice %arg4[%mul3A_258, %select_n3A_274, %dma_start3A_282, %dma_start3A_283] : memref<1600x32x8x128xf32, #tpu.memory_space<hbm>> -> memref<8x1x8x128xf32, #tpu.memory_space<hbm>>
    %dma_start3A_285 = arith.constant 0 : i32
    %dma_start3A_286 = arith.constant 0 : i32
    %dma_start3A_287 = tpu.memref_slice %arg4[%mul3A_258, %select_n3A_274, %dma_start3A_285, %dma_start3A_286] : memref<1600x32x8x128xf32, #tpu.memory_space<hbm>> -> memref<8x1x8x128xf32, #tpu.memory_space<hbm>>
    %dma_start3A_288 = arith.constant 0 : i32
    %dma_start3A_289 = arith.constant 0 : i32
    %dma_start3A_290 = arith.constant 0 : i32
    %dma_start3A_291 = arith.constant 0 : i32
    %dma_start3A_292 = tpu.memref_slice %arg8[%dma_start3A_275, %dma_start3A_288, %dma_start3A_289, %dma_start3A_290, %dma_start3A_291] : memref<4x8x1x8x129xf32, #tpu.memory_space<vmem>> -> memref<1x8x1x8x128xf32, #tpu.memory_space<vmem>>
    %dma_start3A_293 = tpu.memref_squeeze %dma_start3A_292 : memref<1x8x1x8x128xf32, #tpu.memory_space<vmem>> -> memref<8x1x8x128xf32, #tpu.memory_space<vmem>>
    tpu.enqueue_dma source(%dma_start3A_293 : memref<8x1x8x128xf32, #tpu.memory_space<vmem>>) target(%dma_start3A_287 : memref<8x1x8x128xf32, #tpu.memory_space<hbm>>) target_semaphore(%arg13 : memref<!tpu.dma_semaphore, #tpu.memory_space<semaphore_mem>>)
    %scan3A = arith.constant 0 : i32
    %scan3A_294 = arith.constant 1 : i32
    %scan3A_295 = arith.constant 49 : i32
    %scan3A_296 = arith.addi %scan3A_294, %scan3A_295 : i32
    %scan3A_297 = arith.constant 1 : i32
    scf.for %scan3A_469 = %scan3A_294 to %scan3A_296 step %scan3A_297  : i32 {
      %mul3A_470 = arith.constant 4 : i32
      %mul3A_471 = arith.muli %scan3A_469, %mul3A_470 : i32
      %dma_wait3A_472 = arith.constant 0 : i32
      %dma_wait3A_473 = arith.constant 0 : i32
      %dma_wait3A_474 = arith.constant 0 : i32
      %dma_wait3A_475 = arith.constant 0 : i32
      %dma_wait3A_476 = arith.constant 0 : i32
      %dma_wait3A_477 = tpu.memref_slice %arg8[%dma_wait3A_472, %dma_wait3A_473, %dma_wait3A_474, %dma_wait3A_475, %dma_wait3A_476] : memref<4x8x1x8x129xf32, #tpu.memory_space<vmem>> -> memref<1x8x1x8x128xf32, #tpu.memory_space<vmem>>
      %dma_wait3A_478 = tpu.memref_squeeze %dma_wait3A_477 : memref<1x8x1x8x128xf32, #tpu.memory_space<vmem>> -> memref<8x1x8x128xf32, #tpu.memory_space<vmem>>
      %dma_wait3A_479 = arith.constant 0 : i32
      %dma_wait3A_480 = arith.constant 0 : i32
      %dma_wait3A_481 = arith.constant 0 : i32
      %dma_wait3A_482 = arith.constant 0 : i32
      %dma_wait3A_483 = tpu.memref_slice %arg4[%dma_wait3A_479, %dma_wait3A_480, %dma_wait3A_481, %dma_wait3A_482] : memref<1600x32x8x128xf32, #tpu.memory_space<hbm>> -> memref<8x1x8x128xf32, #tpu.memory_space<hbm>>
      %dma_wait3A_484 = arith.constant 0 : i32
      %dma_wait3A_485 = arith.constant 0 : i32
      %dma_wait3A_486 = arith.constant 0 : i32
      %dma_wait3A_487 = arith.constant 0 : i32
      %dma_wait3A_488 = tpu.memref_slice %arg4[%dma_wait3A_484, %dma_wait3A_485, %dma_wait3A_486, %dma_wait3A_487] : memref<1600x32x8x128xf32, #tpu.memory_space<hbm>> -> memref<8x1x8x128xf32, #tpu.memory_space<hbm>>
      %dma_wait3A_489 = arith.constant 0 : i32
      %dma_wait3A_490 = arith.constant 0 : i32
      %dma_wait3A_491 = arith.constant 0 : i32
      %dma_wait3A_492 = arith.constant 0 : i32
      %dma_wait3A_493 = tpu.memref_slice %arg8[%dma_wait3A_472, %dma_wait3A_489, %dma_wait3A_490, %dma_wait3A_491, %dma_wait3A_492] : memref<4x8x1x8x129xf32, #tpu.memory_space<vmem>> -> memref<1x8x1x8x128xf32, #tpu.memory_space<vmem>>
      %dma_wait3A_494 = tpu.memref_squeeze %dma_wait3A_493 : memref<1x8x1x8x128xf32, #tpu.memory_space<vmem>> -> memref<8x1x8x128xf32, #tpu.memory_space<vmem>>
      tpu.wait_dma2 semaphore(%arg11 : memref<!tpu.dma_semaphore, #tpu.memory_space<semaphore_mem>>) src(%dma_wait3A_494 : memref<8x1x8x128xf32, #tpu.memory_space<vmem>>) dst(%dma_wait3A_488 : memref<8x1x8x128xf32, #tpu.memory_space<hbm>>)
      %add3A_495 = arith.constant 0 : i32
      %add3A_496 = arith.addi %mul3A_471, %add3A_495 : i32
      %mul3A_497 = arith.constant 128 : i32
      %mul3A_498 = arith.muli %add3A_496, %mul3A_497 : i32
      %parallel_loop3A_499 = arith.constant 0 : i32
      %parallel_loop3A_500 = arith.constant 8 : i32
      %parallel_loop3A_501 = arith.constant 1 : i32
      scf.for %parallel_loop3A_980 = %parallel_loop3A_499 to %parallel_loop3A_500 step %parallel_loop3A_501  : i32 {
        %parallel_loop3A_981 = arith.constant 16 : i32
        %parallel_loop3A_982 = arith.muli %parallel_loop3A_980, %parallel_loop3A_981 : i32
        %parallel_loop3A_983 = arith.addi %mul3A_498, %parallel_loop3A_982 : i32
        %parallel_loop3A_984 = arith.index_cast %parallel_loop3A_983 : i32 to index
        %parallel_loop3A_985 = tpu.vector_load %arg5[%parallel_loop3A_984] {strides = array<i32>} : memref<25600xi32, #tpu.memory_space<vmem>>, vector<16xi32>,
        %parallel_loop3A_986 = arith.constant 16 : i32
        %parallel_loop3A_987 = arith.muli %parallel_loop3A_980, %parallel_loop3A_986 : i32
        %parallel_loop3A_988 = arith.constant 0 : i32
        %parallel_loop3A_989 = arith.index_cast %parallel_loop3A_988 : i32 to index
        %parallel_loop3A_990 = arith.index_cast %parallel_loop3A_987 : i32 to index
        %parallel_loop3A_991 = tpu.vector_load %arg6[%parallel_loop3A_989, %parallel_loop3A_990] {strides = array<i32>} : memref<2x128xi32, #tpu.memory_space<vmem>>, vector<16xi32>,
        tpu.vector_store %arg6[%parallel_loop3A_989, %parallel_loop3A_990], %parallel_loop3A_985 {strides = array<i32>} : memref<2x128xi32, #tpu.memory_space<vmem>>, vector<16xi32>,
      } {sc.loop_unroll_factor = 2 : i64, sc.parallel_access}
      %dma_start3A_502 = arith.constant 0 : i32
      %dma_start3A_503 = arith.constant 0 : i32
      %dma_start3A_504 = arith.constant 0 : i32
      %dma_start3A_505 = arith.constant 0 : i32
      %dma_start3A_506 = tpu.memref_slice %arg7[%dma_start3A_503, %dma_start3A_504, %dma_start3A_505] : memref<2x128x64xf32, #tpu.memory_space<vmem>> -> memref<1x128x64xf32, #tpu.memory_space<vmem>>
      %dma_start3A_507 = tpu.memref_squeeze %dma_start3A_506 : memref<1x128x64xf32, #tpu.memory_space<vmem>> -> memref<128x64xf32, #tpu.memory_space<vmem>>
      %dma_start3A_508 = arith.constant 0 : i32
      %dma_start3A_509 = tpu.memref_slice %arg6[%dma_start3A_502, %dma_start3A_508] : memref<2x128xi32, #tpu.memory_space<vmem>> -> memref<1x128xi32, #tpu.memory_space<vmem>>
      %dma_start3A_510 = tpu.memref_squeeze %dma_start3A_509 : memref<1x128xi32, #tpu.memory_space<vmem>> -> memref<128xi32, #tpu.memory_space<vmem>>
      %dma_start3A_511 = arith.constant 0 : i32
      %dma_start3A_512 = arith.constant 0 : i32
      %dma_start3A_513 = tpu.memref_slice %arg3[%dma_start3A_511, %dma_start3A_512] : memref<2000000x64xf32, #tpu.memory_space<hbm>> -> memref<2000000x64xf32, #tpu.memory_space<hbm>>
      tpu.enqueue_indirect_dma source(%dma_start3A_513 : memref<2000000x64xf32, #tpu.memory_space<hbm>>) target(%dma_start3A_507 : memref<128x64xf32, #tpu.memory_space<vmem>>) offsets(%dma_start3A_510 : memref<128xi32, #tpu.memory_space<vmem>>) semaphore(%arg9 : memref<!tpu.dma_semaphore, #tpu.memory_space<semaphore_mem>>)
      %dma_wait3A_514 = arith.constant 1 : i32
      %dma_wait3A_515 = arith.constant 1 : i32
      %dma_wait3A_516 = arith.constant 0 : i32
      %dma_wait3A_517 = arith.constant 0 : i32
      %dma_wait3A_518 = tpu.memref_slice %arg7[%dma_wait3A_515, %dma_wait3A_516, %dma_wait3A_517] : memref<2x128x64xf32, #tpu.memory_space<vmem>> -> memref<1x128x64xf32, #tpu.memory_space<vmem>>
      %dma_wait3A_519 = tpu.memref_squeeze %dma_wait3A_518 : memref<1x128x64xf32, #tpu.memory_space<vmem>> -> memref<128x64xf32, #tpu.memory_space<vmem>>
      %dma_wait3A_520 = arith.constant 0 : i32
      %dma_wait3A_521 = tpu.memref_slice %arg6[%dma_wait3A_514, %dma_wait3A_520] : memref<2x128xi32, #tpu.memory_space<vmem>> -> memref<1x128xi32, #tpu.memory_space<vmem>>
      %dma_wait3A_522 = tpu.memref_squeeze %dma_wait3A_521 : memref<1x128xi32, #tpu.memory_space<vmem>> -> memref<128xi32, #tpu.memory_space<vmem>>
      %dma_wait3A_523 = arith.constant 0 : i32
      %dma_wait3A_524 = arith.constant 0 : i32
      %dma_wait3A_525 = tpu.memref_slice %arg3[%dma_wait3A_523, %dma_wait3A_524] : memref<2000000x64xf32, #tpu.memory_space<hbm>> -> memref<2000000x64xf32, #tpu.memory_space<hbm>>
      tpu.wait_indirect_dma semaphore(%arg10 : memref<!tpu.dma_semaphore, #tpu.memory_space<semaphore_mem>>) src(%dma_wait3A_525 : memref<2000000x64xf32, #tpu.memory_space<hbm>>) dst(%dma_wait3A_519 : memref<128x64xf32, #tpu.memory_space<vmem>>)
      %add3A_526 = arith.constant 0 : i32
      %add3A_527 = arith.addi %mul3A_471, %add3A_526 : i32
      %sub3A_528 = arith.constant 1 : i32
      %sub3A_529 = arith.subi %add3A_527, %sub3A_528 : i32
      %parallel_loop3A_530 = arith.constant 0 : i32
      %parallel_loop3A_531 = arith.constant 128 : i32
      %parallel_loop3A_532 = arith.constant 1 : i32
      scf.for %parallel_loop3A_980 = %parallel_loop3A_530 to %parallel_loop3A_531 step %parallel_loop3A_532  : i32 {
        %parallel_loop3A_981 = arith.constant 1 : i32
        %parallel_loop3A_982 = arith.index_cast %parallel_loop3A_981 : i32 to index
        %parallel_loop3A_983 = arith.index_cast %parallel_loop3A_980 : i32 to index
        %parallel_loop3A_984 = arith.constant 0 : index
        %parallel_loop3A_985 = tpu.vector_load %arg7[%parallel_loop3A_982, %parallel_loop3A_983, %parallel_loop3A_984] {strides = array<i32>} : memref<2x128x64xf32, #tpu.memory_space<vmem>>, vector<16xf32>,
        %parallel_loop3A_986 = arith.constant 0 : i32
        %parallel_loop3A_987 = vector.broadcast %parallel_loop3A_986 : i32 to vector<16xi32>
        %parallel_loop3A_988 = arith.addi %shift_right_arithmetic3A_9, %parallel_loop3A_987 : vector<16xi32>
        %parallel_loop3A_989 = vector.broadcast %parallel_loop3A_980 : i32 to vector<16xi32>
        %parallel_loop3A_990 = arith.addi %mul3A_7, %parallel_loop3A_989 : vector<16xi32>
        %parallel_loop3A_991 = arith.constant 3 : i32
        %parallel_loop3A_992 = arith.constant 0 : i32
        %parallel_loop3A_993 = arith.constant 0 : i32
        %parallel_loop3A_994 = arith.constant 0 : i32
        %parallel_loop3A_995 = arith.constant 0 : i32
        %parallel_loop3A_996 = tpu.memref_slice %arg8[%parallel_loop3A_991, %parallel_loop3A_992, %parallel_loop3A_993, %parallel_loop3A_994, %parallel_loop3A_995] : memref<4x8x1x8x129xf32, #tpu.memory_space<vmem>> -> memref<1x8x1x8x129xf32, #tpu.memory_space<vmem>>
        %parallel_loop3A_997 = tpu.memref_squeeze %parallel_loop3A_996 : memref<1x8x1x8x129xf32, #tpu.memory_space<vmem>> -> memref<8x1x8x129xf32, #tpu.memory_space<vmem>>
        tpu.vector_store_idx %parallel_loop3A_997[%parallel_loop3A_988, %mul3A_7, %and3A_11, %parallel_loop3A_990], %parallel_loop3A_985 : memref<8x1x8x129xf32, #tpu.memory_space<vmem>>[vector<16xi32>, vector<16xi32>, vector<16xi32>, vector<16xi32>], vector<16xf32>,
        %parallel_loop3A_998 = arith.constant 1 : i32
        %parallel_loop3A_999 = arith.index_cast %parallel_loop3A_998 : i32 to index
        %parallel_loop3A_1000 = arith.index_cast %parallel_loop3A_980 : i32 to index
        %parallel_loop3A_1001 = arith.constant 16 : index
        %parallel_loop3A_1002 = tpu.vector_load %arg7[%parallel_loop3A_999, %parallel_loop3A_1000, %parallel_loop3A_1001] {strides = array<i32>} : memref<2x128x64xf32, #tpu.memory_space<vmem>>, vector<16xf32>,
        %parallel_loop3A_1003 = arith.constant 2 : i32
        %parallel_loop3A_1004 = vector.broadcast %parallel_loop3A_1003 : i32 to vector<16xi32>
        %parallel_loop3A_1005 = arith.addi %shift_right_arithmetic3A_9, %parallel_loop3A_1004 : vector<16xi32>
        %parallel_loop3A_1006 = vector.broadcast %parallel_loop3A_980 : i32 to vector<16xi32>
        %parallel_loop3A_1007 = arith.addi %mul3A_7, %parallel_loop3A_1006 : vector<16xi32>
        %parallel_loop3A_1008 = arith.constant 3 : i32
        %parallel_loop3A_1009 = arith.constant 0 : i32
        %parallel_loop3A_1010 = arith.constant 0 : i32
        %parallel_loop3A_1011 = arith.constant 0 : i32
        %parallel_loop3A_1012 = arith.constant 0 : i32
        %parallel_loop3A_1013 = tpu.memref_slice %arg8[%parallel_loop3A_1008, %parallel_loop3A_1009, %parallel_loop3A_1010, %parallel_loop3A_1011, %parallel_loop3A_1012] : memref<4x8x1x8x129xf32, #tpu.memory_space<vmem>> -> memref<1x8x1x8x129xf32, #tpu.memory_space<vmem>>
        %parallel_loop3A_1014 = tpu.memref_squeeze %parallel_loop3A_1013 : memref<1x8x1x8x129xf32, #tpu.memory_space<vmem>> -> memref<8x1x8x129xf32, #tpu.memory_space<vmem>>
        tpu.vector_store_idx %parallel_loop3A_1014[%parallel_loop3A_1005, %mul3A_7, %and3A_11, %parallel_loop3A_1007], %parallel_loop3A_1002 : memref<8x1x8x129xf32, #tpu.memory_space<vmem>>[vector<16xi32>, vector<16xi32>, vector<16xi32>, vector<16xi32>], vector<16xf32>,
        %parallel_loop3A_1015 = arith.constant 1 : i32
        %parallel_loop3A_1016 = arith.index_cast %parallel_loop3A_1015 : i32 to index
        %parallel_loop3A_1017 = arith.index_cast %parallel_loop3A_980 : i32 to index
        %parallel_loop3A_1018 = arith.constant 32 : index
        %parallel_loop3A_1019 = tpu.vector_load %arg7[%parallel_loop3A_1016, %parallel_loop3A_1017, %parallel_loop3A_1018] {strides = array<i32>} : memref<2x128x64xf32, #tpu.memory_space<vmem>>, vector<16xf32>,
        %parallel_loop3A_1020 = arith.constant 4 : i32
        %parallel_loop3A_1021 = vector.broadcast %parallel_loop3A_1020 : i32 to vector<16xi32>
        %parallel_loop3A_1022 = arith.addi %shift_right_arithmetic3A_9, %parallel_loop3A_1021 : vector<16xi32>
        %parallel_loop3A_1023 = vector.broadcast %parallel_loop3A_980 : i32 to vector<16xi32>
        %parallel_loop3A_1024 = arith.addi %mul3A_7, %parallel_loop3A_1023 : vector<16xi32>
        %parallel_loop3A_1025 = arith.constant 3 : i32
        %parallel_loop3A_1026 = arith.constant 0 : i32
        %parallel_loop3A_1027 = arith.constant 0 : i32
        %parallel_loop3A_1028 = arith.constant 0 : i32
        %parallel_loop3A_1029 = arith.constant 0 : i32
        %parallel_loop3A_1030 = tpu.memref_slice %arg8[%parallel_loop3A_1025, %parallel_loop3A_1026, %parallel_loop3A_1027, %parallel_loop3A_1028, %parallel_loop3A_1029] : memref<4x8x1x8x129xf32, #tpu.memory_space<vmem>> -> memref<1x8x1x8x129xf32, #tpu.memory_space<vmem>>
        %parallel_loop3A_1031 = tpu.memref_squeeze %parallel_loop3A_1030 : memref<1x8x1x8x129xf32, #tpu.memory_space<vmem>> -> memref<8x1x8x129xf32, #tpu.memory_space<vmem>>
        tpu.vector_store_idx %parallel_loop3A_1031[%parallel_loop3A_1022, %mul3A_7, %and3A_11, %parallel_loop3A_1024], %parallel_loop3A_1019 : memref<8x1x8x129xf32, #tpu.memory_space<vmem>>[vector<16xi32>, vector<16xi32>, vector<16xi32>, vector<16xi32>], vector<16xf32>,
        %parallel_loop3A_1032 = arith.constant 1 : i32
        %parallel_loop3A_1033 = arith.index_cast %parallel_loop3A_1032 : i32 to index
        %parallel_loop3A_1034 = arith.index_cast %parallel_loop3A_980 : i32 to index
        %parallel_loop3A_1035 = arith.constant 48 : index
        %parallel_loop3A_1036 = tpu.vector_load %arg7[%parallel_loop3A_1033, %parallel_loop3A_1034, %parallel_loop3A_1035] {strides = array<i32>} : memref<2x128x64xf32, #tpu.memory_space<vmem>>, vector<16xf32>,
        %parallel_loop3A_1037 = arith.constant 6 : i32
        %parallel_loop3A_1038 = vector.broadcast %parallel_loop3A_1037 : i32 to vector<16xi32>
        %parallel_loop3A_1039 = arith.addi %shift_right_arithmetic3A_9, %parallel_loop3A_1038 : vector<16xi32>
        %parallel_loop3A_1040 = vector.broadcast %parallel_loop3A_980 : i32 to vector<16xi32>
        %parallel_loop3A_1041 = arith.addi %mul3A_7, %parallel_loop3A_1040 : vector<16xi32>
        %parallel_loop3A_1042 = arith.constant 3 : i32
        %parallel_loop3A_1043 = arith.constant 0 : i32
        %parallel_loop3A_1044 = arith.constant 0 : i32
        %parallel_loop3A_1045 = arith.constant 0 : i32
        %parallel_loop3A_1046 = arith.constant 0 : i32
        %parallel_loop3A_1047 = tpu.memref_slice %arg8[%parallel_loop3A_1042, %parallel_loop3A_1043, %parallel_loop3A_1044, %parallel_loop3A_1045, %parallel_loop3A_1046] : memref<4x8x1x8x129xf32, #tpu.memory_space<vmem>> -> memref<1x8x1x8x129xf32, #tpu.memory_space<vmem>>
        %parallel_loop3A_1048 = tpu.memref_squeeze %parallel_loop3A_1047 : memref<1x8x1x8x129xf32, #tpu.memory_space<vmem>> -> memref<8x1x8x129xf32, #tpu.memory_space<vmem>>
        tpu.vector_store_idx %parallel_loop3A_1048[%parallel_loop3A_1039, %mul3A_7, %and3A_11, %parallel_loop3A_1041], %parallel_loop3A_1036 : memref<8x1x8x129xf32, #tpu.memory_space<vmem>>[vector<16xi32>, vector<16xi32>, vector<16xi32>, vector<16xi32>], vector<16xf32>,
      } {sc.loop_unroll_factor = 4 : i64, sc.parallel_access}
      %add3A_533 = arith.constant 0 : i32
      %add3A_534 = arith.addi %mul3A_471, %add3A_533 : i32
      %sub3A_535 = arith.constant 1 : i32
      %sub3A_536 = arith.subi %add3A_534, %sub3A_535 : i32
      %add3A_537 = arith.addi %mul3A_4, %sub3A_536 : i32
      %jit3A_538 = arith.constant 32 : i32
      %div3A_539 = arith.divsi %add3A_537, %jit3A_538 : i32
      %sign3A_540 = arith.constant 0 : i32
      %sign3A_541 = arith.cmpi sgt, %add3A_537, %sign3A_540 : i32
      %sign3A_542 = arith.extui %sign3A_541 : i1 to i32
      %sign3A_543 = arith.constant 0 : i32
      %sign3A_544 = arith.cmpi slt, %add3A_537, %sign3A_543 : i32
      %sign3A_545 = arith.extui %sign3A_544 : i1 to i32
      %sign3A_546 = arith.subi %sign3A_542, %sign3A_545 : i32
      %sign3A_547 = arith.constant 0 : i32
      %sign3A_548 = arith.cmpi sgt, %jit3A_538, %sign3A_547 : i32
      %sign3A_549 = arith.extui %sign3A_548 : i1 to i32
      %sign3A_550 = arith.constant 0 : i32
      %sign3A_551 = arith.cmpi slt, %jit3A_538, %sign3A_550 : i32
      %sign3A_552 = arith.extui %sign3A_551 : i1 to i32
      %sign3A_553 = arith.subi %sign3A_549, %sign3A_552 : i32
      %ne3A_554 = arith.cmpi ne, %sign3A_546, %sign3A_553 : i32
      %rem3A_555 = arith.remsi %add3A_537, %jit3A_538 : i32
      %ne3A_556 = arith.constant 0 : i32
      %ne3A_557 = arith.cmpi ne, %rem3A_555, %ne3A_556 : i32
      %and3A_558 = arith.andi %ne3A_554, %ne3A_557 : i1
      %sub3A_559 = arith.constant 1 : i32
      %sub3A_560 = arith.subi %div3A_539, %sub3A_559 : i32
      %select_n3A_561 = arith.select %and3A_558, %sub3A_560, %div3A_539 : i32
      %mul3A_562 = arith.constant 8 : i32
      %mul3A_563 = arith.muli %select_n3A_561, %mul3A_562 : i32
      %jit3A_564 = arith.constant 32 : i32
      %eq3A_565 = arith.constant 0 : i32
      %eq3A_566 = arith.cmpi eq, %jit3A_564, %eq3A_565 : i32
      %jit3A_567 = arith.constant 1 : i32
      %select_n3A_568 = arith.select %eq3A_566, %jit3A_567, %jit3A_564 : i32
      %rem3A_569 = arith.remsi %add3A_537, %select_n3A_568 : i32
      %ne3A_570 = arith.constant 0 : i32
      %ne3A_571 = arith.cmpi ne, %rem3A_569, %ne3A_570 : i32
      %lt3A_572 = arith.constant 0 : i32
      %lt3A_573 = arith.cmpi slt, %rem3A_569, %lt3A_572 : i32
      %lt3A_574 = arith.constant 0 : i32
      %lt3A_575 = arith.cmpi slt, %select_n3A_568, %lt3A_574 : i32
      %ne3A_576 = arith.xori %lt3A_573, %lt3A_575 : i1
      %and3A_577 = arith.andi %ne3A_576, %ne3A_571 : i1
      %add3A_578 = arith.addi %rem3A_569, %select_n3A_568 : i32
      %select_n3A_579 = arith.select %and3A_577, %add3A_578, %rem3A_569 : i32
      %dma_start3A_580 = arith.constant 3 : i32
      %dma_start3A_581 = arith.constant 0 : i32
      %dma_start3A_582 = arith.constant 0 : i32
      %dma_start3A_583 = arith.constant 0 : i32
      %dma_start3A_584 = arith.constant 0 : i32
      %dma_start3A_585 = tpu.memref_slice %arg8[%dma_start3A_580, %dma_start3A_581, %dma_start3A_582, %dma_start3A_583, %dma_start3A_584] : memref<4x8x1x8x129xf32, #tpu.memory_space<vmem>> -> memref<1x8x1x8x128xf32, #tpu.memory_space<vmem>>
      %dma_start3A_586 = tpu.memref_squeeze %dma_start3A_585 : memref<1x8x1x8x128xf32, #tpu.memory_space<vmem>> -> memref<8x1x8x128xf32, #tpu.memory_space<vmem>>
      %dma_start3A_587 = arith.constant 0 : i32
      %dma_start3A_588 = arith.constant 0 : i32
      %dma_start3A_589 = tpu.memref_slice %arg4[%mul3A_563, %select_n3A_579, %dma_start3A_587, %dma_start3A_588] : memref<1600x32x8x128xf32, #tpu.memory_space<hbm>> -> memref<8x1x8x128xf32, #tpu.memory_space<hbm>>
      %dma_start3A_590 = arith.constant 0 : i32
      %dma_start3A_591 = arith.constant 0 : i32
      %dma_start3A_592 = tpu.memref_slice %arg4[%mul3A_563, %select_n3A_579, %dma_start3A_590, %dma_start3A_591] : memref<1600x32x8x128xf32, #tpu.memory_space<hbm>> -> memref<8x1x8x128xf32, #tpu.memory_space<hbm>>
      %dma_start3A_593 = arith.constant 0 : i32
      %dma_start3A_594 = arith.constant 0 : i32
      %dma_start3A_595 = arith.constant 0 : i32
      %dma_start3A_596 = arith.constant 0 : i32
      %dma_start3A_597 = tpu.memref_slice %arg8[%dma_start3A_580, %dma_start3A_593, %dma_start3A_594, %dma_start3A_595, %dma_start3A_596] : memref<4x8x1x8x129xf32, #tpu.memory_space<vmem>> -> memref<1x8x1x8x128xf32, #tpu.memory_space<vmem>>
      %dma_start3A_598 = tpu.memref_squeeze %dma_start3A_597 : memref<1x8x1x8x128xf32, #tpu.memory_space<vmem>> -> memref<8x1x8x128xf32, #tpu.memory_space<vmem>>
      tpu.enqueue_dma source(%dma_start3A_598 : memref<8x1x8x128xf32, #tpu.memory_space<vmem>>) target(%dma_start3A_592 : memref<8x1x8x128xf32, #tpu.memory_space<hbm>>) target_semaphore(%arg14 : memref<!tpu.dma_semaphore, #tpu.memory_space<semaphore_mem>>)
      %dma_wait3A_599 = arith.constant 1 : i32
      %dma_wait3A_600 = arith.constant 0 : i32
      %dma_wait3A_601 = arith.constant 0 : i32
      %dma_wait3A_602 = arith.constant 0 : i32
      %dma_wait3A_603 = arith.constant 0 : i32
      %dma_wait3A_604 = tpu.memref_slice %arg8[%dma_wait3A_599, %dma_wait3A_600, %dma_wait3A_601, %dma_wait3A_602, %dma_wait3A_603] : memref<4x8x1x8x129xf32, #tpu.memory_space<vmem>> -> memref<1x8x1x8x128xf32, #tpu.memory_space<vmem>>
      %dma_wait3A_605 = tpu.memref_squeeze %dma_wait3A_604 : memref<1x8x1x8x128xf32, #tpu.memory_space<vmem>> -> memref<8x1x8x128xf32, #tpu.memory_space<vmem>>
      %dma_wait3A_606 = arith.constant 0 : i32
      %dma_wait3A_607 = arith.constant 0 : i32
      %dma_wait3A_608 = arith.constant 0 : i32
      %dma_wait3A_609 = arith.constant 0 : i32
      %dma_wait3A_610 = tpu.memref_slice %arg4[%dma_wait3A_606, %dma_wait3A_607, %dma_wait3A_608, %dma_wait3A_609] : memref<1600x32x8x128xf32, #tpu.memory_space<hbm>> -> memref<8x1x8x128xf32, #tpu.memory_space<hbm>>
      %dma_wait3A_611 = arith.constant 0 : i32
      %dma_wait3A_612 = arith.constant 0 : i32
      %dma_wait3A_613 = arith.constant 0 : i32
      %dma_wait3A_614 = arith.constant 0 : i32
      %dma_wait3A_615 = tpu.memref_slice %arg4[%dma_wait3A_611, %dma_wait3A_612, %dma_wait3A_613, %dma_wait3A_614] : memref<1600x32x8x128xf32, #tpu.memory_space<hbm>> -> memref<8x1x8x128xf32, #tpu.memory_space<hbm>>
      %dma_wait3A_616 = arith.constant 0 : i32
      %dma_wait3A_617 = arith.constant 0 : i32
      %dma_wait3A_618 = arith.constant 0 : i32
      %dma_wait3A_619 = arith.constant 0 : i32
      %dma_wait3A_620 = tpu.memref_slice %arg8[%dma_wait3A_599, %dma_wait3A_616, %dma_wait3A_617, %dma_wait3A_618, %dma_wait3A_619] : memref<4x8x1x8x129xf32, #tpu.memory_space<vmem>> -> memref<1x8x1x8x128xf32, #tpu.memory_space<vmem>>
      %dma_wait3A_621 = tpu.memref_squeeze %dma_wait3A_620 : memref<1x8x1x8x128xf32, #tpu.memory_space<vmem>> -> memref<8x1x8x128xf32, #tpu.memory_space<vmem>>
      tpu.wait_dma2 semaphore(%arg12 : memref<!tpu.dma_semaphore, #tpu.memory_space<semaphore_mem>>) src(%dma_wait3A_621 : memref<8x1x8x128xf32, #tpu.memory_space<vmem>>) dst(%dma_wait3A_615 : memref<8x1x8x128xf32, #tpu.memory_space<hbm>>)
      %add3A_622 = arith.constant 1 : i32
      %add3A_623 = arith.addi %mul3A_471, %add3A_622 : i32
      %mul3A_624 = arith.constant 128 : i32
      %mul3A_625 = arith.muli %add3A_623, %mul3A_624 : i32
      %parallel_loop3A_626 = arith.constant 0 : i32
      %parallel_loop3A_627 = arith.constant 8 : i32
      %parallel_loop3A_628 = arith.constant 1 : i32
      scf.for %parallel_loop3A_980 = %parallel_loop3A_626 to %parallel_loop3A_627 step %parallel_loop3A_628  : i32 {
        %parallel_loop3A_981 = arith.constant 16 : i32
        %parallel_loop3A_982 = arith.muli %parallel_loop3A_980, %parallel_loop3A_981 : i32
        %parallel_loop3A_983 = arith.addi %mul3A_625, %parallel_loop3A_982 : i32
        %parallel_loop3A_984 = arith.index_cast %parallel_loop3A_983 : i32 to index
        %parallel_loop3A_985 = tpu.vector_load %arg5[%parallel_loop3A_984] {strides = array<i32>} : memref<25600xi32, #tpu.memory_space<vmem>>, vector<16xi32>,
        %parallel_loop3A_986 = arith.constant 16 : i32
        %parallel_loop3A_987 = arith.muli %parallel_loop3A_980, %parallel_loop3A_986 : i32
        %parallel_loop3A_988 = arith.constant 1 : i32
        %parallel_loop3A_989 = arith.index_cast %parallel_loop3A_988 : i32 to index
        %parallel_loop3A_990 = arith.index_cast %parallel_loop3A_987 : i32 to index
        %parallel_loop3A_991 = tpu.vector_load %arg6[%parallel_loop3A_989, %parallel_loop3A_990] {strides = array<i32>} : memref<2x128xi32, #tpu.memory_space<vmem>>, vector<16xi32>,
        tpu.vector_store %arg6[%parallel_loop3A_989, %parallel_loop3A_990], %parallel_loop3A_985 {strides = array<i32>} : memref<2x128xi32, #tpu.memory_space<vmem>>, vector<16xi32>,
      } {sc.loop_unroll_factor = 2 : i64, sc.parallel_access}
      %dma_start3A_629 = arith.constant 1 : i32
      %dma_start3A_630 = arith.constant 1 : i32
      %dma_start3A_631 = arith.constant 0 : i32
      %dma_start3A_632 = arith.constant 0 : i32
      %dma_start3A_633 = tpu.memref_slice %arg7[%dma_start3A_630, %dma_start3A_631, %dma_start3A_632] : memref<2x128x64xf32, #tpu.memory_space<vmem>> -> memref<1x128x64xf32, #tpu.memory_space<vmem>>
      %dma_start3A_634 = tpu.memref_squeeze %dma_start3A_633 : memref<1x128x64xf32, #tpu.memory_space<vmem>> -> memref<128x64xf32, #tpu.memory_space<vmem>>
      %dma_start3A_635 = arith.constant 0 : i32
      %dma_start3A_636 = tpu.memref_slice %arg6[%dma_start3A_629, %dma_start3A_635] : memref<2x128xi32, #tpu.memory_space<vmem>> -> memref<1x128xi32, #tpu.memory_space<vmem>>
      %dma_start3A_637 = tpu.memref_squeeze %dma_start3A_636 : memref<1x128xi32, #tpu.memory_space<vmem>> -> memref<128xi32, #tpu.memory_space<vmem>>
      %dma_start3A_638 = arith.constant 0 : i32
      %dma_start3A_639 = arith.constant 0 : i32
      %dma_start3A_640 = tpu.memref_slice %arg3[%dma_start3A_638, %dma_start3A_639] : memref<2000000x64xf32, #tpu.memory_space<hbm>> -> memref<2000000x64xf32, #tpu.memory_space<hbm>>
      tpu.enqueue_indirect_dma source(%dma_start3A_640 : memref<2000000x64xf32, #tpu.memory_space<hbm>>) target(%dma_start3A_634 : memref<128x64xf32, #tpu.memory_space<vmem>>) offsets(%dma_start3A_637 : memref<128xi32, #tpu.memory_space<vmem>>) semaphore(%arg10 : memref<!tpu.dma_semaphore, #tpu.memory_space<semaphore_mem>>)
      %dma_wait3A_641 = arith.constant 0 : i32
      %dma_wait3A_642 = arith.constant 0 : i32
      %dma_wait3A_643 = arith.constant 0 : i32
      %dma_wait3A_644 = arith.constant 0 : i32
      %dma_wait3A_645 = tpu.memref_slice %arg7[%dma_wait3A_642, %dma_wait3A_643, %dma_wait3A_644] : memref<2x128x64xf32, #tpu.memory_space<vmem>> -> memref<1x128x64xf32, #tpu.memory_space<vmem>>
      %dma_wait3A_646 = tpu.memref_squeeze %dma_wait3A_645 : memref<1x128x64xf32, #tpu.memory_space<vmem>> -> memref<128x64xf32, #tpu.memory_space<vmem>>
      %dma_wait3A_647 = arith.constant 0 : i32
      %dma_wait3A_648 = tpu.memref_slice %arg6[%dma_wait3A_641, %dma_wait3A_647] : memref<2x128xi32, #tpu.memory_space<vmem>> -> memref<1x128xi32, #tpu.memory_space<vmem>>
      %dma_wait3A_649 = tpu.memref_squeeze %dma_wait3A_648 : memref<1x128xi32, #tpu.memory_space<vmem>> -> memref<128xi32, #tpu.memory_space<vmem>>
      %dma_wait3A_650 = arith.constant 0 : i32
      %dma_wait3A_651 = arith.constant 0 : i32
      %dma_wait3A_652 = tpu.memref_slice %arg3[%dma_wait3A_650, %dma_wait3A_651] : memref<2000000x64xf32, #tpu.memory_space<hbm>> -> memref<2000000x64xf32, #tpu.memory_space<hbm>>
      tpu.wait_indirect_dma semaphore(%arg9 : memref<!tpu.dma_semaphore, #tpu.memory_space<semaphore_mem>>) src(%dma_wait3A_652 : memref<2000000x64xf32, #tpu.memory_space<hbm>>) dst(%dma_wait3A_646 : memref<128x64xf32, #tpu.memory_space<vmem>>)
      %add3A_653 = arith.constant 1 : i32
      %add3A_654 = arith.addi %mul3A_471, %add3A_653 : i32
      %sub3A_655 = arith.constant 1 : i32
      %sub3A_656 = arith.subi %add3A_654, %sub3A_655 : i32
      %parallel_loop3A_657 = arith.constant 0 : i32
      %parallel_loop3A_658 = arith.constant 128 : i32
      %parallel_loop3A_659 = arith.constant 1 : i32
      scf.for %parallel_loop3A_980 = %parallel_loop3A_657 to %parallel_loop3A_658 step %parallel_loop3A_659  : i32 {
        %parallel_loop3A_981 = arith.constant 0 : i32
        %parallel_loop3A_982 = arith.index_cast %parallel_loop3A_981 : i32 to index
        %parallel_loop3A_983 = arith.index_cast %parallel_loop3A_980 : i32 to index
        %parallel_loop3A_984 = arith.constant 0 : index
        %parallel_loop3A_985 = tpu.vector_load %arg7[%parallel_loop3A_982, %parallel_loop3A_983, %parallel_loop3A_984] {strides = array<i32>} : memref<2x128x64xf32, #tpu.memory_space<vmem>>, vector<16xf32>,
        %parallel_loop3A_986 = arith.constant 0 : i32
        %parallel_loop3A_987 = vector.broadcast %parallel_loop3A_986 : i32 to vector<16xi32>
        %parallel_loop3A_988 = arith.addi %shift_right_arithmetic3A_9, %parallel_loop3A_987 : vector<16xi32>
        %parallel_loop3A_989 = vector.broadcast %parallel_loop3A_980 : i32 to vector<16xi32>
        %parallel_loop3A_990 = arith.addi %mul3A_7, %parallel_loop3A_989 : vector<16xi32>
        %parallel_loop3A_991 = arith.constant 0 : i32
        %parallel_loop3A_992 = arith.constant 0 : i32
        %parallel_loop3A_993 = arith.constant 0 : i32
        %parallel_loop3A_994 = arith.constant 0 : i32
        %parallel_loop3A_995 = arith.constant 0 : i32
        %parallel_loop3A_996 = tpu.memref_slice %arg8[%parallel_loop3A_991, %parallel_loop3A_992, %parallel_loop3A_993, %parallel_loop3A_994, %parallel_loop3A_995] : memref<4x8x1x8x129xf32, #tpu.memory_space<vmem>> -> memref<1x8x1x8x129xf32, #tpu.memory_space<vmem>>
        %parallel_loop3A_997 = tpu.memref_squeeze %parallel_loop3A_996 : memref<1x8x1x8x129xf32, #tpu.memory_space<vmem>> -> memref<8x1x8x129xf32, #tpu.memory_space<vmem>>
        tpu.vector_store_idx %parallel_loop3A_997[%parallel_loop3A_988, %mul3A_7, %and3A_11, %parallel_loop3A_990], %parallel_loop3A_985 : memref<8x1x8x129xf32, #tpu.memory_space<vmem>>[vector<16xi32>, vector<16xi32>, vector<16xi32>, vector<16xi32>], vector<16xf32>,
        %parallel_loop3A_998 = arith.constant 0 : i32
        %parallel_loop3A_999 = arith.index_cast %parallel_loop3A_998 : i32 to index
        %parallel_loop3A_1000 = arith.index_cast %parallel_loop3A_980 : i32 to index
        %parallel_loop3A_1001 = arith.constant 16 : index
        %parallel_loop3A_1002 = tpu.vector_load %arg7[%parallel_loop3A_999, %parallel_loop3A_1000, %parallel_loop3A_1001] {strides = array<i32>} : memref<2x128x64xf32, #tpu.memory_space<vmem>>, vector<16xf32>,
        %parallel_loop3A_1003 = arith.constant 2 : i32
        %parallel_loop3A_1004 = vector.broadcast %parallel_loop3A_1003 : i32 to vector<16xi32>
        %parallel_loop3A_1005 = arith.addi %shift_right_arithmetic3A_9, %parallel_loop3A_1004 : vector<16xi32>
        %parallel_loop3A_1006 = vector.broadcast %parallel_loop3A_980 : i32 to vector<16xi32>
        %parallel_loop3A_1007 = arith.addi %mul3A_7, %parallel_loop3A_1006 : vector<16xi32>
        %parallel_loop3A_1008 = arith.constant 0 : i32
        %parallel_loop3A_1009 = arith.constant 0 : i32
        %parallel_loop3A_1010 = arith.constant 0 : i32
        %parallel_loop3A_1011 = arith.constant 0 : i32
        %parallel_loop3A_1012 = arith.constant 0 : i32
        %parallel_loop3A_1013 = tpu.memref_slice %arg8[%parallel_loop3A_1008, %parallel_loop3A_1009, %parallel_loop3A_1010, %parallel_loop3A_1011, %parallel_loop3A_1012] : memref<4x8x1x8x129xf32, #tpu.memory_space<vmem>> -> memref<1x8x1x8x129xf32, #tpu.memory_space<vmem>>
        %parallel_loop3A_1014 = tpu.memref_squeeze %parallel_loop3A_1013 : memref<1x8x1x8x129xf32, #tpu.memory_space<vmem>> -> memref<8x1x8x129xf32, #tpu.memory_space<vmem>>
        tpu.vector_store_idx %parallel_loop3A_1014[%parallel_loop3A_1005, %mul3A_7, %and3A_11, %parallel_loop3A_1007], %parallel_loop3A_1002 : memref<8x1x8x129xf32, #tpu.memory_space<vmem>>[vector<16xi32>, vector<16xi32>, vector<16xi32>, vector<16xi32>], vector<16xf32>,
        %parallel_loop3A_1015 = arith.constant 0 : i32
        %parallel_loop3A_1016 = arith.index_cast %parallel_loop3A_1015 : i32 to index
        %parallel_loop3A_1017 = arith.index_cast %parallel_loop3A_980 : i32 to index
        %parallel_loop3A_1018 = arith.constant 32 : index
        %parallel_loop3A_1019 = tpu.vector_load %arg7[%parallel_loop3A_1016, %parallel_loop3A_1017, %parallel_loop3A_1018] {strides = array<i32>} : memref<2x128x64xf32, #tpu.memory_space<vmem>>, vector<16xf32>,
        %parallel_loop3A_1020 = arith.constant 4 : i32
        %parallel_loop3A_1021 = vector.broadcast %parallel_loop3A_1020 : i32 to vector<16xi32>
        %parallel_loop3A_1022 = arith.addi %shift_right_arithmetic3A_9, %parallel_loop3A_1021 : vector<16xi32>
        %parallel_loop3A_1023 = vector.broadcast %parallel_loop3A_980 : i32 to vector<16xi32>
        %parallel_loop3A_1024 = arith.addi %mul3A_7, %parallel_loop3A_1023 : vector<16xi32>
        %parallel_loop3A_1025 = arith.constant 0 : i32
        %parallel_loop3A_1026 = arith.constant 0 : i32
        %parallel_loop3A_1027 = arith.constant 0 : i32
        %parallel_loop3A_1028 = arith.constant 0 : i32
        %parallel_loop3A_1029 = arith.constant 0 : i32
        %parallel_loop3A_1030 = tpu.memref_slice %arg8[%parallel_loop3A_1025, %parallel_loop3A_1026, %parallel_loop3A_1027, %parallel_loop3A_1028, %parallel_loop3A_1029] : memref<4x8x1x8x129xf32, #tpu.memory_space<vmem>> -> memref<1x8x1x8x129xf32, #tpu.memory_space<vmem>>
        %parallel_loop3A_1031 = tpu.memref_squeeze %parallel_loop3A_1030 : memref<1x8x1x8x129xf32, #tpu.memory_space<vmem>> -> memref<8x1x8x129xf32, #tpu.memory_space<vmem>>
        tpu.vector_store_idx %parallel_loop3A_1031[%parallel_loop3A_1022, %mul3A_7, %and3A_11, %parallel_loop3A_1024], %parallel_loop3A_1019 : memref<8x1x8x129xf32, #tpu.memory_space<vmem>>[vector<16xi32>, vector<16xi32>, vector<16xi32>, vector<16xi32>], vector<16xf32>,
        %parallel_loop3A_1032 = arith.constant 0 : i32
        %parallel_loop3A_1033 = arith.index_cast %parallel_loop3A_1032 : i32 to index
        %parallel_loop3A_1034 = arith.index_cast %parallel_loop3A_980 : i32 to index
        %parallel_loop3A_1035 = arith.constant 48 : index
        %parallel_loop3A_1036 = tpu.vector_load %arg7[%parallel_loop3A_1033, %parallel_loop3A_1034, %parallel_loop3A_1035] {strides = array<i32>} : memref<2x128x64xf32, #tpu.memory_space<vmem>>, vector<16xf32>,
        %parallel_loop3A_1037 = arith.constant 6 : i32
        %parallel_loop3A_1038 = vector.broadcast %parallel_loop3A_1037 : i32 to vector<16xi32>
        %parallel_loop3A_1039 = arith.addi %shift_right_arithmetic3A_9, %parallel_loop3A_1038 : vector<16xi32>
        %parallel_loop3A_1040 = vector.broadcast %parallel_loop3A_980 : i32 to vector<16xi32>
        %parallel_loop3A_1041 = arith.addi %mul3A_7, %parallel_loop3A_1040 : vector<16xi32>
        %parallel_loop3A_1042 = arith.constant 0 : i32
        %parallel_loop3A_1043 = arith.constant 0 : i32
        %parallel_loop3A_1044 = arith.constant 0 : i32
        %parallel_loop3A_1045 = arith.constant 0 : i32
        %parallel_loop3A_1046 = arith.constant 0 : i32
        %parallel_loop3A_1047 = tpu.memref_slice %arg8[%parallel_loop3A_1042, %parallel_loop3A_1043, %parallel_loop3A_1044, %parallel_loop3A_1045, %parallel_loop3A_1046] : memref<4x8x1x8x129xf32, #tpu.memory_space<vmem>> -> memref<1x8x1x8x129xf32, #tpu.memory_space<vmem>>
        %parallel_loop3A_1048 = tpu.memref_squeeze %parallel_loop3A_1047 : memref<1x8x1x8x129xf32, #tpu.memory_space<vmem>> -> memref<8x1x8x129xf32, #tpu.memory_space<vmem>>
        tpu.vector_store_idx %parallel_loop3A_1048[%parallel_loop3A_1039, %mul3A_7, %and3A_11, %parallel_loop3A_1041], %parallel_loop3A_1036 : memref<8x1x8x129xf32, #tpu.memory_space<vmem>>[vector<16xi32>, vector<16xi32>, vector<16xi32>, vector<16xi32>], vector<16xf32>,
      } {sc.loop_unroll_factor = 4 : i64, sc.parallel_access}
      %add3A_660 = arith.constant 1 : i32
      %add3A_661 = arith.addi %mul3A_471, %add3A_660 : i32
      %sub3A_662 = arith.constant 1 : i32
      %sub3A_663 = arith.subi %add3A_661, %sub3A_662 : i32
      %add3A_664 = arith.addi %mul3A_4, %sub3A_663 : i32
      %jit3A_665 = arith.constant 32 : i32
      %div3A_666 = arith.divsi %add3A_664, %jit3A_665 : i32
      %sign3A_667 = arith.constant 0 : i32
      %sign3A_668 = arith.cmpi sgt, %add3A_664, %sign3A_667 : i32
      %sign3A_669 = arith.extui %sign3A_668 : i1 to i32
      %sign3A_670 = arith.constant 0 : i32
      %sign3A_671 = arith.cmpi slt, %add3A_664, %sign3A_670 : i32
      %sign3A_672 = arith.extui %sign3A_671 : i1 to i32
      %sign3A_673 = arith.subi %sign3A_669, %sign3A_672 : i32
      %sign3A_674 = arith.constant 0 : i32
      %sign3A_675 = arith.cmpi sgt, %jit3A_665, %sign3A_674 : i32
      %sign3A_676 = arith.extui %sign3A_675 : i1 to i32
      %sign3A_677 = arith.constant 0 : i32
      %sign3A_678 = arith.cmpi slt, %jit3A_665, %sign3A_677 : i32
      %sign3A_679 = arith.extui %sign3A_678 : i1 to i32
      %sign3A_680 = arith.subi %sign3A_676, %sign3A_679 : i32
      %ne3A_681 = arith.cmpi ne, %sign3A_673, %sign3A_680 : i32
      %rem3A_682 = arith.remsi %add3A_664, %jit3A_665 : i32
      %ne3A_683 = arith.constant 0 : i32
      %ne3A_684 = arith.cmpi ne, %rem3A_682, %ne3A_683 : i32
      %and3A_685 = arith.andi %ne3A_681, %ne3A_684 : i1
      %sub3A_686 = arith.constant 1 : i32
      %sub3A_687 = arith.subi %div3A_666, %sub3A_686 : i32
      %select_n3A_688 = arith.select %and3A_685, %sub3A_687, %div3A_666 : i32
      %mul3A_689 = arith.constant 8 : i32
      %mul3A_690 = arith.muli %select_n3A_688, %mul3A_689 : i32
      %jit3A_691 = arith.constant 32 : i32
      %eq3A_692 = arith.constant 0 : i32
      %eq3A_693 = arith.cmpi eq, %jit3A_691, %eq3A_692 : i32
      %jit3A_694 = arith.constant 1 : i32
      %select_n3A_695 = arith.select %eq3A_693, %jit3A_694, %jit3A_691 : i32
      %rem3A_696 = arith.remsi %add3A_664, %select_n3A_695 : i32
      %ne3A_697 = arith.constant 0 : i32
      %ne3A_698 = arith.cmpi ne, %rem3A_696, %ne3A_697 : i32
      %lt3A_699 = arith.constant 0 : i32
      %lt3A_700 = arith.cmpi slt, %rem3A_696, %lt3A_699 : i32
      %lt3A_701 = arith.constant 0 : i32
      %lt3A_702 = arith.cmpi slt, %select_n3A_695, %lt3A_701 : i32
      %ne3A_703 = arith.xori %lt3A_700, %lt3A_702 : i1
      %and3A_704 = arith.andi %ne3A_703, %ne3A_698 : i1
      %add3A_705 = arith.addi %rem3A_696, %select_n3A_695 : i32
      %select_n3A_706 = arith.select %and3A_704, %add3A_705, %rem3A_696 : i32
      %dma_start3A_707 = arith.constant 0 : i32
      %dma_start3A_708 = arith.constant 0 : i32
      %dma_start3A_709 = arith.constant 0 : i32
      %dma_start3A_710 = arith.constant 0 : i32
      %dma_start3A_711 = arith.constant 0 : i32
      %dma_start3A_712 = tpu.memref_slice %arg8[%dma_start3A_707, %dma_start3A_708, %dma_start3A_709, %dma_start3A_710, %dma_start3A_711] : memref<4x8x1x8x129xf32, #tpu.memory_space<vmem>> -> memref<1x8x1x8x128xf32, #tpu.memory_space<vmem>>
      %dma_start3A_713 = tpu.memref_squeeze %dma_start3A_712 : memref<1x8x1x8x128xf32, #tpu.memory_space<vmem>> -> memref<8x1x8x128xf32, #tpu.memory_space<vmem>>
      %dma_start3A_714 = arith.constant 0 : i32
      %dma_start3A_715 = arith.constant 0 : i32
      %dma_start3A_716 = tpu.memref_slice %arg4[%mul3A_690, %select_n3A_706, %dma_start3A_714, %dma_start3A_715] : memref<1600x32x8x128xf32, #tpu.memory_space<hbm>> -> memref<8x1x8x128xf32, #tpu.memory_space<hbm>>
      %dma_start3A_717 = arith.constant 0 : i32
      %dma_start3A_718 = arith.constant 0 : i32
      %dma_start3A_719 = tpu.memref_slice %arg4[%mul3A_690, %select_n3A_706, %dma_start3A_717, %dma_start3A_718] : memref<1600x32x8x128xf32, #tpu.memory_space<hbm>> -> memref<8x1x8x128xf32, #tpu.memory_space<hbm>>
      %dma_start3A_720 = arith.constant 0 : i32
      %dma_start3A_721 = arith.constant 0 : i32
      %dma_start3A_722 = arith.constant 0 : i32
      %dma_start3A_723 = arith.constant 0 : i32
      %dma_start3A_724 = tpu.memref_slice %arg8[%dma_start3A_707, %dma_start3A_720, %dma_start3A_721, %dma_start3A_722, %dma_start3A_723] : memref<4x8x1x8x129xf32, #tpu.memory_space<vmem>> -> memref<1x8x1x8x128xf32, #tpu.memory_space<vmem>>
      %dma_start3A_725 = tpu.memref_squeeze %dma_start3A_724 : memref<1x8x1x8x128xf32, #tpu.memory_space<vmem>> -> memref<8x1x8x128xf32, #tpu.memory_space<vmem>>
      tpu.enqueue_dma source(%dma_start3A_725 : memref<8x1x8x128xf32, #tpu.memory_space<vmem>>) target(%dma_start3A_719 : memref<8x1x8x128xf32, #tpu.memory_space<hbm>>) target_semaphore(%arg11 : memref<!tpu.dma_semaphore, #tpu.memory_space<semaphore_mem>>)
      %dma_wait3A_726 = arith.constant 2 : i32
      %dma_wait3A_727 = arith.constant 0 : i32
      %dma_wait3A_728 = arith.constant 0 : i32
      %dma_wait3A_729 = arith.constant 0 : i32
      %dma_wait3A_730 = arith.constant 0 : i32
      %dma_wait3A_731 = tpu.memref_slice %arg8[%dma_wait3A_726, %dma_wait3A_727, %dma_wait3A_728, %dma_wait3A_729, %dma_wait3A_730] : memref<4x8x1x8x129xf32, #tpu.memory_space<vmem>> -> memref<1x8x1x8x128xf32, #tpu.memory_space<vmem>>
      %dma_wait3A_732 = tpu.memref_squeeze %dma_wait3A_731 : memref<1x8x1x8x128xf32, #tpu.memory_space<vmem>> -> memref<8x1x8x128xf32, #tpu.memory_space<vmem>>
      %dma_wait3A_733 = arith.constant 0 : i32
      %dma_wait3A_734 = arith.constant 0 : i32
      %dma_wait3A_735 = arith.constant 0 : i32
      %dma_wait3A_736 = arith.constant 0 : i32
      %dma_wait3A_737 = tpu.memref_slice %arg4[%dma_wait3A_733, %dma_wait3A_734, %dma_wait3A_735, %dma_wait3A_736] : memref<1600x32x8x128xf32, #tpu.memory_space<hbm>> -> memref<8x1x8x128xf32, #tpu.memory_space<hbm>>
      %dma_wait3A_738 = arith.constant 0 : i32
      %dma_wait3A_739 = arith.constant 0 : i32
      %dma_wait3A_740 = arith.constant 0 : i32
      %dma_wait3A_741 = arith.constant 0 : i32
      %dma_wait3A_742 = tpu.memref_slice %arg4[%dma_wait3A_738, %dma_wait3A_739, %dma_wait3A_740, %dma_wait3A_741] : memref<1600x32x8x128xf32, #tpu.memory_space<hbm>> -> memref<8x1x8x128xf32, #tpu.memory_space<hbm>>
      %dma_wait3A_743 = arith.constant 0 : i32
      %dma_wait3A_744 = arith.constant 0 : i32
      %dma_wait3A_745 = arith.constant 0 : i32
      %dma_wait3A_746 = arith.constant 0 : i32
      %dma_wait3A_747 = tpu.memref_slice %arg8[%dma_wait3A_726, %dma_wait3A_743, %dma_wait3A_744, %dma_wait3A_745, %dma_wait3A_746] : memref<4x8x1x8x129xf32, #tpu.memory_space<vmem>> -> memref<1x8x1x8x128xf32, #tpu.memory_space<vmem>>
      %dma_wait3A_748 = tpu.memref_squeeze %dma_wait3A_747 : memref<1x8x1x8x128xf32, #tpu.memory_space<vmem>> -> memref<8x1x8x128xf32, #tpu.memory_space<vmem>>
      tpu.wait_dma2 semaphore(%arg13 : memref<!tpu.dma_semaphore, #tpu.memory_space<semaphore_mem>>) src(%dma_wait3A_748 : memref<8x1x8x128xf32, #tpu.memory_space<vmem>>) dst(%dma_wait3A_742 : memref<8x1x8x128xf32, #tpu.memory_space<hbm>>)
      %add3A_749 = arith.constant 2 : i32
      %add3A_750 = arith.addi %mul3A_471, %add3A_749 : i32
      %mul3A_751 = arith.constant 128 : i32
      %mul3A_752 = arith.muli %add3A_750, %mul3A_751 : i32
      %parallel_loop3A_753 = arith.constant 0 : i32
      %parallel_loop3A_754 = arith.constant 8 : i32
      %parallel_loop3A_755 = arith.constant 1 : i32
      scf.for %parallel_loop3A_980 = %parallel_loop3A_753 to %parallel_loop3A_754 step %parallel_loop3A_755  : i32 {
        %parallel_loop3A_981 = arith.constant 16 : i32
        %parallel_loop3A_982 = arith.muli %parallel_loop3A_980, %parallel_loop3A_981 : i32
        %parallel_loop3A_983 = arith.addi %mul3A_752, %parallel_loop3A_982 : i32
        %parallel_loop3A_984 = arith.index_cast %parallel_loop3A_983 : i32 to index
        %parallel_loop3A_985 = tpu.vector_load %arg5[%parallel_loop3A_984] {strides = array<i32>} : memref<25600xi32, #tpu.memory_space<vmem>>, vector<16xi32>,
        %parallel_loop3A_986 = arith.constant 16 : i32
        %parallel_loop3A_987 = arith.muli %parallel_loop3A_980, %parallel_loop3A_986 : i32
        %parallel_loop3A_988 = arith.constant 0 : i32
        %parallel_loop3A_989 = arith.index_cast %parallel_loop3A_988 : i32 to index
        %parallel_loop3A_990 = arith.index_cast %parallel_loop3A_987 : i32 to index
        %parallel_loop3A_991 = tpu.vector_load %arg6[%parallel_loop3A_989, %parallel_loop3A_990] {strides = array<i32>} : memref<2x128xi32, #tpu.memory_space<vmem>>, vector<16xi32>,
        tpu.vector_store %arg6[%parallel_loop3A_989, %parallel_loop3A_990], %parallel_loop3A_985 {strides = array<i32>} : memref<2x128xi32, #tpu.memory_space<vmem>>, vector<16xi32>,
      } {sc.loop_unroll_factor = 2 : i64, sc.parallel_access}
      %dma_start3A_756 = arith.constant 0 : i32
      %dma_start3A_757 = arith.constant 0 : i32
      %dma_start3A_758 = arith.constant 0 : i32
      %dma_start3A_759 = arith.constant 0 : i32
      %dma_start3A_760 = tpu.memref_slice %arg7[%dma_start3A_757, %dma_start3A_758, %dma_start3A_759] : memref<2x128x64xf32, #tpu.memory_space<vmem>> -> memref<1x128x64xf32, #tpu.memory_space<vmem>>
      %dma_start3A_761 = tpu.memref_squeeze %dma_start3A_760 : memref<1x128x64xf32, #tpu.memory_space<vmem>> -> memref<128x64xf32, #tpu.memory_space<vmem>>
      %dma_start3A_762 = arith.constant 0 : i32
      %dma_start3A_763 = tpu.memref_slice %arg6[%dma_start3A_756, %dma_start3A_762] : memref<2x128xi32, #tpu.memory_space<vmem>> -> memref<1x128xi32, #tpu.memory_space<vmem>>
      %dma_start3A_764 = tpu.memref_squeeze %dma_start3A_763 : memref<1x128xi32, #tpu.memory_space<vmem>> -> memref<128xi32, #tpu.memory_space<vmem>>
      %dma_start3A_765 = arith.constant 0 : i32
      %dma_start3A_766 = arith.constant 0 : i32
      %dma_start3A_767 = tpu.memref_slice %arg3[%dma_start3A_765, %dma_start3A_766] : memref<2000000x64xf32, #tpu.memory_space<hbm>> -> memref<2000000x64xf32, #tpu.memory_space<hbm>>
      tpu.enqueue_indirect_dma source(%dma_start3A_767 : memref<2000000x64xf32, #tpu.memory_space<hbm>>) target(%dma_start3A_761 : memref<128x64xf32, #tpu.memory_space<vmem>>) offsets(%dma_start3A_764 : memref<128xi32, #tpu.memory_space<vmem>>) semaphore(%arg9 : memref<!tpu.dma_semaphore, #tpu.memory_space<semaphore_mem>>)
      %dma_wait3A_768 = arith.constant 1 : i32
      %dma_wait3A_769 = arith.constant 1 : i32
      %dma_wait3A_770 = arith.constant 0 : i32
      %dma_wait3A_771 = arith.constant 0 : i32
      %dma_wait3A_772 = tpu.memref_slice %arg7[%dma_wait3A_769, %dma_wait3A_770, %dma_wait3A_771] : memref<2x128x64xf32, #tpu.memory_space<vmem>> -> memref<1x128x64xf32, #tpu.memory_space<vmem>>
      %dma_wait3A_773 = tpu.memref_squeeze %dma_wait3A_772 : memref<1x128x64xf32, #tpu.memory_space<vmem>> -> memref<128x64xf32, #tpu.memory_space<vmem>>
      %dma_wait3A_774 = arith.constant 0 : i32
      %dma_wait3A_775 = tpu.memref_slice %arg6[%dma_wait3A_768, %dma_wait3A_774] : memref<2x128xi32, #tpu.memory_space<vmem>> -> memref<1x128xi32, #tpu.memory_space<vmem>>
      %dma_wait3A_776 = tpu.memref_squeeze %dma_wait3A_775 : memref<1x128xi32, #tpu.memory_space<vmem>> -> memref<128xi32, #tpu.memory_space<vmem>>
      %dma_wait3A_777 = arith.constant 0 : i32
      %dma_wait3A_778 = arith.constant 0 : i32
      %dma_wait3A_779 = tpu.memref_slice %arg3[%dma_wait3A_777, %dma_wait3A_778] : memref<2000000x64xf32, #tpu.memory_space<hbm>> -> memref<2000000x64xf32, #tpu.memory_space<hbm>>
      tpu.wait_indirect_dma semaphore(%arg10 : memref<!tpu.dma_semaphore, #tpu.memory_space<semaphore_mem>>) src(%dma_wait3A_779 : memref<2000000x64xf32, #tpu.memory_space<hbm>>) dst(%dma_wait3A_773 : memref<128x64xf32, #tpu.memory_space<vmem>>)
      %add3A_780 = arith.constant 2 : i32
      %add3A_781 = arith.addi %mul3A_471, %add3A_780 : i32
      %sub3A_782 = arith.constant 1 : i32
      %sub3A_783 = arith.subi %add3A_781, %sub3A_782 : i32
      %parallel_loop3A_784 = arith.constant 0 : i32
      %parallel_loop3A_785 = arith.constant 128 : i32
      %parallel_loop3A_786 = arith.constant 1 : i32
      scf.for %parallel_loop3A_980 = %parallel_loop3A_784 to %parallel_loop3A_785 step %parallel_loop3A_786  : i32 {
        %parallel_loop3A_981 = arith.constant 1 : i32
        %parallel_loop3A_982 = arith.index_cast %parallel_loop3A_981 : i32 to index
        %parallel_loop3A_983 = arith.index_cast %parallel_loop3A_980 : i32 to index
        %parallel_loop3A_984 = arith.constant 0 : index
        %parallel_loop3A_985 = tpu.vector_load %arg7[%parallel_loop3A_982, %parallel_loop3A_983, %parallel_loop3A_984] {strides = array<i32>} : memref<2x128x64xf32, #tpu.memory_space<vmem>>, vector<16xf32>,
        %parallel_loop3A_986 = arith.constant 0 : i32
        %parallel_loop3A_987 = vector.broadcast %parallel_loop3A_986 : i32 to vector<16xi32>
        %parallel_loop3A_988 = arith.addi %shift_right_arithmetic3A_9, %parallel_loop3A_987 : vector<16xi32>
        %parallel_loop3A_989 = vector.broadcast %parallel_loop3A_980 : i32 to vector<16xi32>
        %parallel_loop3A_990 = arith.addi %mul3A_7, %parallel_loop3A_989 : vector<16xi32>
        %parallel_loop3A_991 = arith.constant 1 : i32
        %parallel_loop3A_992 = arith.constant 0 : i32
        %parallel_loop3A_993 = arith.constant 0 : i32
        %parallel_loop3A_994 = arith.constant 0 : i32
        %parallel_loop3A_995 = arith.constant 0 : i32
        %parallel_loop3A_996 = tpu.memref_slice %arg8[%parallel_loop3A_991, %parallel_loop3A_992, %parallel_loop3A_993, %parallel_loop3A_994, %parallel_loop3A_995] : memref<4x8x1x8x129xf32, #tpu.memory_space<vmem>> -> memref<1x8x1x8x129xf32, #tpu.memory_space<vmem>>
        %parallel_loop3A_997 = tpu.memref_squeeze %parallel_loop3A_996 : memref<1x8x1x8x129xf32, #tpu.memory_space<vmem>> -> memref<8x1x8x129xf32, #tpu.memory_space<vmem>>
        tpu.vector_store_idx %parallel_loop3A_997[%parallel_loop3A_988, %mul3A_7, %and3A_11, %parallel_loop3A_990], %parallel_loop3A_985 : memref<8x1x8x129xf32, #tpu.memory_space<vmem>>[vector<16xi32>, vector<16xi32>, vector<16xi32>, vector<16xi32>], vector<16xf32>,
        %parallel_loop3A_998 = arith.constant 1 : i32
        %parallel_loop3A_999 = arith.index_cast %parallel_loop3A_998 : i32 to index
        %parallel_loop3A_1000 = arith.index_cast %parallel_loop3A_980 : i32 to index
        %parallel_loop3A_1001 = arith.constant 16 : index
        %parallel_loop3A_1002 = tpu.vector_load %arg7[%parallel_loop3A_999, %parallel_loop3A_1000, %parallel_loop3A_1001] {strides = array<i32>} : memref<2x128x64xf32, #tpu.memory_space<vmem>>, vector<16xf32>,
        %parallel_loop3A_1003 = arith.constant 2 : i32
        %parallel_loop3A_1004 = vector.broadcast %parallel_loop3A_1003 : i32 to vector<16xi32>
        %parallel_loop3A_1005 = arith.addi %shift_right_arithmetic3A_9, %parallel_loop3A_1004 : vector<16xi32>
        %parallel_loop3A_1006 = vector.broadcast %parallel_loop3A_980 : i32 to vector<16xi32>
        %parallel_loop3A_1007 = arith.addi %mul3A_7, %parallel_loop3A_1006 : vector<16xi32>
        %parallel_loop3A_1008 = arith.constant 1 : i32
        %parallel_loop3A_1009 = arith.constant 0 : i32
        %parallel_loop3A_1010 = arith.constant 0 : i32
        %parallel_loop3A_1011 = arith.constant 0 : i32
        %parallel_loop3A_1012 = arith.constant 0 : i32
        %parallel_loop3A_1013 = tpu.memref_slice %arg8[%parallel_loop3A_1008, %parallel_loop3A_1009, %parallel_loop3A_1010, %parallel_loop3A_1011, %parallel_loop3A_1012] : memref<4x8x1x8x129xf32, #tpu.memory_space<vmem>> -> memref<1x8x1x8x129xf32, #tpu.memory_space<vmem>>
        %parallel_loop3A_1014 = tpu.memref_squeeze %parallel_loop3A_1013 : memref<1x8x1x8x129xf32, #tpu.memory_space<vmem>> -> memref<8x1x8x129xf32, #tpu.memory_space<vmem>>
        tpu.vector_store_idx %parallel_loop3A_1014[%parallel_loop3A_1005, %mul3A_7, %and3A_11, %parallel_loop3A_1007], %parallel_loop3A_1002 : memref<8x1x8x129xf32, #tpu.memory_space<vmem>>[vector<16xi32>, vector<16xi32>, vector<16xi32>, vector<16xi32>], vector<16xf32>,
        %parallel_loop3A_1015 = arith.constant 1 : i32
        %parallel_loop3A_1016 = arith.index_cast %parallel_loop3A_1015 : i32 to index
        %parallel_loop3A_1017 = arith.index_cast %parallel_loop3A_980 : i32 to index
        %parallel_loop3A_1018 = arith.constant 32 : index
        %parallel_loop3A_1019 = tpu.vector_load %arg7[%parallel_loop3A_1016, %parallel_loop3A_1017, %parallel_loop3A_1018] {strides = array<i32>} : memref<2x128x64xf32, #tpu.memory_space<vmem>>, vector<16xf32>,
        %parallel_loop3A_1020 = arith.constant 4 : i32
        %parallel_loop3A_1021 = vector.broadcast %parallel_loop3A_1020 : i32 to vector<16xi32>
        %parallel_loop3A_1022 = arith.addi %shift_right_arithmetic3A_9, %parallel_loop3A_1021 : vector<16xi32>
        %parallel_loop3A_1023 = vector.broadcast %parallel_loop3A_980 : i32 to vector<16xi32>
        %parallel_loop3A_1024 = arith.addi %mul3A_7, %parallel_loop3A_1023 : vector<16xi32>
        %parallel_loop3A_1025 = arith.constant 1 : i32
        %parallel_loop3A_1026 = arith.constant 0 : i32
        %parallel_loop3A_1027 = arith.constant 0 : i32
        %parallel_loop3A_1028 = arith.constant 0 : i32
        %parallel_loop3A_1029 = arith.constant 0 : i32
        %parallel_loop3A_1030 = tpu.memref_slice %arg8[%parallel_loop3A_1025, %parallel_loop3A_1026, %parallel_loop3A_1027, %parallel_loop3A_1028, %parallel_loop3A_1029] : memref<4x8x1x8x129xf32, #tpu.memory_space<vmem>> -> memref<1x8x1x8x129xf32, #tpu.memory_space<vmem>>
        %parallel_loop3A_1031 = tpu.memref_squeeze %parallel_loop3A_1030 : memref<1x8x1x8x129xf32, #tpu.memory_space<vmem>> -> memref<8x1x8x129xf32, #tpu.memory_space<vmem>>
        tpu.vector_store_idx %parallel_loop3A_1031[%parallel_loop3A_1022, %mul3A_7, %and3A_11, %parallel_loop3A_1024], %parallel_loop3A_1019 : memref<8x1x8x129xf32, #tpu.memory_space<vmem>>[vector<16xi32>, vector<16xi32>, vector<16xi32>, vector<16xi32>], vector<16xf32>,
        %parallel_loop3A_1032 = arith.constant 1 : i32
        %parallel_loop3A_1033 = arith.index_cast %parallel_loop3A_1032 : i32 to index
        %parallel_loop3A_1034 = arith.index_cast %parallel_loop3A_980 : i32 to index
        %parallel_loop3A_1035 = arith.constant 48 : index
        %parallel_loop3A_1036 = tpu.vector_load %arg7[%parallel_loop3A_1033, %parallel_loop3A_1034, %parallel_loop3A_1035] {strides = array<i32>} : memref<2x128x64xf32, #tpu.memory_space<vmem>>, vector<16xf32>,
        %parallel_loop3A_1037 = arith.constant 6 : i32
        %parallel_loop3A_1038 = vector.broadcast %parallel_loop3A_1037 : i32 to vector<16xi32>
        %parallel_loop3A_1039 = arith.addi %shift_right_arithmetic3A_9, %parallel_loop3A_1038 : vector<16xi32>
        %parallel_loop3A_1040 = vector.broadcast %parallel_loop3A_980 : i32 to vector<16xi32>
        %parallel_loop3A_1041 = arith.addi %mul3A_7, %parallel_loop3A_1040 : vector<16xi32>
        %parallel_loop3A_1042 = arith.constant 1 : i32
        %parallel_loop3A_1043 = arith.constant 0 : i32
        %parallel_loop3A_1044 = arith.constant 0 : i32
        %parallel_loop3A_1045 = arith.constant 0 : i32
        %parallel_loop3A_1046 = arith.constant 0 : i32
        %parallel_loop3A_1047 = tpu.memref_slice %arg8[%parallel_loop3A_1042, %parallel_loop3A_1043, %parallel_loop3A_1044, %parallel_loop3A_1045, %parallel_loop3A_1046] : memref<4x8x1x8x129xf32, #tpu.memory_space<vmem>> -> memref<1x8x1x8x129xf32, #tpu.memory_space<vmem>>
        %parallel_loop3A_1048 = tpu.memref_squeeze %parallel_loop3A_1047 : memref<1x8x1x8x129xf32, #tpu.memory_space<vmem>> -> memref<8x1x8x129xf32, #tpu.memory_space<vmem>>
        tpu.vector_store_idx %parallel_loop3A_1048[%parallel_loop3A_1039, %mul3A_7, %and3A_11, %parallel_loop3A_1041], %parallel_loop3A_1036 : memref<8x1x8x129xf32, #tpu.memory_space<vmem>>[vector<16xi32>, vector<16xi32>, vector<16xi32>, vector<16xi32>], vector<16xf32>,
      } {sc.loop_unroll_factor = 4 : i64, sc.parallel_access}
      %add3A_787 = arith.constant 2 : i32
      %add3A_788 = arith.addi %mul3A_471, %add3A_787 : i32
      %sub3A_789 = arith.constant 1 : i32
      %sub3A_790 = arith.subi %add3A_788, %sub3A_789 : i32
      %add3A_791 = arith.addi %mul3A_4, %sub3A_790 : i32
      %jit3A_792 = arith.constant 32 : i32
      %div3A_793 = arith.divsi %add3A_791, %jit3A_792 : i32
      %sign3A_794 = arith.constant 0 : i32
      %sign3A_795 = arith.cmpi sgt, %add3A_791, %sign3A_794 : i32
      %sign3A_796 = arith.extui %sign3A_795 : i1 to i32
      %sign3A_797 = arith.constant 0 : i32
      %sign3A_798 = arith.cmpi slt, %add3A_791, %sign3A_797 : i32
      %sign3A_799 = arith.extui %sign3A_798 : i1 to i32
      %sign3A_800 = arith.subi %sign3A_796, %sign3A_799 : i32
      %sign3A_801 = arith.constant 0 : i32
      %sign3A_802 = arith.cmpi sgt, %jit3A_792, %sign3A_801 : i32
      %sign3A_803 = arith.extui %sign3A_802 : i1 to i32
      %sign3A_804 = arith.constant 0 : i32
      %sign3A_805 = arith.cmpi slt, %jit3A_792, %sign3A_804 : i32
      %sign3A_806 = arith.extui %sign3A_805 : i1 to i32
      %sign3A_807 = arith.subi %sign3A_803, %sign3A_806 : i32
      %ne3A_808 = arith.cmpi ne, %sign3A_800, %sign3A_807 : i32
      %rem3A_809 = arith.remsi %add3A_791, %jit3A_792 : i32
      %ne3A_810 = arith.constant 0 : i32
      %ne3A_811 = arith.cmpi ne, %rem3A_809, %ne3A_810 : i32
      %and3A_812 = arith.andi %ne3A_808, %ne3A_811 : i1
      %sub3A_813 = arith.constant 1 : i32
      %sub3A_814 = arith.subi %div3A_793, %sub3A_813 : i32
      %select_n3A_815 = arith.select %and3A_812, %sub3A_814, %div3A_793 : i32
      %mul3A_816 = arith.constant 8 : i32
      %mul3A_817 = arith.muli %select_n3A_815, %mul3A_816 : i32
      %jit3A_818 = arith.constant 32 : i32
      %eq3A_819 = arith.constant 0 : i32
      %eq3A_820 = arith.cmpi eq, %jit3A_818, %eq3A_819 : i32
      %jit3A_821 = arith.constant 1 : i32
      %select_n3A_822 = arith.select %eq3A_820, %jit3A_821, %jit3A_818 : i32
      %rem3A_823 = arith.remsi %add3A_791, %select_n3A_822 : i32
      %ne3A_824 = arith.constant 0 : i32
      %ne3A_825 = arith.cmpi ne, %rem3A_823, %ne3A_824 : i32
      %lt3A_826 = arith.constant 0 : i32
      %lt3A_827 = arith.cmpi slt, %rem3A_823, %lt3A_826 : i32
      %lt3A_828 = arith.constant 0 : i32
      %lt3A_829 = arith.cmpi slt, %select_n3A_822, %lt3A_828 : i32
      %ne3A_830 = arith.xori %lt3A_827, %lt3A_829 : i1
      %and3A_831 = arith.andi %ne3A_830, %ne3A_825 : i1
      %add3A_832 = arith.addi %rem3A_823, %select_n3A_822 : i32
      %select_n3A_833 = arith.select %and3A_831, %add3A_832, %rem3A_823 : i32
      %dma_start3A_834 = arith.constant 1 : i32
      %dma_start3A_835 = arith.constant 0 : i32
      %dma_start3A_836 = arith.constant 0 : i32
      %dma_start3A_837 = arith.constant 0 : i32
      %dma_start3A_838 = arith.constant 0 : i32
      %dma_start3A_839 = tpu.memref_slice %arg8[%dma_start3A_834, %dma_start3A_835, %dma_start3A_836, %dma_start3A_837, %dma_start3A_838] : memref<4x8x1x8x129xf32, #tpu.memory_space<vmem>> -> memref<1x8x1x8x128xf32, #tpu.memory_space<vmem>>
      %dma_start3A_840 = tpu.memref_squeeze %dma_start3A_839 : memref<1x8x1x8x128xf32, #tpu.memory_space<vmem>> -> memref<8x1x8x128xf32, #tpu.memory_space<vmem>>
      %dma_start3A_841 = arith.constant 0 : i32
      %dma_start3A_842 = arith.constant 0 : i32
      %dma_start3A_843 = tpu.memref_slice %arg4[%mul3A_817, %select_n3A_833, %dma_start3A_841, %dma_start3A_842] : memref<1600x32x8x128xf32, #tpu.memory_space<hbm>> -> memref<8x1x8x128xf32, #tpu.memory_space<hbm>>
      %dma_start3A_844 = arith.constant 0 : i32
      %dma_start3A_845 = arith.constant 0 : i32
      %dma_start3A_846 = tpu.memref_slice %arg4[%mul3A_817, %select_n3A_833, %dma_start3A_844, %dma_start3A_845] : memref<1600x32x8x128xf32, #tpu.memory_space<hbm>> -> memref<8x1x8x128xf32, #tpu.memory_space<hbm>>
      %dma_start3A_847 = arith.constant 0 : i32
      %dma_start3A_848 = arith.constant 0 : i32
      %dma_start3A_849 = arith.constant 0 : i32
      %dma_start3A_850 = arith.constant 0 : i32
      %dma_start3A_851 = tpu.memref_slice %arg8[%dma_start3A_834, %dma_start3A_847, %dma_start3A_848, %dma_start3A_849, %dma_start3A_850] : memref<4x8x1x8x129xf32, #tpu.memory_space<vmem>> -> memref<1x8x1x8x128xf32, #tpu.memory_space<vmem>>
      %dma_start3A_852 = tpu.memref_squeeze %dma_start3A_851 : memref<1x8x1x8x128xf32, #tpu.memory_space<vmem>> -> memref<8x1x8x128xf32, #tpu.memory_space<vmem>>
      tpu.enqueue_dma source(%dma_start3A_852 : memref<8x1x8x128xf32, #tpu.memory_space<vmem>>) target(%dma_start3A_846 : memref<8x1x8x128xf32, #tpu.memory_space<hbm>>) target_semaphore(%arg12 : memref<!tpu.dma_semaphore, #tpu.memory_space<semaphore_mem>>)
      %dma_wait3A_853 = arith.constant 3 : i32
      %dma_wait3A_854 = arith.constant 0 : i32
      %dma_wait3A_855 = arith.constant 0 : i32
      %dma_wait3A_856 = arith.constant 0 : i32
      %dma_wait3A_857 = arith.constant 0 : i32
      %dma_wait3A_858 = tpu.memref_slice %arg8[%dma_wait3A_853, %dma_wait3A_854, %dma_wait3A_855, %dma_wait3A_856, %dma_wait3A_857] : memref<4x8x1x8x129xf32, #tpu.memory_space<vmem>> -> memref<1x8x1x8x128xf32, #tpu.memory_space<vmem>>
      %dma_wait3A_859 = tpu.memref_squeeze %dma_wait3A_858 : memref<1x8x1x8x128xf32, #tpu.memory_space<vmem>> -> memref<8x1x8x128xf32, #tpu.memory_space<vmem>>
      %dma_wait3A_860 = arith.constant 0 : i32
      %dma_wait3A_861 = arith.constant 0 : i32
      %dma_wait3A_862 = arith.constant 0 : i32
      %dma_wait3A_863 = arith.constant 0 : i32
      %dma_wait3A_864 = tpu.memref_slice %arg4[%dma_wait3A_860, %dma_wait3A_861, %dma_wait3A_862, %dma_wait3A_863] : memref<1600x32x8x128xf32, #tpu.memory_space<hbm>> -> memref<8x1x8x128xf32, #tpu.memory_space<hbm>>
      %dma_wait3A_865 = arith.constant 0 : i32
      %dma_wait3A_866 = arith.constant 0 : i32
      %dma_wait3A_867 = arith.constant 0 : i32
      %dma_wait3A_868 = arith.constant 0 : i32
      %dma_wait3A_869 = tpu.memref_slice %arg4[%dma_wait3A_865, %dma_wait3A_866, %dma_wait3A_867, %dma_wait3A_868] : memref<1600x32x8x128xf32, #tpu.memory_space<hbm>> -> memref<8x1x8x128xf32, #tpu.memory_space<hbm>>
      %dma_wait3A_870 = arith.constant 0 : i32
      %dma_wait3A_871 = arith.constant 0 : i32
      %dma_wait3A_872 = arith.constant 0 : i32
      %dma_wait3A_873 = arith.constant 0 : i32
      %dma_wait3A_874 = tpu.memref_slice %arg8[%dma_wait3A_853, %dma_wait3A_870, %dma_wait3A_871, %dma_wait3A_872, %dma_wait3A_873] : memref<4x8x1x8x129xf32, #tpu.memory_space<vmem>> -> memref<1x8x1x8x128xf32, #tpu.memory_space<vmem>>
      %dma_wait3A_875 = tpu.memref_squeeze %dma_wait3A_874 : memref<1x8x1x8x128xf32, #tpu.memory_space<vmem>> -> memref<8x1x8x128xf32, #tpu.memory_space<vmem>>
      tpu.wait_dma2 semaphore(%arg14 : memref<!tpu.dma_semaphore, #tpu.memory_space<semaphore_mem>>) src(%dma_wait3A_875 : memref<8x1x8x128xf32, #tpu.memory_space<vmem>>) dst(%dma_wait3A_869 : memref<8x1x8x128xf32, #tpu.memory_space<hbm>>)
      %add3A_876 = arith.constant 3 : i32
      %add3A_877 = arith.addi %mul3A_471, %add3A_876 : i32
      %mul3A_878 = arith.constant 128 : i32
      %mul3A_879 = arith.muli %add3A_877, %mul3A_878 : i32
      %parallel_loop3A_880 = arith.constant 0 : i32
      %parallel_loop3A_881 = arith.constant 8 : i32
      %parallel_loop3A_882 = arith.constant 1 : i32
      scf.for %parallel_loop3A_980 = %parallel_loop3A_880 to %parallel_loop3A_881 step %parallel_loop3A_882  : i32 {
        %parallel_loop3A_981 = arith.constant 16 : i32
        %parallel_loop3A_982 = arith.muli %parallel_loop3A_980, %parallel_loop3A_981 : i32
        %parallel_loop3A_983 = arith.addi %mul3A_879, %parallel_loop3A_982 : i32
        %parallel_loop3A_984 = arith.index_cast %parallel_loop3A_983 : i32 to index
        %parallel_loop3A_985 = tpu.vector_load %arg5[%parallel_loop3A_984] {strides = array<i32>} : memref<25600xi32, #tpu.memory_space<vmem>>, vector<16xi32>,
        %parallel_loop3A_986 = arith.constant 16 : i32
        %parallel_loop3A_987 = arith.muli %parallel_loop3A_980, %parallel_loop3A_986 : i32
        %parallel_loop3A_988 = arith.constant 1 : i32
        %parallel_loop3A_989 = arith.index_cast %parallel_loop3A_988 : i32 to index
        %parallel_loop3A_990 = arith.index_cast %parallel_loop3A_987 : i32 to index
        %parallel_loop3A_991 = tpu.vector_load %arg6[%parallel_loop3A_989, %parallel_loop3A_990] {strides = array<i32>} : memref<2x128xi32, #tpu.memory_space<vmem>>, vector<16xi32>,
        tpu.vector_store %arg6[%parallel_loop3A_989, %parallel_loop3A_990], %parallel_loop3A_985 {strides = array<i32>} : memref<2x128xi32, #tpu.memory_space<vmem>>, vector<16xi32>,
      } {sc.loop_unroll_factor = 2 : i64, sc.parallel_access}
      %dma_start3A_883 = arith.constant 1 : i32
      %dma_start3A_884 = arith.constant 1 : i32
      %dma_start3A_885 = arith.constant 0 : i32
      %dma_start3A_886 = arith.constant 0 : i32
      %dma_start3A_887 = tpu.memref_slice %arg7[%dma_start3A_884, %dma_start3A_885, %dma_start3A_886] : memref<2x128x64xf32, #tpu.memory_space<vmem>> -> memref<1x128x64xf32, #tpu.memory_space<vmem>>
      %dma_start3A_888 = tpu.memref_squeeze %dma_start3A_887 : memref<1x128x64xf32, #tpu.memory_space<vmem>> -> memref<128x64xf32, #tpu.memory_space<vmem>>
      %dma_start3A_889 = arith.constant 0 : i32
      %dma_start3A_890 = tpu.memref_slice %arg6[%dma_start3A_883, %dma_start3A_889] : memref<2x128xi32, #tpu.memory_space<vmem>> -> memref<1x128xi32, #tpu.memory_space<vmem>>
      %dma_start3A_891 = tpu.memref_squeeze %dma_start3A_890 : memref<1x128xi32, #tpu.memory_space<vmem>> -> memref<128xi32, #tpu.memory_space<vmem>>
      %dma_start3A_892 = arith.constant 0 : i32
      %dma_start3A_893 = arith.constant 0 : i32
      %dma_start3A_894 = tpu.memref_slice %arg3[%dma_start3A_892, %dma_start3A_893] : memref<2000000x64xf32, #tpu.memory_space<hbm>> -> memref<2000000x64xf32, #tpu.memory_space<hbm>>
      tpu.enqueue_indirect_dma source(%dma_start3A_894 : memref<2000000x64xf32, #tpu.memory_space<hbm>>) target(%dma_start3A_888 : memref<128x64xf32, #tpu.memory_space<vmem>>) offsets(%dma_start3A_891 : memref<128xi32, #tpu.memory_space<vmem>>) semaphore(%arg10 : memref<!tpu.dma_semaphore, #tpu.memory_space<semaphore_mem>>)
      %dma_wait3A_895 = arith.constant 0 : i32
      %dma_wait3A_896 = arith.constant 0 : i32
      %dma_wait3A_897 = arith.constant 0 : i32
      %dma_wait3A_898 = arith.constant 0 : i32
      %dma_wait3A_899 = tpu.memref_slice %arg7[%dma_wait3A_896, %dma_wait3A_897, %dma_wait3A_898] : memref<2x128x64xf32, #tpu.memory_space<vmem>> -> memref<1x128x64xf32, #tpu.memory_space<vmem>>
      %dma_wait3A_900 = tpu.memref_squeeze %dma_wait3A_899 : memref<1x128x64xf32, #tpu.memory_space<vmem>> -> memref<128x64xf32, #tpu.memory_space<vmem>>
      %dma_wait3A_901 = arith.constant 0 : i32
      %dma_wait3A_902 = tpu.memref_slice %arg6[%dma_wait3A_895, %dma_wait3A_901] : memref<2x128xi32, #tpu.memory_space<vmem>> -> memref<1x128xi32, #tpu.memory_space<vmem>>
      %dma_wait3A_903 = tpu.memref_squeeze %dma_wait3A_902 : memref<1x128xi32, #tpu.memory_space<vmem>> -> memref<128xi32, #tpu.memory_space<vmem>>
      %dma_wait3A_904 = arith.constant 0 : i32
      %dma_wait3A_905 = arith.constant 0 : i32
      %dma_wait3A_906 = tpu.memref_slice %arg3[%dma_wait3A_904, %dma_wait3A_905] : memref<2000000x64xf32, #tpu.memory_space<hbm>> -> memref<2000000x64xf32, #tpu.memory_space<hbm>>
      tpu.wait_indirect_dma semaphore(%arg9 : memref<!tpu.dma_semaphore, #tpu.memory_space<semaphore_mem>>) src(%dma_wait3A_906 : memref<2000000x64xf32, #tpu.memory_space<hbm>>) dst(%dma_wait3A_900 : memref<128x64xf32, #tpu.memory_space<vmem>>)
      %add3A_907 = arith.constant 3 : i32
      %add3A_908 = arith.addi %mul3A_471, %add3A_907 : i32
      %sub3A_909 = arith.constant 1 : i32
      %sub3A_910 = arith.subi %add3A_908, %sub3A_909 : i32
      %parallel_loop3A_911 = arith.constant 0 : i32
      %parallel_loop3A_912 = arith.constant 128 : i32
      %parallel_loop3A_913 = arith.constant 1 : i32
      scf.for %parallel_loop3A_980 = %parallel_loop3A_911 to %parallel_loop3A_912 step %parallel_loop3A_913  : i32 {
        %parallel_loop3A_981 = arith.constant 0 : i32
        %parallel_loop3A_982 = arith.index_cast %parallel_loop3A_981 : i32 to index
        %parallel_loop3A_983 = arith.index_cast %parallel_loop3A_980 : i32 to index
        %parallel_loop3A_984 = arith.constant 0 : index
        %parallel_loop3A_985 = tpu.vector_load %arg7[%parallel_loop3A_982, %parallel_loop3A_983, %parallel_loop3A_984] {strides = array<i32>} : memref<2x128x64xf32, #tpu.memory_space<vmem>>, vector<16xf32>,
        %parallel_loop3A_986 = arith.constant 0 : i32
        %parallel_loop3A_987 = vector.broadcast %parallel_loop3A_986 : i32 to vector<16xi32>
        %parallel_loop3A_988 = arith.addi %shift_right_arithmetic3A_9, %parallel_loop3A_987 : vector<16xi32>
        %parallel_loop3A_989 = vector.broadcast %parallel_loop3A_980 : i32 to vector<16xi32>
        %parallel_loop3A_990 = arith.addi %mul3A_7, %parallel_loop3A_989 : vector<16xi32>
        %parallel_loop3A_991 = arith.constant 2 : i32
        %parallel_loop3A_992 = arith.constant 0 : i32
        %parallel_loop3A_993 = arith.constant 0 : i32
        %parallel_loop3A_994 = arith.constant 0 : i32
        %parallel_loop3A_995 = arith.constant 0 : i32
        %parallel_loop3A_996 = tpu.memref_slice %arg8[%parallel_loop3A_991, %parallel_loop3A_992, %parallel_loop3A_993, %parallel_loop3A_994, %parallel_loop3A_995] : memref<4x8x1x8x129xf32, #tpu.memory_space<vmem>> -> memref<1x8x1x8x129xf32, #tpu.memory_space<vmem>>
        %parallel_loop3A_997 = tpu.memref_squeeze %parallel_loop3A_996 : memref<1x8x1x8x129xf32, #tpu.memory_space<vmem>> -> memref<8x1x8x129xf32, #tpu.memory_space<vmem>>
        tpu.vector_store_idx %parallel_loop3A_997[%parallel_loop3A_988, %mul3A_7, %and3A_11, %parallel_loop3A_990], %parallel_loop3A_985 : memref<8x1x8x129xf32, #tpu.memory_space<vmem>>[vector<16xi32>, vector<16xi32>, vector<16xi32>, vector<16xi32>], vector<16xf32>,
        %parallel_loop3A_998 = arith.constant 0 : i32
        %parallel_loop3A_999 = arith.index_cast %parallel_loop3A_998 : i32 to index
        %parallel_loop3A_1000 = arith.index_cast %parallel_loop3A_980 : i32 to index
        %parallel_loop3A_1001 = arith.constant 16 : index
        %parallel_loop3A_1002 = tpu.vector_load %arg7[%parallel_loop3A_999, %parallel_loop3A_1000, %parallel_loop3A_1001] {strides = array<i32>} : memref<2x128x64xf32, #tpu.memory_space<vmem>>, vector<16xf32>,
        %parallel_loop3A_1003 = arith.constant 2 : i32
        %parallel_loop3A_1004 = vector.broadcast %parallel_loop3A_1003 : i32 to vector<16xi32>
        %parallel_loop3A_1005 = arith.addi %shift_right_arithmetic3A_9, %parallel_loop3A_1004 : vector<16xi32>
        %parallel_loop3A_1006 = vector.broadcast %parallel_loop3A_980 : i32 to vector<16xi32>
        %parallel_loop3A_1007 = arith.addi %mul3A_7, %parallel_loop3A_1006 : vector<16xi32>
        %parallel_loop3A_1008 = arith.constant 2 : i32
        %parallel_loop3A_1009 = arith.constant 0 : i32
        %parallel_loop3A_1010 = arith.constant 0 : i32
        %parallel_loop3A_1011 = arith.constant 0 : i32
        %parallel_loop3A_1012 = arith.constant 0 : i32
        %parallel_loop3A_1013 = tpu.memref_slice %arg8[%parallel_loop3A_1008, %parallel_loop3A_1009, %parallel_loop3A_1010, %parallel_loop3A_1011, %parallel_loop3A_1012] : memref<4x8x1x8x129xf32, #tpu.memory_space<vmem>> -> memref<1x8x1x8x129xf32, #tpu.memory_space<vmem>>
        %parallel_loop3A_1014 = tpu.memref_squeeze %parallel_loop3A_1013 : memref<1x8x1x8x129xf32, #tpu.memory_space<vmem>> -> memref<8x1x8x129xf32, #tpu.memory_space<vmem>>
        tpu.vector_store_idx %parallel_loop3A_1014[%parallel_loop3A_1005, %mul3A_7, %and3A_11, %parallel_loop3A_1007], %parallel_loop3A_1002 : memref<8x1x8x129xf32, #tpu.memory_space<vmem>>[vector<16xi32>, vector<16xi32>, vector<16xi32>, vector<16xi32>], vector<16xf32>,
        %parallel_loop3A_1015 = arith.constant 0 : i32
        %parallel_loop3A_1016 = arith.index_cast %parallel_loop3A_1015 : i32 to index
        %parallel_loop3A_1017 = arith.index_cast %parallel_loop3A_980 : i32 to index
        %parallel_loop3A_1018 = arith.constant 32 : index
        %parallel_loop3A_1019 = tpu.vector_load %arg7[%parallel_loop3A_1016, %parallel_loop3A_1017, %parallel_loop3A_1018] {strides = array<i32>} : memref<2x128x64xf32, #tpu.memory_space<vmem>>, vector<16xf32>,
        %parallel_loop3A_1020 = arith.constant 4 : i32
        %parallel_loop3A_1021 = vector.broadcast %parallel_loop3A_1020 : i32 to vector<16xi32>
        %parallel_loop3A_1022 = arith.addi %shift_right_arithmetic3A_9, %parallel_loop3A_1021 : vector<16xi32>
        %parallel_loop3A_1023 = vector.broadcast %parallel_loop3A_980 : i32 to vector<16xi32>
        %parallel_loop3A_1024 = arith.addi %mul3A_7, %parallel_loop3A_1023 : vector<16xi32>
        %parallel_loop3A_1025 = arith.constant 2 : i32
        %parallel_loop3A_1026 = arith.constant 0 : i32
        %parallel_loop3A_1027 = arith.constant 0 : i32
        %parallel_loop3A_1028 = arith.constant 0 : i32
        %parallel_loop3A_1029 = arith.constant 0 : i32
        %parallel_loop3A_1030 = tpu.memref_slice %arg8[%parallel_loop3A_1025, %parallel_loop3A_1026, %parallel_loop3A_1027, %parallel_loop3A_1028, %parallel_loop3A_1029] : memref<4x8x1x8x129xf32, #tpu.memory_space<vmem>> -> memref<1x8x1x8x129xf32, #tpu.memory_space<vmem>>
        %parallel_loop3A_1031 = tpu.memref_squeeze %parallel_loop3A_1030 : memref<1x8x1x8x129xf32, #tpu.memory_space<vmem>> -> memref<8x1x8x129xf32, #tpu.memory_space<vmem>>
        tpu.vector_store_idx %parallel_loop3A_1031[%parallel_loop3A_1022, %mul3A_7, %and3A_11, %parallel_loop3A_1024], %parallel_loop3A_1019 : memref<8x1x8x129xf32, #tpu.memory_space<vmem>>[vector<16xi32>, vector<16xi32>, vector<16xi32>, vector<16xi32>], vector<16xf32>,
        %parallel_loop3A_1032 = arith.constant 0 : i32
        %parallel_loop3A_1033 = arith.index_cast %parallel_loop3A_1032 : i32 to index
        %parallel_loop3A_1034 = arith.index_cast %parallel_loop3A_980 : i32 to index
        %parallel_loop3A_1035 = arith.constant 48 : index
        %parallel_loop3A_1036 = tpu.vector_load %arg7[%parallel_loop3A_1033, %parallel_loop3A_1034, %parallel_loop3A_1035] {strides = array<i32>} : memref<2x128x64xf32, #tpu.memory_space<vmem>>, vector<16xf32>,
        %parallel_loop3A_1037 = arith.constant 6 : i32
        %parallel_loop3A_1038 = vector.broadcast %parallel_loop3A_1037 : i32 to vector<16xi32>
        %parallel_loop3A_1039 = arith.addi %shift_right_arithmetic3A_9, %parallel_loop3A_1038 : vector<16xi32>
        %parallel_loop3A_1040 = vector.broadcast %parallel_loop3A_980 : i32 to vector<16xi32>
        %parallel_loop3A_1041 = arith.addi %mul3A_7, %parallel_loop3A_1040 : vector<16xi32>
        %parallel_loop3A_1042 = arith.constant 2 : i32
        %parallel_loop3A_1043 = arith.constant 0 : i32
        %parallel_loop3A_1044 = arith.constant 0 : i32
        %parallel_loop3A_1045 = arith.constant 0 : i32
        %parallel_loop3A_1046 = arith.constant 0 : i32
        %parallel_loop3A_1047 = tpu.memref_slice %arg8[%parallel_loop3A_1042, %parallel_loop3A_1043, %parallel_loop3A_1044, %parallel_loop3A_1045, %parallel_loop3A_1046] : memref<4x8x1x8x129xf32, #tpu.memory_space<vmem>> -> memref<1x8x1x8x129xf32, #tpu.memory_space<vmem>>
        %parallel_loop3A_1048 = tpu.memref_squeeze %parallel_loop3A_1047 : memref<1x8x1x8x129xf32, #tpu.memory_space<vmem>> -> memref<8x1x8x129xf32, #tpu.memory_space<vmem>>
        tpu.vector_store_idx %parallel_loop3A_1048[%parallel_loop3A_1039, %mul3A_7, %and3A_11, %parallel_loop3A_1041], %parallel_loop3A_1036 : memref<8x1x8x129xf32, #tpu.memory_space<vmem>>[vector<16xi32>, vector<16xi32>, vector<16xi32>, vector<16xi32>], vector<16xf32>,
      } {sc.loop_unroll_factor = 4 : i64, sc.parallel_access}
      %add3A_914 = arith.constant 3 : i32
      %add3A_915 = arith.addi %mul3A_471, %add3A_914 : i32
      %sub3A_916 = arith.constant 1 : i32
      %sub3A_917 = arith.subi %add3A_915, %sub3A_916 : i32
      %add3A_918 = arith.addi %mul3A_4, %sub3A_917 : i32
      %jit3A_919 = arith.constant 32 : i32
      %div3A_920 = arith.divsi %add3A_918, %jit3A_919 : i32
      %sign3A_921 = arith.constant 0 : i32
      %sign3A_922 = arith.cmpi sgt, %add3A_918, %sign3A_921 : i32
      %sign3A_923 = arith.extui %sign3A_922 : i1 to i32
      %sign3A_924 = arith.constant 0 : i32
      %sign3A_925 = arith.cmpi slt, %add3A_918, %sign3A_924 : i32
      %sign3A_926 = arith.extui %sign3A_925 : i1 to i32
      %sign3A_927 = arith.subi %sign3A_923, %sign3A_926 : i32
      %sign3A_928 = arith.constant 0 : i32
      %sign3A_929 = arith.cmpi sgt, %jit3A_919, %sign3A_928 : i32
      %sign3A_930 = arith.extui %sign3A_929 : i1 to i32
      %sign3A_931 = arith.constant 0 : i32
      %sign3A_932 = arith.cmpi slt, %jit3A_919, %sign3A_931 : i32
      %sign3A_933 = arith.extui %sign3A_932 : i1 to i32
      %sign3A_934 = arith.subi %sign3A_930, %sign3A_933 : i32
      %ne3A_935 = arith.cmpi ne, %sign3A_927, %sign3A_934 : i32
      %rem3A_936 = arith.remsi %add3A_918, %jit3A_919 : i32
      %ne3A_937 = arith.constant 0 : i32
      %ne3A_938 = arith.cmpi ne, %rem3A_936, %ne3A_937 : i32
      %and3A_939 = arith.andi %ne3A_935, %ne3A_938 : i1
      %sub3A_940 = arith.constant 1 : i32
      %sub3A_941 = arith.subi %div3A_920, %sub3A_940 : i32
      %select_n3A_942 = arith.select %and3A_939, %sub3A_941, %div3A_920 : i32
      %mul3A_943 = arith.constant 8 : i32
      %mul3A_944 = arith.muli %select_n3A_942, %mul3A_943 : i32
      %jit3A_945 = arith.constant 32 : i32
      %eq3A_946 = arith.constant 0 : i32
      %eq3A_947 = arith.cmpi eq, %jit3A_945, %eq3A_946 : i32
      %jit3A_948 = arith.constant 1 : i32
      %select_n3A_949 = arith.select %eq3A_947, %jit3A_948, %jit3A_945 : i32
      %rem3A_950 = arith.remsi %add3A_918, %select_n3A_949 : i32
      %ne3A_951 = arith.constant 0 : i32
      %ne3A_952 = arith.cmpi ne, %rem3A_950, %ne3A_951 : i32
      %lt3A_953 = arith.constant 0 : i32
      %lt3A_954 = arith.cmpi slt, %rem3A_950, %lt3A_953 : i32
      %lt3A_955 = arith.constant 0 : i32
      %lt3A_956 = arith.cmpi slt, %select_n3A_949, %lt3A_955 : i32
      %ne3A_957 = arith.xori %lt3A_954, %lt3A_956 : i1
      %and3A_958 = arith.andi %ne3A_957, %ne3A_952 : i1
      %add3A_959 = arith.addi %rem3A_950, %select_n3A_949 : i32
      %select_n3A_960 = arith.select %and3A_958, %add3A_959, %rem3A_950 : i32
      %dma_start3A_961 = arith.constant 2 : i32
      %dma_start3A_962 = arith.constant 0 : i32
      %dma_start3A_963 = arith.constant 0 : i32
      %dma_start3A_964 = arith.constant 0 : i32
      %dma_start3A_965 = arith.constant 0 : i32
      %dma_start3A_966 = tpu.memref_slice %arg8[%dma_start3A_961, %dma_start3A_962, %dma_start3A_963, %dma_start3A_964, %dma_start3A_965] : memref<4x8x1x8x129xf32, #tpu.memory_space<vmem>> -> memref<1x8x1x8x128xf32, #tpu.memory_space<vmem>>
      %dma_start3A_967 = tpu.memref_squeeze %dma_start3A_966 : memref<1x8x1x8x128xf32, #tpu.memory_space<vmem>> -> memref<8x1x8x128xf32, #tpu.memory_space<vmem>>
      %dma_start3A_968 = arith.constant 0 : i32
      %dma_start3A_969 = arith.constant 0 : i32
      %dma_start3A_970 = tpu.memref_slice %arg4[%mul3A_944, %select_n3A_960, %dma_start3A_968, %dma_start3A_969] : memref<1600x32x8x128xf32, #tpu.memory_space<hbm>> -> memref<8x1x8x128xf32, #tpu.memory_space<hbm>>
      %dma_start3A_971 = arith.constant 0 : i32
      %dma_start3A_972 = arith.constant 0 : i32
      %dma_start3A_973 = tpu.memref_slice %arg4[%mul3A_944, %select_n3A_960, %dma_start3A_971, %dma_start3A_972] : memref<1600x32x8x128xf32, #tpu.memory_space<hbm>> -> memref<8x1x8x128xf32, #tpu.memory_space<hbm>>
      %dma_start3A_974 = arith.constant 0 : i32
      %dma_start3A_975 = arith.constant 0 : i32
      %dma_start3A_976 = arith.constant 0 : i32
      %dma_start3A_977 = arith.constant 0 : i32
      %dma_start3A_978 = tpu.memref_slice %arg8[%dma_start3A_961, %dma_start3A_974, %dma_start3A_975, %dma_start3A_976, %dma_start3A_977] : memref<4x8x1x8x129xf32, #tpu.memory_space<vmem>> -> memref<1x8x1x8x128xf32, #tpu.memory_space<vmem>>
      %dma_start3A_979 = tpu.memref_squeeze %dma_start3A_978 : memref<1x8x1x8x128xf32, #tpu.memory_space<vmem>> -> memref<8x1x8x128xf32, #tpu.memory_space<vmem>>
      tpu.enqueue_dma source(%dma_start3A_979 : memref<8x1x8x128xf32, #tpu.memory_space<vmem>>) target(%dma_start3A_973 : memref<8x1x8x128xf32, #tpu.memory_space<hbm>>) target_semaphore(%arg13 : memref<!tpu.dma_semaphore, #tpu.memory_space<semaphore_mem>>)
    }
    %scan3A_298 = arith.constant 49 : i32
    %dma_wait3A_299 = arith.constant 1 : i32
    %dma_wait3A_300 = arith.constant 1 : i32
    %dma_wait3A_301 = arith.constant 0 : i32
    %dma_wait3A_302 = arith.constant 0 : i32
    %dma_wait3A_303 = tpu.memref_slice %arg7[%dma_wait3A_300, %dma_wait3A_301, %dma_wait3A_302] : memref<2x128x64xf32, #tpu.memory_space<vmem>> -> memref<1x128x64xf32, #tpu.memory_space<vmem>>
    %dma_wait3A_304 = tpu.memref_squeeze %dma_wait3A_303 : memref<1x128x64xf32, #tpu.memory_space<vmem>> -> memref<128x64xf32, #tpu.memory_space<vmem>>
    %dma_wait3A_305 = arith.constant 0 : i32
    %dma_wait3A_306 = tpu.memref_slice %arg6[%dma_wait3A_299, %dma_wait3A_305] : memref<2x128xi32, #tpu.memory_space<vmem>> -> memref<1x128xi32, #tpu.memory_space<vmem>>
    %dma_wait3A_307 = tpu.memref_squeeze %dma_wait3A_306 : memref<1x128xi32, #tpu.memory_space<vmem>> -> memref<128xi32, #tpu.memory_space<vmem>>
    %dma_wait3A_308 = arith.constant 0 : i32
    %dma_wait3A_309 = arith.constant 0 : i32
    %dma_wait3A_310 = tpu.memref_slice %arg3[%dma_wait3A_308, %dma_wait3A_309] : memref<2000000x64xf32, #tpu.memory_space<hbm>> -> memref<2000000x64xf32, #tpu.memory_space<hbm>>
    tpu.wait_indirect_dma semaphore(%arg10 : memref<!tpu.dma_semaphore, #tpu.memory_space<semaphore_mem>>) src(%dma_wait3A_310 : memref<2000000x64xf32, #tpu.memory_space<hbm>>) dst(%dma_wait3A_304 : memref<128x64xf32, #tpu.memory_space<vmem>>)
    %parallel_loop3A_311 = arith.constant 0 : i32
    %parallel_loop3A_312 = arith.constant 128 : i32
    %parallel_loop3A_313 = arith.constant 1 : i32
    scf.for %parallel_loop3A_469 = %parallel_loop3A_311 to %parallel_loop3A_312 step %parallel_loop3A_313  : i32 {
      %parallel_loop3A_470 = arith.constant 1 : i32
      %parallel_loop3A_471 = arith.index_cast %parallel_loop3A_470 : i32 to index
      %parallel_loop3A_472 = arith.index_cast %parallel_loop3A_469 : i32 to index
      %parallel_loop3A_473 = arith.constant 0 : index
      %parallel_loop3A_474 = tpu.vector_load %arg7[%parallel_loop3A_471, %parallel_loop3A_472, %parallel_loop3A_473] {strides = array<i32>} : memref<2x128x64xf32, #tpu.memory_space<vmem>>, vector<16xf32>,
      %parallel_loop3A_475 = arith.constant 0 : i32
      %parallel_loop3A_476 = vector.broadcast %parallel_loop3A_475 : i32 to vector<16xi32>
      %parallel_loop3A_477 = arith.addi %shift_right_arithmetic3A_9, %parallel_loop3A_476 : vector<16xi32>
      %parallel_loop3A_478 = vector.broadcast %parallel_loop3A_469 : i32 to vector<16xi32>
      %parallel_loop3A_479 = arith.addi %mul3A_7, %parallel_loop3A_478 : vector<16xi32>
      %parallel_loop3A_480 = arith.constant 3 : i32
      %parallel_loop3A_481 = arith.constant 0 : i32
      %parallel_loop3A_482 = arith.constant 0 : i32
      %parallel_loop3A_483 = arith.constant 0 : i32
      %parallel_loop3A_484 = arith.constant 0 : i32
      %parallel_loop3A_485 = tpu.memref_slice %arg8[%parallel_loop3A_480, %parallel_loop3A_481, %parallel_loop3A_482, %parallel_loop3A_483, %parallel_loop3A_484] : memref<4x8x1x8x129xf32, #tpu.memory_space<vmem>> -> memref<1x8x1x8x129xf32, #tpu.memory_space<vmem>>
      %parallel_loop3A_486 = tpu.memref_squeeze %parallel_loop3A_485 : memref<1x8x1x8x129xf32, #tpu.memory_space<vmem>> -> memref<8x1x8x129xf32, #tpu.memory_space<vmem>>
      tpu.vector_store_idx %parallel_loop3A_486[%parallel_loop3A_477, %mul3A_7, %and3A_11, %parallel_loop3A_479], %parallel_loop3A_474 : memref<8x1x8x129xf32, #tpu.memory_space<vmem>>[vector<16xi32>, vector<16xi32>, vector<16xi32>, vector<16xi32>], vector<16xf32>,
      %parallel_loop3A_487 = arith.constant 1 : i32
      %parallel_loop3A_488 = arith.index_cast %parallel_loop3A_487 : i32 to index
      %parallel_loop3A_489 = arith.index_cast %parallel_loop3A_469 : i32 to index
      %parallel_loop3A_490 = arith.constant 16 : index
      %parallel_loop3A_491 = tpu.vector_load %arg7[%parallel_loop3A_488, %parallel_loop3A_489, %parallel_loop3A_490] {strides = array<i32>} : memref<2x128x64xf32, #tpu.memory_space<vmem>>, vector<16xf32>,
      %parallel_loop3A_492 = arith.constant 2 : i32
      %parallel_loop3A_493 = vector.broadcast %parallel_loop3A_492 : i32 to vector<16xi32>
      %parallel_loop3A_494 = arith.addi %shift_right_arithmetic3A_9, %parallel_loop3A_493 : vector<16xi32>
      %parallel_loop3A_495 = vector.broadcast %parallel_loop3A_469 : i32 to vector<16xi32>
      %parallel_loop3A_496 = arith.addi %mul3A_7, %parallel_loop3A_495 : vector<16xi32>
      %parallel_loop3A_497 = arith.constant 3 : i32
      %parallel_loop3A_498 = arith.constant 0 : i32
      %parallel_loop3A_499 = arith.constant 0 : i32
      %parallel_loop3A_500 = arith.constant 0 : i32
      %parallel_loop3A_501 = arith.constant 0 : i32
      %parallel_loop3A_502 = tpu.memref_slice %arg8[%parallel_loop3A_497, %parallel_loop3A_498, %parallel_loop3A_499, %parallel_loop3A_500, %parallel_loop3A_501] : memref<4x8x1x8x129xf32, #tpu.memory_space<vmem>> -> memref<1x8x1x8x129xf32, #tpu.memory_space<vmem>>
      %parallel_loop3A_503 = tpu.memref_squeeze %parallel_loop3A_502 : memref<1x8x1x8x129xf32, #tpu.memory_space<vmem>> -> memref<8x1x8x129xf32, #tpu.memory_space<vmem>>
      tpu.vector_store_idx %parallel_loop3A_503[%parallel_loop3A_494, %mul3A_7, %and3A_11, %parallel_loop3A_496], %parallel_loop3A_491 : memref<8x1x8x129xf32, #tpu.memory_space<vmem>>[vector<16xi32>, vector<16xi32>, vector<16xi32>, vector<16xi32>], vector<16xf32>,
      %parallel_loop3A_504 = arith.constant 1 : i32
      %parallel_loop3A_505 = arith.index_cast %parallel_loop3A_504 : i32 to index
      %parallel_loop3A_506 = arith.index_cast %parallel_loop3A_469 : i32 to index
      %parallel_loop3A_507 = arith.constant 32 : index
      %parallel_loop3A_508 = tpu.vector_load %arg7[%parallel_loop3A_505, %parallel_loop3A_506, %parallel_loop3A_507] {strides = array<i32>} : memref<2x128x64xf32, #tpu.memory_space<vmem>>, vector<16xf32>,
      %parallel_loop3A_509 = arith.constant 4 : i32
      %parallel_loop3A_510 = vector.broadcast %parallel_loop3A_509 : i32 to vector<16xi32>
      %parallel_loop3A_511 = arith.addi %shift_right_arithmetic3A_9, %parallel_loop3A_510 : vector<16xi32>
      %parallel_loop3A_512 = vector.broadcast %parallel_loop3A_469 : i32 to vector<16xi32>
      %parallel_loop3A_513 = arith.addi %mul3A_7, %parallel_loop3A_512 : vector<16xi32>
      %parallel_loop3A_514 = arith.constant 3 : i32
      %parallel_loop3A_515 = arith.constant 0 : i32
      %parallel_loop3A_516 = arith.constant 0 : i32
      %parallel_loop3A_517 = arith.constant 0 : i32
      %parallel_loop3A_518 = arith.constant 0 : i32
      %parallel_loop3A_519 = tpu.memref_slice %arg8[%parallel_loop3A_514, %parallel_loop3A_515, %parallel_loop3A_516, %parallel_loop3A_517, %parallel_loop3A_518] : memref<4x8x1x8x129xf32, #tpu.memory_space<vmem>> -> memref<1x8x1x8x129xf32, #tpu.memory_space<vmem>>
      %parallel_loop3A_520 = tpu.memref_squeeze %parallel_loop3A_519 : memref<1x8x1x8x129xf32, #tpu.memory_space<vmem>> -> memref<8x1x8x129xf32, #tpu.memory_space<vmem>>
      tpu.vector_store_idx %parallel_loop3A_520[%parallel_loop3A_511, %mul3A_7, %and3A_11, %parallel_loop3A_513], %parallel_loop3A_508 : memref<8x1x8x129xf32, #tpu.memory_space<vmem>>[vector<16xi32>, vector<16xi32>, vector<16xi32>, vector<16xi32>], vector<16xf32>,
      %parallel_loop3A_521 = arith.constant 1 : i32
      %parallel_loop3A_522 = arith.index_cast %parallel_loop3A_521 : i32 to index
      %parallel_loop3A_523 = arith.index_cast %parallel_loop3A_469 : i32 to index
      %parallel_loop3A_524 = arith.constant 48 : index
      %parallel_loop3A_525 = tpu.vector_load %arg7[%parallel_loop3A_522, %parallel_loop3A_523, %parallel_loop3A_524] {strides = array<i32>} : memref<2x128x64xf32, #tpu.memory_space<vmem>>, vector<16xf32>,
      %parallel_loop3A_526 = arith.constant 6 : i32
      %parallel_loop3A_527 = vector.broadcast %parallel_loop3A_526 : i32 to vector<16xi32>
      %parallel_loop3A_528 = arith.addi %shift_right_arithmetic3A_9, %parallel_loop3A_527 : vector<16xi32>
      %parallel_loop3A_529 = vector.broadcast %parallel_loop3A_469 : i32 to vector<16xi32>
      %parallel_loop3A_530 = arith.addi %mul3A_7, %parallel_loop3A_529 : vector<16xi32>
      %parallel_loop3A_531 = arith.constant 3 : i32
      %parallel_loop3A_532 = arith.constant 0 : i32
      %parallel_loop3A_533 = arith.constant 0 : i32
      %parallel_loop3A_534 = arith.constant 0 : i32
      %parallel_loop3A_535 = arith.constant 0 : i32
      %parallel_loop3A_536 = tpu.memref_slice %arg8[%parallel_loop3A_531, %parallel_loop3A_532, %parallel_loop3A_533, %parallel_loop3A_534, %parallel_loop3A_535] : memref<4x8x1x8x129xf32, #tpu.memory_space<vmem>> -> memref<1x8x1x8x129xf32, #tpu.memory_space<vmem>>
      %parallel_loop3A_537 = tpu.memref_squeeze %parallel_loop3A_536 : memref<1x8x1x8x129xf32, #tpu.memory_space<vmem>> -> memref<8x1x8x129xf32, #tpu.memory_space<vmem>>
      tpu.vector_store_idx %parallel_loop3A_537[%parallel_loop3A_528, %mul3A_7, %and3A_11, %parallel_loop3A_530], %parallel_loop3A_525 : memref<8x1x8x129xf32, #tpu.memory_space<vmem>>[vector<16xi32>, vector<16xi32>, vector<16xi32>, vector<16xi32>], vector<16xf32>,
    } {sc.loop_unroll_factor = 1 : i64, sc.parallel_access}
    %add3A_314 = arith.constant 199 : i32
    %add3A_315 = arith.addi %mul3A_4, %add3A_314 : i32
    %jit3A_316 = arith.constant 32 : i32
    %div3A_317 = arith.divsi %add3A_315, %jit3A_316 : i32
    %sign3A_318 = arith.constant 0 : i32
    %sign3A_319 = arith.cmpi sgt, %add3A_315, %sign3A_318 : i32
    %sign3A_320 = arith.extui %sign3A_319 : i1 to i32
    %sign3A_321 = arith.constant 0 : i32
    %sign3A_322 = arith.cmpi slt, %add3A_315, %sign3A_321 : i32
    %sign3A_323 = arith.extui %sign3A_322 : i1 to i32
    %sign3A_324 = arith.subi %sign3A_320, %sign3A_323 : i32
    %sign3A_325 = arith.constant 0 : i32
    %sign3A_326 = arith.cmpi sgt, %jit3A_316, %sign3A_325 : i32
    %sign3A_327 = arith.extui %sign3A_326 : i1 to i32
    %sign3A_328 = arith.constant 0 : i32
    %sign3A_329 = arith.cmpi slt, %jit3A_316, %sign3A_328 : i32
    %sign3A_330 = arith.extui %sign3A_329 : i1 to i32
    %sign3A_331 = arith.subi %sign3A_327, %sign3A_330 : i32
    %ne3A_332 = arith.cmpi ne, %sign3A_324, %sign3A_331 : i32
    %rem3A_333 = arith.remsi %add3A_315, %jit3A_316 : i32
    %ne3A_334 = arith.constant 0 : i32
    %ne3A_335 = arith.cmpi ne, %rem3A_333, %ne3A_334 : i32
    %and3A_336 = arith.andi %ne3A_332, %ne3A_335 : i1
    %sub3A_337 = arith.constant 1 : i32
    %sub3A_338 = arith.subi %div3A_317, %sub3A_337 : i32
    %select_n3A_339 = arith.select %and3A_336, %sub3A_338, %div3A_317 : i32
    %mul3A_340 = arith.constant 8 : i32
    %mul3A_341 = arith.muli %select_n3A_339, %mul3A_340 : i32
    %jit3A_342 = arith.constant 32 : i32
    %eq3A_343 = arith.constant 0 : i32
    %eq3A_344 = arith.cmpi eq, %jit3A_342, %eq3A_343 : i32
    %jit3A_345 = arith.constant 1 : i32
    %select_n3A_346 = arith.select %eq3A_344, %jit3A_345, %jit3A_342 : i32
    %rem3A_347 = arith.remsi %add3A_315, %select_n3A_346 : i32
    %ne3A_348 = arith.constant 0 : i32
    %ne3A_349 = arith.cmpi ne, %rem3A_347, %ne3A_348 : i32
    %lt3A_350 = arith.constant 0 : i32
    %lt3A_351 = arith.cmpi slt, %rem3A_347, %lt3A_350 : i32
    %lt3A_352 = arith.constant 0 : i32
    %lt3A_353 = arith.cmpi slt, %select_n3A_346, %lt3A_352 : i32
    %ne3A_354 = arith.xori %lt3A_351, %lt3A_353 : i1
    %and3A_355 = arith.andi %ne3A_354, %ne3A_349 : i1
    %add3A_356 = arith.addi %rem3A_347, %select_n3A_346 : i32
    %select_n3A_357 = arith.select %and3A_355, %add3A_356, %rem3A_347 : i32
    %dma_start3A_358 = arith.constant 3 : i32
    %dma_start3A_359 = arith.constant 0 : i32
    %dma_start3A_360 = arith.constant 0 : i32
    %dma_start3A_361 = arith.constant 0 : i32
    %dma_start3A_362 = arith.constant 0 : i32
    %dma_start3A_363 = tpu.memref_slice %arg8[%dma_start3A_358, %dma_start3A_359, %dma_start3A_360, %dma_start3A_361, %dma_start3A_362] : memref<4x8x1x8x129xf32, #tpu.memory_space<vmem>> -> memref<1x8x1x8x128xf32, #tpu.memory_space<vmem>>
    %dma_start3A_364 = tpu.memref_squeeze %dma_start3A_363 : memref<1x8x1x8x128xf32, #tpu.memory_space<vmem>> -> memref<8x1x8x128xf32, #tpu.memory_space<vmem>>
    %dma_start3A_365 = arith.constant 0 : i32
    %dma_start3A_366 = arith.constant 0 : i32
    %dma_start3A_367 = tpu.memref_slice %arg4[%mul3A_341, %select_n3A_357, %dma_start3A_365, %dma_start3A_366] : memref<1600x32x8x128xf32, #tpu.memory_space<hbm>> -> memref<8x1x8x128xf32, #tpu.memory_space<hbm>>
    %dma_start3A_368 = arith.constant 0 : i32
    %dma_start3A_369 = arith.constant 0 : i32
    %dma_start3A_370 = tpu.memref_slice %arg4[%mul3A_341, %select_n3A_357, %dma_start3A_368, %dma_start3A_369] : memref<1600x32x8x128xf32, #tpu.memory_space<hbm>> -> memref<8x1x8x128xf32, #tpu.memory_space<hbm>>
    %dma_start3A_371 = arith.constant 0 : i32
    %dma_start3A_372 = arith.constant 0 : i32
    %dma_start3A_373 = arith.constant 0 : i32
    %dma_start3A_374 = arith.constant 0 : i32
    %dma_start3A_375 = tpu.memref_slice %arg8[%dma_start3A_358, %dma_start3A_371, %dma_start3A_372, %dma_start3A_373, %dma_start3A_374] : memref<4x8x1x8x129xf32, #tpu.memory_space<vmem>> -> memref<1x8x1x8x128xf32, #tpu.memory_space<vmem>>
    %dma_start3A_376 = tpu.memref_squeeze %dma_start3A_375 : memref<1x8x1x8x128xf32, #tpu.memory_space<vmem>> -> memref<8x1x8x128xf32, #tpu.memory_space<vmem>>
    tpu.enqueue_dma source(%dma_start3A_376 : memref<8x1x8x128xf32, #tpu.memory_space<vmem>>) target(%dma_start3A_370 : memref<8x1x8x128xf32, #tpu.memory_space<hbm>>) target_semaphore(%arg14 : memref<!tpu.dma_semaphore, #tpu.memory_space<semaphore_mem>>)
    %dma_wait3A_377 = arith.constant 0 : i32
    %dma_wait3A_378 = arith.constant 0 : i32
    %dma_wait3A_379 = arith.constant 0 : i32
    %dma_wait3A_380 = arith.constant 0 : i32
    %dma_wait3A_381 = arith.constant 0 : i32
    %dma_wait3A_382 = tpu.memref_slice %arg8[%dma_wait3A_377, %dma_wait3A_378, %dma_wait3A_379, %dma_wait3A_380, %dma_wait3A_381] : memref<4x8x1x8x129xf32, #tpu.memory_space<vmem>> -> memref<1x8x1x8x128xf32, #tpu.memory_space<vmem>>
    %dma_wait3A_383 = tpu.memref_squeeze %dma_wait3A_382 : memref<1x8x1x8x128xf32, #tpu.memory_space<vmem>> -> memref<8x1x8x128xf32, #tpu.memory_space<vmem>>
    %dma_wait3A_384 = arith.constant 0 : i32
    %dma_wait3A_385 = arith.constant 0 : i32
    %dma_wait3A_386 = arith.constant 0 : i32
    %dma_wait3A_387 = arith.constant 0 : i32
    %dma_wait3A_388 = tpu.memref_slice %arg4[%dma_wait3A_384, %dma_wait3A_385, %dma_wait3A_386, %dma_wait3A_387] : memref<1600x32x8x128xf32, #tpu.memory_space<hbm>> -> memref<8x1x8x128xf32, #tpu.memory_space<hbm>>
    %dma_wait3A_389 = arith.constant 0 : i32
    %dma_wait3A_390 = arith.constant 0 : i32
    %dma_wait3A_391 = arith.constant 0 : i32
    %dma_wait3A_392 = arith.constant 0 : i32
    %dma_wait3A_393 = tpu.memref_slice %arg4[%dma_wait3A_389, %dma_wait3A_390, %dma_wait3A_391, %dma_wait3A_392] : memref<1600x32x8x128xf32, #tpu.memory_space<hbm>> -> memref<8x1x8x128xf32, #tpu.memory_space<hbm>>
    %dma_wait3A_394 = arith.constant 0 : i32
    %dma_wait3A_395 = arith.constant 0 : i32
    %dma_wait3A_396 = arith.constant 0 : i32
    %dma_wait3A_397 = arith.constant 0 : i32
    %dma_wait3A_398 = tpu.memref_slice %arg8[%dma_wait3A_377, %dma_wait3A_394, %dma_wait3A_395, %dma_wait3A_396, %dma_wait3A_397] : memref<4x8x1x8x129xf32, #tpu.memory_space<vmem>> -> memref<1x8x1x8x128xf32, #tpu.memory_space<vmem>>
    %dma_wait3A_399 = tpu.memref_squeeze %dma_wait3A_398 : memref<1x8x1x8x128xf32, #tpu.memory_space<vmem>> -> memref<8x1x8x128xf32, #tpu.memory_space<vmem>>
    tpu.wait_dma2 semaphore(%arg11 : memref<!tpu.dma_semaphore, #tpu.memory_space<semaphore_mem>>) src(%dma_wait3A_399 : memref<8x1x8x128xf32, #tpu.memory_space<vmem>>) dst(%dma_wait3A_393 : memref<8x1x8x128xf32, #tpu.memory_space<hbm>>)
    %dma_wait3A_400 = arith.constant 1 : i32
    %dma_wait3A_401 = arith.constant 0 : i32
    %dma_wait3A_402 = arith.constant 0 : i32
    %dma_wait3A_403 = arith.constant 0 : i32
    %dma_wait3A_404 = arith.constant 0 : i32
    %dma_wait3A_405 = tpu.memref_slice %arg8[%dma_wait3A_400, %dma_wait3A_401, %dma_wait3A_402, %dma_wait3A_403, %dma_wait3A_404] : memref<4x8x1x8x129xf32, #tpu.memory_space<vmem>> -> memref<1x8x1x8x128xf32, #tpu.memory_space<vmem>>
    %dma_wait3A_406 = tpu.memref_squeeze %dma_wait3A_405 : memref<1x8x1x8x128xf32, #tpu.memory_space<vmem>> -> memref<8x1x8x128xf32, #tpu.memory_space<vmem>>
    %dma_wait3A_407 = arith.constant 0 : i32
    %dma_wait3A_408 = arith.constant 0 : i32
    %dma_wait3A_409 = arith.constant 0 : i32
    %dma_wait3A_410 = arith.constant 0 : i32
    %dma_wait3A_411 = tpu.memref_slice %arg4[%dma_wait3A_407, %dma_wait3A_408, %dma_wait3A_409, %dma_wait3A_410] : memref<1600x32x8x128xf32, #tpu.memory_space<hbm>> -> memref<8x1x8x128xf32, #tpu.memory_space<hbm>>
    %dma_wait3A_412 = arith.constant 0 : i32
    %dma_wait3A_413 = arith.constant 0 : i32
    %dma_wait3A_414 = arith.constant 0 : i32
    %dma_wait3A_415 = arith.constant 0 : i32
    %dma_wait3A_416 = tpu.memref_slice %arg4[%dma_wait3A_412, %dma_wait3A_413, %dma_wait3A_414, %dma_wait3A_415] : memref<1600x32x8x128xf32, #tpu.memory_space<hbm>> -> memref<8x1x8x128xf32, #tpu.memory_space<hbm>>
    %dma_wait3A_417 = arith.constant 0 : i32
    %dma_wait3A_418 = arith.constant 0 : i32
    %dma_wait3A_419 = arith.constant 0 : i32
    %dma_wait3A_420 = arith.constant 0 : i32
    %dma_wait3A_421 = tpu.memref_slice %arg8[%dma_wait3A_400, %dma_wait3A_417, %dma_wait3A_418, %dma_wait3A_419, %dma_wait3A_420] : memref<4x8x1x8x129xf32, #tpu.memory_space<vmem>> -> memref<1x8x1x8x128xf32, #tpu.memory_space<vmem>>
    %dma_wait3A_422 = tpu.memref_squeeze %dma_wait3A_421 : memref<1x8x1x8x128xf32, #tpu.memory_space<vmem>> -> memref<8x1x8x128xf32, #tpu.memory_space<vmem>>
    tpu.wait_dma2 semaphore(%arg12 : memref<!tpu.dma_semaphore, #tpu.memory_space<semaphore_mem>>) src(%dma_wait3A_422 : memref<8x1x8x128xf32, #tpu.memory_space<vmem>>) dst(%dma_wait3A_416 : memref<8x1x8x128xf32, #tpu.memory_space<hbm>>)
    %dma_wait3A_423 = arith.constant 2 : i32
    %dma_wait3A_424 = arith.constant 0 : i32
    %dma_wait3A_425 = arith.constant 0 : i32
    %dma_wait3A_426 = arith.constant 0 : i32
    %dma_wait3A_427 = arith.constant 0 : i32
    %dma_wait3A_428 = tpu.memref_slice %arg8[%dma_wait3A_423, %dma_wait3A_424, %dma_wait3A_425, %dma_wait3A_426, %dma_wait3A_427] : memref<4x8x1x8x129xf32, #tpu.memory_space<vmem>> -> memref<1x8x1x8x128xf32, #tpu.memory_space<vmem>>
    %dma_wait3A_429 = tpu.memref_squeeze %dma_wait3A_428 : memref<1x8x1x8x128xf32, #tpu.memory_space<vmem>> -> memref<8x1x8x128xf32, #tpu.memory_space<vmem>>
    %dma_wait3A_430 = arith.constant 0 : i32
    %dma_wait3A_431 = arith.constant 0 : i32
    %dma_wait3A_432 = arith.constant 0 : i32
    %dma_wait3A_433 = arith.constant 0 : i32
    %dma_wait3A_434 = tpu.memref_slice %arg4[%dma_wait3A_430, %dma_wait3A_431, %dma_wait3A_432, %dma_wait3A_433] : memref<1600x32x8x128xf32, #tpu.memory_space<hbm>> -> memref<8x1x8x128xf32, #tpu.memory_space<hbm>>
    %dma_wait3A_435 = arith.constant 0 : i32
    %dma_wait3A_436 = arith.constant 0 : i32
    %dma_wait3A_437 = arith.constant 0 : i32
    %dma_wait3A_438 = arith.constant 0 : i32
    %dma_wait3A_439 = tpu.memref_slice %arg4[%dma_wait3A_435, %dma_wait3A_436, %dma_wait3A_437, %dma_wait3A_438] : memref<1600x32x8x128xf32, #tpu.memory_space<hbm>> -> memref<8x1x8x128xf32, #tpu.memory_space<hbm>>
    %dma_wait3A_440 = arith.constant 0 : i32
    %dma_wait3A_441 = arith.constant 0 : i32
    %dma_wait3A_442 = arith.constant 0 : i32
    %dma_wait3A_443 = arith.constant 0 : i32
    %dma_wait3A_444 = tpu.memref_slice %arg8[%dma_wait3A_423, %dma_wait3A_440, %dma_wait3A_441, %dma_wait3A_442, %dma_wait3A_443] : memref<4x8x1x8x129xf32, #tpu.memory_space<vmem>> -> memref<1x8x1x8x128xf32, #tpu.memory_space<vmem>>
    %dma_wait3A_445 = tpu.memref_squeeze %dma_wait3A_444 : memref<1x8x1x8x128xf32, #tpu.memory_space<vmem>> -> memref<8x1x8x128xf32, #tpu.memory_space<vmem>>
    tpu.wait_dma2 semaphore(%arg13 : memref<!tpu.dma_semaphore, #tpu.memory_space<semaphore_mem>>) src(%dma_wait3A_445 : memref<8x1x8x128xf32, #tpu.memory_space<vmem>>) dst(%dma_wait3A_439 : memref<8x1x8x128xf32, #tpu.memory_space<hbm>>)
    %dma_wait3A_446 = arith.constant 3 : i32
    %dma_wait3A_447 = arith.constant 0 : i32
    %dma_wait3A_448 = arith.constant 0 : i32
    %dma_wait3A_449 = arith.constant 0 : i32
    %dma_wait3A_450 = arith.constant 0 : i32
    %dma_wait3A_451 = tpu.memref_slice %arg8[%dma_wait3A_446, %dma_wait3A_447, %dma_wait3A_448, %dma_wait3A_449, %dma_wait3A_450] : memref<4x8x1x8x129xf32, #tpu.memory_space<vmem>> -> memref<1x8x1x8x128xf32, #tpu.memory_space<vmem>>
    %dma_wait3A_452 = tpu.memref_squeeze %dma_wait3A_451 : memref<1x8x1x8x128xf32, #tpu.memory_space<vmem>> -> memref<8x1x8x128xf32, #tpu.memory_space<vmem>>
    %dma_wait3A_453 = arith.constant 0 : i32
    %dma_wait3A_454 = arith.constant 0 : i32
    %dma_wait3A_455 = arith.constant 0 : i32
    %dma_wait3A_456 = arith.constant 0 : i32
    %dma_wait3A_457 = tpu.memref_slice %arg4[%dma_wait3A_453, %dma_wait3A_454, %dma_wait3A_455, %dma_wait3A_456] : memref<1600x32x8x128xf32, #tpu.memory_space<hbm>> -> memref<8x1x8x128xf32, #tpu.memory_space<hbm>>
    %dma_wait3A_458 = arith.constant 0 : i32
    %dma_wait3A_459 = arith.constant 0 : i32
    %dma_wait3A_460 = arith.constant 0 : i32
    %dma_wait3A_461 = arith.constant 0 : i32
    %dma_wait3A_462 = tpu.memref_slice %arg4[%dma_wait3A_458, %dma_wait3A_459, %dma_wait3A_460, %dma_wait3A_461] : memref<1600x32x8x128xf32, #tpu.memory_space<hbm>> -> memref<8x1x8x128xf32, #tpu.memory_space<hbm>>
    %dma_wait3A_463 = arith.constant 0 : i32
    %dma_wait3A_464 = arith.constant 0 : i32
    %dma_wait3A_465 = arith.constant 0 : i32
    %dma_wait3A_466 = arith.constant 0 : i32
    %dma_wait3A_467 = tpu.memref_slice %arg8[%dma_wait3A_446, %dma_wait3A_463, %dma_wait3A_464, %dma_wait3A_465, %dma_wait3A_466] : memref<4x8x1x8x129xf32, #tpu.memory_space<vmem>> -> memref<1x8x1x8x128xf32, #tpu.memory_space<vmem>>
    %dma_wait3A_468 = tpu.memref_squeeze %dma_wait3A_467 : memref<1x8x1x8x128xf32, #tpu.memory_space<vmem>> -> memref<8x1x8x128xf32, #tpu.memory_space<vmem>>
    tpu.wait_dma2 semaphore(%arg14 : memref<!tpu.dma_semaphore, #tpu.memory_space<semaphore_mem>>) src(%dma_wait3A_468 : memref<8x1x8x128xf32, #tpu.memory_space<vmem>>) dst(%dma_wait3A_462 : memref<8x1x8x128xf32, #tpu.memory_space<hbm>>)
    return
  }
}

</mosaic_0001>

<sc_bundles>
// kernel: kernel.3.cloned.1.call-start
scs
__scs_entry_jumppad:
0x0: {  	(pc) =	sbr.rel $0x88, $3  }
0x1: {  	(tag) =	ssettag $0x0;
	lr =	simm.s32 $0x1  }
0x2: {  	[smem:$0x3F9F] =	sst lr;
	_ =	strace $0xD0000000  }
0x3: {  	_ = 	snop  }
0x4: {  	_ = 	snop  }
0x5: {  	_ = 	snop  }
0x6: {  	_ = 	snop  }
0x7: {  	_ = 	snop  }
__scs_overlays_trampoline_lowered:
0x8: {  	[smem:$0x3FAE] =	sst s0  }
0x9: {  	[smem:$0x3FAF] =	sst s1  }
0xa: {  	[smem:$0x3FB0] =	sst s2  }
0xb: {  	[smem:$0x3FB1] =	sst s3  }
0xc: {  	[smem:$0x3FB2] =	sst s4  }
0xd: {  	[smem:$0x3FB3] =	sst s5  }
0xe: {  	[smem:$0x3FB4] =	sst s6  }
0xf: {  	[smem:$0x3FB5] =	sst s7  }
0x10: {  	[smem:$0x3FB6] =	sst s8  }
0x11: {  	[smem:$0x3FB7] =	sst s9;
	s0 =	simm.s32 @!p0 $0x0  }
0x12: {  	s1 =	sld [smem:$0x3F9D];
	s0 =	simm.s32 @p0 $0x1  }
0x13: {  	[smem:$0x3FB8] =	sst s0;
	s0 =	simm.s32 @!p1 $0x0  }
0x14: {  	s2 =	sld [smem:$0x3F9C];
	s0 =	simm.s32 @p1 $0x1  }
0x15: {  	[smem:$0x3FB9] =	sst s0;
	s0 =	simm.s32 @!p2 $0x0  }
0x16: {  	s3 =	sld [smem:$0x3FDB];
	s0 =	simm.s32 @p2 $0x1  }
0x17: {  	s4 =	simm.s32 $0x1BF5;
	[smem:$0x3FBB] =	sst s0  }
0x18: {  	s0 =	sld [smem:$0x3F9E];
	_ =	swait.ge [sflag:s4], $0x0  }
0x19: {  	s7 =	sld [smem:$0x3F9F]  }
0x1a: {  	s8 =	sadd.s32 $0xFFFFE003, lr  }
0x1b: {  	s9 =	sadd.s32 $0xFFFFFEF7, lr;
	s5 =	simm.s32 $0xFFFFFFFF;
	p2 =	slt.u32 s8, $0xFFFFF086  }
0x1c: {  	p1 =	slt.u32 s9, $0xF7A;
	s5 =	simm.s32 @!p2 $0x0  }
0x1d: {  	s5 =	simm.s32 @p1 $0x1;
	p0 =	seq.s32 s7, s2  }
0x1e: {  	s7 =	smul.u32 @!p0 $0xF7A, s2;
	p2 =	seq.s32 @!p0 s5, $0x0  }
0x1f: {  	s9 =	smul.u32 $0xF7A, s1;
	s8 =	simm.s32 @!p0 $0x1BF5;
	p2 =	por !p2, p0  }
0x20: {  	[sflag:s8] =	ssyncset.s32 @!p0 $0xFFFFF086;
	s6 =	sadd.s32 @!p0 s3, s7;
	s7 =	simm.s32 @!p0 $0x108  }
0x21: {  	s3 =	sadd.s32 s3, s9;
	s6 =	sadd.s32 @!p0 $0x88, s6;
	s7 =	simm.s32 @p2 $0x1082  }
0x22: {  	[simem:s7], [sflag:s8] =	dma.local @!p0 [hbm:s6], $0xF7A  }
0x23: {  	s9 =	sor.u32 $0xD0000000, s2;
	s6 =	simm.s32 $0x108;
	_ =	swait.ge @!p0 [sflag:s8], $0x0  }
0x24: {  	s3 =	sadd.s32 $0x88, s3;
	s6 =	simm.s32 @!p1 $0x1082;
	[sflag:s4] =	ssyncset.s32 $0xFFFFF086  }
0x25: {  	[simem:s6], [sflag:s4] =	dma.local [hbm:s3], $0xF7A  }
0x26: {  	[smem:$0x3F9F] =	sst s1;
	(tag) =	ssettag s2;
	_ =	strace s9  }
0x27: {  	s1 =	sld [smem:$0x3FAF]  }
0x28: {  	s2 =	sld [smem:$0x3FB0]  }
0x29: {  	s4 =	sld [smem:$0x3FB2]  }
0x2a: {  	p0 =	seq.s32 s5, $0x0;
	s5 =	sld [smem:$0x3FB3]  }
0x2b: {  	s6 =	sld [smem:$0x3FB4]  }
0x2c: {  	s7 =	sld [smem:$0x3FB5]  }
0x2d: {  	s3 =	simm.s32 $0x108;
	s8 =	sld [smem:$0x3FB6]  }
0x2e: {  	s3 =	simm.s32 @!p0 $0x1082;
	s9 =	sld [smem:$0x3FB7]  }
0x2f: {  	lr =	sadd.s32 s0, s3;
	s0 =	sld [smem:$0x3FAE]  }
0x30: {  	s3 =	sld [smem:$0x3FB1]  }
0x31: {  	[smem:$0x3FBA] =	sst s10  }
0x32: {  	s10 =	sld [smem:$0x3FB8];
	_ =	sdelay $0x3  }
0x33: {  	p0 =	seq.s32 s10, $0x1;
	s10 =	sld [smem:$0x3FBA];
	_ =	sdelay $0x3  }
0x34: {  	[smem:$0x3FBA] =	sst s10  }
0x35: {  	s10 =	sld [smem:$0x3FB9];
	_ =	sdelay $0x3  }
0x36: {  	p1 =	seq.s32 s10, $0x1;
	s10 =	sld [smem:$0x3FBA];
	_ =	sdelay $0x3  }
0x37: {  	[smem:$0x3FBA] =	sst s10  }
0x38: {  	s10 =	sld [smem:$0x3FBB]  }
0x39: {  	_ = 	snop;
	(pc) =	sbr.ind lr, $3  }
0x3a: {  	_ = 	snop  }
0x3b: {  	_ = 	snop  }
0x3c: {  	p2 =	seq.s32 s10, $0x1;
	s10 =	sld [smem:$0x3FBA]  }
0x3d: {  	_ =	shalt  }
0x3e: {  	_ =	shalt  }
0x3f: {  	_ =	shalt  }
0x40: {  	_ =	shalt  }
0x41: {  	_ =	shalt  }
0x42: {  	_ =	shalt  }
0x43: {  	_ =	shalt  }
0x44: {  	_ =	shalt  }
0x45: {  	_ =	shalt  }
0x46: {  	_ =	shalt  }
0x47: {  	_ =	shalt  }
0x48: {  	_ =	shalt  }
0x49: {  	_ =	shalt  }
0x4a: {  	_ =	shalt  }
0x4b: {  	_ =	shalt  }
0x4c: {  	_ =	shalt  }
0x4d: {  	_ =	shalt  }
0x4e: {  	_ =	shalt  }
0x4f: {  	_ =	shalt  }
0x50: {  	_ =	shalt  }
0x51: {  	_ =	shalt  }
0x52: {  	_ =	shalt  }
0x53: {  	_ =	shalt  }
0x54: {  	_ =	shalt  }
0x55: {  	_ =	shalt  }
0x56: {  	_ =	shalt  }
0x57: {  	_ =	shalt  }
0x58: {  	_ =	shalt  }
0x59: {  	_ =	shalt  }
0x5a: {  	_ =	shalt  }
0x5b: {  	_ =	shalt  }
0x5c: {  	_ =	shalt  }
0x5d: {  	_ =	shalt  }
0x5e: {  	_ =	shalt  }
0x5f: {  	_ =	shalt  }
0x60: {  	_ =	shalt  }
0x61: {  	_ =	shalt  }
0x62: {  	_ =	shalt  }
0x63: {  	_ =	shalt  }
0x64: {  	_ =	shalt  }
0x65: {  	_ =	shalt  }
0x66: {  	_ =	shalt  }
0x67: {  	_ =	shalt  }
0x68: {  	_ =	shalt  }
0x69: {  	_ =	shalt  }
0x6a: {  	_ =	shalt  }
0x6b: {  	_ =	shalt  }
0x6c: {  	_ =	shalt  }
0x6d: {  	_ =	shalt  }
0x6e: {  	_ =	shalt  }
0x6f: {  	_ =	shalt  }
0x70: {  	_ =	shalt  }
0x71: {  	_ =	shalt  }
0x72: {  	_ =	shalt  }
0x73: {  	_ =	shalt  }
0x74: {  	_ =	shalt  }
0x75: {  	_ =	shalt  }
0x76: {  	_ =	shalt  }
0x77: {  	_ =	shalt  }
0x78: {  	_ =	shalt  }
0x79: {  	_ =	shalt  }
0x7a: {  	_ =	shalt  }
0x7b: {  	_ =	shalt  }
0x7c: {  	_ =	shalt  }
0x7d: {  	_ =	shalt  }
0x7e: {  	_ =	shalt  }
0x7f: {  	_ =	shalt  }
0x80: {  	_ =	shalt  }
0x81: {  	_ =	shalt  }
0x82: {  	_ =	shalt  }
0x83: {  	_ =	shalt  }
0x84: {  	_ =	shalt  }
0x85: {  	_ =	shalt  }
0x86: {  	_ =	shalt  }
0x87: {  	_ =	shalt  }
.Lfunc_end0:
.L_simem_size_0:
called_computation.1_lowered:
.L_overlay_start_0:
0x88: {  	s2 =	sld [smem:$0x3FD9]  }
0x89: {  	s3 =	sld [smem:$0x3FFE];
	_ =	sdelay $0x1  }
0x8a: {  	s1 =	srdreg.scid  }
0x8b: {  	s0 =	sand.u32 $0x1, s1  }
0x8c: {  	s17 =	sshll.u32 s0, $0xA;
	s2 =	sadd.s32 s3, s2  }
0x8d: {  	s2 =	sadd.s32 s2, s17  }
0x8e: {  	[smem:$0x3FC6] =	sst s2  }
0x8f: {  	_ = 	snop  }
0x90: {  	s2 =	sld [smem:$0x3FD0];
	(tm) =	ssettm $0x1  }
0x91: {  	s18 =	sld [smem:$0x3FFB];
	_ =	sdelay $0x3  }
0x92: {  	_ =	strace s18  }
0x93: {  	s3 =	sld [smem:$0x3FFC];
	_ =	sdelay $0x3  }
0x94: {  	_ =	strace s3  }
0x95: {  	s3 =	sld [smem:$0x3FFD];
	_ =	sdelay $0x3  }
0x96: {  	_ =	strace s3  }
0x97: {  	_ =	strace $0x8FFFFFFF  }
0x98: {  	s19 =	sld [smem:$0x3FDB];
	_ =	sdelay $0x1  }
0x99: {  	s4 =	simm.s32 $_scs_section_size  }
0x9a: {  	s5 =	simm.s32 $_size__tile_overlayer_lowered;
	s6 =	simm.s32 $_tile_overlayer_lowered  }
0x9b: {  	s22 =	simm.s32 $0x1BFF;
	s21 =	sshll.u32 s6, $0x1;
	s3 =	sadd.s32 s4, s19  }
0x9c: {  	s7 =	simm.s32 $0x0;
	s20 =	sshll.u32 s5, $0x1;
	s5 =	sadd.s32 s21, s3  }
0x9d: {  	[timem:s7], [sflag:s22] =	dma.local [hbm:s5], s20  }
0x9e: {  	_ =	swait.ge [sflag:s22], s20  }
0x9f: {  	s4 =	ssub.s32 $0x0, s20;
	[sflag:s22] =	ssyncset.done $0x0  }
0xa0: {  	[sflag:s22] =	ssyncadd.s32 s4;
	_ =	sdelay $0x1  }
0xa1: {  	s23 =	simm.s32 $0x1B8B  }
0xa2: {  	_ =	swait.ge [sflag:s23], $0x1  }
0xa3: {  	[sflag:s23] =	ssyncset.done $0x0  }
0xa4: {  	s25 =	simm.s32 $0x1B8E;
	s24 =	sld [smem:$0x3FFE];
	[sflag:s23] =	ssyncadd.s32 $0xFFFFFFFF  }
0xa5: {  	s26 =	simm.s32 $execute0_lowered;
	[smem:$0x3FD2] =	sst s25  }
0xa6: {  	s5 =	sshll.u32 s26, $0x1;
	_ =	strace $0x80000049;
	[dreg:$0x1] =	wrdreg $0xFFFFFFFF  }
0xa7: {  	s28 =	simm.s32 $_size_execute0_lowered;
	s3 =	sadd.s32 s3, s5;
	[dreg:$0x0] =	wrdreg $0x0  }
0xa8: {  	s5 =	sshll.u32 s28, $0x1;
	[dreg:$0x2] =	wrdreg s3  }
0xa9: {  	[dreg:$0x3] =	wrdreg s5  }
0xaa: {  	[dreg:$0x4] =	wrdreg $0xC0  }
0xab: {  	_ =	task [dreg:s7], $0x5FFFF  }
0xac: {  	[dreg:$0x1] =	wrdreg $0xFFFFFFFF  }
0xad: {  	[dreg:$0x0] =	wrdreg $0x60  }
0xae: {  	[dreg:$0x2] =	wrdreg s24  }
0xaf: {  	[dreg:$0x3] =	wrdreg s2  }
0xb0: {  	[dreg:$0x4] =	wrdreg $0x9  }
0xb1: {  	_ =	task.clear_ibuf [dreg:s7], $0x5FFFF;
	_ =	strace $0x90000049  }
0xb2: {  	s29 =	simm.s32 $0x9;
	_ =	strace $0x8000004B  }
0xb3: {  	_ =	swait.ge [sflag:s29], $0x1  }
0xb4: {  	[sflag:s29] =	ssyncadd.s32 $0xFFFFFFFF  }
0xb5: {  	_ =	strace $0x9000004B  }
0xb6: {  	_ =	sfence  }
0xb7: {  	s30 =	sld [smem:$0x0];
	_ =	sdelay $0x2  }
0xb8: {  	s31 =	sshll.u32 s1, $0xD;
	s1 =	sshrl.u32 s1, $0x2  }
0xb9: {  	s3 =	sand.u32 $0x4000, s31;
	s1 =	sadd.s32 s1, s30  }
0xba: {  	s0 =	sor.u32 s3, s0;
	s1 =	sshll.u32 s1, $0x11  }
0xbb: {  	s0 =	sor.u32 s1, s0  }
0xbc: {  	s0 =	sadd.s32 $0x8F2B, s0  }
0xbd: {  	[sflag:s0] =	ssyncadd.remote.s32 $0x1  }
0xbe: {  	_ =	sfence.sel $0xFFFF  }
0xbf: {  	[dreg:$0x0] =	wrdreg $0xFFFFFFFF;
	(pc) =	sbr.abs _section_cstart, $3  }
0xc0: {  	[dreg:$0x1] =	wrdreg $0xFFFFFFFF  }
0xc1: {  	_ =	task.clear_ibuf [dreg:s7], $0x2FFFF;
	_ =	strace $0x9FFFFFFF  }
0xc2: {  	(tm) =	ssettm $0x7FFFFFFF  }
0xc3: {  	_ =	shalt  }
tec
execute0_lowered:
.L_overlay_start_1:
0x0: {  	(tag) =	ssettag $0x1  }
0x1: {  	s0 =	srdreg.scid  }
0x2: {  	s2 =	stileid.u32;
	s1 =	rddreg [dreg:$0x0]  }
0x3: {  	s14 =	simm.s32 $0x80;
	s16 =	simm.s32 $0x6500;
	s17 =	simm.s32 $0x6480  }
0x4: {  	s18 =	simm.s32 $0x8500;
	s19 =	simm.s32 $0x1;
	s28 =	simm.s32 $0x5  }
0x5: {  	s29 =	simm.s32 $0x6;
	s0 =	sand.u32 $0x1, s0;
	s3 =	sshll.u32 s2, $0x1  }
0x6: {  	s2 =	rddreg [dreg:$0x1];
	s5 =	sor.u32 s0, s3;
	s3 =	simm.s32 $0x0  }
0x7: {  	s0 =	ssub.s32 $0x2, s0;
	s4 =	smul.u32 $0xC80, s5;
	[smem:$0x7FF] =	sst s3  }
0x8: {  	s7 =	smul.u32 $0x190000, s5;
	s8 =	sshll.u32 s5, $0xD;
	s20 =	sshrl.u32 s0, $0x1  }
0x9: {  	_ =	strace $0x8000004A;
	s0 =	ssub.s32 s0, s20;
	s20 =	simm.s32 $0xA500  }
0xa: {  	s6 =	sadd.s32 s4, s1;
	s4 =	smul.u32 $0xC8, s5;
	s7 =	sor.u32 s8, s7  }
0xb: {  	s5 =	sadd.s32 $0xF5BE00, s1;
	s0 =	smax.u32 s0, $0x1;
	s21 =	sand.u32 $0x3FC6000, s7  }
0xc: {  	s6 =	sadd.s32 $0xF42E00, s6;
	[dreg:$0x9] =	wrdreg s0;
	s22 =	sadd.s32 $0xC7, s4  }
0xd: {  	[dreg:$0x3] =	wrdreg s6;
	s1 =	sshrl.u32 s21, $0x3;
	s31 =	sadd.s32 $0xFFFFFFFF, s4  }
0xe: {  	s21 =	simm.s32 $0x2;
	s23 =	sshll.u32 s22, $0x7;
	s24 =	sadd.s32 s2, s1  }
0xf: {  	s25 =	sshll.u32 s22, $0xA;
	[dreg:$0x7] =	wrdreg s31;
	s22 =	simm.s32 $0xC700  }
0x10: {  	s6 =	sand.u32 $0xF80, s23;
	s26 =	sadd.s32 $0x80, s24;
	s1 =	sand.u32 $0xFF8000, s25  }
0x11: {  	v0 =	vlaneseq.u32;
	[dreg:$0x4] =	wrdreg s24;
	s30 =	sadd.s32 $0x100, s24;
	s23 =	simm.s32 $0xE900  }
0x12: {  	v0 =	vmul.u32 $0x88, v0;
	s24 =	simm.s32 $0x3;
	[dreg:$0x5] =	wrdreg s26;
	s6 =	sadd.s32 s2, s6  }
0x13: {  	s25 =	simm.s32 $0x10B00;
	[dreg:$0x6] =	wrdreg s30;
	s1 =	sadd.s32 s1, s6  }
0x14: {  	v1 =	vadd.s32 $0x880, v0;
	v2 =	vadd.s32 $0x1100, v0;
	v3 =	vadd.s32 $0x1980, v0;
	s26 =	simm.s32 $0x4;
	[dreg:$0x8] =	wrdreg s1;
	s1 =	simm.s32 $0x0  }
.LBB2_1:
0x15: {  	[dreg:$0xa] =	wrdreg s1  }
0x16: {  	s0 =	rddreg [dreg:$0x3];
	s31 =	simm.s32 $0x7  }
0x17: {  	[tilespmem:s3], [sflag:$0x7] =	stream.linear.gather [hbm4b:s0+s3], $0x6400, $0x38;
	[tilespmem:$0x12D00] =	vst v63  }
0x18: {  	_ =	swait.ge [sflag:s31], $0x6400  }
0x19: {  	[sflag:s31] =	ssyncset.done $0x0  }
0x1a: {  	s6 =	simm.s32 $0x10;
	[sflag:s31] =	ssyncadd.s32 $0xFFFF9C00  }
0x1b: {  	v5 =	vld [tilespmem:s6+$0xFFFFFFF0];
	_ =	sdelay $0x1  }
0x1c: {  	v4 =	vld [tilespmem:s6+$0x0];
	_ =	sdelay $0x1  }
0x1d: {  	s0 =	simm.s32 $0x6410  }
0x1e: {  	s1 =	simm.s32 $0x0;
	s6 =	simm.s32 $0x30;
	[tilespmem:s0+$0xFFFFFFF0] =	vst v5  }
.LBB2_2:
0x1f: {  	s1 =	sadd.s32 $0x2, s1  }
0x20: {  	v5 =	vld [tilespmem:s6+$0xFFFFFFF0];
	[tilespmem:s0+$0x0] =	vst v4;
	s0 =	sadd.s32 $0x20, s0;
	p0 =	slt.u32 s1, $0x6  }
.Ltmp0:
0x21: {  	v4 =	vld [tilespmem:s6+$0x0];
	(pc) =	sbr.rel @p0 .LBB2_2-.Ltmp0, $2  }
0x22: {  	_ =	sdelay $0x2  }
0x23: {  	s6 =	sadd.s32 $0x20, s6;
	[tilespmem:s0+$0xFFFFFFF0] =	vst v5  }
0x24: {  	[tilespmem:s0+$0x0] =	vst v4;
	s31 =	simm.s32 $0x6400;
	s6 =	simm.s32 $0x90  }
0x25: {  	[tilespmem:s16], [sflag:$0x1] =	stream.indirect.gather [hbm4b:s5+s14], $0x40, s31, s14, $0xb8;
	[tilespmem:$0x12D00] =	vst v63  }
0x26: {  	v5 =	vld [tilespmem:s6+$0xFFFFFFF0];
	_ =	sdelay $0x1  }
0x27: {  	v4 =	vld [tilespmem:s6+$0x0];
	_ =	sdelay $0x1  }
0x28: {  	s0 =	simm.s32 $0x6490  }
0x29: {  	s1 =	simm.s32 $0x0;
	s6 =	simm.s32 $0xB0;
	[tilespmem:s0+$0xFFFFFFF0] =	vst v5  }
.LBB2_4:
0x2a: {  	s1 =	sadd.s32 $0x2, s1  }
0x2b: {  	v5 =	vld [tilespmem:s6+$0xFFFFFFF0];
	[tilespmem:s0+$0x0] =	vst v4;
	s0 =	sadd.s32 $0x20, s0;
	p0 =	slt.u32 s1, $0x6  }
.Ltmp1:
0x2c: {  	v4 =	vld [tilespmem:s6+$0x0];
	(pc) =	sbr.rel @p0 .LBB2_4-.Ltmp1, $2  }
0x2d: {  	_ =	sdelay $0x2  }
0x2e: {  	s6 =	sadd.s32 $0x20, s6;
	[tilespmem:s0+$0xFFFFFFF0] =	vst v5  }
0x2f: {  	[tilespmem:s0+$0x0] =	vst v4  }
0x30: {  	[tilespmem:s18], [sflag:$0x2] =	stream.indirect.gather [hbm4b:s5+s14], $0x40, s17, s14, $0xb8;
	[tilespmem:$0x12D00] =	vst v63  }
0x31: {  	s30 =	simm.s32 $0x0;
	_ =	swait.ge [sflag:s19], $0x2000  }
0x32: {  	v4 =	vmov s30;
	[sflag:s19] =	ssyncset.done $0x0  }
0x33: {  	s6 =	simm.s32 $0x6520;
	v8 =	vand.u32 $0x7F, v4;
	[sflag:s19] =	ssyncadd.s32 $0xFFFFE000  }
0x34: {  	v6 =	vadd.s32 v0, v8;
	v5 =	vld [tilespmem:s6+$0xFFFFFFE0];
	_ =	sdelay $0x1  }
0x35: {  	s31 =	simm.s32 $0x1  }
0x36: {  	v4 =	vmov s31  }
0x37: {  	s0 =	simm.s32 $0x6560;
	v4 =	vand.u32 $0x7F, v4  }
0x38: {  	v7 =	vadd.s32 v0, v4;
	[tilespmem:v6+s20+$0x0] =	vst.idx.msk $0xffff, v5;
	v6 =	vld [tilespmem:s0+$0xFFFFFFE0]  }
0x39: {  	v10 =	vadd.s32 v1, v8;
	v9 =	vld [tilespmem:s6+$0xFFFFFFF0]  }
0x3a: {  	s1 =	simm.s32 $0x2  }
0x3b: {  	v5 =	vmov s1  }
0x3c: {  	s1 =	simm.s32 $0x65A0;
	v5 =	vand.u32 $0x7F, v5  }
0x3d: {  	[tilespmem:v7+s20+$0x0] =	vst.idx.msk $0xffff, v6;
	v6 =	vld [tilespmem:s1+$0xFFFFFFE0];
	v7 =	vadd.s32 v0, v5  }
0x3e: {  	v11 =	vadd.s32 v1, v4;
	[tilespmem:v10+s20+$0x0] =	vst.idx.msk $0xffff, v9;
	v9 =	vld [tilespmem:s0+$0xFFFFFFF0]  }
0x3f: {  	v15 =	vadd.s32 v2, v8;
	v14 =	vld [tilespmem:s6+$0x0]  }
0x40: {  	s8 =	simm.s32 $0x3  }
0x41: {  	v12 =	vmov s8  }
0x42: {  	s7 =	simm.s32 $0x65E0;
	[tilespmem:v7+s20+$0x0] =	vst.idx.msk $0xffff, v6;
	v6 =	vand.u32 $0x7F, v12  }
0x43: {  	v10 =	vld [tilespmem:s7+$0xFFFFFFE0];
	[tilespmem:v11+s20+$0x0] =	vst.idx.msk $0xffff, v9;
	v13 =	vadd.s32 v0, v6  }
0x44: {  	v12 =	vld [tilespmem:s1+$0xFFFFFFF0];
	[tilespmem:v15+s20+$0x0] =	vst.idx.msk $0xffff, v14;
	v14 =	vadd.s32 v1, v5  }
0x45: {  	v11 =	vadd.s32 v2, v4;
	v9 =	vld [tilespmem:s0+$0x0]  }
0x46: {  	s8 =	simm.s32 $0x4;
	v8 =	vadd.s32 v3, v8;
	v7 =	vld [tilespmem:s6+$0x10];
	s6 =	simm.s32 $0x65E0  }
.LBB2_6:
0x47: {  	v15 =	vmov s8;
	p0 =	sne.s32 s8, $0x7F  }
.Ltmp2:
0x48: {  	s7 =	sadd.s32 $0x40, s7;
	v15 =	vand.u32 $0x7F, v15;
	[tilespmem:v13+s20+$0x0] =	vst.idx.msk $0xffff, v10;
	(pc) =	sbr.rel @p0 .LBB2_6-.Ltmp2, $4  }
0x49: {  	v10 =	vld [tilespmem:s7+$0xFFFFFFE0];
	v13 =	vadd.s32 v0, v15;
	[tilespmem:v14+s20+$0x0] =	vst.idx.msk $0xffff, v12  }
0x4a: {  	s8 =	sadd.s32 $0x1, s8;
	v14 =	vadd.s32 v1, v6;
	v12 =	vld [tilespmem:s6+$0xFFFFFFF0];
	[tilespmem:v11+s20+$0x0] =	vst.idx.msk $0xffff, v9  }
0x4b: {  	v11 =	vadd.s32 v2, v5;
	v9 =	vld [tilespmem:s1+$0x0];
	[tilespmem:v8+s20+$0x0] =	vst.idx.msk $0xffff, v7  }
0x4c: {  	v8 =	vadd.s32 v3, v4;
	v4 =	vmovc v5;
	v5 =	vmov v6;
	v6 =	vmov v15;
	v7 =	vld [tilespmem:s0+$0x10];
	s0 =	smov.u32 s1;
	s1 =	smov.u32 s6;
	s6 =	smov.u32 s7  }
0x4d: {  	_ =	sdelay $0x3  }
0x4e: {  	[tilespmem:v13+s20+$0x0] =	vst.idx.msk $0xffff, v10  }
0x4f: {  	v59 =	vadd.s32 v1, v6;
	v10 =	vld [tilespmem:s6+$0xFFFFFFF0];
	_ =	sdelay $0x3  }
0x50: {  	[tilespmem:v14+s20+$0x0] =	vst.idx.msk $0xffff, v12  }
0x51: {  	v60 =	vadd.s32 v2, v5;
	v12 =	vld [tilespmem:s1+$0x0];
	[tilespmem:v59+s20+$0x0] =	vst.idx.msk $0xffff, v10  }
0x52: {  	v61 =	vadd.s32 v2, v6;
	v10 =	vld [tilespmem:s6+$0x0];
	_ =	sdelay $0x2  }
0x53: {  	[tilespmem:v11+s20+$0x0] =	vst.idx.msk $0xffff, v9  }
0x54: {  	v4 =	vadd.s32 v3, v4;
	v9 =	vld [tilespmem:s0+$0x10];
	[tilespmem:v60+s20+$0x0] =	vst.idx.msk $0xffff, v12  }
0x55: {  	v5 =	vadd.s32 v3, v5;
	v62 =	vld [tilespmem:s1+$0x10];
	[tilespmem:v61+s20+$0x0] =	vst.idx.msk $0xffff, v10  }
0x56: {  	v63 =	vadd.s32 v3, v6;
	v10 =	vld [tilespmem:s6+$0x10];
	_ =	sdelay $0x1  }
0x57: {  	[tilespmem:v8+s20+$0x0] =	vst.idx.msk $0xffff, v7  }
0x58: {  	[tilespmem:v4+s20+$0x0] =	vst.idx.msk $0xffff, v9  }
0x59: {  	[tilespmem:v5+s20+$0x0] =	vst.idx.msk $0xffff, v62  }
0x5a: {  	[tilespmem:v63+s20+$0x0] =	vst.idx.msk $0xffff, v10  }
0x5b: {  	s15 =	simm.s32 $0xA500;
	s9 =	rddreg [dreg:$0x4]  }
0x5c: {  	[hbm4b:s9+s3] =	stream.linear.scatter [tilespmem:s15], [sflag:$0x3], $0x80, $0x38;
	[tilespmem:$0x12D00] =	vst v63  }
0x5d: {  	s30 =	simm.s32 $0xA588;
	s31 =	sadd.s32 $0x10, s9  }
0x5e: {  	[hbm4b:s31+s3] =	stream.linear.scatter [tilespmem:s30], [sflag:$0x3], $0x80, $0x38;
	[tilespmem:$0x12D00] =	vst v63  }
0x5f: {  	s8 =	simm.s32 $0xA698;
	s6 =	simm.s32 $0xA610;
	s7 =	sadd.s32 $0x20, s9  }
0x60: {  	[hbm4b:s7+s3] =	stream.linear.scatter [tilespmem:s6], [sflag:$0x3], $0x80, $0x38;
	[tilespmem:$0x12D00] =	vst v63  }
0x61: {  	s11 =	simm.s32 $0xA720;
	s13 =	simm.s32 $0xA7A8;
	s10 =	sadd.s32 $0x30, s9  }
0x62: {  	[hbm4b:s10+s3] =	stream.linear.scatter [tilespmem:s8], [sflag:$0x3], $0x80, $0x38;
	[tilespmem:$0x12D00] =	vst v63  }
0x63: {  	s0 =	simm.s32 $0x440;
	s12 =	sadd.s32 $0x40, s9;
	s15 =	sadd.s32 $0x50, s9  }
0x64: {  	[hbm4b:s12+s3] =	stream.linear.scatter [tilespmem:s11], [sflag:$0x3], $0x80, $0x38;
	[tilespmem:$0x12D00] =	vst v63  }
0x65: {  	s1 =	sadd.s32 $0x1000, s9;
	s30 =	simm.s32 $0xA830;
	s31 =	sadd.s32 $0x60, s9  }
0x66: {  	[hbm4b:s15+s3] =	stream.linear.scatter [tilespmem:s13], [sflag:$0x3], $0x80, $0x38;
	[tilespmem:$0x12D00] =	vst v63  }
0x67: {  	s6 =	simm.s32 $0x2200;
	s7 =	simm.s32 $0xA8B8;
	s8 =	sadd.s32 $0x70, s9  }
0x68: {  	[hbm4b:s31+s3] =	stream.linear.scatter [tilespmem:s30], [sflag:$0x3], $0x80, $0x38;
	[tilespmem:$0x12D00] =	vst v63  }
.LBB2_8:
0x69: {  	[hbm4b:s8+s3] =	stream.linear.scatter [tilespmem:s7], [sflag:$0x3], $0x80, $0x38;
	[tilespmem:$0x12D00] =	vst v63  }
0x6a: {  	s7 =	smov.u32 s0;
	s0 =	smov.u32 s6  }
0x6b: {  	s9 =	sadd.s32 $0x1100, s6;
	s0 =	sshra.s32 s0, $0x2;
	s8 =	sadd.s32 $0xA500, s7  }
0x6c: {  	[hbm4b:s1+s3] =	stream.linear.scatter [tilespmem:s8], [sflag:$0x3], $0x80, $0x38;
	[tilespmem:$0x12D00] =	vst v63  }
0x6d: {  	p0 =	sne.s32 s6, $0x7700;
	s6 =	sadd.s32 $0xA588, s7;
	s8 =	sadd.s32 $0x10, s1  }
0x6e: {  	[hbm4b:s8+s3] =	stream.linear.scatter [tilespmem:s6], [sflag:$0x3], $0x80, $0x38;
	[tilespmem:$0x12D00] =	vst v63  }
0x6f: {  	s6 =	sadd.s32 $0xA610, s7;
	s8 =	sadd.s32 $0x20, s1  }
0x70: {  	[hbm4b:s8+s3] =	stream.linear.scatter [tilespmem:s6], [sflag:$0x3], $0x80, $0x38;
	[tilespmem:$0x12D00] =	vst v63  }
0x71: {  	s6 =	sadd.s32 $0xA698, s7;
	s8 =	sadd.s32 $0x30, s1  }
0x72: {  	[hbm4b:s8+s3] =	stream.linear.scatter [tilespmem:s6], [sflag:$0x3], $0x80, $0x38;
	[tilespmem:$0x12D00] =	vst v63  }
0x73: {  	s6 =	sadd.s32 $0xA720, s7;
	s8 =	sadd.s32 $0x40, s1  }
0x74: {  	[hbm4b:s8+s3] =	stream.linear.scatter [tilespmem:s6], [sflag:$0x3], $0x80, $0x38;
	[tilespmem:$0x12D00] =	vst v63  }
.Ltmp3:
0x75: {  	s6 =	sadd.s32 $0xA7A8, s7;
	s8 =	sadd.s32 $0x50, s1;
	(pc) =	sbr.rel @p0 .LBB2_8-.Ltmp3, $4  }
0x76: {  	[hbm4b:s8+s3] =	stream.linear.scatter [tilespmem:s6], [sflag:$0x3], $0x80, $0x38;
	[tilespmem:$0x12D00] =	vst v63  }
0x77: {  	s6 =	sadd.s32 $0xA830, s7;
	s8 =	sadd.s32 $0x60, s1;
	s7 =	sadd.s32 $0xA8B8, s7  }
0x78: {  	[hbm4b:s8+s3] =	stream.linear.scatter [tilespmem:s6], [sflag:$0x3], $0x80, $0x38;
	[tilespmem:$0x12D00] =	vst v63  }
0x79: {  	s8 =	sadd.s32 $0x70, s1;
	s1 =	sadd.s32 $0x1000, s1;
	s6 =	smov.u32 s9  }
0x7a: {  	[hbm4b:s8+s3] =	stream.linear.scatter [tilespmem:s7], [sflag:$0x3], $0x80, $0x38;
	[tilespmem:$0x12D00] =	vst v63  }
0x7b: {  	s6 =	sadd.s32 $0xA500, s0  }
0x7c: {  	[hbm4b:s1+s3] =	stream.linear.scatter [tilespmem:s6], [sflag:$0x3], $0x80, $0x38;
	[tilespmem:$0x12D00] =	vst v63  }
0x7d: {  	s11 =	sadd.s32 $0xA588, s0;
	s12 =	sadd.s32 $0x10, s1  }
0x7e: {  	[hbm4b:s12+s3] =	stream.linear.scatter [tilespmem:s11], [sflag:$0x3], $0x80, $0x38;
	[tilespmem:$0x12D00] =	vst v63  }
0x7f: {  	s13 =	sadd.s32 $0xA610, s0;
	s15 =	sadd.s32 $0x20, s1  }
0x80: {  	[hbm4b:s15+s3] =	stream.linear.scatter [tilespmem:s13], [sflag:$0x3], $0x80, $0x38;
	[tilespmem:$0x12D00] =	vst v63  }
0x81: {  	s30 =	sadd.s32 $0xA698, s0;
	s31 =	sadd.s32 $0x30, s1  }
0x82: {  	[hbm4b:s31+s3] =	stream.linear.scatter [tilespmem:s30], [sflag:$0x3], $0x80, $0x38;
	[tilespmem:$0x12D00] =	vst v63  }
0x83: {  	s8 =	sadd.s32 $0xA720, s0;
	s9 =	sadd.s32 $0x40, s1  }
0x84: {  	[hbm4b:s9+s3] =	stream.linear.scatter [tilespmem:s8], [sflag:$0x3], $0x80, $0x38;
	[tilespmem:$0x12D00] =	vst v63  }
0x85: {  	s10 =	sadd.s32 $0xA7A8, s0;
	s11 =	sadd.s32 $0x50, s1  }
0x86: {  	[hbm4b:s11+s3] =	stream.linear.scatter [tilespmem:s10], [sflag:$0x3], $0x80, $0x38;
	[tilespmem:$0x12D00] =	vst v63  }
0x87: {  	s12 =	sadd.s32 $0xA830, s0;
	s13 =	sadd.s32 $0x60, s1  }
0x88: {  	[hbm4b:s13+s3] =	stream.linear.scatter [tilespmem:s12], [sflag:$0x3], $0x80, $0x38;
	[tilespmem:$0x12D00] =	vst v63  }
0x89: {  	s15 =	sadd.s32 $0xA8B8, s0;
	s30 =	sadd.s32 $0x70, s1;
	s31 =	simm.s32 $0x110  }
0x8a: {  	[hbm4b:s30+s3] =	stream.linear.scatter [tilespmem:s15], [sflag:$0x3], $0x80, $0x38;
	[tilespmem:$0x12D00] =	vst v63  }
0x8b: {  	v5 =	vld [tilespmem:s31+$0xFFFFFFF0];
	_ =	sdelay $0x1  }
0x8c: {  	v4 =	vld [tilespmem:s31+$0x0];
	_ =	sdelay $0x1  }
0x8d: {  	s0 =	simm.s32 $0x6410  }
0x8e: {  	s6 =	simm.s32 $0x130;
	s1 =	simm.s32 $0x0;
	[tilespmem:s0+$0xFFFFFFF0] =	vst v5  }
.LBB2_10:
0x8f: {  	s1 =	sadd.s32 $0x2, s1  }
0x90: {  	v5 =	vld [tilespmem:s6+$0xFFFFFFF0];
	[tilespmem:s0+$0x0] =	vst v4;
	s0 =	sadd.s32 $0x20, s0;
	p0 =	slt.u32 s1, $0x6  }
.Ltmp4:
0x91: {  	v4 =	vld [tilespmem:s6+$0x0];
	(pc) =	sbr.rel @p0 .LBB2_10-.Ltmp4, $2  }
0x92: {  	_ =	sdelay $0x2  }
0x93: {  	s6 =	sadd.s32 $0x20, s6;
	[tilespmem:s0+$0xFFFFFFF0] =	vst v5  }
0x94: {  	[tilespmem:s0+$0x0] =	vst v4;
	s15 =	simm.s32 $0x6400  }
0x95: {  	[tilespmem:s16], [sflag:$0x1] =	stream.indirect.gather [hbm4b:s5+s14], $0x40, s15, s14, $0xb8;
	[tilespmem:$0x12D00] =	vst v63  }
0x96: {  	s30 =	simm.s32 $0x0;
	_ =	swait.ge [sflag:s21], $0x2000  }
0x97: {  	v4 =	vmov s30;
	[sflag:s21] =	ssyncset.done $0x0  }
0x98: {  	s6 =	simm.s32 $0x8530;
	v8 =	vand.u32 $0x7F, v4;
	[sflag:s21] =	ssyncadd.s32 $0xFFFFE000  }
0x99: {  	v6 =	vadd.s32 v0, v8;
	v5 =	vld [tilespmem:s6+$0xFFFFFFD0];
	_ =	sdelay $0x1  }
0x9a: {  	s31 =	simm.s32 $0x1  }
0x9b: {  	v4 =	vmov s31  }
0x9c: {  	s0 =	simm.s32 $0x8570;
	v4 =	vand.u32 $0x7F, v4  }
0x9d: {  	v7 =	vadd.s32 v0, v4;
	[tilespmem:v6+s22+$0x0] =	vst.idx.msk $0xffff, v5;
	v6 =	vld [tilespmem:s0+$0xFFFFFFD0]  }
0x9e: {  	v10 =	vadd.s32 v1, v8;
	v9 =	vld [tilespmem:s6+$0xFFFFFFE0]  }
0x9f: {  	s1 =	simm.s32 $0x2  }
0xa0: {  	v5 =	vmov s1  }
0xa1: {  	s1 =	simm.s32 $0x85B0;
	v5 =	vand.u32 $0x7F, v5  }
0xa2: {  	[tilespmem:v7+s22+$0x0] =	vst.idx.msk $0xffff, v6;
	v6 =	vld [tilespmem:s1+$0xFFFFFFD0];
	v7 =	vadd.s32 v0, v5  }
0xa3: {  	v11 =	vadd.s32 v1, v4;
	[tilespmem:v10+s22+$0x0] =	vst.idx.msk $0xffff, v9;
	v9 =	vld [tilespmem:s0+$0xFFFFFFE0]  }
0xa4: {  	v15 =	vadd.s32 v2, v8;
	v14 =	vld [tilespmem:s6+$0xFFFFFFF0]  }
0xa5: {  	s8 =	simm.s32 $0x3  }
0xa6: {  	v12 =	vmov s8  }
0xa7: {  	s7 =	simm.s32 $0x85F0;
	[tilespmem:v7+s22+$0x0] =	vst.idx.msk $0xffff, v6;
	v6 =	vand.u32 $0x7F, v12  }
0xa8: {  	v10 =	vld [tilespmem:s7+$0xFFFFFFD0];
	[tilespmem:v11+s22+$0x0] =	vst.idx.msk $0xffff, v9;
	v13 =	vadd.s32 v0, v6  }
0xa9: {  	v12 =	vld [tilespmem:s1+$0xFFFFFFE0];
	[tilespmem:v15+s22+$0x0] =	vst.idx.msk $0xffff, v14;
	v14 =	vadd.s32 v1, v5  }
0xaa: {  	v11 =	vadd.s32 v2, v4;
	v9 =	vld [tilespmem:s0+$0xFFFFFFF0]  }
0xab: {  	s8 =	simm.s32 $0x4;
	v8 =	vadd.s32 v3, v8;
	v7 =	vld [tilespmem:s6+$0x0];
	s6 =	simm.s32 $0x85F0  }
.LBB2_12:
0xac: {  	v15 =	vmov s8;
	p0 =	sne.s32 s8, $0x7F  }
.Ltmp5:
0xad: {  	s7 =	sadd.s32 $0x40, s7;
	v15 =	vand.u32 $0x7F, v15;
	[tilespmem:v13+s22+$0x0] =	vst.idx.msk $0xffff, v10;
	(pc) =	sbr.rel @p0 .LBB2_12-.Ltmp5, $4  }
0xae: {  	v10 =	vld [tilespmem:s7+$0xFFFFFFD0];
	v13 =	vadd.s32 v0, v15;
	[tilespmem:v14+s22+$0x0] =	vst.idx.msk $0xffff, v12  }
0xaf: {  	s8 =	sadd.s32 $0x1, s8;
	v14 =	vadd.s32 v1, v6;
	v12 =	vld [tilespmem:s6+$0xFFFFFFE0];
	[tilespmem:v11+s22+$0x0] =	vst.idx.msk $0xffff, v9  }
0xb0: {  	v11 =	vadd.s32 v2, v5;
	v9 =	vld [tilespmem:s1+$0xFFFFFFF0];
	[tilespmem:v8+s22+$0x0] =	vst.idx.msk $0xffff, v7  }
0xb1: {  	v8 =	vadd.s32 v3, v4;
	v4 =	vmovc v5;
	v5 =	vmov v6;
	v6 =	vmov v15;
	v7 =	vld [tilespmem:s0+$0x0];
	s0 =	smov.u32 s1;
	s1 =	smov.u32 s6;
	s6 =	smov.u32 s7  }
0xb2: {  	_ =	sdelay $0x3  }
0xb3: {  	[tilespmem:v13+s22+$0x0] =	vst.idx.msk $0xffff, v10  }
0xb4: {  	v59 =	vadd.s32 v1, v6;
	v10 =	vld [tilespmem:s6+$0xFFFFFFE0];
	_ =	sdelay $0x3  }
0xb5: {  	[tilespmem:v14+s22+$0x0] =	vst.idx.msk $0xffff, v12  }
0xb6: {  	v60 =	vadd.s32 v2, v5;
	v12 =	vld [tilespmem:s1+$0xFFFFFFF0];
	[tilespmem:v59+s22+$0x0] =	vst.idx.msk $0xffff, v10  }
0xb7: {  	v61 =	vadd.s32 v2, v6;
	v10 =	vld [tilespmem:s6+$0xFFFFFFF0];
	_ =	sdelay $0x2  }
0xb8: {  	[tilespmem:v11+s22+$0x0] =	vst.idx.msk $0xffff, v9  }
0xb9: {  	v4 =	vadd.s32 v3, v4;
	v9 =	vld [tilespmem:s0+$0x0];
	[tilespmem:v60+s22+$0x0] =	vst.idx.msk $0xffff, v12  }
0xba: {  	v5 =	vadd.s32 v3, v5;
	v62 =	vld [tilespmem:s1+$0x0];
	[tilespmem:v61+s22+$0x0] =	vst.idx.msk $0xffff, v10  }
0xbb: {  	v63 =	vadd.s32 v3, v6;
	v10 =	vld [tilespmem:s6+$0x0];
	_ =	sdelay $0x1  }
0xbc: {  	[tilespmem:v8+s22+$0x0] =	vst.idx.msk $0xffff, v7  }
0xbd: {  	[tilespmem:v4+s22+$0x0] =	vst.idx.msk $0xffff, v9  }
0xbe: {  	[tilespmem:v5+s22+$0x0] =	vst.idx.msk $0xffff, v62  }
0xbf: {  	[tilespmem:v63+s22+$0x0] =	vst.idx.msk $0xffff, v10  }
0xc0: {  	s15 =	simm.s32 $0xC700;
	s9 =	rddreg [dreg:$0x5]  }
0xc1: {  	[hbm4b:s9+s3] =	stream.linear.scatter [tilespmem:s15], [sflag:$0x4], $0x80, $0x38;
	[tilespmem:$0x12D00] =	vst v63  }
0xc2: {  	s30 =	simm.s32 $0xC788;
	s31 =	sadd.s32 $0x10, s9  }
0xc3: {  	[hbm4b:s31+s3] =	stream.linear.scatter [tilespmem:s30], [sflag:$0x4], $0x80, $0x38;
	[tilespmem:$0x12D00] =	vst v63  }
0xc4: {  	s8 =	simm.s32 $0xC898;
	s6 =	simm.s32 $0xC810;
	s7 =	sadd.s32 $0x20, s9  }
0xc5: {  	[hbm4b:s7+s3] =	stream.linear.scatter [tilespmem:s6], [sflag:$0x4], $0x80, $0x38;
	[tilespmem:$0x12D00] =	vst v63  }
0xc6: {  	s11 =	simm.s32 $0xC920;
	s13 =	simm.s32 $0xC9A8;
	s10 =	sadd.s32 $0x30, s9  }
0xc7: {  	[hbm4b:s10+s3] =	stream.linear.scatter [tilespmem:s8], [sflag:$0x4], $0x80, $0x38;
	[tilespmem:$0x12D00] =	vst v63  }
0xc8: {  	s0 =	simm.s32 $0x440;
	s12 =	sadd.s32 $0x40, s9;
	s15 =	sadd.s32 $0x50, s9  }
0xc9: {  	[hbm4b:s12+s3] =	stream.linear.scatter [tilespmem:s11], [sflag:$0x4], $0x80, $0x38;
	[tilespmem:$0x12D00] =	vst v63  }
0xca: {  	s1 =	sadd.s32 $0x1000, s9;
	s30 =	simm.s32 $0xCA30;
	s31 =	sadd.s32 $0x60, s9  }
0xcb: {  	[hbm4b:s15+s3] =	stream.linear.scatter [tilespmem:s13], [sflag:$0x4], $0x80, $0x38;
	[tilespmem:$0x12D00] =	vst v63  }
0xcc: {  	s6 =	simm.s32 $0x2200;
	s7 =	simm.s32 $0xCAB8;
	s8 =	sadd.s32 $0x70, s9  }
0xcd: {  	[hbm4b:s31+s3] =	stream.linear.scatter [tilespmem:s30], [sflag:$0x4], $0x80, $0x38;
	[tilespmem:$0x12D00] =	vst v63  }
.LBB2_14:
0xce: {  	[hbm4b:s8+s3] =	stream.linear.scatter [tilespmem:s7], [sflag:$0x4], $0x80, $0x38;
	[tilespmem:$0x12D00] =	vst v63  }
0xcf: {  	s7 =	smov.u32 s0;
	s0 =	smov.u32 s6  }
0xd0: {  	s9 =	sadd.s32 $0x1100, s6;
	s0 =	sshra.s32 s0, $0x2;
	s8 =	sadd.s32 $0xC700, s7  }
0xd1: {  	[hbm4b:s1+s3] =	stream.linear.scatter [tilespmem:s8], [sflag:$0x4], $0x80, $0x38;
	[tilespmem:$0x12D00] =	vst v63  }
0xd2: {  	p0 =	sne.s32 s6, $0x7700;
	s6 =	sadd.s32 $0xC788, s7;
	s8 =	sadd.s32 $0x10, s1  }
0xd3: {  	[hbm4b:s8+s3] =	stream.linear.scatter [tilespmem:s6], [sflag:$0x4], $0x80, $0x38;
	[tilespmem:$0x12D00] =	vst v63  }
0xd4: {  	s6 =	sadd.s32 $0xC810, s7;
	s8 =	sadd.s32 $0x20, s1  }
0xd5: {  	[hbm4b:s8+s3] =	stream.linear.scatter [tilespmem:s6], [sflag:$0x4], $0x80, $0x38;
	[tilespmem:$0x12D00] =	vst v63  }
0xd6: {  	s6 =	sadd.s32 $0xC898, s7;
	s8 =	sadd.s32 $0x30, s1  }
0xd7: {  	[hbm4b:s8+s3] =	stream.linear.scatter [tilespmem:s6], [sflag:$0x4], $0x80, $0x38;
	[tilespmem:$0x12D00] =	vst v63  }
0xd8: {  	s6 =	sadd.s32 $0xC920, s7;
	s8 =	sadd.s32 $0x40, s1  }
0xd9: {  	[hbm4b:s8+s3] =	stream.linear.scatter [tilespmem:s6], [sflag:$0x4], $0x80, $0x38;
	[tilespmem:$0x12D00] =	vst v63  }
.Ltmp6:
0xda: {  	s6 =	sadd.s32 $0xC9A8, s7;
	s8 =	sadd.s32 $0x50, s1;
	(pc) =	sbr.rel @p0 .LBB2_14-.Ltmp6, $4  }
0xdb: {  	[hbm4b:s8+s3] =	stream.linear.scatter [tilespmem:s6], [sflag:$0x4], $0x80, $0x38;
	[tilespmem:$0x12D00] =	vst v63  }
0xdc: {  	s6 =	sadd.s32 $0xCA30, s7;
	s8 =	sadd.s32 $0x60, s1;
	s7 =	sadd.s32 $0xCAB8, s7  }
0xdd: {  	[hbm4b:s8+s3] =	stream.linear.scatter [tilespmem:s6], [sflag:$0x4], $0x80, $0x38;
	[tilespmem:$0x12D00] =	vst v63  }
0xde: {  	s8 =	sadd.s32 $0x70, s1;
	s1 =	sadd.s32 $0x1000, s1;
	s6 =	smov.u32 s9  }
0xdf: {  	[hbm4b:s8+s3] =	stream.linear.scatter [tilespmem:s7], [sflag:$0x4], $0x80, $0x38;
	[tilespmem:$0x12D00] =	vst v63  }
0xe0: {  	s6 =	sadd.s32 $0xC700, s0  }
0xe1: {  	[hbm4b:s1+s3] =	stream.linear.scatter [tilespmem:s6], [sflag:$0x4], $0x80, $0x38;
	[tilespmem:$0x12D00] =	vst v63  }
0xe2: {  	s11 =	sadd.s32 $0xC788, s0;
	s12 =	sadd.s32 $0x10, s1  }
0xe3: {  	[hbm4b:s12+s3] =	stream.linear.scatter [tilespmem:s11], [sflag:$0x4], $0x80, $0x38;
	[tilespmem:$0x12D00] =	vst v63  }
0xe4: {  	s13 =	sadd.s32 $0xC810, s0;
	s15 =	sadd.s32 $0x20, s1  }
0xe5: {  	[hbm4b:s15+s3] =	stream.linear.scatter [tilespmem:s13], [sflag:$0x4], $0x80, $0x38;
	[tilespmem:$0x12D00] =	vst v63  }
0xe6: {  	s30 =	sadd.s32 $0xC898, s0;
	s31 =	sadd.s32 $0x30, s1  }
0xe7: {  	[hbm4b:s31+s3] =	stream.linear.scatter [tilespmem:s30], [sflag:$0x4], $0x80, $0x38;
	[tilespmem:$0x12D00] =	vst v63  }
0xe8: {  	s8 =	sadd.s32 $0xC920, s0;
	s9 =	sadd.s32 $0x40, s1  }
0xe9: {  	[hbm4b:s9+s3] =	stream.linear.scatter [tilespmem:s8], [sflag:$0x4], $0x80, $0x38;
	[tilespmem:$0x12D00] =	vst v63  }
0xea: {  	s10 =	sadd.s32 $0xC9A8, s0;
	s11 =	sadd.s32 $0x50, s1  }
0xeb: {  	[hbm4b:s11+s3] =	stream.linear.scatter [tilespmem:s10], [sflag:$0x4], $0x80, $0x38;
	[tilespmem:$0x12D00] =	vst v63  }
0xec: {  	s12 =	sadd.s32 $0xCA30, s0;
	s13 =	sadd.s32 $0x60, s1  }
0xed: {  	[hbm4b:s13+s3] =	stream.linear.scatter [tilespmem:s12], [sflag:$0x4], $0x80, $0x38;
	[tilespmem:$0x12D00] =	vst v63  }
0xee: {  	s15 =	sadd.s32 $0xCAB8, s0;
	s30 =	sadd.s32 $0x70, s1;
	s31 =	simm.s32 $0x190  }
0xef: {  	[hbm4b:s30+s3] =	stream.linear.scatter [tilespmem:s15], [sflag:$0x4], $0x80, $0x38;
	[tilespmem:$0x12D00] =	vst v63  }
0xf0: {  	v5 =	vld [tilespmem:s31+$0xFFFFFFF0];
	_ =	sdelay $0x1  }
0xf1: {  	v4 =	vld [tilespmem:s31+$0x0];
	_ =	sdelay $0x1  }
0xf2: {  	s0 =	simm.s32 $0x6490  }
0xf3: {  	s6 =	simm.s32 $0x1B0;
	s1 =	simm.s32 $0x0;
	[tilespmem:s0+$0xFFFFFFF0] =	vst v5  }
.LBB2_16:
0xf4: {  	s1 =	sadd.s32 $0x2, s1  }
0xf5: {  	v5 =	vld [tilespmem:s6+$0xFFFFFFF0];
	[tilespmem:s0+$0x0] =	vst v4;
	s0 =	sadd.s32 $0x20, s0;
	p0 =	slt.u32 s1, $0x6  }
.Ltmp7:
0xf6: {  	v4 =	vld [tilespmem:s6+$0x0];
	(pc) =	sbr.rel @p0 .LBB2_16-.Ltmp7, $2  }
0xf7: {  	_ =	sdelay $0x2  }
0xf8: {  	s6 =	sadd.s32 $0x20, s6;
	[tilespmem:s0+$0xFFFFFFF0] =	vst v5  }
0xf9: {  	[tilespmem:s0+$0x0] =	vst v4  }
0xfa: {  	[tilespmem:s18], [sflag:$0x2] =	stream.indirect.gather [hbm4b:s5+s14], $0x40, s17, s14, $0xb8;
	[tilespmem:$0x12D00] =	vst v63  }
0xfb: {  	s30 =	simm.s32 $0x0;
	_ =	swait.ge [sflag:s19], $0x2000  }
0xfc: {  	v4 =	vmov s30;
	[sflag:s19] =	ssyncset.done $0x0  }
0xfd: {  	s6 =	simm.s32 $0x6520;
	v8 =	vand.u32 $0x7F, v4;
	[sflag:s19] =	ssyncadd.s32 $0xFFFFE000  }
0xfe: {  	v6 =	vadd.s32 v0, v8;
	v5 =	vld [tilespmem:s6+$0xFFFFFFE0];
	_ =	sdelay $0x1  }
0xff: {  	s31 =	simm.s32 $0x1  }
0x100: {  	v4 =	vmov s31  }
0x101: {  	s0 =	simm.s32 $0x6560;
	v4 =	vand.u32 $0x7F, v4  }
0x102: {  	v7 =	vadd.s32 v0, v4;
	[tilespmem:v6+s23+$0x0] =	vst.idx.msk $0xffff, v5;
	v6 =	vld [tilespmem:s0+$0xFFFFFFE0]  }
0x103: {  	v10 =	vadd.s32 v1, v8;
	v9 =	vld [tilespmem:s6+$0xFFFFFFF0]  }
0x104: {  	s1 =	simm.s32 $0x2  }
0x105: {  	v5 =	vmov s1  }
0x106: {  	s1 =	simm.s32 $0x65A0;
	v5 =	vand.u32 $0x7F, v5  }
0x107: {  	[tilespmem:v7+s23+$0x0] =	vst.idx.msk $0xffff, v6;
	v6 =	vld [tilespmem:s1+$0xFFFFFFE0];
	v7 =	vadd.s32 v0, v5  }
0x108: {  	v11 =	vadd.s32 v1, v4;
	[tilespmem:v10+s23+$0x0] =	vst.idx.msk $0xffff, v9;
	v9 =	vld [tilespmem:s0+$0xFFFFFFF0]  }
0x109: {  	v15 =	vadd.s32 v2, v8;
	v14 =	vld [tilespmem:s6+$0x0]  }
0x10a: {  	s8 =	simm.s32 $0x3  }
0x10b: {  	v12 =	vmov s8  }
0x10c: {  	s7 =	simm.s32 $0x65E0;
	[tilespmem:v7+s23+$0x0] =	vst.idx.msk $0xffff, v6;
	v6 =	vand.u32 $0x7F, v12  }
0x10d: {  	v10 =	vld [tilespmem:s7+$0xFFFFFFE0];
	[tilespmem:v11+s23+$0x0] =	vst.idx.msk $0xffff, v9;
	v13 =	vadd.s32 v0, v6  }
0x10e: {  	v12 =	vld [tilespmem:s1+$0xFFFFFFF0];
	[tilespmem:v15+s23+$0x0] =	vst.idx.msk $0xffff, v14;
	v14 =	vadd.s32 v1, v5  }
0x10f: {  	v11 =	vadd.s32 v2, v4;
	v9 =	vld [tilespmem:s0+$0x0]  }
0x110: {  	s8 =	simm.s32 $0x4;
	v8 =	vadd.s32 v3, v8;
	v7 =	vld [tilespmem:s6+$0x10];
	s6 =	simm.s32 $0x65E0  }
.LBB2_18:
0x111: {  	v15 =	vmov s8;
	p0 =	sne.s32 s8, $0x7F  }
.Ltmp8:
0x112: {  	s7 =	sadd.s32 $0x40, s7;
	v15 =	vand.u32 $0x7F, v15;
	[tilespmem:v13+s23+$0x0] =	vst.idx.msk $0xffff, v10;
	(pc) =	sbr.rel @p0 .LBB2_18-.Ltmp8, $4  }
0x113: {  	v10 =	vld [tilespmem:s7+$0xFFFFFFE0];
	v13 =	vadd.s32 v0, v15;
	[tilespmem:v14+s23+$0x0] =	vst.idx.msk $0xffff, v12  }
0x114: {  	s8 =	sadd.s32 $0x1, s8;
	v14 =	vadd.s32 v1, v6;
	v12 =	vld [tilespmem:s6+$0xFFFFFFF0];
	[tilespmem:v11+s23+$0x0] =	vst.idx.msk $0xffff, v9  }
0x115: {  	v11 =	vadd.s32 v2, v5;
	v9 =	vld [tilespmem:s1+$0x0];
	[tilespmem:v8+s23+$0x0] =	vst.idx.msk $0xffff, v7  }
0x116: {  	v8 =	vadd.s32 v3, v4;
	v4 =	vmovc v5;
	v5 =	vmov v6;
	v6 =	vmov v15;
	v7 =	vld [tilespmem:s0+$0x10];
	s0 =	smov.u32 s1;
	s1 =	smov.u32 s6;
	s6 =	smov.u32 s7  }
0x117: {  	_ =	sdelay $0x3  }
0x118: {  	[tilespmem:v13+s23+$0x0] =	vst.idx.msk $0xffff, v10  }
0x119: {  	v59 =	vadd.s32 v1, v6;
	v10 =	vld [tilespmem:s6+$0xFFFFFFF0];
	_ =	sdelay $0x3  }
0x11a: {  	[tilespmem:v14+s23+$0x0] =	vst.idx.msk $0xffff, v12  }
0x11b: {  	v60 =	vadd.s32 v2, v5;
	v12 =	vld [tilespmem:s1+$0x0];
	[tilespmem:v59+s23+$0x0] =	vst.idx.msk $0xffff, v10  }
0x11c: {  	v61 =	vadd.s32 v2, v6;
	v10 =	vld [tilespmem:s6+$0x0];
	_ =	sdelay $0x2  }
0x11d: {  	[tilespmem:v11+s23+$0x0] =	vst.idx.msk $0xffff, v9  }
0x11e: {  	v4 =	vadd.s32 v3, v4;
	v9 =	vld [tilespmem:s0+$0x10];
	[tilespmem:v60+s23+$0x0] =	vst.idx.msk $0xffff, v12  }
0x11f: {  	v5 =	vadd.s32 v3, v5;
	v62 =	vld [tilespmem:s1+$0x10];
	[tilespmem:v61+s23+$0x0] =	vst.idx.msk $0xffff, v10  }
0x120: {  	v63 =	vadd.s32 v3, v6;
	v10 =	vld [tilespmem:s6+$0x10];
	_ =	sdelay $0x1  }
0x121: {  	[tilespmem:v8+s23+$0x0] =	vst.idx.msk $0xffff, v7  }
0x122: {  	[tilespmem:v4+s23+$0x0] =	vst.idx.msk $0xffff, v9  }
0x123: {  	[tilespmem:v5+s23+$0x0] =	vst.idx.msk $0xffff, v62  }
0x124: {  	[tilespmem:v63+s23+$0x0] =	vst.idx.msk $0xffff, v10  }
0x125: {  	s15 =	simm.s32 $0xE900;
	s9 =	rddreg [dreg:$0x6]  }
0x126: {  	[hbm4b:s9+s3] =	stream.linear.scatter [tilespmem:s15], [sflag:$0x5], $0x80, $0x38;
	[tilespmem:$0x12D00] =	vst v63  }
0x127: {  	s30 =	simm.s32 $0xE988;
	s31 =	sadd.s32 $0x10, s9  }
0x128: {  	[hbm4b:s31+s3] =	stream.linear.scatter [tilespmem:s30], [sflag:$0x5], $0x80, $0x38;
	[tilespmem:$0x12D00] =	vst v63  }
0x129: {  	s8 =	simm.s32 $0xEA98;
	s6 =	simm.s32 $0xEA10;
	s7 =	sadd.s32 $0x20, s9  }
0x12a: {  	[hbm4b:s7+s3] =	stream.linear.scatter [tilespmem:s6], [sflag:$0x5], $0x80, $0x38;
	[tilespmem:$0x12D00] =	vst v63  }
0x12b: {  	s11 =	simm.s32 $0xEB20;
	s13 =	simm.s32 $0xEBA8;
	s10 =	sadd.s32 $0x30, s9  }
0x12c: {  	[hbm4b:s10+s3] =	stream.linear.scatter [tilespmem:s8], [sflag:$0x5], $0x80, $0x38;
	[tilespmem:$0x12D00] =	vst v63  }
0x12d: {  	s0 =	simm.s32 $0x440;
	s12 =	sadd.s32 $0x40, s9;
	s15 =	sadd.s32 $0x50, s9  }
0x12e: {  	[hbm4b:s12+s3] =	stream.linear.scatter [tilespmem:s11], [sflag:$0x5], $0x80, $0x38;
	[tilespmem:$0x12D00] =	vst v63  }
0x12f: {  	s1 =	sadd.s32 $0x1000, s9;
	s30 =	simm.s32 $0xEC30;
	s31 =	sadd.s32 $0x60, s9  }
0x130: {  	[hbm4b:s15+s3] =	stream.linear.scatter [tilespmem:s13], [sflag:$0x5], $0x80, $0x38;
	[tilespmem:$0x12D00] =	vst v63  }
0x131: {  	s6 =	simm.s32 $0x2200;
	s7 =	simm.s32 $0xECB8;
	s8 =	sadd.s32 $0x70, s9  }
0x132: {  	[hbm4b:s31+s3] =	stream.linear.scatter [tilespmem:s30], [sflag:$0x5], $0x80, $0x38;
	[tilespmem:$0x12D00] =	vst v63  }
.LBB2_20:
0x133: {  	[hbm4b:s8+s3] =	stream.linear.scatter [tilespmem:s7], [sflag:$0x5], $0x80, $0x38;
	[tilespmem:$0x12D00] =	vst v63  }
0x134: {  	s7 =	smov.u32 s0;
	s0 =	smov.u32 s6  }
0x135: {  	s9 =	sadd.s32 $0x1100, s6;
	s0 =	sshra.s32 s0, $0x2;
	s8 =	sadd.s32 $0xE900, s7  }
0x136: {  	[hbm4b:s1+s3] =	stream.linear.scatter [tilespmem:s8], [sflag:$0x5], $0x80, $0x38;
	[tilespmem:$0x12D00] =	vst v63  }
0x137: {  	p0 =	sne.s32 s6, $0x7700;
	s6 =	sadd.s32 $0xE988, s7;
	s8 =	sadd.s32 $0x10, s1  }
0x138: {  	[hbm4b:s8+s3] =	stream.linear.scatter [tilespmem:s6], [sflag:$0x5], $0x80, $0x38;
	[tilespmem:$0x12D00] =	vst v63  }
0x139: {  	s6 =	sadd.s32 $0xEA10, s7;
	s8 =	sadd.s32 $0x20, s1  }
0x13a: {  	[hbm4b:s8+s3] =	stream.linear.scatter [tilespmem:s6], [sflag:$0x5], $0x80, $0x38;
	[tilespmem:$0x12D00] =	vst v63  }
0x13b: {  	s6 =	sadd.s32 $0xEA98, s7;
	s8 =	sadd.s32 $0x30, s1  }
0x13c: {  	[hbm4b:s8+s3] =	stream.linear.scatter [tilespmem:s6], [sflag:$0x5], $0x80, $0x38;
	[tilespmem:$0x12D00] =	vst v63  }
0x13d: {  	s6 =	sadd.s32 $0xEB20, s7;
	s8 =	sadd.s32 $0x40, s1  }
0x13e: {  	[hbm4b:s8+s3] =	stream.linear.scatter [tilespmem:s6], [sflag:$0x5], $0x80, $0x38;
	[tilespmem:$0x12D00] =	vst v63  }
.Ltmp9:
0x13f: {  	s6 =	sadd.s32 $0xEBA8, s7;
	s8 =	sadd.s32 $0x50, s1;
	(pc) =	sbr.rel @p0 .LBB2_20-.Ltmp9, $4  }
0x140: {  	[hbm4b:s8+s3] =	stream.linear.scatter [tilespmem:s6], [sflag:$0x5], $0x80, $0x38;
	[tilespmem:$0x12D00] =	vst v63  }
0x141: {  	s6 =	sadd.s32 $0xEC30, s7;
	s8 =	sadd.s32 $0x60, s1;
	s7 =	sadd.s32 $0xECB8, s7  }
0x142: {  	[hbm4b:s8+s3] =	stream.linear.scatter [tilespmem:s6], [sflag:$0x5], $0x80, $0x38;
	[tilespmem:$0x12D00] =	vst v63  }
0x143: {  	s8 =	sadd.s32 $0x70, s1;
	s1 =	sadd.s32 $0x1000, s1;
	s6 =	smov.u32 s9  }
0x144: {  	[hbm4b:s8+s3] =	stream.linear.scatter [tilespmem:s7], [sflag:$0x5], $0x80, $0x38;
	[tilespmem:$0x12D00] =	vst v63  }
0x145: {  	s6 =	sadd.s32 $0xE900, s0  }
0x146: {  	[hbm4b:s1+s3] =	stream.linear.scatter [tilespmem:s6], [sflag:$0x5], $0x80, $0x38;
	[tilespmem:$0x12D00] =	vst v63  }
0x147: {  	s10 =	sadd.s32 $0xE988, s0;
	s11 =	sadd.s32 $0x10, s1  }
0x148: {  	[hbm4b:s11+s3] =	stream.linear.scatter [tilespmem:s10], [sflag:$0x5], $0x80, $0x38;
	[tilespmem:$0x12D00] =	vst v63  }
0x149: {  	s12 =	sadd.s32 $0xEA10, s0;
	s13 =	sadd.s32 $0x20, s1  }
0x14a: {  	[hbm4b:s13+s3] =	stream.linear.scatter [tilespmem:s12], [sflag:$0x5], $0x80, $0x38;
	[tilespmem:$0x12D00] =	vst v63  }
0x14b: {  	s15 =	sadd.s32 $0xEA98, s0;
	s30 =	sadd.s32 $0x30, s1;
	s8 =	sadd.s32 $0xEB20, s0  }
0x14c: {  	[hbm4b:s30+s3] =	stream.linear.scatter [tilespmem:s15], [sflag:$0x5], $0x80, $0x38;
	[tilespmem:$0x12D00] =	vst v63  }
0x14d: {  	s9 =	sadd.s32 $0x40, s1;
	s31 =	simm.s32 $0x1;
	s6 =	simm.s32 $0x310  }
0x14e: {  	[hbm4b:s9+s3] =	stream.linear.scatter [tilespmem:s8], [sflag:$0x5], $0x80, $0x38;
	[tilespmem:$0x12D00] =	vst v63  }
0x14f: {  	s10 =	sadd.s32 $0xEBA8, s0;
	s11 =	sadd.s32 $0x50, s1;
	s12 =	sadd.s32 $0xEC30, s0  }
0x150: {  	[hbm4b:s11+s3] =	stream.linear.scatter [tilespmem:s10], [sflag:$0x5], $0x80, $0x38;
	[tilespmem:$0x12D00] =	vst v63  }
0x151: {  	s13 =	sadd.s32 $0x60, s1;
	s15 =	sadd.s32 $0xECB8, s0;
	s30 =	sadd.s32 $0x70, s1  }
0x152: {  	[hbm4b:s13+s3] =	stream.linear.scatter [tilespmem:s12], [sflag:$0x5], $0x80, $0x38;
	[tilespmem:$0x12D00] =	vst v63  }
0x153: {  	s1 =	simm.s32 $0x210;
	s0 =	simm.s32 $0x290;
	s12 =	simm.s32 $0x390  }
0x154: {  	[hbm4b:s30+s3] =	stream.linear.scatter [tilespmem:s15], [sflag:$0x5], $0x80, $0x38;
	[tilespmem:$0x12D00] =	vst v63  }
.LBB2_22:
0x155: {  	_ =	swait.ge [sflag:s24], $0x2000  }
0x156: {  	[sflag:s24] =	ssyncset.done $0x0  }
0x157: {  	[sflag:s24] =	ssyncadd.s32 $0xFFFFE000  }
0x158: {  	v5 =	vld [tilespmem:s1+$0xFFFFFFF0];
	_ =	sdelay $0x1  }
0x159: {  	v4 =	vld [tilespmem:s1+$0x0];
	_ =	sdelay $0x1  }
0x15a: {  	s7 =	simm.s32 $0x6410  }
0x15b: {  	s8 =	simm.s32 $0x0;
	s9 =	sadd.s32 $0x20, s1;
	[tilespmem:s7+$0xFFFFFFF0] =	vst v5  }
.LBB2_23:
0x15c: {  	s8 =	sadd.s32 $0x2, s8  }
0x15d: {  	v5 =	vld [tilespmem:s9+$0xFFFFFFF0];
	[tilespmem:s7+$0x0] =	vst v4;
	s7 =	sadd.s32 $0x20, s7;
	p0 =	slt.u32 s8, $0x6  }
.Ltmp10:
0x15e: {  	v4 =	vld [tilespmem:s9+$0x0];
	(pc) =	sbr.rel @p0 .LBB2_23-.Ltmp10, $2  }
0x15f: {  	_ =	sdelay $0x2  }
0x160: {  	s9 =	sadd.s32 $0x20, s9;
	[tilespmem:s7+$0xFFFFFFF0] =	vst v5  }
0x161: {  	[tilespmem:s7+$0x0] =	vst v4;
	s30 =	simm.s32 $0x6400  }
0x162: {  	[tilespmem:s16], [sflag:$0x1] =	stream.indirect.gather [hbm4b:s5+s14], $0x40, s30, s14, $0xb8;
	[tilespmem:$0x12D00] =	vst v63  }
0x163: {  	s8 =	simm.s32 $0x3;
	_ =	swait.ge [sflag:s21], $0x2000  }
0x164: {  	s9 =	simm.s32 $0x1;
	v4 =	vmov s8;
	[sflag:s21] =	ssyncset.done $0x0  }
0x165: {  	s10 =	simm.s32 $0x2;
	s8 =	simm.s32 $0x85F0;
	v8 =	vand.u32 $0x7F, v4;
	v4 =	vmov s9;
	[sflag:s21] =	ssyncadd.s32 $0xFFFFE000  }
0x166: {  	v6 =	vadd.s32 v0, v8;
	v9 =	vand.u32 $0x7D, v4;
	v4 =	vmov s10;
	v5 =	vld [tilespmem:s8+$0xFFFFFFD0]  }
0x167: {  	v11 =	vadd.s32 v0, v9;
	v12 =	vand.u32 $0x7E, v4;
	v10 =	vld [tilespmem:s8+$0xFFFFFF50]  }
0x168: {  	s11 =	simm.s32 $0x0;
	v4 =	vld [tilespmem:s8+$0xFFFFFF90];
	v13 =	vadd.s32 v0, v12  }
0x169: {  	v7 =	vmov s11  }
0x16a: {  	v7 =	vand.u32 $0x7C, v7  }
0x16b: {  	v15 =	vadd.s32 v0, v7;
	v14 =	vld [tilespmem:s8+$0xFFFFFF10];
	[tilespmem:v6+s25+$0x0] =	vst.idx.msk $0xffff, v5  }
0x16c: {  	v6 =	vadd.s32 v1, v8;
	[tilespmem:v11+s25+$0x0] =	vst.idx.msk $0xffff, v10;
	v5 =	vld [tilespmem:s8+$0xFFFFFFE0]  }
0x16d: {  	v11 =	vadd.s32 v1, v9;
	[tilespmem:v13+s25+$0x0] =	vst.idx.msk $0xffff, v4;
	v10 =	vld [tilespmem:s8+$0xFFFFFF60]  }
0x16e: {  	v13 =	vadd.s32 v1, v12;
	v4 =	vld [tilespmem:s8+$0xFFFFFFA0];
	_ =	sdelay $0x1  }
0x16f: {  	[tilespmem:v15+s25+$0x0] =	vst.idx.msk $0xffff, v14  }
0x170: {  	v17 =	vadd.s32 v1, v7;
	v16 =	vld [tilespmem:s8+$0xFFFFFF20];
	[tilespmem:v6+s25+$0x0] =	vst.idx.msk $0xffff, v5  }
0x171: {  	v15 =	vadd.s32 v2, v8;
	[tilespmem:v11+s25+$0x0] =	vst.idx.msk $0xffff, v10;
	v14 =	vld [tilespmem:s8+$0xFFFFFFF0]  }
0x172: {  	s13 =	simm.s32 $0x7;
	v11 =	vadd.s32 v2, v9;
	[tilespmem:v13+s25+$0x0] =	vst.idx.msk $0xffff, v4;
	v10 =	vld [tilespmem:s8+$0xFFFFFF70]  }
0x173: {  	s9 =	simm.s32 $0x5;
	v18 =	vadd.s32 v2, v12;
	v5 =	vmov s13;
	v13 =	vld [tilespmem:s8+$0xFFFFFFB0]  }
0x174: {  	s15 =	simm.s32 $0x6;
	v4 =	vmov s9;
	s13 =	simm.s32 $0x86F0;
	v6 =	vand.u32 $0x7F, v5  }
0x175: {  	[tilespmem:v17+s25+$0x0] =	vst.idx.msk $0xffff, v16;
	v5 =	vand.u32 $0x7D, v4;
	v19 =	vld [tilespmem:s13+$0xFFFFFFD0];
	v4 =	vmov s15;
	v20 =	vadd.s32 v0, v6  }
0x176: {  	s30 =	simm.s32 $0x4;
	v21 =	vld [tilespmem:s13+$0xFFFFFF50];
	v22 =	vadd.s32 v0, v5;
	v4 =	vand.u32 $0x7E, v4;
	[tilespmem:v15+s25+$0x0] =	vst.idx.msk $0xffff, v14  }
0x177: {  	v14 =	vmov s30;
	[tilespmem:v11+s25+$0x0] =	vst.idx.msk $0xffff, v10;
	v10 =	vld [tilespmem:s13+$0xFFFFFF90];
	v11 =	vadd.s32 v0, v4  }
0x178: {  	v16 =	vadd.s32 v3, v8;
	[tilespmem:v18+s25+$0x0] =	vst.idx.msk $0xffff, v13;
	v13 =	vld [tilespmem:s8+$0xFFFFFF30];
	v18 =	vadd.s32 v2, v7;
	v8 =	vand.u32 $0x7C, v14  }
0x179: {  	v14 =	vld [tilespmem:s13+$0xFFFFFF10];
	v17 =	vadd.s32 v0, v8  }
0x17a: {  	v15 =	vld [tilespmem:s8+$0x0];
	[tilespmem:v20+s25+$0x0] =	vst.idx.msk $0xffff, v19  }
0x17b: {  	[tilespmem:v22+s25+$0x0] =	vst.idx.msk $0xffff, v21;
	v20 =	vadd.s32 v1, v6;
	v19 =	vld [tilespmem:s13+$0xFFFFFFE0]  }
0x17c: {  	v63 =	vadd.s32 v1, v5;
	v21 =	vld [tilespmem:s13+$0xFFFFFF60];
	[tilespmem:v11+s25+$0x0] =	vst.idx.msk $0xffff, v10  }
0x17d: {  	v24 =	vadd.s32 v3, v9;
	v23 =	vld [tilespmem:s8+$0xFFFFFF80];
	[tilespmem:v18+s25+$0x0] =	vst.idx.msk $0xffff, v13  }
0x17e: {  	v18 =	vadd.s32 v1, v4;
	[tilespmem:v17+s25+$0x0] =	vst.idx.msk $0xffff, v14;
	v17 =	vld [tilespmem:s13+$0xFFFFFFA0]  }
0x17f: {  	[tilespmem:v16+s25+$0x0] =	vst.idx.msk $0xffff, v15;
	v16 =	vadd.s32 v1, v8;
	v15 =	vld [tilespmem:s13+$0xFFFFFF20]  }
0x180: {  	v10 =	vld [tilespmem:s8+$0xFFFFFFC0];
	v13 =	vadd.s32 v3, v12;
	[tilespmem:v20+s25+$0x0] =	vst.idx.msk $0xffff, v19  }
0x181: {  	v12 =	vadd.s32 v2, v6;
	[tilespmem:v63+s25+$0x0] =	vst.idx.msk $0xffff, v21;
	v9 =	vld [tilespmem:s13+$0xFFFFFFF0]  }
0x182: {  	s7 =	simm.s32 $0xB;
	s11 =	simm.s32 $0xC;
	s9 =	simm.s32 $0x8;
	[tilespmem:v24+s25+$0x0] =	vst.idx.msk $0xffff, v23;
	v14 =	vadd.s32 v2, v5;
	v11 =	vld [tilespmem:s13+$0xFFFFFF70]  }
.LBB2_25:
0x183: {  	p0 =	slt.u32 s11, $0x7C;
	s10 =	sadd.s32 $0x1, s9;
	v19 =	vmov s7;
	[tilespmem:v18+s25+$0x0] =	vst.idx.msk $0xffff, v17;
	v17 =	vld [tilespmem:s8+$0xFFFFFF40];
	v18 =	vadd.s32 v3, v7;
	v7 =	vmov v8;
	s8 =	smov.u32 s13  }
0x184: {  	s13 =	sadd.s32 $0x100, s13;
	v8 =	vmov s10;
	v19 =	vand.u32 $0x7F, v19;
	[tilespmem:v16+s25+$0x0] =	vst.idx.msk $0xffff, v15;
	v15 =	vld [tilespmem:s8+$0xFFFFFFB0];
	v16 =	vadd.s32 v2, v4  }
0x185: {  	s7 =	sadd.s32 $0x2, s9;
	v20 =	vand.u32 $0x7D, v8;
	v21 =	vld [tilespmem:s13+$0xFFFFFFD0];
	v22 =	vadd.s32 v0, v19;
	[tilespmem:v13+s25+$0x0] =	vst.idx.msk $0xffff, v10  }
0x186: {  	v8 =	vmov s7;
	v10 =	vld [tilespmem:s13+$0xFFFFFF50];
	v13 =	vadd.s32 v0, v20;
	[tilespmem:v12+s25+$0x0] =	vst.idx.msk $0xffff, v9  }
0x187: {  	v9 =	vmov s9;
	v12 =	vand.u32 $0x7E, v8;
	s9 =	smov.u32 s11;
	[tilespmem:v14+s25+$0x0] =	vst.idx.msk $0xffff, v11;
	v11 =	vld [tilespmem:s8+$0x0];
	v14 =	vadd.s32 v3, v6;
	v6 =	vmovc v19  }
0x188: {  	v8 =	vand.u32 $0x7C, v9;
	v19 =	vadd.s32 v0, v12;
	v9 =	vld [tilespmem:s13+$0xFFFFFF90];
	[tilespmem:v18+s25+$0x0] =	vst.idx.msk $0xffff, v17  }
0x189: {  	v18 =	vadd.s32 v0, v8;
	v17 =	vld [tilespmem:s13+$0xFFFFFF10];
	[tilespmem:v16+s25+$0x0] =	vst.idx.msk $0xffff, v15  }
0x18a: {  	[tilespmem:v22+s25+$0x0] =	vst.idx.msk $0xffff, v21;
	v21 =	vld [tilespmem:s8+$0xFFFFFF30];
	v22 =	vadd.s32 v2, v7  }
0x18b: {  	[tilespmem:v13+s25+$0x0] =	vst.idx.msk $0xffff, v10;
	v10 =	vld [tilespmem:s13+$0xFFFFFFE0];
	v13 =	vadd.s32 v1, v6  }
0x18c: {  	v24 =	vadd.s32 v1, v20;
	v23 =	vld [tilespmem:s13+$0xFFFFFF60];
	[tilespmem:v14+s25+$0x0] =	vst.idx.msk $0xffff, v11  }
0x18d: {  	v25 =	vadd.s32 v3, v5;
	v5 =	vmov v20;
	[tilespmem:v19+s25+$0x0] =	vst.idx.msk $0xffff, v9;
	v19 =	vld [tilespmem:s8+$0xFFFFFF80]  }
.Ltmp11:
0x18e: {  	[tilespmem:v18+s25+$0x0] =	vst.idx.msk $0xffff, v17;
	v17 =	vld [tilespmem:s13+$0xFFFFFFA0];
	v18 =	vadd.s32 v1, v12;
	(pc) =	sbr.rel @p0 .LBB2_25-.Ltmp11, $4  }
0x18f: {  	v16 =	vadd.s32 v1, v8;
	v15 =	vld [tilespmem:s13+$0xFFFFFF20];
	[tilespmem:v22+s25+$0x0] =	vst.idx.msk $0xffff, v21  }
0x190: {  	[tilespmem:v13+s25+$0x0] =	vst.idx.msk $0xffff, v10;
	v10 =	vld [tilespmem:s8+$0xFFFFFFC0];
	v13 =	vadd.s32 v3, v4;
	v4 =	vmov v12  }
0x191: {  	v12 =	vadd.s32 v2, v6;
	[tilespmem:v24+s25+$0x0] =	vst.idx.msk $0xffff, v23;
	v9 =	vld [tilespmem:s13+$0xFFFFFFF0]  }
0x192: {  	s11 =	sadd.s32 $0x4, s11;
	s7 =	sadd.s32 $0x3, s9;
	v14 =	vadd.s32 v2, v5;
	v11 =	vld [tilespmem:s13+$0xFFFFFF70];
	[tilespmem:v25+s25+$0x0] =	vst.idx.msk $0xffff, v19  }
0x193: {  	_ =	sdelay $0x2  }
0x194: {  	v19 =	vmov s7  }
0x195: {  	s10 =	sadd.s32 $0x1, s9;
	[tilespmem:v18+s25+$0x0] =	vst.idx.msk $0xffff, v17;
	v25 =	vld [tilespmem:s8+$0xFFFFFF40];
	v7 =	vadd.s32 v3, v7;
	s15 =	sadd.s32 $0x100, s13;
	v21 =	vmov s9;
	v19 =	vand.u32 $0x7F, v19  }
0x196: {  	v26 =	vmov s10;
	s10 =	sadd.s32 $0x2, s9;
	[tilespmem:v16+s25+$0x0] =	vst.idx.msk $0xffff, v15;
	v28 =	vld [tilespmem:s15+$0xFFFFFFD0];
	v32 =	vand.u32 $0x7C, v21;
	v29 =	vadd.s32 v0, v19  }
0x197: {  	v35 =	vld [tilespmem:s15+$0xFFFFFF10];
	v27 =	vand.u32 $0x7D, v26;
	v20 =	vmov s10;
	[tilespmem:v13+s25+$0x0] =	vst.idx.msk $0xffff, v10;
	v36 =	vadd.s32 v0, v32  }
0x198: {  	v30 =	vld [tilespmem:s15+$0xFFFFFF50];
	v31 =	vadd.s32 v0, v27;
	v20 =	vand.u32 $0x7E, v20;
	[tilespmem:v12+s25+$0x0] =	vst.idx.msk $0xffff, v9  }
0x199: {  	v33 =	vld [tilespmem:s15+$0xFFFFFF90];
	v34 =	vadd.s32 v0, v20;
	[tilespmem:v14+s25+$0x0] =	vst.idx.msk $0xffff, v11  }
0x19a: {  	v37 =	vadd.s32 v2, v4;
	v22 =	vld [tilespmem:s13+$0xFFFFFFB0];
	[tilespmem:v7+s25+$0x0] =	vst.idx.msk $0xffff, v25  }
0x19b: {  	v48 =	vadd.s32 v2, v8;
	v47 =	vld [tilespmem:s13+$0xFFFFFF30];
	[tilespmem:v29+s25+$0x0] =	vst.idx.msk $0xffff, v28  }
0x19c: {  	v40 =	vadd.s32 v1, v19;
	[tilespmem:v36+s25+$0x0] =	vst.idx.msk $0xffff, v35;
	v39 =	vld [tilespmem:s15+$0xFFFFFFE0]  }
0x19d: {  	v46 =	vadd.s32 v1, v32;
	[tilespmem:v31+s25+$0x0] =	vst.idx.msk $0xffff, v30;
	v45 =	vld [tilespmem:s15+$0xFFFFFF20]  }
0x19e: {  	v42 =	vadd.s32 v1, v27;
	v41 =	vld [tilespmem:s15+$0xFFFFFF60];
	[tilespmem:v34+s25+$0x0] =	vst.idx.msk $0xffff, v33  }
0x19f: {  	v44 =	vadd.s32 v1, v20;
	[tilespmem:v37+s25+$0x0] =	vst.idx.msk $0xffff, v22;
	v43 =	vld [tilespmem:s15+$0xFFFFFFA0]  }
0x1a0: {  	v6 =	vadd.s32 v3, v6;
	v38 =	vld [tilespmem:s13+$0x0];
	[tilespmem:v48+s25+$0x0] =	vst.idx.msk $0xffff, v47  }
0x1a1: {  	v5 =	vadd.s32 v3, v5;
	v49 =	vld [tilespmem:s13+$0xFFFFFF80];
	[tilespmem:v40+s25+$0x0] =	vst.idx.msk $0xffff, v39  }
0x1a2: {  	v50 =	vadd.s32 v2, v19;
	[tilespmem:v46+s25+$0x0] =	vst.idx.msk $0xffff, v45;
	v10 =	vld [tilespmem:s15+$0xFFFFFFF0]  }
0x1a3: {  	v55 =	vadd.s32 v2, v32;
	[tilespmem:v42+s25+$0x0] =	vst.idx.msk $0xffff, v41;
	v54 =	vld [tilespmem:s15+$0xFFFFFF30]  }
0x1a4: {  	v51 =	vadd.s32 v2, v27;
	v16 =	vld [tilespmem:s15+$0xFFFFFF70];
	[tilespmem:v44+s25+$0x0] =	vst.idx.msk $0xffff, v43  }
0x1a5: {  	v53 =	vadd.s32 v2, v20;
	[tilespmem:v6+s25+$0x0] =	vst.idx.msk $0xffff, v38;
	v52 =	vld [tilespmem:s15+$0xFFFFFFB0]  }
0x1a6: {  	[tilespmem:v5+s25+$0x0] =	vst.idx.msk $0xffff, v49  }
0x1a7: {  	[tilespmem:v50+s25+$0x0] =	vst.idx.msk $0xffff, v10  }
0x1a8: {  	v4 =	vadd.s32 v3, v4;
	v56 =	vld [tilespmem:s13+$0xFFFFFFC0];
	[tilespmem:v55+s25+$0x0] =	vst.idx.msk $0xffff, v54  }
0x1a9: {  	v57 =	vadd.s32 v3, v8;
	v5 =	vld [tilespmem:s13+$0xFFFFFF40];
	[tilespmem:v51+s25+$0x0] =	vst.idx.msk $0xffff, v16  }
0x1aa: {  	v59 =	vadd.s32 v3, v19;
	v58 =	vld [tilespmem:s15+$0x0];
	[tilespmem:v53+s25+$0x0] =	vst.idx.msk $0xffff, v52  }
0x1ab: {  	s30 =	sshll.u32 s31, $0x2;
	v61 =	vadd.s32 v3, v27;
	v60 =	vld [tilespmem:s15+$0xFFFFFF80];
	s11 =	rddreg [dreg:$0x7]  }
0x1ac: {  	v63 =	vadd.s32 v3, v20;
	v62 =	vld [tilespmem:s15+$0xFFFFFFC0];
	s8 =	sadd.s32 s30, s11  }
0x1ad: {  	v9 =	vadd.s32 v3, v32;
	[tilespmem:v4+s25+$0x0] =	vst.idx.msk $0xffff, v56;
	v4 =	vld [tilespmem:s15+$0xFFFFFF40];
	s13 =	sshrl.u32 s8, $0x5;
	s15 =	sshra.s32 s8, $0x1F  }
0x1ae: {  	[tilespmem:v57+s25+$0x0] =	vst.idx.msk $0xffff, v5;
	s8 =	sshll.u32 s8, $0xA;
	s7 =	sadd.s32 s15, s13  }
0x1af: {  	[tilespmem:v59+s25+$0x0] =	vst.idx.msk $0xffff, v58;
	s8 =	sand.u32 $0x7C00, s8;
	s7 =	sshll.u32 s7, $0x12  }
0x1b0: {  	[tilespmem:v61+s25+$0x0] =	vst.idx.msk $0xffff, v60;
	s7 =	sor.u32 s8, s7  }
0x1b1: {  	[tilespmem:v63+s25+$0x0] =	vst.idx.msk $0xffff, v62;
	s7 =	sshrl.u32 s7, $0x3  }
0x1b2: {  	s9 =	simm.s32 $0x10B00;
	[tilespmem:v9+s25+$0x0] =	vst.idx.msk $0xffff, v4;
	s8 =	sadd.s32 s2, s7  }
0x1b3: {  	[hbm4b:s8+s3] =	stream.linear.scatter [tilespmem:s9], [sflag:$0x6], $0x80, $0x38;
	[tilespmem:$0x12D00] =	vst v63  }
0x1b4: {  	s10 =	simm.s32 $0x10B88;
	s11 =	sadd.s32 $0x10, s8  }
0x1b5: {  	[hbm4b:s11+s3] =	stream.linear.scatter [tilespmem:s10], [sflag:$0x6], $0x80, $0x38;
	[tilespmem:$0x12D00] =	vst v63  }
0x1b6: {  	s13 =	simm.s32 $0x10C10;
	s7 =	simm.s32 $0x440;
	s15 =	sadd.s32 $0x20, s8  }
0x1b7: {  	[hbm4b:s15+s3] =	stream.linear.scatter [tilespmem:s13], [sflag:$0x6], $0x80, $0x38;
	[tilespmem:$0x12D00] =	vst v63  }
0x1b8: {  	s9 =	simm.s32 $0x2200;
	s10 =	simm.s32 $0x10C98;
	s11 =	sadd.s32 $0x30, s8  }
0x1b9: {  	[hbm4b:s11+s3] =	stream.linear.scatter [tilespmem:s10], [sflag:$0x6], $0x80, $0x38;
	[tilespmem:$0x12D00] =	vst v63  }
0x1ba: {  	s13 =	simm.s32 $0x10D20;
	s15 =	sadd.s32 $0x40, s8;
	s10 =	simm.s32 $0x10DA8  }
0x1bb: {  	[hbm4b:s15+s3] =	stream.linear.scatter [tilespmem:s13], [sflag:$0x6], $0x80, $0x38;
	[tilespmem:$0x12D00] =	vst v63  }
0x1bc: {  	s11 =	sadd.s32 $0x50, s8;
	s13 =	simm.s32 $0x10E30;
	s15 =	sadd.s32 $0x60, s8  }
0x1bd: {  	[hbm4b:s11+s3] =	stream.linear.scatter [tilespmem:s10], [sflag:$0x6], $0x80, $0x38;
	[tilespmem:$0x12D00] =	vst v63  }
0x1be: {  	s10 =	simm.s32 $0x10EB8;
	s11 =	sadd.s32 $0x70, s8;
	s8 =	sadd.s32 $0x1000, s8  }
0x1bf: {  	[hbm4b:s15+s3] =	stream.linear.scatter [tilespmem:s13], [sflag:$0x6], $0x80, $0x38;
	[tilespmem:$0x12D00] =	vst v63  }
.LBB2_27:
0x1c0: {  	[hbm4b:s11+s3] =	stream.linear.scatter [tilespmem:s10], [sflag:$0x6], $0x80, $0x38;
	[tilespmem:$0x12D00] =	vst v63  }
0x1c1: {  	s10 =	smov.u32 s7;
	s7 =	smov.u32 s9  }
0x1c2: {  	s13 =	sadd.s32 $0x1100, s9;
	s7 =	sshra.s32 s7, $0x2;
	s11 =	sadd.s32 $0x10B00, s10  }
0x1c3: {  	[hbm4b:s8+s3] =	stream.linear.scatter [tilespmem:s11], [sflag:$0x6], $0x80, $0x38;
	[tilespmem:$0x12D00] =	vst v63  }
0x1c4: {  	p0 =	sne.s32 s9, $0x7700;
	s9 =	sadd.s32 $0x10B88, s10;
	s11 =	sadd.s32 $0x10, s8  }
0x1c5: {  	[hbm4b:s11+s3] =	stream.linear.scatter [tilespmem:s9], [sflag:$0x6], $0x80, $0x38;
	[tilespmem:$0x12D00] =	vst v63  }
0x1c6: {  	s9 =	sadd.s32 $0x10C10, s10;
	s11 =	sadd.s32 $0x20, s8  }
0x1c7: {  	[hbm4b:s11+s3] =	stream.linear.scatter [tilespmem:s9], [sflag:$0x6], $0x80, $0x38;
	[tilespmem:$0x12D00] =	vst v63  }
0x1c8: {  	s9 =	sadd.s32 $0x10C98, s10;
	s11 =	sadd.s32 $0x30, s8  }
0x1c9: {  	[hbm4b:s11+s3] =	stream.linear.scatter [tilespmem:s9], [sflag:$0x6], $0x80, $0x38;
	[tilespmem:$0x12D00] =	vst v63  }
0x1ca: {  	s9 =	sadd.s32 $0x10D20, s10;
	s11 =	sadd.s32 $0x40, s8  }
0x1cb: {  	[hbm4b:s11+s3] =	stream.linear.scatter [tilespmem:s9], [sflag:$0x6], $0x80, $0x38;
	[tilespmem:$0x12D00] =	vst v63  }
.Ltmp12:
0x1cc: {  	s9 =	sadd.s32 $0x10DA8, s10;
	s11 =	sadd.s32 $0x50, s8;
	(pc) =	sbr.rel @p0 .LBB2_27-.Ltmp12, $4  }
0x1cd: {  	[hbm4b:s11+s3] =	stream.linear.scatter [tilespmem:s9], [sflag:$0x6], $0x80, $0x38;
	[tilespmem:$0x12D00] =	vst v63  }
0x1ce: {  	s9 =	sadd.s32 $0x10E30, s10;
	s11 =	sadd.s32 $0x60, s8;
	s10 =	sadd.s32 $0x10EB8, s10  }
0x1cf: {  	[hbm4b:s11+s3] =	stream.linear.scatter [tilespmem:s9], [sflag:$0x6], $0x80, $0x38;
	[tilespmem:$0x12D00] =	vst v63  }
0x1d0: {  	s11 =	sadd.s32 $0x70, s8;
	s8 =	sadd.s32 $0x1000, s8;
	s9 =	smov.u32 s13  }
0x1d1: {  	[hbm4b:s11+s3] =	stream.linear.scatter [tilespmem:s10], [sflag:$0x6], $0x80, $0x38;
	[tilespmem:$0x12D00] =	vst v63  }
0x1d2: {  	s9 =	sadd.s32 $0x10B00, s7  }
0x1d3: {  	[hbm4b:s8+s3] =	stream.linear.scatter [tilespmem:s9], [sflag:$0x6], $0x80, $0x38;
	[tilespmem:$0x12D00] =	vst v63  }
0x1d4: {  	s13 =	sadd.s32 $0x10B88, s7;
	s15 =	sadd.s32 $0x10, s8  }
0x1d5: {  	[hbm4b:s15+s3] =	stream.linear.scatter [tilespmem:s13], [sflag:$0x6], $0x80, $0x38;
	[tilespmem:$0x12D00] =	vst v63  }
0x1d6: {  	s10 =	sadd.s32 $0x10C10, s7;
	s11 =	sadd.s32 $0x20, s8  }
0x1d7: {  	[hbm4b:s11+s3] =	stream.linear.scatter [tilespmem:s10], [sflag:$0x6], $0x80, $0x38;
	[tilespmem:$0x12D00] =	vst v63  }
0x1d8: {  	s13 =	sadd.s32 $0x10C98, s7;
	s15 =	sadd.s32 $0x30, s8  }
0x1d9: {  	[hbm4b:s15+s3] =	stream.linear.scatter [tilespmem:s13], [sflag:$0x6], $0x80, $0x38;
	[tilespmem:$0x12D00] =	vst v63  }
0x1da: {  	s10 =	sadd.s32 $0x10D20, s7;
	s11 =	sadd.s32 $0x40, s8  }
0x1db: {  	[hbm4b:s11+s3] =	stream.linear.scatter [tilespmem:s10], [sflag:$0x6], $0x80, $0x38;
	[tilespmem:$0x12D00] =	vst v63  }
0x1dc: {  	s13 =	sadd.s32 $0x10DA8, s7;
	s15 =	sadd.s32 $0x50, s8  }
0x1dd: {  	[hbm4b:s15+s3] =	stream.linear.scatter [tilespmem:s13], [sflag:$0x6], $0x80, $0x38;
	[tilespmem:$0x12D00] =	vst v63  }
0x1de: {  	s10 =	sadd.s32 $0x10E30, s7;
	s11 =	sadd.s32 $0x60, s8  }
0x1df: {  	[hbm4b:s11+s3] =	stream.linear.scatter [tilespmem:s10], [sflag:$0x6], $0x80, $0x38;
	[tilespmem:$0x12D00] =	vst v63  }
0x1e0: {  	s13 =	sadd.s32 $0x10EB8, s7;
	s15 =	sadd.s32 $0x70, s8  }
0x1e1: {  	[hbm4b:s15+s3] =	stream.linear.scatter [tilespmem:s13], [sflag:$0x6], $0x80, $0x38;
	[tilespmem:$0x12D00] =	vst v63  }
0x1e2: {  	_ =	swait.ge [sflag:s26], $0x2000  }
0x1e3: {  	[sflag:s26] =	ssyncset.done $0x0  }
0x1e4: {  	[sflag:s26] =	ssyncadd.s32 $0xFFFFE000  }
0x1e5: {  	v5 =	vld [tilespmem:s0+$0xFFFFFFF0];
	_ =	sdelay $0x1  }
0x1e6: {  	v4 =	vld [tilespmem:s0+$0x0];
	_ =	sdelay $0x1  }
0x1e7: {  	s7 =	simm.s32 $0x6490  }
0x1e8: {  	s9 =	sadd.s32 $0x20, s0;
	s8 =	simm.s32 $0x0;
	s13 =	sor.u32 $0x1, s30;
	[tilespmem:s7+$0xFFFFFFF0] =	vst v5  }
.LBB2_29:
0x1e9: {  	s8 =	sadd.s32 $0x2, s8  }
0x1ea: {  	v5 =	vld [tilespmem:s9+$0xFFFFFFF0];
	[tilespmem:s7+$0x0] =	vst v4;
	s7 =	sadd.s32 $0x20, s7;
	p0 =	slt.u32 s8, $0x6  }
.Ltmp13:
0x1eb: {  	v4 =	vld [tilespmem:s9+$0x0];
	(pc) =	sbr.rel @p0 .LBB2_29-.Ltmp13, $2  }
0x1ec: {  	_ =	sdelay $0x2  }
0x1ed: {  	s9 =	sadd.s32 $0x20, s9;
	[tilespmem:s7+$0xFFFFFFF0] =	vst v5  }
0x1ee: {  	[tilespmem:s7+$0x0] =	vst v4  }
0x1ef: {  	[tilespmem:s18], [sflag:$0x2] =	stream.indirect.gather [hbm4b:s5+s14], $0x40, s17, s14, $0xb8;
	[tilespmem:$0x12D00] =	vst v63  }
0x1f0: {  	s11 =	simm.s32 $0x3;
	_ =	swait.ge [sflag:s19], $0x2000  }
0x1f1: {  	s15 =	simm.s32 $0x1;
	v4 =	vmov s11;
	[sflag:s19] =	ssyncset.done $0x0  }
0x1f2: {  	s9 =	simm.s32 $0x6580;
	s8 =	simm.s32 $0x2;
	v8 =	vand.u32 $0x7F, v4;
	v4 =	vmov s15;
	[sflag:s19] =	ssyncadd.s32 $0xFFFFE000  }
0x1f3: {  	v6 =	vadd.s32 v0, v8;
	v9 =	vand.u32 $0x7D, v4;
	v4 =	vmov s8;
	v5 =	vld [tilespmem:s9+$0x40]  }
0x1f4: {  	v11 =	vadd.s32 v0, v9;
	v12 =	vand.u32 $0x7E, v4;
	v10 =	vld [tilespmem:s9+$0xFFFFFFC0]  }
0x1f5: {  	s10 =	simm.s32 $0x0;
	v4 =	vld [tilespmem:s9+$0x0];
	v13 =	vadd.s32 v0, v12  }
0x1f6: {  	v7 =	vmov s10  }
0x1f7: {  	v7 =	vand.u32 $0x7C, v7  }
0x1f8: {  	v15 =	vadd.s32 v0, v7;
	v14 =	vld [tilespmem:s9+$0xFFFFFF80];
	[tilespmem:v6+s20+$0x0] =	vst.idx.msk $0xffff, v5  }
0x1f9: {  	v6 =	vadd.s32 v1, v8;
	[tilespmem:v11+s20+$0x0] =	vst.idx.msk $0xffff, v10;
	v5 =	vld [tilespmem:s9+$0x50]  }
0x1fa: {  	v11 =	vadd.s32 v1, v9;
	[tilespmem:v13+s20+$0x0] =	vst.idx.msk $0xffff, v4;
	v10 =	vld [tilespmem:s9+$0xFFFFFFD0]  }
0x1fb: {  	v13 =	vadd.s32 v1, v12;
	v4 =	vld [tilespmem:s9+$0x10];
	_ =	sdelay $0x1  }
0x1fc: {  	[tilespmem:v15+s20+$0x0] =	vst.idx.msk $0xffff, v14  }
0x1fd: {  	v17 =	vadd.s32 v1, v7;
	v16 =	vld [tilespmem:s9+$0xFFFFFF90];
	[tilespmem:v6+s20+$0x0] =	vst.idx.msk $0xffff, v5  }
0x1fe: {  	v15 =	vadd.s32 v2, v8;
	[tilespmem:v11+s20+$0x0] =	vst.idx.msk $0xffff, v10;
	v14 =	vld [tilespmem:s9+$0x60]  }
0x1ff: {  	s11 =	simm.s32 $0x7;
	v11 =	vadd.s32 v2, v9;
	[tilespmem:v13+s20+$0x0] =	vst.idx.msk $0xffff, v4;
	v10 =	vld [tilespmem:s9+$0xFFFFFFE0]  }
0x200: {  	s8 =	simm.s32 $0x5;
	v18 =	vadd.s32 v2, v12;
	v5 =	vmov s11;
	v13 =	vld [tilespmem:s9+$0x20]  }
0x201: {  	s15 =	simm.s32 $0x6;
	v4 =	vmov s8;
	s8 =	simm.s32 $0x6680;
	v6 =	vand.u32 $0x7F, v5  }
0x202: {  	[tilespmem:v17+s20+$0x0] =	vst.idx.msk $0xffff, v16;
	v5 =	vand.u32 $0x7D, v4;
	v19 =	vld [tilespmem:s8+$0x40];
	v4 =	vmov s15;
	v20 =	vadd.s32 v0, v6  }
0x203: {  	s10 =	simm.s32 $0x4;
	v21 =	vld [tilespmem:s8+$0xFFFFFFC0];
	v22 =	vadd.s32 v0, v5;
	v4 =	vand.u32 $0x7E, v4;
	[tilespmem:v15+s20+$0x0] =	vst.idx.msk $0xffff, v14  }
0x204: {  	v14 =	vmov s10;
	[tilespmem:v11+s20+$0x0] =	vst.idx.msk $0xffff, v10;
	v10 =	vld [tilespmem:s8+$0x0];
	v11 =	vadd.s32 v0, v4  }
0x205: {  	v16 =	vadd.s32 v3, v8;
	[tilespmem:v18+s20+$0x0] =	vst.idx.msk $0xffff, v13;
	v13 =	vld [tilespmem:s9+$0xFFFFFFA0];
	v18 =	vadd.s32 v2, v7;
	v8 =	vand.u32 $0x7C, v14  }
0x206: {  	v14 =	vld [tilespmem:s8+$0xFFFFFF80];
	v17 =	vadd.s32 v0, v8  }
0x207: {  	v15 =	vld [tilespmem:s9+$0x70];
	[tilespmem:v20+s20+$0x0] =	vst.idx.msk $0xffff, v19  }
0x208: {  	[tilespmem:v22+s20+$0x0] =	vst.idx.msk $0xffff, v21;
	v20 =	vadd.s32 v1, v6;
	v19 =	vld [tilespmem:s8+$0x50]  }
0x209: {  	v63 =	vadd.s32 v1, v5;
	v21 =	vld [tilespmem:s8+$0xFFFFFFD0];
	[tilespmem:v11+s20+$0x0] =	vst.idx.msk $0xffff, v10  }
0x20a: {  	v24 =	vadd.s32 v3, v9;
	v23 =	vld [tilespmem:s9+$0xFFFFFFF0];
	[tilespmem:v18+s20+$0x0] =	vst.idx.msk $0xffff, v13  }
0x20b: {  	v18 =	vadd.s32 v1, v4;
	[tilespmem:v17+s20+$0x0] =	vst.idx.msk $0xffff, v14;
	v17 =	vld [tilespmem:s8+$0x10]  }
0x20c: {  	[tilespmem:v16+s20+$0x0] =	vst.idx.msk $0xffff, v15;
	v16 =	vadd.s32 v1, v8;
	v15 =	vld [tilespmem:s8+$0xFFFFFF90]  }
0x20d: {  	v10 =	vld [tilespmem:s9+$0x30];
	v13 =	vadd.s32 v3, v12;
	[tilespmem:v20+s20+$0x0] =	vst.idx.msk $0xffff, v19  }
0x20e: {  	v12 =	vadd.s32 v2, v6;
	[tilespmem:v63+s20+$0x0] =	vst.idx.msk $0xffff, v21;
	v9 =	vld [tilespmem:s8+$0x60]  }
0x20f: {  	s7 =	simm.s32 $0xC;
	s11 =	simm.s32 $0x8;
	s10 =	simm.s32 $0xB;
	[tilespmem:v24+s20+$0x0] =	vst.idx.msk $0xffff, v23;
	v14 =	vadd.s32 v2, v5;
	v11 =	vld [tilespmem:s8+$0xFFFFFFE0]  }
.LBB2_31:
0x210: {  	p0 =	slt.u32 s7, $0x7C;
	s15 =	sadd.s32 $0x1, s11;
	v19 =	vmov s10;
	[tilespmem:v18+s20+$0x0] =	vst.idx.msk $0xffff, v17;
	v17 =	vld [tilespmem:s9+$0xFFFFFFB0];
	v18 =	vadd.s32 v3, v7;
	v7 =	vmov v8;
	s9 =	smov.u32 s8  }
0x211: {  	s8 =	sadd.s32 $0x100, s8;
	v8 =	vmov s15;
	v19 =	vand.u32 $0x7F, v19;
	[tilespmem:v16+s20+$0x0] =	vst.idx.msk $0xffff, v15;
	v15 =	vld [tilespmem:s9+$0x20];
	v16 =	vadd.s32 v2, v4  }
0x212: {  	s10 =	sadd.s32 $0x2, s11;
	v20 =	vand.u32 $0x7D, v8;
	v21 =	vld [tilespmem:s8+$0x40];
	v22 =	vadd.s32 v0, v19;
	[tilespmem:v13+s20+$0x0] =	vst.idx.msk $0xffff, v10  }
0x213: {  	v8 =	vmov s10;
	v10 =	vld [tilespmem:s8+$0xFFFFFFC0];
	v13 =	vadd.s32 v0, v20;
	[tilespmem:v12+s20+$0x0] =	vst.idx.msk $0xffff, v9  }
0x214: {  	v9 =	vmov s11;
	v12 =	vand.u32 $0x7E, v8;
	s11 =	smov.u32 s7;
	[tilespmem:v14+s20+$0x0] =	vst.idx.msk $0xffff, v11;
	v11 =	vld [tilespmem:s9+$0x70];
	v14 =	vadd.s32 v3, v6;
	v6 =	vmovc v19  }
0x215: {  	v8 =	vand.u32 $0x7C, v9;
	v19 =	vadd.s32 v0, v12;
	v9 =	vld [tilespmem:s8+$0x0];
	[tilespmem:v18+s20+$0x0] =	vst.idx.msk $0xffff, v17  }
0x216: {  	v18 =	vadd.s32 v0, v8;
	v17 =	vld [tilespmem:s8+$0xFFFFFF80];
	[tilespmem:v16+s20+$0x0] =	vst.idx.msk $0xffff, v15  }
0x217: {  	[tilespmem:v22+s20+$0x0] =	vst.idx.msk $0xffff, v21;
	v21 =	vld [tilespmem:s9+$0xFFFFFFA0];
	v22 =	vadd.s32 v2, v7  }
0x218: {  	[tilespmem:v13+s20+$0x0] =	vst.idx.msk $0xffff, v10;
	v10 =	vld [tilespmem:s8+$0x50];
	v13 =	vadd.s32 v1, v6  }
0x219: {  	v24 =	vadd.s32 v1, v20;
	v23 =	vld [tilespmem:s8+$0xFFFFFFD0];
	[tilespmem:v14+s20+$0x0] =	vst.idx.msk $0xffff, v11  }
0x21a: {  	v25 =	vadd.s32 v3, v5;
	v5 =	vmov v20;
	[tilespmem:v19+s20+$0x0] =	vst.idx.msk $0xffff, v9;
	v19 =	vld [tilespmem:s9+$0xFFFFFFF0]  }
.Ltmp14:
0x21b: {  	[tilespmem:v18+s20+$0x0] =	vst.idx.msk $0xffff, v17;
	v17 =	vld [tilespmem:s8+$0x10];
	v18 =	vadd.s32 v1, v12;
	(pc) =	sbr.rel @p0 .LBB2_31-.Ltmp14, $4  }
0x21c: {  	v16 =	vadd.s32 v1, v8;
	v15 =	vld [tilespmem:s8+$0xFFFFFF90];
	[tilespmem:v22+s20+$0x0] =	vst.idx.msk $0xffff, v21  }
0x21d: {  	[tilespmem:v13+s20+$0x0] =	vst.idx.msk $0xffff, v10;
	v10 =	vld [tilespmem:s9+$0x30];
	v13 =	vadd.s32 v3, v4;
	v4 =	vmov v12  }
0x21e: {  	v12 =	vadd.s32 v2, v6;
	[tilespmem:v24+s20+$0x0] =	vst.idx.msk $0xffff, v23;
	v9 =	vld [tilespmem:s8+$0x60]  }
0x21f: {  	s7 =	sadd.s32 $0x4, s7;
	s10 =	sadd.s32 $0x3, s11;
	v14 =	vadd.s32 v2, v5;
	v11 =	vld [tilespmem:s8+$0xFFFFFFE0];
	[tilespmem:v25+s20+$0x0] =	vst.idx.msk $0xffff, v19  }
0x220: {  	_ =	sdelay $0x2  }
0x221: {  	v19 =	vmov s10  }
0x222: {  	s7 =	sadd.s32 $0x1, s11;
	[tilespmem:v18+s20+$0x0] =	vst.idx.msk $0xffff, v17;
	v25 =	vld [tilespmem:s9+$0xFFFFFFB0];
	v7 =	vadd.s32 v3, v7;
	s10 =	sadd.s32 $0x100, s8;
	v21 =	vmov s11;
	v19 =	vand.u32 $0x7F, v19  }
0x223: {  	s15 =	sadd.s32 $0x2, s11;
	v26 =	vmov s7;
	[tilespmem:v16+s20+$0x0] =	vst.idx.msk $0xffff, v15;
	v28 =	vld [tilespmem:s10+$0x40];
	v32 =	vand.u32 $0x7C, v21;
	v29 =	vadd.s32 v0, v19  }
0x224: {  	v20 =	vmov s15;
	v35 =	vld [tilespmem:s10+$0xFFFFFF80];
	v27 =	vand.u32 $0x7D, v26;
	[tilespmem:v13+s20+$0x0] =	vst.idx.msk $0xffff, v10;
	v36 =	vadd.s32 v0, v32  }
0x225: {  	v30 =	vld [tilespmem:s10+$0xFFFFFFC0];
	v20 =	vand.u32 $0x7E, v20;
	v31 =	vadd.s32 v0, v27;
	[tilespmem:v12+s20+$0x0] =	vst.idx.msk $0xffff, v9  }
0x226: {  	v33 =	vld [tilespmem:s10+$0x0];
	v34 =	vadd.s32 v0, v20;
	[tilespmem:v14+s20+$0x0] =	vst.idx.msk $0xffff, v11  }
0x227: {  	v37 =	vadd.s32 v2, v4;
	v22 =	vld [tilespmem:s8+$0x20];
	[tilespmem:v7+s20+$0x0] =	vst.idx.msk $0xffff, v25  }
0x228: {  	v48 =	vadd.s32 v2, v8;
	v47 =	vld [tilespmem:s8+$0xFFFFFFA0];
	[tilespmem:v29+s20+$0x0] =	vst.idx.msk $0xffff, v28  }
0x229: {  	v40 =	vadd.s32 v1, v19;
	[tilespmem:v36+s20+$0x0] =	vst.idx.msk $0xffff, v35;
	v39 =	vld [tilespmem:s10+$0x50]  }
0x22a: {  	v46 =	vadd.s32 v1, v32;
	[tilespmem:v31+s20+$0x0] =	vst.idx.msk $0xffff, v30;
	v45 =	vld [tilespmem:s10+$0xFFFFFF90]  }
0x22b: {  	v42 =	vadd.s32 v1, v27;
	[tilespmem:v34+s20+$0x0] =	vst.idx.msk $0xffff, v33;
	v41 =	vld [tilespmem:s10+$0xFFFFFFD0]  }
0x22c: {  	v44 =	vadd.s32 v1, v20;
	[tilespmem:v37+s20+$0x0] =	vst.idx.msk $0xffff, v22;
	v43 =	vld [tilespmem:s10+$0x10]  }
0x22d: {  	v5 =	vadd.s32 v3, v5;
	v49 =	vld [tilespmem:s8+$0xFFFFFFF0];
	[tilespmem:v48+s20+$0x0] =	vst.idx.msk $0xffff, v47  }
0x22e: {  	v4 =	vadd.s32 v3, v4;
	v56 =	vld [tilespmem:s8+$0x30];
	[tilespmem:v40+s20+$0x0] =	vst.idx.msk $0xffff, v39  }
0x22f: {  	v50 =	vadd.s32 v2, v19;
	[tilespmem:v46+s20+$0x0] =	vst.idx.msk $0xffff, v45;
	v10 =	vld [tilespmem:s10+$0x60]  }
0x230: {  	v55 =	vadd.s32 v2, v32;
	[tilespmem:v42+s20+$0x0] =	vst.idx.msk $0xffff, v41;
	v54 =	vld [tilespmem:s10+$0xFFFFFFA0]  }
0x231: {  	v51 =	vadd.s32 v2, v27;
	[tilespmem:v44+s20+$0x0] =	vst.idx.msk $0xffff, v43;
	v16 =	vld [tilespmem:s10+$0xFFFFFFE0]  }
0x232: {  	v53 =	vadd.s32 v2, v20;
	[tilespmem:v5+s20+$0x0] =	vst.idx.msk $0xffff, v49;
	v52 =	vld [tilespmem:s10+$0x20]  }
0x233: {  	v6 =	vadd.s32 v3, v6;
	v38 =	vld [tilespmem:s8+$0x70];
	[tilespmem:v4+s20+$0x0] =	vst.idx.msk $0xffff, v56  }
0x234: {  	v57 =	vadd.s32 v3, v8;
	v5 =	vld [tilespmem:s8+$0xFFFFFFB0];
	[tilespmem:v50+s20+$0x0] =	vst.idx.msk $0xffff, v10  }
0x235: {  	v59 =	vadd.s32 v3, v19;
	[tilespmem:v55+s20+$0x0] =	vst.idx.msk $0xffff, v54;
	v58 =	vld [tilespmem:s10+$0x70]  }
0x236: {  	v9 =	vadd.s32 v3, v32;
	[tilespmem:v51+s20+$0x0] =	vst.idx.msk $0xffff, v16;
	v4 =	vld [tilespmem:s10+$0xFFFFFFB0]  }
0x237: {  	v61 =	vadd.s32 v3, v27;
	[tilespmem:v53+s20+$0x0] =	vst.idx.msk $0xffff, v52;
	v60 =	vld [tilespmem:s10+$0xFFFFFFF0]  }
0x238: {  	v63 =	vadd.s32 v3, v20;
	[tilespmem:v6+s20+$0x0] =	vst.idx.msk $0xffff, v38;
	v62 =	vld [tilespmem:s10+$0x30]  }
0x239: {  	[tilespmem:v57+s20+$0x0] =	vst.idx.msk $0xffff, v5;
	s10 =	sadd.s32 s4, s30  }
0x23a: {  	s11 =	sshll.u32 s10, $0x7;
	[tilespmem:v59+s20+$0x0] =	vst.idx.msk $0xffff, v58  }
0x23b: {  	s7 =	sshll.u32 s10, $0xA;
	s8 =	sand.u32 $0xE00, s11;
	[tilespmem:v9+s20+$0x0] =	vst.idx.msk $0xffff, v4  }
0x23c: {  	s7 =	sand.u32 $0xFFF8000, s7;
	s8 =	sadd.s32 s2, s8;
	[tilespmem:v61+s20+$0x0] =	vst.idx.msk $0xffff, v60  }
0x23d: {  	s15 =	simm.s32 $0xA500;
	s8 =	sadd.s32 s7, s8;
	[tilespmem:v63+s20+$0x0] =	vst.idx.msk $0xffff, v62  }
0x23e: {  	[hbm4b:s8+s3] =	stream.linear.scatter [tilespmem:s15], [sflag:$0x3], $0x80, $0x38;
	[tilespmem:$0x12D00] =	vst v63  }
0x23f: {  	s9 =	simm.s32 $0xA588;
	s10 =	sadd.s32 $0x10, s8  }
0x240: {  	[hbm4b:s10+s3] =	stream.linear.scatter [tilespmem:s9], [sflag:$0x3], $0x80, $0x38;
	[tilespmem:$0x12D00] =	vst v63  }
0x241: {  	s11 =	simm.s32 $0xA610;
	s15 =	sadd.s32 $0x20, s8  }
0x242: {  	[hbm4b:s15+s3] =	stream.linear.scatter [tilespmem:s11], [sflag:$0x3], $0x80, $0x38;
	[tilespmem:$0x12D00] =	vst v63  }
0x243: {  	s9 =	simm.s32 $0xA698;
	s10 =	sadd.s32 $0x30, s8  }
0x244: {  	[hbm4b:s10+s3] =	stream.linear.scatter [tilespmem:s9], [sflag:$0x3], $0x80, $0x38;
	[tilespmem:$0x12D00] =	vst v63  }
0x245: {  	s11 =	simm.s32 $0xA720;
	s15 =	sadd.s32 $0x40, s8  }
0x246: {  	[hbm4b:s15+s3] =	stream.linear.scatter [tilespmem:s11], [sflag:$0x3], $0x80, $0x38;
	[tilespmem:$0x12D00] =	vst v63  }
0x247: {  	s7 =	simm.s32 $0x440;
	s9 =	simm.s32 $0xA7A8;
	s10 =	sadd.s32 $0x50, s8  }
0x248: {  	[hbm4b:s10+s3] =	stream.linear.scatter [tilespmem:s9], [sflag:$0x3], $0x80, $0x38;
	[tilespmem:$0x12D00] =	vst v63  }
0x249: {  	s11 =	simm.s32 $0xA830;
	s15 =	sadd.s32 $0x60, s8;
	s9 =	simm.s32 $0x2200  }
0x24a: {  	[hbm4b:s15+s3] =	stream.linear.scatter [tilespmem:s11], [sflag:$0x3], $0x80, $0x38;
	[tilespmem:$0x12D00] =	vst v63  }
0x24b: {  	s10 =	simm.s32 $0xA8B8;
	s11 =	sadd.s32 $0x70, s8;
	s8 =	sadd.s32 $0x1000, s8  }
.LBB2_33:
0x24c: {  	[hbm4b:s11+s3] =	stream.linear.scatter [tilespmem:s10], [sflag:$0x3], $0x80, $0x38;
	[tilespmem:$0x12D00] =	vst v63  }
0x24d: {  	s10 =	smov.u32 s7;
	s7 =	smov.u32 s9  }
0x24e: {  	s15 =	sadd.s32 $0x1100, s9;
	s7 =	sshra.s32 s7, $0x2;
	s11 =	sadd.s32 $0xA500, s10  }
0x24f: {  	[hbm4b:s8+s3] =	stream.linear.scatter [tilespmem:s11], [sflag:$0x3], $0x80, $0x38;
	[tilespmem:$0x12D00] =	vst v63  }
0x250: {  	p0 =	sne.s32 s9, $0x7700;
	s9 =	sadd.s32 $0xA588, s10;
	s11 =	sadd.s32 $0x10, s8  }
0x251: {  	[hbm4b:s11+s3] =	stream.linear.scatter [tilespmem:s9], [sflag:$0x3], $0x80, $0x38;
	[tilespmem:$0x12D00] =	vst v63  }
0x252: {  	s9 =	sadd.s32 $0xA610, s10;
	s11 =	sadd.s32 $0x20, s8  }
0x253: {  	[hbm4b:s11+s3] =	stream.linear.scatter [tilespmem:s9], [sflag:$0x3], $0x80, $0x38;
	[tilespmem:$0x12D00] =	vst v63  }
0x254: {  	s9 =	sadd.s32 $0xA698, s10;
	s11 =	sadd.s32 $0x30, s8  }
0x255: {  	[hbm4b:s11+s3] =	stream.linear.scatter [tilespmem:s9], [sflag:$0x3], $0x80, $0x38;
	[tilespmem:$0x12D00] =	vst v63  }
0x256: {  	s9 =	sadd.s32 $0xA720, s10;
	s11 =	sadd.s32 $0x40, s8  }
0x257: {  	[hbm4b:s11+s3] =	stream.linear.scatter [tilespmem:s9], [sflag:$0x3], $0x80, $0x38;
	[tilespmem:$0x12D00] =	vst v63  }
.Ltmp15:
0x258: {  	s9 =	sadd.s32 $0xA7A8, s10;
	s11 =	sadd.s32 $0x50, s8;
	(pc) =	sbr.rel @p0 .LBB2_33-.Ltmp15, $4  }
0x259: {  	[hbm4b:s11+s3] =	stream.linear.scatter [tilespmem:s9], [sflag:$0x3], $0x80, $0x38;
	[tilespmem:$0x12D00] =	vst v63  }
0x25a: {  	s9 =	sadd.s32 $0xA830, s10;
	s11 =	sadd.s32 $0x60, s8;
	s10 =	sadd.s32 $0xA8B8, s10  }
0x25b: {  	[hbm4b:s11+s3] =	stream.linear.scatter [tilespmem:s9], [sflag:$0x3], $0x80, $0x38;
	[tilespmem:$0x12D00] =	vst v63  }
0x25c: {  	s11 =	sadd.s32 $0x70, s8;
	s8 =	sadd.s32 $0x1000, s8;
	s9 =	smov.u32 s15  }
0x25d: {  	[hbm4b:s11+s3] =	stream.linear.scatter [tilespmem:s10], [sflag:$0x3], $0x80, $0x38;
	[tilespmem:$0x12D00] =	vst v63  }
0x25e: {  	s9 =	sadd.s32 $0xA500, s7  }
0x25f: {  	[hbm4b:s8+s3] =	stream.linear.scatter [tilespmem:s9], [sflag:$0x3], $0x80, $0x38;
	[tilespmem:$0x12D00] =	vst v63  }
0x260: {  	s11 =	sadd.s32 $0xA588, s7;
	s15 =	sadd.s32 $0x10, s8  }
0x261: {  	[hbm4b:s15+s3] =	stream.linear.scatter [tilespmem:s11], [sflag:$0x3], $0x80, $0x38;
	[tilespmem:$0x12D00] =	vst v63  }
0x262: {  	s11 =	sadd.s32 $0xA610, s7;
	s15 =	sadd.s32 $0x20, s8  }
0x263: {  	[hbm4b:s15+s3] =	stream.linear.scatter [tilespmem:s11], [sflag:$0x3], $0x80, $0x38;
	[tilespmem:$0x12D00] =	vst v63  }
0x264: {  	s11 =	sadd.s32 $0xA698, s7;
	s15 =	sadd.s32 $0x30, s8  }
0x265: {  	[hbm4b:s15+s3] =	stream.linear.scatter [tilespmem:s11], [sflag:$0x3], $0x80, $0x38;
	[tilespmem:$0x12D00] =	vst v63  }
0x266: {  	s11 =	sadd.s32 $0xA720, s7;
	s15 =	sadd.s32 $0x40, s8  }
0x267: {  	[hbm4b:s15+s3] =	stream.linear.scatter [tilespmem:s11], [sflag:$0x3], $0x80, $0x38;
	[tilespmem:$0x12D00] =	vst v63  }
0x268: {  	s11 =	sadd.s32 $0xA7A8, s7;
	s15 =	sadd.s32 $0x50, s8  }
0x269: {  	[hbm4b:s15+s3] =	stream.linear.scatter [tilespmem:s11], [sflag:$0x3], $0x80, $0x38;
	[tilespmem:$0x12D00] =	vst v63  }
0x26a: {  	s11 =	sadd.s32 $0xA830, s7;
	s15 =	sadd.s32 $0x60, s8  }
0x26b: {  	[hbm4b:s15+s3] =	stream.linear.scatter [tilespmem:s11], [sflag:$0x3], $0x80, $0x38;
	[tilespmem:$0x12D00] =	vst v63  }
0x26c: {  	s11 =	sadd.s32 $0xA8B8, s7;
	s15 =	sadd.s32 $0x70, s8  }
0x26d: {  	[hbm4b:s15+s3] =	stream.linear.scatter [tilespmem:s11], [sflag:$0x3], $0x80, $0x38;
	[tilespmem:$0x12D00] =	vst v63  }
0x26e: {  	_ =	swait.ge [sflag:s28], $0x2000  }
0x26f: {  	[sflag:s28] =	ssyncset.done $0x0  }
0x270: {  	[sflag:s28] =	ssyncadd.s32 $0xFFFFE000  }
0x271: {  	v5 =	vld [tilespmem:s6+$0xFFFFFFF0];
	_ =	sdelay $0x1  }
0x272: {  	v4 =	vld [tilespmem:s6+$0x0];
	_ =	sdelay $0x1  }
0x273: {  	s7 =	simm.s32 $0x6410  }
0x274: {  	s30 =	sor.u32 $0x2, s30;
	s9 =	sadd.s32 $0x20, s6;
	s8 =	simm.s32 $0x0;
	[tilespmem:s7+$0xFFFFFFF0] =	vst v5  }
.LBB2_35:
0x275: {  	s8 =	sadd.s32 $0x2, s8  }
0x276: {  	v5 =	vld [tilespmem:s9+$0xFFFFFFF0];
	[tilespmem:s7+$0x0] =	vst v4;
	s7 =	sadd.s32 $0x20, s7;
	p0 =	slt.u32 s8, $0x6  }
.Ltmp16:
0x277: {  	v4 =	vld [tilespmem:s9+$0x0];
	(pc) =	sbr.rel @p0 .LBB2_35-.Ltmp16, $2  }
0x278: {  	_ =	sdelay $0x2  }
0x279: {  	s9 =	sadd.s32 $0x20, s9;
	[tilespmem:s7+$0xFFFFFFF0] =	vst v5  }
0x27a: {  	[tilespmem:s7+$0x0] =	vst v4;
	s10 =	simm.s32 $0x6400  }
0x27b: {  	[tilespmem:s16], [sflag:$0x1] =	stream.indirect.gather [hbm4b:s5+s14], $0x40, s10, s14, $0xb8;
	[tilespmem:$0x12D00] =	vst v63  }
0x27c: {  	s11 =	simm.s32 $0x3;
	_ =	swait.ge [sflag:s21], $0x2000  }
0x27d: {  	s15 =	simm.s32 $0x1;
	v4 =	vmov s11;
	[sflag:s21] =	ssyncset.done $0x0  }
0x27e: {  	s9 =	simm.s32 $0x85F0;
	s8 =	simm.s32 $0x2;
	v8 =	vand.u32 $0x7F, v4;
	v4 =	vmov s15;
	[sflag:s21] =	ssyncadd.s32 $0xFFFFE000  }
0x27f: {  	v6 =	vadd.s32 v0, v8;
	v9 =	vand.u32 $0x7D, v4;
	v4 =	vmov s8;
	v5 =	vld [tilespmem:s9+$0xFFFFFFD0]  }
0x280: {  	v11 =	vadd.s32 v0, v9;
	v12 =	vand.u32 $0x7E, v4;
	v10 =	vld [tilespmem:s9+$0xFFFFFF50]  }
0x281: {  	s10 =	simm.s32 $0x0;
	v4 =	vld [tilespmem:s9+$0xFFFFFF90];
	v13 =	vadd.s32 v0, v12  }
0x282: {  	v7 =	vmov s10  }
0x283: {  	v7 =	vand.u32 $0x7C, v7  }
0x284: {  	v15 =	vadd.s32 v0, v7;
	v14 =	vld [tilespmem:s9+$0xFFFFFF10];
	[tilespmem:v6+s22+$0x0] =	vst.idx.msk $0xffff, v5  }
0x285: {  	v6 =	vadd.s32 v1, v8;
	[tilespmem:v11+s22+$0x0] =	vst.idx.msk $0xffff, v10;
	v5 =	vld [tilespmem:s9+$0xFFFFFFE0]  }
0x286: {  	v11 =	vadd.s32 v1, v9;
	[tilespmem:v13+s22+$0x0] =	vst.idx.msk $0xffff, v4;
	v10 =	vld [tilespmem:s9+$0xFFFFFF60]  }
0x287: {  	v13 =	vadd.s32 v1, v12;
	v4 =	vld [tilespmem:s9+$0xFFFFFFA0];
	_ =	sdelay $0x1  }
0x288: {  	[tilespmem:v15+s22+$0x0] =	vst.idx.msk $0xffff, v14  }
0x289: {  	v17 =	vadd.s32 v1, v7;
	v16 =	vld [tilespmem:s9+$0xFFFFFF20];
	[tilespmem:v6+s22+$0x0] =	vst.idx.msk $0xffff, v5  }
0x28a: {  	v15 =	vadd.s32 v2, v8;
	[tilespmem:v11+s22+$0x0] =	vst.idx.msk $0xffff, v10;
	v14 =	vld [tilespmem:s9+$0xFFFFFFF0]  }
0x28b: {  	s11 =	simm.s32 $0x7;
	v11 =	vadd.s32 v2, v9;
	[tilespmem:v13+s22+$0x0] =	vst.idx.msk $0xffff, v4;
	v10 =	vld [tilespmem:s9+$0xFFFFFF70]  }
0x28c: {  	s8 =	simm.s32 $0x5;
	v18 =	vadd.s32 v2, v12;
	v5 =	vmov s11;
	v13 =	vld [tilespmem:s9+$0xFFFFFFB0]  }
0x28d: {  	s15 =	simm.s32 $0x6;
	v4 =	vmov s8;
	s8 =	simm.s32 $0x86F0;
	v6 =	vand.u32 $0x7F, v5  }
0x28e: {  	[tilespmem:v17+s22+$0x0] =	vst.idx.msk $0xffff, v16;
	v5 =	vand.u32 $0x7D, v4;
	v19 =	vld [tilespmem:s8+$0xFFFFFFD0];
	v4 =	vmov s15;
	v20 =	vadd.s32 v0, v6  }
0x28f: {  	s10 =	simm.s32 $0x4;
	v21 =	vld [tilespmem:s8+$0xFFFFFF50];
	v22 =	vadd.s32 v0, v5;
	v4 =	vand.u32 $0x7E, v4;
	[tilespmem:v15+s22+$0x0] =	vst.idx.msk $0xffff, v14  }
0x290: {  	v14 =	vmov s10;
	[tilespmem:v11+s22+$0x0] =	vst.idx.msk $0xffff, v10;
	v10 =	vld [tilespmem:s8+$0xFFFFFF90];
	v11 =	vadd.s32 v0, v4  }
0x291: {  	v16 =	vadd.s32 v3, v8;
	[tilespmem:v18+s22+$0x0] =	vst.idx.msk $0xffff, v13;
	v13 =	vld [tilespmem:s9+$0xFFFFFF30];
	v18 =	vadd.s32 v2, v7;
	v8 =	vand.u32 $0x7C, v14  }
0x292: {  	v14 =	vld [tilespmem:s8+$0xFFFFFF10];
	v17 =	vadd.s32 v0, v8  }
0x293: {  	v15 =	vld [tilespmem:s9+$0x0];
	[tilespmem:v20+s22+$0x0] =	vst.idx.msk $0xffff, v19  }
0x294: {  	[tilespmem:v22+s22+$0x0] =	vst.idx.msk $0xffff, v21;
	v20 =	vadd.s32 v1, v6;
	v19 =	vld [tilespmem:s8+$0xFFFFFFE0]  }
0x295: {  	v63 =	vadd.s32 v1, v5;
	v21 =	vld [tilespmem:s8+$0xFFFFFF60];
	[tilespmem:v11+s22+$0x0] =	vst.idx.msk $0xffff, v10  }
0x296: {  	v24 =	vadd.s32 v3, v9;
	v23 =	vld [tilespmem:s9+$0xFFFFFF80];
	[tilespmem:v18+s22+$0x0] =	vst.idx.msk $0xffff, v13  }
0x297: {  	v18 =	vadd.s32 v1, v4;
	[tilespmem:v17+s22+$0x0] =	vst.idx.msk $0xffff, v14;
	v17 =	vld [tilespmem:s8+$0xFFFFFFA0]  }
0x298: {  	[tilespmem:v16+s22+$0x0] =	vst.idx.msk $0xffff, v15;
	v16 =	vadd.s32 v1, v8;
	v15 =	vld [tilespmem:s8+$0xFFFFFF20]  }
0x299: {  	v10 =	vld [tilespmem:s9+$0xFFFFFFC0];
	v13 =	vadd.s32 v3, v12;
	[tilespmem:v20+s22+$0x0] =	vst.idx.msk $0xffff, v19  }
0x29a: {  	v12 =	vadd.s32 v2, v6;
	[tilespmem:v63+s22+$0x0] =	vst.idx.msk $0xffff, v21;
	v9 =	vld [tilespmem:s8+$0xFFFFFFF0]  }
0x29b: {  	s7 =	simm.s32 $0xC;
	s11 =	simm.s32 $0x8;
	s10 =	simm.s32 $0xB;
	[tilespmem:v24+s22+$0x0] =	vst.idx.msk $0xffff, v23;
	v14 =	vadd.s32 v2, v5;
	v11 =	vld [tilespmem:s8+$0xFFFFFF70]  }
.LBB2_37:
0x29c: {  	p0 =	slt.u32 s7, $0x7C;
	s15 =	sadd.s32 $0x1, s11;
	v19 =	vmov s10;
	[tilespmem:v18+s22+$0x0] =	vst.idx.msk $0xffff, v17;
	v17 =	vld [tilespmem:s9+$0xFFFFFF40];
	v18 =	vadd.s32 v3, v7;
	v7 =	vmov v8;
	s9 =	smov.u32 s8  }
0x29d: {  	s8 =	sadd.s32 $0x100, s8;
	v8 =	vmov s15;
	v19 =	vand.u32 $0x7F, v19;
	[tilespmem:v16+s22+$0x0] =	vst.idx.msk $0xffff, v15;
	v15 =	vld [tilespmem:s9+$0xFFFFFFB0];
	v16 =	vadd.s32 v2, v4  }
0x29e: {  	s10 =	sadd.s32 $0x2, s11;
	v20 =	vand.u32 $0x7D, v8;
	v21 =	vld [tilespmem:s8+$0xFFFFFFD0];
	v22 =	vadd.s32 v0, v19;
	[tilespmem:v13+s22+$0x0] =	vst.idx.msk $0xffff, v10  }
0x29f: {  	v8 =	vmov s10;
	v10 =	vld [tilespmem:s8+$0xFFFFFF50];
	v13 =	vadd.s32 v0, v20;
	[tilespmem:v12+s22+$0x0] =	vst.idx.msk $0xffff, v9  }
0x2a0: {  	v9 =	vmov s11;
	v12 =	vand.u32 $0x7E, v8;
	s11 =	smov.u32 s7;
	[tilespmem:v14+s22+$0x0] =	vst.idx.msk $0xffff, v11;
	v11 =	vld [tilespmem:s9+$0x0];
	v14 =	vadd.s32 v3, v6;
	v6 =	vmovc v19  }
0x2a1: {  	v8 =	vand.u32 $0x7C, v9;
	v19 =	vadd.s32 v0, v12;
	v9 =	vld [tilespmem:s8+$0xFFFFFF90];
	[tilespmem:v18+s22+$0x0] =	vst.idx.msk $0xffff, v17  }
0x2a2: {  	v18 =	vadd.s32 v0, v8;
	v17 =	vld [tilespmem:s8+$0xFFFFFF10];
	[tilespmem:v16+s22+$0x0] =	vst.idx.msk $0xffff, v15  }
0x2a3: {  	[tilespmem:v22+s22+$0x0] =	vst.idx.msk $0xffff, v21;
	v21 =	vld [tilespmem:s9+$0xFFFFFF30];
	v22 =	vadd.s32 v2, v7  }
0x2a4: {  	[tilespmem:v13+s22+$0x0] =	vst.idx.msk $0xffff, v10;
	v10 =	vld [tilespmem:s8+$0xFFFFFFE0];
	v13 =	vadd.s32 v1, v6  }
0x2a5: {  	v24 =	vadd.s32 v1, v20;
	v23 =	vld [tilespmem:s8+$0xFFFFFF60];
	[tilespmem:v14+s22+$0x0] =	vst.idx.msk $0xffff, v11  }
0x2a6: {  	v25 =	vadd.s32 v3, v5;
	v5 =	vmov v20;
	[tilespmem:v19+s22+$0x0] =	vst.idx.msk $0xffff, v9;
	v19 =	vld [tilespmem:s9+$0xFFFFFF80]  }
.Ltmp17:
0x2a7: {  	[tilespmem:v18+s22+$0x0] =	vst.idx.msk $0xffff, v17;
	v17 =	vld [tilespmem:s8+$0xFFFFFFA0];
	v18 =	vadd.s32 v1, v12;
	(pc) =	sbr.rel @p0 .LBB2_37-.Ltmp17, $4  }
0x2a8: {  	v16 =	vadd.s32 v1, v8;
	v15 =	vld [tilespmem:s8+$0xFFFFFF20];
	[tilespmem:v22+s22+$0x0] =	vst.idx.msk $0xffff, v21  }
0x2a9: {  	[tilespmem:v13+s22+$0x0] =	vst.idx.msk $0xffff, v10;
	v10 =	vld [tilespmem:s9+$0xFFFFFFC0];
	v13 =	vadd.s32 v3, v4;
	v4 =	vmov v12  }
0x2aa: {  	v12 =	vadd.s32 v2, v6;
	[tilespmem:v24+s22+$0x0] =	vst.idx.msk $0xffff, v23;
	v9 =	vld [tilespmem:s8+$0xFFFFFFF0]  }
0x2ab: {  	s7 =	sadd.s32 $0x4, s7;
	s10 =	sadd.s32 $0x3, s11;
	v14 =	vadd.s32 v2, v5;
	v11 =	vld [tilespmem:s8+$0xFFFFFF70];
	[tilespmem:v25+s22+$0x0] =	vst.idx.msk $0xffff, v19  }
0x2ac: {  	_ =	sdelay $0x2  }
0x2ad: {  	v19 =	vmov s10  }
0x2ae: {  	s7 =	sadd.s32 $0x1, s11;
	[tilespmem:v18+s22+$0x0] =	vst.idx.msk $0xffff, v17;
	v25 =	vld [tilespmem:s9+$0xFFFFFF40];
	v7 =	vadd.s32 v3, v7;
	s15 =	sadd.s32 $0x100, s8;
	v21 =	vmov s11;
	v19 =	vand.u32 $0x7F, v19  }
0x2af: {  	s10 =	sadd.s32 $0x2, s11;
	v26 =	vmov s7;
	[tilespmem:v16+s22+$0x0] =	vst.idx.msk $0xffff, v15;
	v28 =	vld [tilespmem:s15+$0xFFFFFFD0];
	v32 =	vand.u32 $0x7C, v21;
	v29 =	vadd.s32 v0, v19  }
0x2b0: {  	v20 =	vmov s10;
	v35 =	vld [tilespmem:s15+$0xFFFFFF10];
	v27 =	vand.u32 $0x7D, v26;
	[tilespmem:v13+s22+$0x0] =	vst.idx.msk $0xffff, v10;
	v36 =	vadd.s32 v0, v32  }
0x2b1: {  	v30 =	vld [tilespmem:s15+$0xFFFFFF50];
	v20 =	vand.u32 $0x7E, v20;
	v31 =	vadd.s32 v0, v27;
	[tilespmem:v12+s22+$0x0] =	vst.idx.msk $0xffff, v9  }
0x2b2: {  	v33 =	vld [tilespmem:s15+$0xFFFFFF90];
	v34 =	vadd.s32 v0, v20;
	[tilespmem:v14+s22+$0x0] =	vst.idx.msk $0xffff, v11  }
0x2b3: {  	v37 =	vadd.s32 v2, v4;
	v22 =	vld [tilespmem:s8+$0xFFFFFFB0];
	[tilespmem:v7+s22+$0x0] =	vst.idx.msk $0xffff, v25  }
0x2b4: {  	v48 =	vadd.s32 v2, v8;
	v47 =	vld [tilespmem:s8+$0xFFFFFF30];
	[tilespmem:v29+s22+$0x0] =	vst.idx.msk $0xffff, v28  }
0x2b5: {  	v40 =	vadd.s32 v1, v19;
	[tilespmem:v36+s22+$0x0] =	vst.idx.msk $0xffff, v35;
	v39 =	vld [tilespmem:s15+$0xFFFFFFE0]  }
0x2b6: {  	v46 =	vadd.s32 v1, v32;
	[tilespmem:v31+s22+$0x0] =	vst.idx.msk $0xffff, v30;
	v45 =	vld [tilespmem:s15+$0xFFFFFF20]  }
0x2b7: {  	v42 =	vadd.s32 v1, v27;
	[tilespmem:v34+s22+$0x0] =	vst.idx.msk $0xffff, v33;
	v41 =	vld [tilespmem:s15+$0xFFFFFF60]  }
0x2b8: {  	v44 =	vadd.s32 v1, v20;
	[tilespmem:v37+s22+$0x0] =	vst.idx.msk $0xffff, v22;
	v43 =	vld [tilespmem:s15+$0xFFFFFFA0]  }
0x2b9: {  	v5 =	vadd.s32 v3, v5;
	v49 =	vld [tilespmem:s8+$0xFFFFFF80];
	[tilespmem:v48+s22+$0x0] =	vst.idx.msk $0xffff, v47  }
0x2ba: {  	v4 =	vadd.s32 v3, v4;
	v56 =	vld [tilespmem:s8+$0xFFFFFFC0];
	[tilespmem:v40+s22+$0x0] =	vst.idx.msk $0xffff, v39  }
0x2bb: {  	v50 =	vadd.s32 v2, v19;
	[tilespmem:v46+s22+$0x0] =	vst.idx.msk $0xffff, v45;
	v10 =	vld [tilespmem:s15+$0xFFFFFFF0]  }
0x2bc: {  	v55 =	vadd.s32 v2, v32;
	[tilespmem:v42+s22+$0x0] =	vst.idx.msk $0xffff, v41;
	v54 =	vld [tilespmem:s15+$0xFFFFFF30]  }
0x2bd: {  	v51 =	vadd.s32 v2, v27;
	[tilespmem:v44+s22+$0x0] =	vst.idx.msk $0xffff, v43;
	v16 =	vld [tilespmem:s15+$0xFFFFFF70]  }
0x2be: {  	v53 =	vadd.s32 v2, v20;
	[tilespmem:v5+s22+$0x0] =	vst.idx.msk $0xffff, v49;
	v52 =	vld [tilespmem:s15+$0xFFFFFFB0]  }
0x2bf: {  	v6 =	vadd.s32 v3, v6;
	v38 =	vld [tilespmem:s8+$0x0];
	[tilespmem:v4+s22+$0x0] =	vst.idx.msk $0xffff, v56  }
0x2c0: {  	v57 =	vadd.s32 v3, v8;
	v5 =	vld [tilespmem:s8+$0xFFFFFF40];
	[tilespmem:v50+s22+$0x0] =	vst.idx.msk $0xffff, v10  }
0x2c1: {  	v59 =	vadd.s32 v3, v19;
	[tilespmem:v55+s22+$0x0] =	vst.idx.msk $0xffff, v54;
	v58 =	vld [tilespmem:s15+$0x0]  }
0x2c2: {  	v9 =	vadd.s32 v3, v32;
	[tilespmem:v51+s22+$0x0] =	vst.idx.msk $0xffff, v16;
	v4 =	vld [tilespmem:s15+$0xFFFFFF40]  }
0x2c3: {  	v61 =	vadd.s32 v3, v27;
	[tilespmem:v53+s22+$0x0] =	vst.idx.msk $0xffff, v52;
	v60 =	vld [tilespmem:s15+$0xFFFFFF80]  }
0x2c4: {  	v63 =	vadd.s32 v3, v20;
	[tilespmem:v6+s22+$0x0] =	vst.idx.msk $0xffff, v38;
	v62 =	vld [tilespmem:s15+$0xFFFFFFC0]  }
0x2c5: {  	s13 =	sadd.s32 s4, s13;
	[tilespmem:v57+s22+$0x0] =	vst.idx.msk $0xffff, v5  }
0x2c6: {  	s15 =	sshll.u32 s13, $0x7;
	[tilespmem:v59+s22+$0x0] =	vst.idx.msk $0xffff, v58  }
0x2c7: {  	s7 =	sshll.u32 s13, $0xA;
	s8 =	sand.u32 $0xE80, s15;
	[tilespmem:v9+s22+$0x0] =	vst.idx.msk $0xffff, v4  }
0x2c8: {  	s7 =	sand.u32 $0xFFF8000, s7;
	s8 =	sadd.s32 s2, s8;
	[tilespmem:v61+s22+$0x0] =	vst.idx.msk $0xffff, v60  }
0x2c9: {  	s9 =	simm.s32 $0xC700;
	s8 =	sadd.s32 s7, s8;
	[tilespmem:v63+s22+$0x0] =	vst.idx.msk $0xffff, v62  }
0x2ca: {  	[hbm4b:s8+s3] =	stream.linear.scatter [tilespmem:s9], [sflag:$0x4], $0x80, $0x38;
	[tilespmem:$0x12D00] =	vst v63  }
0x2cb: {  	s10 =	simm.s32 $0xC788;
	s11 =	sadd.s32 $0x10, s8  }
0x2cc: {  	[hbm4b:s11+s3] =	stream.linear.scatter [tilespmem:s10], [sflag:$0x4], $0x80, $0x38;
	[tilespmem:$0x12D00] =	vst v63  }
0x2cd: {  	s13 =	simm.s32 $0xC810;
	s7 =	simm.s32 $0x440;
	s15 =	sadd.s32 $0x20, s8  }
0x2ce: {  	[hbm4b:s15+s3] =	stream.linear.scatter [tilespmem:s13], [sflag:$0x4], $0x80, $0x38;
	[tilespmem:$0x12D00] =	vst v63  }
0x2cf: {  	s9 =	simm.s32 $0x2200;
	s10 =	simm.s32 $0xC898;
	s11 =	sadd.s32 $0x30, s8  }
0x2d0: {  	[hbm4b:s11+s3] =	stream.linear.scatter [tilespmem:s10], [sflag:$0x4], $0x80, $0x38;
	[tilespmem:$0x12D00] =	vst v63  }
0x2d1: {  	s13 =	simm.s32 $0xC920;
	s15 =	sadd.s32 $0x40, s8;
	s10 =	simm.s32 $0xC9A8  }
0x2d2: {  	[hbm4b:s15+s3] =	stream.linear.scatter [tilespmem:s13], [sflag:$0x4], $0x80, $0x38;
	[tilespmem:$0x12D00] =	vst v63  }
0x2d3: {  	s11 =	sadd.s32 $0x50, s8;
	s13 =	simm.s32 $0xCA30;
	s15 =	sadd.s32 $0x60, s8  }
0x2d4: {  	[hbm4b:s11+s3] =	stream.linear.scatter [tilespmem:s10], [sflag:$0x4], $0x80, $0x38;
	[tilespmem:$0x12D00] =	vst v63  }
0x2d5: {  	s10 =	simm.s32 $0xCAB8;
	s11 =	sadd.s32 $0x70, s8;
	s8 =	sadd.s32 $0x1000, s8  }
0x2d6: {  	[hbm4b:s15+s3] =	stream.linear.scatter [tilespmem:s13], [sflag:$0x4], $0x80, $0x38;
	[tilespmem:$0x12D00] =	vst v63  }
.LBB2_39:
0x2d7: {  	[hbm4b:s11+s3] =	stream.linear.scatter [tilespmem:s10], [sflag:$0x4], $0x80, $0x38;
	[tilespmem:$0x12D00] =	vst v63  }
0x2d8: {  	s10 =	smov.u32 s7;
	s7 =	smov.u32 s9  }
0x2d9: {  	s13 =	sadd.s32 $0x1100, s9;
	s7 =	sshra.s32 s7, $0x2;
	s11 =	sadd.s32 $0xC700, s10  }
0x2da: {  	[hbm4b:s8+s3] =	stream.linear.scatter [tilespmem:s11], [sflag:$0x4], $0x80, $0x38;
	[tilespmem:$0x12D00] =	vst v63  }
0x2db: {  	p0 =	sne.s32 s9, $0x7700;
	s9 =	sadd.s32 $0xC788, s10;
	s11 =	sadd.s32 $0x10, s8  }
0x2dc: {  	[hbm4b:s11+s3] =	stream.linear.scatter [tilespmem:s9], [sflag:$0x4], $0x80, $0x38;
	[tilespmem:$0x12D00] =	vst v63  }
0x2dd: {  	s9 =	sadd.s32 $0xC810, s10;
	s11 =	sadd.s32 $0x20, s8  }
0x2de: {  	[hbm4b:s11+s3] =	stream.linear.scatter [tilespmem:s9], [sflag:$0x4], $0x80, $0x38;
	[tilespmem:$0x12D00] =	vst v63  }
0x2df: {  	s9 =	sadd.s32 $0xC898, s10;
	s11 =	sadd.s32 $0x30, s8  }
0x2e0: {  	[hbm4b:s11+s3] =	stream.linear.scatter [tilespmem:s9], [sflag:$0x4], $0x80, $0x38;
	[tilespmem:$0x12D00] =	vst v63  }
0x2e1: {  	s9 =	sadd.s32 $0xC920, s10;
	s11 =	sadd.s32 $0x40, s8  }
0x2e2: {  	[hbm4b:s11+s3] =	stream.linear.scatter [tilespmem:s9], [sflag:$0x4], $0x80, $0x38;
	[tilespmem:$0x12D00] =	vst v63  }
.Ltmp18:
0x2e3: {  	s9 =	sadd.s32 $0xC9A8, s10;
	s11 =	sadd.s32 $0x50, s8;
	(pc) =	sbr.rel @p0 .LBB2_39-.Ltmp18, $4  }
0x2e4: {  	[hbm4b:s11+s3] =	stream.linear.scatter [tilespmem:s9], [sflag:$0x4], $0x80, $0x38;
	[tilespmem:$0x12D00] =	vst v63  }
0x2e5: {  	s9 =	sadd.s32 $0xCA30, s10;
	s11 =	sadd.s32 $0x60, s8;
	s10 =	sadd.s32 $0xCAB8, s10  }
0x2e6: {  	[hbm4b:s11+s3] =	stream.linear.scatter [tilespmem:s9], [sflag:$0x4], $0x80, $0x38;
	[tilespmem:$0x12D00] =	vst v63  }
0x2e7: {  	s11 =	sadd.s32 $0x70, s8;
	s8 =	sadd.s32 $0x1000, s8;
	s9 =	smov.u32 s13  }
0x2e8: {  	[hbm4b:s11+s3] =	stream.linear.scatter [tilespmem:s10], [sflag:$0x4], $0x80, $0x38;
	[tilespmem:$0x12D00] =	vst v63  }
0x2e9: {  	s9 =	sadd.s32 $0xC700, s7  }
0x2ea: {  	[hbm4b:s8+s3] =	stream.linear.scatter [tilespmem:s9], [sflag:$0x4], $0x80, $0x38;
	[tilespmem:$0x12D00] =	vst v63  }
0x2eb: {  	s13 =	sadd.s32 $0xC788, s7;
	s15 =	sadd.s32 $0x10, s8  }
0x2ec: {  	[hbm4b:s15+s3] =	stream.linear.scatter [tilespmem:s13], [sflag:$0x4], $0x80, $0x38;
	[tilespmem:$0x12D00] =	vst v63  }
0x2ed: {  	s10 =	sadd.s32 $0xC810, s7;
	s11 =	sadd.s32 $0x20, s8  }
0x2ee: {  	[hbm4b:s11+s3] =	stream.linear.scatter [tilespmem:s10], [sflag:$0x4], $0x80, $0x38;
	[tilespmem:$0x12D00] =	vst v63  }
0x2ef: {  	s13 =	sadd.s32 $0xC898, s7;
	s15 =	sadd.s32 $0x30, s8  }
0x2f0: {  	[hbm4b:s15+s3] =	stream.linear.scatter [tilespmem:s13], [sflag:$0x4], $0x80, $0x38;
	[tilespmem:$0x12D00] =	vst v63  }
0x2f1: {  	s10 =	sadd.s32 $0xC920, s7;
	s11 =	sadd.s32 $0x40, s8  }
0x2f2: {  	[hbm4b:s11+s3] =	stream.linear.scatter [tilespmem:s10], [sflag:$0x4], $0x80, $0x38;
	[tilespmem:$0x12D00] =	vst v63  }
0x2f3: {  	s13 =	sadd.s32 $0xC9A8, s7;
	s15 =	sadd.s32 $0x50, s8  }
0x2f4: {  	[hbm4b:s15+s3] =	stream.linear.scatter [tilespmem:s13], [sflag:$0x4], $0x80, $0x38;
	[tilespmem:$0x12D00] =	vst v63  }
0x2f5: {  	s10 =	sadd.s32 $0xCA30, s7;
	s11 =	sadd.s32 $0x60, s8  }
0x2f6: {  	[hbm4b:s11+s3] =	stream.linear.scatter [tilespmem:s10], [sflag:$0x4], $0x80, $0x38;
	[tilespmem:$0x12D00] =	vst v63  }
0x2f7: {  	s13 =	sadd.s32 $0xCAB8, s7;
	s15 =	sadd.s32 $0x70, s8  }
0x2f8: {  	[hbm4b:s15+s3] =	stream.linear.scatter [tilespmem:s13], [sflag:$0x4], $0x80, $0x38;
	[tilespmem:$0x12D00] =	vst v63  }
0x2f9: {  	_ =	swait.ge [sflag:s29], $0x2000  }
0x2fa: {  	[sflag:s29] =	ssyncset.done $0x0  }
0x2fb: {  	[sflag:s29] =	ssyncadd.s32 $0xFFFFE000  }
0x2fc: {  	v5 =	vld [tilespmem:s12+$0xFFFFFFF0];
	_ =	sdelay $0x1  }
0x2fd: {  	v4 =	vld [tilespmem:s12+$0x0];
	_ =	sdelay $0x1  }
0x2fe: {  	s7 =	simm.s32 $0x6490  }
0x2ff: {  	s9 =	sadd.s32 $0x20, s12;
	s8 =	simm.s32 $0x0;
	[tilespmem:s7+$0xFFFFFFF0] =	vst v5  }
.LBB2_41:
0x300: {  	s8 =	sadd.s32 $0x2, s8  }
0x301: {  	v5 =	vld [tilespmem:s9+$0xFFFFFFF0];
	[tilespmem:s7+$0x0] =	vst v4;
	s7 =	sadd.s32 $0x20, s7;
	p0 =	slt.u32 s8, $0x6  }
.Ltmp19:
0x302: {  	v4 =	vld [tilespmem:s9+$0x0];
	(pc) =	sbr.rel @p0 .LBB2_41-.Ltmp19, $2  }
0x303: {  	_ =	sdelay $0x2  }
0x304: {  	s9 =	sadd.s32 $0x20, s9;
	[tilespmem:s7+$0xFFFFFFF0] =	vst v5  }
0x305: {  	[tilespmem:s7+$0x0] =	vst v4  }
0x306: {  	[tilespmem:s18], [sflag:$0x2] =	stream.indirect.gather [hbm4b:s5+s14], $0x40, s17, s14, $0xb8;
	[tilespmem:$0x12D00] =	vst v63  }
0x307: {  	s15 =	simm.s32 $0x3;
	_ =	swait.ge [sflag:s19], $0x2000  }
0x308: {  	s8 =	simm.s32 $0x1;
	v4 =	vmov s15;
	[sflag:s19] =	ssyncset.done $0x0  }
0x309: {  	s9 =	simm.s32 $0x6580;
	s10 =	simm.s32 $0x2;
	v8 =	vand.u32 $0x7F, v4;
	v4 =	vmov s8;
	[sflag:s19] =	ssyncadd.s32 $0xFFFFE000  }
0x30a: {  	v6 =	vadd.s32 v0, v8;
	v9 =	vand.u32 $0x7D, v4;
	v4 =	vmov s10;
	v5 =	vld [tilespmem:s9+$0x40]  }
0x30b: {  	v11 =	vadd.s32 v0, v9;
	v12 =	vand.u32 $0x7E, v4;
	v10 =	vld [tilespmem:s9+$0xFFFFFFC0]  }
0x30c: {  	s11 =	simm.s32 $0x0;
	v4 =	vld [tilespmem:s9+$0x0];
	v13 =	vadd.s32 v0, v12  }
0x30d: {  	v7 =	vmov s11  }
0x30e: {  	v7 =	vand.u32 $0x7C, v7  }
0x30f: {  	v15 =	vadd.s32 v0, v7;
	v14 =	vld [tilespmem:s9+$0xFFFFFF80];
	[tilespmem:v6+s23+$0x0] =	vst.idx.msk $0xffff, v5  }
0x310: {  	v6 =	vadd.s32 v1, v8;
	[tilespmem:v11+s23+$0x0] =	vst.idx.msk $0xffff, v10;
	v5 =	vld [tilespmem:s9+$0x50]  }
0x311: {  	v11 =	vadd.s32 v1, v9;
	[tilespmem:v13+s23+$0x0] =	vst.idx.msk $0xffff, v4;
	v10 =	vld [tilespmem:s9+$0xFFFFFFD0]  }
0x312: {  	v13 =	vadd.s32 v1, v12;
	v4 =	vld [tilespmem:s9+$0x10];
	_ =	sdelay $0x1  }
0x313: {  	[tilespmem:v15+s23+$0x0] =	vst.idx.msk $0xffff, v14  }
0x314: {  	v17 =	vadd.s32 v1, v7;
	v16 =	vld [tilespmem:s9+$0xFFFFFF90];
	[tilespmem:v6+s23+$0x0] =	vst.idx.msk $0xffff, v5  }
0x315: {  	v15 =	vadd.s32 v2, v8;
	[tilespmem:v11+s23+$0x0] =	vst.idx.msk $0xffff, v10;
	v14 =	vld [tilespmem:s9+$0x60]  }
0x316: {  	s13 =	simm.s32 $0x7;
	v11 =	vadd.s32 v2, v9;
	[tilespmem:v13+s23+$0x0] =	vst.idx.msk $0xffff, v4;
	v10 =	vld [tilespmem:s9+$0xFFFFFFE0]  }
0x317: {  	s8 =	simm.s32 $0x5;
	v18 =	vadd.s32 v2, v12;
	v5 =	vmov s13;
	v13 =	vld [tilespmem:s9+$0x20]  }
0x318: {  	s15 =	simm.s32 $0x6;
	v4 =	vmov s8;
	s8 =	simm.s32 $0x6680;
	v6 =	vand.u32 $0x7F, v5  }
0x319: {  	[tilespmem:v17+s23+$0x0] =	vst.idx.msk $0xffff, v16;
	v5 =	vand.u32 $0x7D, v4;
	v19 =	vld [tilespmem:s8+$0x40];
	v4 =	vmov s15;
	v20 =	vadd.s32 v0, v6  }
0x31a: {  	s10 =	simm.s32 $0x4;
	v21 =	vld [tilespmem:s8+$0xFFFFFFC0];
	v22 =	vadd.s32 v0, v5;
	v4 =	vand.u32 $0x7E, v4;
	[tilespmem:v15+s23+$0x0] =	vst.idx.msk $0xffff, v14  }
0x31b: {  	v14 =	vmov s10;
	[tilespmem:v11+s23+$0x0] =	vst.idx.msk $0xffff, v10;
	v10 =	vld [tilespmem:s8+$0x0];
	v11 =	vadd.s32 v0, v4  }
0x31c: {  	v16 =	vadd.s32 v3, v8;
	[tilespmem:v18+s23+$0x0] =	vst.idx.msk $0xffff, v13;
	v13 =	vld [tilespmem:s9+$0xFFFFFFA0];
	v18 =	vadd.s32 v2, v7;
	v8 =	vand.u32 $0x7C, v14  }
0x31d: {  	v14 =	vld [tilespmem:s8+$0xFFFFFF80];
	v17 =	vadd.s32 v0, v8  }
0x31e: {  	v15 =	vld [tilespmem:s9+$0x70];
	[tilespmem:v20+s23+$0x0] =	vst.idx.msk $0xffff, v19  }
0x31f: {  	[tilespmem:v22+s23+$0x0] =	vst.idx.msk $0xffff, v21;
	v20 =	vadd.s32 v1, v6;
	v19 =	vld [tilespmem:s8+$0x50]  }
0x320: {  	v63 =	vadd.s32 v1, v5;
	v21 =	vld [tilespmem:s8+$0xFFFFFFD0];
	[tilespmem:v11+s23+$0x0] =	vst.idx.msk $0xffff, v10  }
0x321: {  	v24 =	vadd.s32 v3, v9;
	v23 =	vld [tilespmem:s9+$0xFFFFFFF0];
	[tilespmem:v18+s23+$0x0] =	vst.idx.msk $0xffff, v13  }
0x322: {  	v18 =	vadd.s32 v1, v4;
	[tilespmem:v17+s23+$0x0] =	vst.idx.msk $0xffff, v14;
	v17 =	vld [tilespmem:s8+$0x10]  }
0x323: {  	[tilespmem:v16+s23+$0x0] =	vst.idx.msk $0xffff, v15;
	v16 =	vadd.s32 v1, v8;
	v15 =	vld [tilespmem:s8+$0xFFFFFF90]  }
0x324: {  	v10 =	vld [tilespmem:s9+$0x30];
	v13 =	vadd.s32 v3, v12;
	[tilespmem:v20+s23+$0x0] =	vst.idx.msk $0xffff, v19  }
0x325: {  	v12 =	vadd.s32 v2, v6;
	[tilespmem:v63+s23+$0x0] =	vst.idx.msk $0xffff, v21;
	v9 =	vld [tilespmem:s8+$0x60]  }
0x326: {  	s7 =	simm.s32 $0xC;
	s11 =	simm.s32 $0x8;
	s10 =	simm.s32 $0xB;
	[tilespmem:v24+s23+$0x0] =	vst.idx.msk $0xffff, v23;
	v14 =	vadd.s32 v2, v5;
	v11 =	vld [tilespmem:s8+$0xFFFFFFE0]  }
.LBB2_43:
0x327: {  	p0 =	slt.u32 s7, $0x7C;
	s13 =	sadd.s32 $0x1, s11;
	v19 =	vmov s10;
	[tilespmem:v18+s23+$0x0] =	vst.idx.msk $0xffff, v17;
	v17 =	vld [tilespmem:s9+$0xFFFFFFB0];
	v18 =	vadd.s32 v3, v7;
	v7 =	vmov v8;
	s9 =	smov.u32 s8  }
0x328: {  	s8 =	sadd.s32 $0x100, s8;
	v8 =	vmov s13;
	v19 =	vand.u32 $0x7F, v19;
	[tilespmem:v16+s23+$0x0] =	vst.idx.msk $0xffff, v15;
	v15 =	vld [tilespmem:s9+$0x20];
	v16 =	vadd.s32 v2, v4  }
0x329: {  	s10 =	sadd.s32 $0x2, s11;
	v20 =	vand.u32 $0x7D, v8;
	v21 =	vld [tilespmem:s8+$0x40];
	v22 =	vadd.s32 v0, v19;
	[tilespmem:v13+s23+$0x0] =	vst.idx.msk $0xffff, v10  }
0x32a: {  	v8 =	vmov s10;
	v10 =	vld [tilespmem:s8+$0xFFFFFFC0];
	v13 =	vadd.s32 v0, v20;
	[tilespmem:v12+s23+$0x0] =	vst.idx.msk $0xffff, v9  }
0x32b: {  	v9 =	vmov s11;
	v12 =	vand.u32 $0x7E, v8;
	s11 =	smov.u32 s7;
	[tilespmem:v14+s23+$0x0] =	vst.idx.msk $0xffff, v11;
	v11 =	vld [tilespmem:s9+$0x70];
	v14 =	vadd.s32 v3, v6;
	v6 =	vmovc v19  }
0x32c: {  	v8 =	vand.u32 $0x7C, v9;
	v19 =	vadd.s32 v0, v12;
	v9 =	vld [tilespmem:s8+$0x0];
	[tilespmem:v18+s23+$0x0] =	vst.idx.msk $0xffff, v17  }
0x32d: {  	v18 =	vadd.s32 v0, v8;
	v17 =	vld [tilespmem:s8+$0xFFFFFF80];
	[tilespmem:v16+s23+$0x0] =	vst.idx.msk $0xffff, v15  }
0x32e: {  	[tilespmem:v22+s23+$0x0] =	vst.idx.msk $0xffff, v21;
	v21 =	vld [tilespmem:s9+$0xFFFFFFA0];
	v22 =	vadd.s32 v2, v7  }
0x32f: {  	[tilespmem:v13+s23+$0x0] =	vst.idx.msk $0xffff, v10;
	v10 =	vld [tilespmem:s8+$0x50];
	v13 =	vadd.s32 v1, v6  }
0x330: {  	v24 =	vadd.s32 v1, v20;
	v23 =	vld [tilespmem:s8+$0xFFFFFFD0];
	[tilespmem:v14+s23+$0x0] =	vst.idx.msk $0xffff, v11  }
0x331: {  	v25 =	vadd.s32 v3, v5;
	v5 =	vmov v20;
	[tilespmem:v19+s23+$0x0] =	vst.idx.msk $0xffff, v9;
	v19 =	vld [tilespmem:s9+$0xFFFFFFF0]  }
.Ltmp20:
0x332: {  	[tilespmem:v18+s23+$0x0] =	vst.idx.msk $0xffff, v17;
	v17 =	vld [tilespmem:s8+$0x10];
	v18 =	vadd.s32 v1, v12;
	(pc) =	sbr.rel @p0 .LBB2_43-.Ltmp20, $4  }
0x333: {  	v16 =	vadd.s32 v1, v8;
	v15 =	vld [tilespmem:s8+$0xFFFFFF90];
	[tilespmem:v22+s23+$0x0] =	vst.idx.msk $0xffff, v21  }
0x334: {  	[tilespmem:v13+s23+$0x0] =	vst.idx.msk $0xffff, v10;
	v10 =	vld [tilespmem:s9+$0x30];
	v13 =	vadd.s32 v3, v4;
	v4 =	vmov v12  }
0x335: {  	v12 =	vadd.s32 v2, v6;
	[tilespmem:v24+s23+$0x0] =	vst.idx.msk $0xffff, v23;
	v9 =	vld [tilespmem:s8+$0x60]  }
0x336: {  	s7 =	sadd.s32 $0x4, s7;
	s10 =	sadd.s32 $0x3, s11;
	v14 =	vadd.s32 v2, v5;
	v11 =	vld [tilespmem:s8+$0xFFFFFFE0];
	[tilespmem:v25+s23+$0x0] =	vst.idx.msk $0xffff, v19  }
0x337: {  	_ =	sdelay $0x2  }
0x338: {  	v19 =	vmov s10  }
0x339: {  	s7 =	sadd.s32 $0x1, s11;
	[tilespmem:v18+s23+$0x0] =	vst.idx.msk $0xffff, v17;
	v25 =	vld [tilespmem:s9+$0xFFFFFFB0];
	v7 =	vadd.s32 v3, v7;
	s15 =	sadd.s32 $0x100, s8;
	v21 =	vmov s11;
	v19 =	vand.u32 $0x7F, v19  }
0x33a: {  	s10 =	sadd.s32 $0x2, s11;
	v26 =	vmov s7;
	[tilespmem:v16+s23+$0x0] =	vst.idx.msk $0xffff, v15;
	v28 =	vld [tilespmem:s15+$0x40];
	v32 =	vand.u32 $0x7C, v21;
	v29 =	vadd.s32 v0, v19  }
0x33b: {  	v20 =	vmov s10;
	v35 =	vld [tilespmem:s15+$0xFFFFFF80];
	v27 =	vand.u32 $0x7D, v26;
	[tilespmem:v13+s23+$0x0] =	vst.idx.msk $0xffff, v10;
	v36 =	vadd.s32 v0, v32  }
0x33c: {  	v30 =	vld [tilespmem:s15+$0xFFFFFFC0];
	v20 =	vand.u32 $0x7E, v20;
	v31 =	vadd.s32 v0, v27;
	[tilespmem:v12+s23+$0x0] =	vst.idx.msk $0xffff, v9  }
0x33d: {  	v33 =	vld [tilespmem:s15+$0x0];
	v34 =	vadd.s32 v0, v20;
	[tilespmem:v14+s23+$0x0] =	vst.idx.msk $0xffff, v11  }
0x33e: {  	v37 =	vadd.s32 v2, v4;
	v22 =	vld [tilespmem:s8+$0x20];
	[tilespmem:v7+s23+$0x0] =	vst.idx.msk $0xffff, v25  }
0x33f: {  	v48 =	vadd.s32 v2, v8;
	v47 =	vld [tilespmem:s8+$0xFFFFFFA0];
	[tilespmem:v29+s23+$0x0] =	vst.idx.msk $0xffff, v28  }
0x340: {  	v40 =	vadd.s32 v1, v19;
	[tilespmem:v36+s23+$0x0] =	vst.idx.msk $0xffff, v35;
	v39 =	vld [tilespmem:s15+$0x50]  }
0x341: {  	v46 =	vadd.s32 v1, v32;
	[tilespmem:v31+s23+$0x0] =	vst.idx.msk $0xffff, v30;
	v45 =	vld [tilespmem:s15+$0xFFFFFF90]  }
0x342: {  	v42 =	vadd.s32 v1, v27;
	[tilespmem:v34+s23+$0x0] =	vst.idx.msk $0xffff, v33;
	v41 =	vld [tilespmem:s15+$0xFFFFFFD0]  }
0x343: {  	v44 =	vadd.s32 v1, v20;
	[tilespmem:v37+s23+$0x0] =	vst.idx.msk $0xffff, v22;
	v43 =	vld [tilespmem:s15+$0x10]  }
0x344: {  	v5 =	vadd.s32 v3, v5;
	v49 =	vld [tilespmem:s8+$0xFFFFFFF0];
	[tilespmem:v48+s23+$0x0] =	vst.idx.msk $0xffff, v47  }
0x345: {  	v4 =	vadd.s32 v3, v4;
	v56 =	vld [tilespmem:s8+$0x30];
	[tilespmem:v40+s23+$0x0] =	vst.idx.msk $0xffff, v39  }
0x346: {  	v50 =	vadd.s32 v2, v19;
	[tilespmem:v46+s23+$0x0] =	vst.idx.msk $0xffff, v45;
	v10 =	vld [tilespmem:s15+$0x60]  }
0x347: {  	v55 =	vadd.s32 v2, v32;
	[tilespmem:v42+s23+$0x0] =	vst.idx.msk $0xffff, v41;
	v54 =	vld [tilespmem:s15+$0xFFFFFFA0]  }
0x348: {  	v51 =	vadd.s32 v2, v27;
	[tilespmem:v44+s23+$0x0] =	vst.idx.msk $0xffff, v43;
	v16 =	vld [tilespmem:s15+$0xFFFFFFE0]  }
0x349: {  	v53 =	vadd.s32 v2, v20;
	[tilespmem:v5+s23+$0x0] =	vst.idx.msk $0xffff, v49;
	v52 =	vld [tilespmem:s15+$0x20]  }
0x34a: {  	v6 =	vadd.s32 v3, v6;
	v38 =	vld [tilespmem:s8+$0x70];
	[tilespmem:v4+s23+$0x0] =	vst.idx.msk $0xffff, v56  }
0x34b: {  	v57 =	vadd.s32 v3, v8;
	v5 =	vld [tilespmem:s8+$0xFFFFFFB0];
	[tilespmem:v50+s23+$0x0] =	vst.idx.msk $0xffff, v10  }
0x34c: {  	v59 =	vadd.s32 v3, v19;
	[tilespmem:v55+s23+$0x0] =	vst.idx.msk $0xffff, v54;
	v58 =	vld [tilespmem:s15+$0x70]  }
0x34d: {  	v9 =	vadd.s32 v3, v32;
	[tilespmem:v51+s23+$0x0] =	vst.idx.msk $0xffff, v16;
	v4 =	vld [tilespmem:s15+$0xFFFFFFB0]  }
0x34e: {  	v61 =	vadd.s32 v3, v27;
	[tilespmem:v53+s23+$0x0] =	vst.idx.msk $0xffff, v52;
	v60 =	vld [tilespmem:s15+$0xFFFFFFF0]  }
0x34f: {  	v63 =	vadd.s32 v3, v20;
	[tilespmem:v6+s23+$0x0] =	vst.idx.msk $0xffff, v38;
	v62 =	vld [tilespmem:s15+$0x30]  }
0x350: {  	s13 =	sadd.s32 s4, s30;
	[tilespmem:v57+s23+$0x0] =	vst.idx.msk $0xffff, v5  }
0x351: {  	s15 =	sshll.u32 s13, $0x7;
	[tilespmem:v59+s23+$0x0] =	vst.idx.msk $0xffff, v58  }
0x352: {  	s7 =	sshll.u32 s13, $0xA;
	s8 =	sand.u32 $0xF00, s15;
	[tilespmem:v9+s23+$0x0] =	vst.idx.msk $0xffff, v4  }
0x353: {  	s7 =	sand.u32 $0xFFF8000, s7;
	s8 =	sadd.s32 s2, s8;
	[tilespmem:v61+s23+$0x0] =	vst.idx.msk $0xffff, v60  }
0x354: {  	s30 =	simm.s32 $0xE900;
	s8 =	sadd.s32 s7, s8;
	[tilespmem:v63+s23+$0x0] =	vst.idx.msk $0xffff, v62  }
0x355: {  	[hbm4b:s8+s3] =	stream.linear.scatter [tilespmem:s30], [sflag:$0x5], $0x80, $0x38;
	[tilespmem:$0x12D00] =	vst v63  }
0x356: {  	s9 =	simm.s32 $0xE988;
	s10 =	sadd.s32 $0x10, s8  }
0x357: {  	[hbm4b:s10+s3] =	stream.linear.scatter [tilespmem:s9], [sflag:$0x5], $0x80, $0x38;
	[tilespmem:$0x12D00] =	vst v63  }
0x358: {  	s11 =	simm.s32 $0xEA10;
	s15 =	simm.s32 $0xEA98;
	s13 =	sadd.s32 $0x20, s8  }
0x359: {  	[hbm4b:s13+s3] =	stream.linear.scatter [tilespmem:s11], [sflag:$0x5], $0x80, $0x38;
	[tilespmem:$0x12D00] =	vst v63  }
0x35a: {  	s7 =	simm.s32 $0x440;
	s30 =	sadd.s32 $0x30, s8;
	s9 =	simm.s32 $0xEB20  }
0x35b: {  	[hbm4b:s30+s3] =	stream.linear.scatter [tilespmem:s15], [sflag:$0x5], $0x80, $0x38;
	[tilespmem:$0x12D00] =	vst v63  }
0x35c: {  	s10 =	sadd.s32 $0x40, s8;
	s11 =	simm.s32 $0xEBA8;
	s13 =	sadd.s32 $0x50, s8  }
0x35d: {  	[hbm4b:s10+s3] =	stream.linear.scatter [tilespmem:s9], [sflag:$0x5], $0x80, $0x38;
	[tilespmem:$0x12D00] =	vst v63  }
0x35e: {  	s15 =	simm.s32 $0xEC30;
	s30 =	sadd.s32 $0x60, s8;
	s9 =	simm.s32 $0x2200  }
0x35f: {  	[hbm4b:s13+s3] =	stream.linear.scatter [tilespmem:s11], [sflag:$0x5], $0x80, $0x38;
	[tilespmem:$0x12D00] =	vst v63  }
0x360: {  	s10 =	simm.s32 $0xECB8;
	s11 =	sadd.s32 $0x70, s8;
	s8 =	sadd.s32 $0x1000, s8  }
0x361: {  	[hbm4b:s30+s3] =	stream.linear.scatter [tilespmem:s15], [sflag:$0x5], $0x80, $0x38;
	[tilespmem:$0x12D00] =	vst v63  }
.LBB2_45:
0x362: {  	[hbm4b:s11+s3] =	stream.linear.scatter [tilespmem:s10], [sflag:$0x5], $0x80, $0x38;
	[tilespmem:$0x12D00] =	vst v63  }
0x363: {  	s10 =	smov.u32 s7;
	s7 =	smov.u32 s9  }
0x364: {  	s13 =	sadd.s32 $0x1100, s9;
	s7 =	sshra.s32 s7, $0x2;
	s11 =	sadd.s32 $0xE900, s10  }
0x365: {  	[hbm4b:s8+s3] =	stream.linear.scatter [tilespmem:s11], [sflag:$0x5], $0x80, $0x38;
	[tilespmem:$0x12D00] =	vst v63  }
0x366: {  	p0 =	sne.s32 s9, $0x7700;
	s9 =	sadd.s32 $0xE988, s10;
	s11 =	sadd.s32 $0x10, s8  }
0x367: {  	[hbm4b:s11+s3] =	stream.linear.scatter [tilespmem:s9], [sflag:$0x5], $0x80, $0x38;
	[tilespmem:$0x12D00] =	vst v63  }
0x368: {  	s9 =	sadd.s32 $0xEA10, s10;
	s11 =	sadd.s32 $0x20, s8  }
0x369: {  	[hbm4b:s11+s3] =	stream.linear.scatter [tilespmem:s9], [sflag:$0x5], $0x80, $0x38;
	[tilespmem:$0x12D00] =	vst v63  }
0x36a: {  	s9 =	sadd.s32 $0xEA98, s10;
	s11 =	sadd.s32 $0x30, s8  }
0x36b: {  	[hbm4b:s11+s3] =	stream.linear.scatter [tilespmem:s9], [sflag:$0x5], $0x80, $0x38;
	[tilespmem:$0x12D00] =	vst v63  }
0x36c: {  	s9 =	sadd.s32 $0xEB20, s10;
	s11 =	sadd.s32 $0x40, s8  }
0x36d: {  	[hbm4b:s11+s3] =	stream.linear.scatter [tilespmem:s9], [sflag:$0x5], $0x80, $0x38;
	[tilespmem:$0x12D00] =	vst v63  }
.Ltmp21:
0x36e: {  	s9 =	sadd.s32 $0xEBA8, s10;
	s11 =	sadd.s32 $0x50, s8;
	(pc) =	sbr.rel @p0 .LBB2_45-.Ltmp21, $4  }
0x36f: {  	[hbm4b:s11+s3] =	stream.linear.scatter [tilespmem:s9], [sflag:$0x5], $0x80, $0x38;
	[tilespmem:$0x12D00] =	vst v63  }
0x370: {  	s9 =	sadd.s32 $0xEC30, s10;
	s11 =	sadd.s32 $0x60, s8;
	s10 =	sadd.s32 $0xECB8, s10  }
0x371: {  	[hbm4b:s11+s3] =	stream.linear.scatter [tilespmem:s9], [sflag:$0x5], $0x80, $0x38;
	[tilespmem:$0x12D00] =	vst v63  }
0x372: {  	s11 =	sadd.s32 $0x70, s8;
	s8 =	sadd.s32 $0x1000, s8;
	s9 =	smov.u32 s13  }
0x373: {  	[hbm4b:s11+s3] =	stream.linear.scatter [tilespmem:s10], [sflag:$0x5], $0x80, $0x38;
	[tilespmem:$0x12D00] =	vst v63  }
0x374: {  	s9 =	sadd.s32 $0xE900, s7  }
0x375: {  	[hbm4b:s8+s3] =	stream.linear.scatter [tilespmem:s9], [sflag:$0x5], $0x80, $0x38;
	[tilespmem:$0x12D00] =	vst v63  }
0x376: {  	s15 =	sadd.s32 $0xE988, s7;
	s30 =	sadd.s32 $0x10, s8  }
0x377: {  	[hbm4b:s30+s3] =	stream.linear.scatter [tilespmem:s15], [sflag:$0x5], $0x80, $0x38;
	[tilespmem:$0x12D00] =	vst v63  }
0x378: {  	s11 =	sadd.s32 $0xEA10, s7;
	s13 =	sadd.s32 $0x20, s8  }
0x379: {  	[hbm4b:s13+s3] =	stream.linear.scatter [tilespmem:s11], [sflag:$0x5], $0x80, $0x38;
	[tilespmem:$0x12D00] =	vst v63  }
0x37a: {  	s15 =	sadd.s32 $0xEA98, s7;
	s30 =	sadd.s32 $0x30, s8  }
0x37b: {  	[hbm4b:s30+s3] =	stream.linear.scatter [tilespmem:s15], [sflag:$0x5], $0x80, $0x38;
	[tilespmem:$0x12D00] =	vst v63  }
0x37c: {  	s31 =	sadd.s32 $0x1, s31;
	s11 =	sadd.s32 $0xEB20, s7;
	s13 =	sadd.s32 $0x40, s8  }
0x37d: {  	[hbm4b:s13+s3] =	stream.linear.scatter [tilespmem:s11], [sflag:$0x5], $0x80, $0x38;
	[tilespmem:$0x12D00] =	vst v63  }
0x37e: {  	p0 =	sne.s32 s31, $0x32;
	s15 =	sadd.s32 $0xEBA8, s7;
	s30 =	sadd.s32 $0x50, s8  }
0x37f: {  	[hbm4b:s30+s3] =	stream.linear.scatter [tilespmem:s15], [sflag:$0x5], $0x80, $0x38;
	[tilespmem:$0x12D00] =	vst v63  }
.Ltmp22:
0x380: {  	s1 =	sadd.s32 $0x200, s1;
	s0 =	sadd.s32 $0x200, s0;
	(pc) =	sbr.rel @p0 .LBB2_22-.Ltmp22, $4  }
0x381: {  	s6 =	sadd.s32 $0x200, s6;
	s11 =	sadd.s32 $0xEC30, s7;
	s13 =	sadd.s32 $0x60, s8  }
0x382: {  	[hbm4b:s13+s3] =	stream.linear.scatter [tilespmem:s11], [sflag:$0x5], $0x80, $0x38;
	[tilespmem:$0x12D00] =	vst v63  }
0x383: {  	s12 =	sadd.s32 $0x200, s12;
	s15 =	sadd.s32 $0xECB8, s7;
	s30 =	sadd.s32 $0x70, s8  }
0x384: {  	[hbm4b:s30+s3] =	stream.linear.scatter [tilespmem:s15], [sflag:$0x5], $0x80, $0x38;
	[tilespmem:$0x12D00] =	vst v63  }
0x385: {  	_ =	swait.ge [sflag:s21], $0x2000;
	s0 =	simm.s32 $0x0  }
0x386: {  	[sflag:s21] =	ssyncset.done $0x0;
	v4 =	vmov s0  }
0x387: {  	s6 =	simm.s32 $0x8530;
	[sflag:s21] =	ssyncadd.s32 $0xFFFFE000;
	v8 =	vand.u32 $0x7F, v4  }
0x388: {  	v5 =	vld [tilespmem:s6+$0xFFFFFFD0];
	v6 =	vadd.s32 v0, v8;
	_ =	sdelay $0x1  }
0x389: {  	s31 =	simm.s32 $0x1  }
0x38a: {  	v4 =	vmov s31  }
0x38b: {  	s0 =	simm.s32 $0x8570;
	v4 =	vand.u32 $0x7F, v4  }
0x38c: {  	v7 =	vadd.s32 v0, v4;
	[tilespmem:v6+s25+$0x0] =	vst.idx.msk $0xffff, v5;
	v6 =	vld [tilespmem:s0+$0xFFFFFFD0]  }
0x38d: {  	v10 =	vadd.s32 v1, v8;
	v9 =	vld [tilespmem:s6+$0xFFFFFFE0]  }
0x38e: {  	s1 =	simm.s32 $0x2  }
0x38f: {  	v5 =	vmov s1  }
0x390: {  	s1 =	simm.s32 $0x85B0;
	v5 =	vand.u32 $0x7F, v5  }
0x391: {  	[tilespmem:v7+s25+$0x0] =	vst.idx.msk $0xffff, v6;
	v6 =	vld [tilespmem:s1+$0xFFFFFFD0];
	v7 =	vadd.s32 v0, v5  }
0x392: {  	v11 =	vadd.s32 v1, v4;
	[tilespmem:v10+s25+$0x0] =	vst.idx.msk $0xffff, v9;
	v9 =	vld [tilespmem:s0+$0xFFFFFFE0]  }
0x393: {  	v15 =	vadd.s32 v2, v8;
	v14 =	vld [tilespmem:s6+$0xFFFFFFF0]  }
0x394: {  	s8 =	simm.s32 $0x3  }
0x395: {  	v12 =	vmov s8  }
0x396: {  	s7 =	simm.s32 $0x85F0;
	[tilespmem:v7+s25+$0x0] =	vst.idx.msk $0xffff, v6;
	v6 =	vand.u32 $0x7F, v12  }
0x397: {  	v10 =	vld [tilespmem:s7+$0xFFFFFFD0];
	[tilespmem:v11+s25+$0x0] =	vst.idx.msk $0xffff, v9;
	v13 =	vadd.s32 v0, v6  }
0x398: {  	v12 =	vld [tilespmem:s1+$0xFFFFFFE0];
	[tilespmem:v15+s25+$0x0] =	vst.idx.msk $0xffff, v14;
	v14 =	vadd.s32 v1, v5  }
0x399: {  	v11 =	vadd.s32 v2, v4;
	v9 =	vld [tilespmem:s0+$0xFFFFFFF0]  }
0x39a: {  	s8 =	simm.s32 $0x4;
	v8 =	vadd.s32 v3, v8;
	v7 =	vld [tilespmem:s6+$0x0];
	s6 =	simm.s32 $0x85F0  }
.LBB2_48:
0x39b: {  	v15 =	vmov s8;
	p0 =	sne.s32 s8, $0x7F  }
.Ltmp23:
0x39c: {  	s7 =	sadd.s32 $0x40, s7;
	v15 =	vand.u32 $0x7F, v15;
	[tilespmem:v13+s25+$0x0] =	vst.idx.msk $0xffff, v10;
	(pc) =	sbr.rel @p0 .LBB2_48-.Ltmp23, $4  }
0x39d: {  	v10 =	vld [tilespmem:s7+$0xFFFFFFD0];
	v13 =	vadd.s32 v0, v15;
	[tilespmem:v14+s25+$0x0] =	vst.idx.msk $0xffff, v12  }
0x39e: {  	s8 =	sadd.s32 $0x1, s8;
	v14 =	vadd.s32 v1, v6;
	v12 =	vld [tilespmem:s6+$0xFFFFFFE0];
	[tilespmem:v11+s25+$0x0] =	vst.idx.msk $0xffff, v9  }
0x39f: {  	v11 =	vadd.s32 v2, v5;
	v9 =	vld [tilespmem:s1+$0xFFFFFFF0];
	[tilespmem:v8+s25+$0x0] =	vst.idx.msk $0xffff, v7  }
0x3a0: {  	v8 =	vadd.s32 v3, v4;
	v4 =	vmovc v5;
	v5 =	vmov v6;
	v6 =	vmov v15;
	v7 =	vld [tilespmem:s0+$0x0];
	s0 =	smov.u32 s1;
	s1 =	smov.u32 s6;
	s6 =	smov.u32 s7  }
0x3a1: {  	_ =	sdelay $0x3  }
0x3a2: {  	[tilespmem:v13+s25+$0x0] =	vst.idx.msk $0xffff, v10  }
0x3a3: {  	v59 =	vadd.s32 v1, v6;
	v10 =	vld [tilespmem:s6+$0xFFFFFFE0];
	_ =	sdelay $0x3  }
0x3a4: {  	[tilespmem:v14+s25+$0x0] =	vst.idx.msk $0xffff, v12  }
0x3a5: {  	v60 =	vadd.s32 v2, v5;
	v12 =	vld [tilespmem:s1+$0xFFFFFFF0];
	[tilespmem:v59+s25+$0x0] =	vst.idx.msk $0xffff, v10  }
0x3a6: {  	v61 =	vadd.s32 v2, v6;
	v10 =	vld [tilespmem:s6+$0xFFFFFFF0];
	_ =	sdelay $0x2  }
0x3a7: {  	[tilespmem:v11+s25+$0x0] =	vst.idx.msk $0xffff, v9  }
0x3a8: {  	v4 =	vadd.s32 v3, v4;
	v9 =	vld [tilespmem:s0+$0x0];
	[tilespmem:v60+s25+$0x0] =	vst.idx.msk $0xffff, v12  }
0x3a9: {  	v5 =	vadd.s32 v3, v5;
	v62 =	vld [tilespmem:s1+$0x0];
	[tilespmem:v61+s25+$0x0] =	vst.idx.msk $0xffff, v10  }
0x3aa: {  	v63 =	vadd.s32 v3, v6;
	v10 =	vld [tilespmem:s6+$0x0];
	_ =	sdelay $0x1  }
0x3ab: {  	[tilespmem:v8+s25+$0x0] =	vst.idx.msk $0xffff, v7  }
0x3ac: {  	[tilespmem:v4+s25+$0x0] =	vst.idx.msk $0xffff, v9  }
0x3ad: {  	[tilespmem:v5+s25+$0x0] =	vst.idx.msk $0xffff, v62  }
0x3ae: {  	[tilespmem:v63+s25+$0x0] =	vst.idx.msk $0xffff, v10  }
0x3af: {  	s15 =	simm.s32 $0x10B00;
	s9 =	rddreg [dreg:$0x8]  }
0x3b0: {  	[hbm4b:s9+s3] =	stream.linear.scatter [tilespmem:s15], [sflag:$0x6], $0x80, $0x38;
	[tilespmem:$0x12D00] =	vst v63  }
0x3b1: {  	s30 =	simm.s32 $0x10B88;
	s31 =	sadd.s32 $0x10, s9  }
0x3b2: {  	[hbm4b:s31+s3] =	stream.linear.scatter [tilespmem:s30], [sflag:$0x6], $0x80, $0x38;
	[tilespmem:$0x12D00] =	vst v63  }
0x3b3: {  	s8 =	simm.s32 $0x10C98;
	s6 =	simm.s32 $0x10C10;
	s7 =	sadd.s32 $0x20, s9  }
0x3b4: {  	[hbm4b:s7+s3] =	stream.linear.scatter [tilespmem:s6], [sflag:$0x6], $0x80, $0x38;
	[tilespmem:$0x12D00] =	vst v63  }
0x3b5: {  	s11 =	simm.s32 $0x10D20;
	s13 =	simm.s32 $0x10DA8;
	s10 =	sadd.s32 $0x30, s9  }
0x3b6: {  	[hbm4b:s10+s3] =	stream.linear.scatter [tilespmem:s8], [sflag:$0x6], $0x80, $0x38;
	[tilespmem:$0x12D00] =	vst v63  }
0x3b7: {  	s0 =	simm.s32 $0x440;
	s12 =	sadd.s32 $0x40, s9;
	s15 =	sadd.s32 $0x50, s9  }
0x3b8: {  	[hbm4b:s12+s3] =	stream.linear.scatter [tilespmem:s11], [sflag:$0x6], $0x80, $0x38;
	[tilespmem:$0x12D00] =	vst v63  }
0x3b9: {  	s1 =	sadd.s32 $0x1000, s9;
	s30 =	simm.s32 $0x10E30;
	s31 =	sadd.s32 $0x60, s9  }
0x3ba: {  	[hbm4b:s15+s3] =	stream.linear.scatter [tilespmem:s13], [sflag:$0x6], $0x80, $0x38;
	[tilespmem:$0x12D00] =	vst v63  }
0x3bb: {  	s6 =	simm.s32 $0x2200;
	s7 =	simm.s32 $0x10EB8;
	s8 =	sadd.s32 $0x70, s9  }
0x3bc: {  	[hbm4b:s31+s3] =	stream.linear.scatter [tilespmem:s30], [sflag:$0x6], $0x80, $0x38;
	[tilespmem:$0x12D00] =	vst v63  }
.LBB2_50:
0x3bd: {  	[hbm4b:s8+s3] =	stream.linear.scatter [tilespmem:s7], [sflag:$0x6], $0x80, $0x38;
	[tilespmem:$0x12D00] =	vst v63  }
0x3be: {  	s7 =	smov.u32 s0;
	s0 =	smov.u32 s6  }
0x3bf: {  	s9 =	sadd.s32 $0x1100, s6;
	s0 =	sshra.s32 s0, $0x2;
	s8 =	sadd.s32 $0x10B00, s7  }
0x3c0: {  	[hbm4b:s1+s3] =	stream.linear.scatter [tilespmem:s8], [sflag:$0x6], $0x80, $0x38;
	[tilespmem:$0x12D00] =	vst v63  }
0x3c1: {  	p0 =	sne.s32 s6, $0x7700;
	s6 =	sadd.s32 $0x10B88, s7;
	s8 =	sadd.s32 $0x10, s1  }
0x3c2: {  	[hbm4b:s8+s3] =	stream.linear.scatter [tilespmem:s6], [sflag:$0x6], $0x80, $0x38;
	[tilespmem:$0x12D00] =	vst v63  }
0x3c3: {  	s6 =	sadd.s32 $0x10C10, s7;
	s8 =	sadd.s32 $0x20, s1  }
0x3c4: {  	[hbm4b:s8+s3] =	stream.linear.scatter [tilespmem:s6], [sflag:$0x6], $0x80, $0x38;
	[tilespmem:$0x12D00] =	vst v63  }
0x3c5: {  	s6 =	sadd.s32 $0x10C98, s7;
	s8 =	sadd.s32 $0x30, s1  }
0x3c6: {  	[hbm4b:s8+s3] =	stream.linear.scatter [tilespmem:s6], [sflag:$0x6], $0x80, $0x38;
	[tilespmem:$0x12D00] =	vst v63  }
0x3c7: {  	s6 =	sadd.s32 $0x10D20, s7;
	s8 =	sadd.s32 $0x40, s1  }
0x3c8: {  	[hbm4b:s8+s3] =	stream.linear.scatter [tilespmem:s6], [sflag:$0x6], $0x80, $0x38;
	[tilespmem:$0x12D00] =	vst v63  }
.Ltmp24:
0x3c9: {  	s6 =	sadd.s32 $0x10DA8, s7;
	s8 =	sadd.s32 $0x50, s1;
	(pc) =	sbr.rel @p0 .LBB2_50-.Ltmp24, $4  }
0x3ca: {  	[hbm4b:s8+s3] =	stream.linear.scatter [tilespmem:s6], [sflag:$0x6], $0x80, $0x38;
	[tilespmem:$0x12D00] =	vst v63  }
0x3cb: {  	s6 =	sadd.s32 $0x10E30, s7;
	s8 =	sadd.s32 $0x60, s1;
	s7 =	sadd.s32 $0x10EB8, s7  }
0x3cc: {  	[hbm4b:s8+s3] =	stream.linear.scatter [tilespmem:s6], [sflag:$0x6], $0x80, $0x38;
	[tilespmem:$0x12D00] =	vst v63  }
0x3cd: {  	s8 =	sadd.s32 $0x70, s1;
	s1 =	sadd.s32 $0x1000, s1;
	s6 =	smov.u32 s9  }
0x3ce: {  	[hbm4b:s8+s3] =	stream.linear.scatter [tilespmem:s7], [sflag:$0x6], $0x80, $0x38;
	[tilespmem:$0x12D00] =	vst v63  }
0x3cf: {  	s6 =	sadd.s32 $0x10B00, s0  }
0x3d0: {  	[hbm4b:s1+s3] =	stream.linear.scatter [tilespmem:s6], [sflag:$0x6], $0x80, $0x38;
	[tilespmem:$0x12D00] =	vst v63  }
0x3d1: {  	s11 =	sadd.s32 $0x10B88, s0;
	s12 =	sadd.s32 $0x10, s1  }
0x3d2: {  	[hbm4b:s12+s3] =	stream.linear.scatter [tilespmem:s11], [sflag:$0x6], $0x80, $0x38;
	[tilespmem:$0x12D00] =	vst v63  }
0x3d3: {  	s13 =	sadd.s32 $0x10C10, s0;
	s15 =	sadd.s32 $0x20, s1  }
0x3d4: {  	[hbm4b:s15+s3] =	stream.linear.scatter [tilespmem:s13], [sflag:$0x6], $0x80, $0x38;
	[tilespmem:$0x12D00] =	vst v63  }
0x3d5: {  	s30 =	sadd.s32 $0x10C98, s0;
	s31 =	sadd.s32 $0x30, s1  }
0x3d6: {  	[hbm4b:s31+s3] =	stream.linear.scatter [tilespmem:s30], [sflag:$0x6], $0x80, $0x38;
	[tilespmem:$0x12D00] =	vst v63  }
0x3d7: {  	s7 =	sadd.s32 $0x10D20, s0;
	s8 =	sadd.s32 $0x40, s1  }
0x3d8: {  	[hbm4b:s8+s3] =	stream.linear.scatter [tilespmem:s7], [sflag:$0x6], $0x80, $0x38;
	[tilespmem:$0x12D00] =	vst v63  }
0x3d9: {  	s9 =	sadd.s32 $0x10DA8, s0;
	s10 =	sadd.s32 $0x50, s1  }
0x3da: {  	[hbm4b:s10+s3] =	stream.linear.scatter [tilespmem:s9], [sflag:$0x6], $0x80, $0x38;
	[tilespmem:$0x12D00] =	vst v63  }
0x3db: {  	s11 =	sadd.s32 $0x10E30, s0;
	s12 =	sadd.s32 $0x60, s1  }
0x3dc: {  	[hbm4b:s12+s3] =	stream.linear.scatter [tilespmem:s11], [sflag:$0x6], $0x80, $0x38;
	[tilespmem:$0x12D00] =	vst v63  }
0x3dd: {  	s13 =	sadd.s32 $0x10EB8, s0;
	s15 =	sadd.s32 $0x70, s1  }
0x3de: {  	[hbm4b:s15+s3] =	stream.linear.scatter [tilespmem:s13], [sflag:$0x6], $0x80, $0x38;
	[tilespmem:$0x12D00] =	vst v63  }
0x3df: {  	_ =	swait.ge [sflag:s24], $0x2000  }
0x3e0: {  	[sflag:s24] =	ssyncset.done $0x0  }
0x3e1: {  	[sflag:s24] =	ssyncadd.s32 $0xFFFFE000  }
0x3e2: {  	_ =	swait.ge [sflag:s26], $0x2000  }
0x3e3: {  	[sflag:s26] =	ssyncset.done $0x0  }
0x3e4: {  	[sflag:s26] =	ssyncadd.s32 $0xFFFFE000  }
0x3e5: {  	_ =	swait.ge [sflag:s28], $0x2000  }
0x3e6: {  	[sflag:s28] =	ssyncset.done $0x0  }
0x3e7: {  	[sflag:s28] =	ssyncadd.s32 $0xFFFFE000  }
0x3e8: {  	_ =	swait.ge [sflag:s29], $0x2000  }
0x3e9: {  	s30 =	rddreg [dreg:$0xa]  }
0x3ea: {  	s31 =	rddreg [dreg:$0x9];
	s1 =	sadd.s32 $0x1, s30  }
0x3eb: {  	p0 =	sne.s32 s1, s31  }
.Ltmp25:
0x3ec: {  	_ = 	snop;
	(pc) =	sbr.rel @p0 .LBB2_1-.Ltmp25, $3  }
0x3ed: {  	_ =	sdelay $0x1  }
0x3ee: {  	[sflag:s29] =	ssyncset.done $0x0  }
0x3ef: {  	[sflag:s29] =	ssyncadd.s32 $0xFFFFE000  }
0x3f0: {  	_ =	sfence.sel $0x180000  }
0x3f1: {  	[bflag:$0x0] =	sbarrier.arrive $0xFFFF  }
0x3f2: {  	_ =	strace $0x9000004A  }
0x3f3: {  	s0 =	stileid.u32;
	[bflag:$0x2] =	sbarrier.arrive $0xFFFF  }
0x3f4: {  	p0 =	sne.s32 s0, $0x0;
	s0 =	rddreg [dreg:$0x2]  }
0x3f5: {  	s0 =	sadd.s32 @!p0 $0x100000, s0  }
0x3f6: {  	[sflag:s0] =	ssyncadd.tile.s32 @!p0 $0x1;
	_ =	shalt  }
.Lfunc_end2:
_tile_overlayer_lowered:
.L_overlay_start_2:
0x3f7: {  	(tag) =	ssettag $0x2  }
0x3f8: {  	s0 =	rddreg [dreg:$0x0];
	s2 =	stileid.u32  }
0x3f9: {  	s1 =	rddreg [dreg:$0x1];
	p0 =	sne.s32 s2, $0x0  }
0x3fa: {  	s3 =	rddreg [dreg:$0x2];
	[bflag:$0x3] =	sbarrier.arrive $0xFFFF;
	s2 =	simm.s32 @!p0 $0x1C07  }
0x3fb: {  	[timem:s3], [sflag:s2] =	dma.local @!p0 [hbm:s0], s1  }
0x3fc: {  	s0 =	simm.s32 @!p0 $0x7  }
0x3fd: {  	_ =	swait.ge @!p0 [sflag:s0], s1  }
0x3fe: {  	s1 =	ssub.s32 @!p0 $0x0, s1;
	[sflag:s0] =	ssyncset.done @!p0 $0x0  }
0x3ff: {  	[sflag:s0] =	ssyncadd.s32 @!p0 s1  }
0x400: {  	[bflag:$0x3] =	sbarrier.arrive $0xFFFF  }
0x401: {  	_ =	shalt  }

// kernel: sparse-core-data-format-call.cloned.1.call-start
scs
called_computation_lowered:
.L_overlay_start_0:
0x0: {  	s2 =	sld [smem:$0x3FD9]  }
0x1: {  	s3 =	sld [smem:$0x3FFE];
	_ =	sdelay $0x1  }
0x2: {  	s1 =	srdreg.scid  }
0x3: {  	s0 =	sand.u32 $0x1, s1  }
0x4: {  	s18 =	sshll.u32 s0, $0xA;
	s2 =	sadd.s32 s3, s2  }
0x5: {  	s2 =	sadd.s32 s2, s18  }
0x6: {  	[smem:$0x3FC6] =	sst s2  }
0x7: {  	_ = 	snop  }
0x8: {  	s2 =	sld [smem:$0x3FC8];
	(tm) =	ssettm $0x1  }
0x9: {  	s19 =	sld [smem:$0x3FFB];
	_ =	sdelay $0x3  }
0xa: {  	_ =	strace s19  }
0xb: {  	s3 =	sld [smem:$0x3FFC];
	_ =	sdelay $0x3  }
0xc: {  	_ =	strace s3  }
0xd: {  	s3 =	sld [smem:$0x3FFD];
	_ =	sdelay $0x3  }
0xe: {  	_ =	strace s3  }
0xf: {  	_ =	strace $0x8FFFFFFF  }
0x10: {  	s20 =	sld [smem:$0x3FDB];
	_ =	sdelay $0x1  }
0x11: {  	s4 =	simm.s32 $_scs_section_size  }
0x12: {  	s5 =	simm.s32 $_size__tile_overlayer_lowered;
	s6 =	simm.s32 $_tile_overlayer_lowered  }
0x13: {  	s23 =	simm.s32 $0x1BFF;
	s22 =	sshll.u32 s6, $0x1;
	s3 =	sadd.s32 s4, s20  }
0x14: {  	s7 =	simm.s32 $0x0;
	s21 =	sshll.u32 s5, $0x1;
	s5 =	sadd.s32 s22, s3  }
0x15: {  	[timem:s7], [sflag:s23] =	dma.local [hbm:s5], s21  }
0x16: {  	_ =	swait.ge [sflag:s23], s21  }
0x17: {  	s4 =	ssub.s32 $0x0, s21;
	[sflag:s23] =	ssyncset.done $0x0  }
0x18: {  	[sflag:s23] =	ssyncadd.s32 s4;
	_ =	sdelay $0x1  }
0x19: {  	s24 =	simm.s32 $0x1B8B  }
0x1a: {  	_ =	swait.ge [sflag:s24], $0x1  }
0x1b: {  	[sflag:s24] =	ssyncset.done $0x0  }
0x1c: {  	s26 =	simm.s32 $0x1B8E;
	s25 =	sld [smem:$0x3FFE];
	[sflag:s24] =	ssyncadd.s32 $0xFFFFFFFF  }
0x1d: {  	s27 =	simm.s32 $execute0_lowered;
	[smem:$0x3FD2] =	sst s26  }
0x1e: {  	s5 =	sshll.u32 s27, $0x1;
	_ =	strace $0x80000046;
	[dreg:$0x1] =	wrdreg $0xFFFFFFFF  }
0x1f: {  	s28 =	simm.s32 $_size_execute0_lowered;
	s3 =	sadd.s32 s3, s5;
	[dreg:$0x0] =	wrdreg $0x0  }
0x20: {  	s5 =	sshll.u32 s28, $0x1;
	[dreg:$0x2] =	wrdreg s3  }
0x21: {  	[dreg:$0x3] =	wrdreg s5  }
0x22: {  	[dreg:$0x4] =	wrdreg $0xC0  }
0x23: {  	_ =	task [dreg:s7], $0x5FFFF  }
0x24: {  	[dreg:$0x1] =	wrdreg $0xFFFFFFFF  }
0x25: {  	[dreg:$0x0] =	wrdreg $0x60  }
0x26: {  	[dreg:$0x2] =	wrdreg s2  }
0x27: {  	[dreg:$0x3] =	wrdreg s25  }
0x28: {  	[dreg:$0x4] =	wrdreg $0x9  }
0x29: {  	_ =	task.clear_ibuf [dreg:s7], $0x5FFFF;
	_ =	strace $0x90000046  }
0x2a: {  	s29 =	simm.s32 $0x9;
	_ =	strace $0x80000048  }
0x2b: {  	_ =	swait.ge [sflag:s29], $0x1  }
0x2c: {  	[sflag:s29] =	ssyncadd.s32 $0xFFFFFFFF  }
0x2d: {  	_ =	strace $0x90000048  }
0x2e: {  	_ =	sfence  }
0x2f: {  	s30 =	sld [smem:$0x0];
	_ =	sdelay $0x2  }
0x30: {  	s31 =	sshll.u32 s1, $0xD;
	s1 =	sshrl.u32 s1, $0x2  }
0x31: {  	s3 =	sand.u32 $0x4000, s31;
	s1 =	sadd.s32 s1, s30  }
0x32: {  	s0 =	sor.u32 s3, s0;
	s1 =	sshll.u32 s1, $0x11  }
0x33: {  	s0 =	sor.u32 s1, s0  }
0x34: {  	s0 =	sadd.s32 $0x8F2B, s0  }
0x35: {  	[sflag:s0] =	ssyncadd.remote.s32 $0x1  }
0x36: {  	_ =	sfence.sel $0xFFFF  }
0x37: {  	[dreg:$0x0] =	wrdreg $0xFFFFFFFF;
	(pc) =	sbr.abs _section_cstart, $3  }
0x38: {  	[dreg:$0x1] =	wrdreg $0xFFFFFFFF  }
0x39: {  	_ =	task.clear_ibuf [dreg:s7], $0x2FFFF;
	_ =	strace $0x9FFFFFFF  }
0x3a: {  	(tm) =	ssettm $0x7FFFFFFF  }
0x3b: {  	_ =	shalt  }
tec
execute0_lowered:
.L_overlay_start_1:
0x0: {  	(tag) =	ssettag $0x1  }
0x1: {  	s0 =	srdreg.scid;
	s2 =	rddreg [dreg:$0x0]  }
0x2: {  	s5 =	rddreg [dreg:$0x1];
	s1 =	stileid.u32  }
0x3: {  	s4 =	simm.s32 $0x1;
	s6 =	simm.s32 $0x2;
	s15 =	simm.s32 $0x0  }
0x4: {  	p0 =	por $0x0, $0x0;
	s8 =	simm.s32 $0x80;
	s0 =	sshll.u32 s0, $0x4  }
0x5: {  	s14 =	simm.s32 $0x0;
	s9 =	simm.s32 $0x0;
	s3 =	sand.u32 $0x10, s0  }
.Ltmp0:
0x6: {  	s10 =	simm.s32 $0x0;
	s3 =	sor.u32 s1, s3;
	(pc) =	sbr.rel .LBB1_1-.Ltmp0, $4  }
0x7: {  	s0 =	rddreg [dreg:$0x2];
	_ =	strace $0x80000047;
	s3 =	sshll.u32 s3, $0x7  }
0x8: {  	s12 =	simm.s32 $0x0;
	[sflag:s4] =	ssyncpa.u1 $0x0;
	s7 =	ssub.s32 $0xF4200, s3  }
0x9: {  	s13 =	simm.s32 $0x0;
	[sflag:s6] =	ssyncpa.u1 $0x0;
	s6 =	sshrl.u32 s7, $0xC  }
0xa: {  	s5 =	sadd.s32 $0xA00, s5;
	s11 =	smov.u32 s3;
	s7 =	sadd.s32 $0x2, s6  }
.LBB1_5:
0xb: {  	p1 =	slt.u32 s13, $0x2  }
0xc: {  	s17 =	smov.u32 s15;
	p2 =	sgt.s32 @!p1 s15, $0xF41C0;
	s16 =	sshra.s32 @!p1 s15, $0x1F  }
0xd: {  	p3 =	sgt.s32 @!p1 s14, $0x40;
	s18 =	sshra.s32 @!p1 s14, $0x1F;
	p2 =	por !p2, p1  }
0xe: {  	s15 =	sand.u32 @!p1 s16, s15;
	p3 =	por !p3, p1;
	s16 =	smov.u32 s14  }
0xf: {  	s14 =	sand.u32 @!p1 s18, s14;
	s17 =	simm.s32 @p2 $0xF41C0;
	s16 =	simm.s32 @p3 $0x40  }
0x10: {  	s15 =	ssub.s32 @!p1 s17, s15;
	s14 =	ssub.s32 @!p1 s16, s14  }
0x11: {  	s18 =	smov.u32 s12;
	s16 =	sadd.s32 @!p1 $0xFFF0BE40, s15;
	s17 =	sadd.s32 @!p1 $0xFFFFFFC0, s14  }
0x12: {  	s15 =	ssub.s32 @!p1 $0xF4240, s15;
	p2 =	sgt.s32 @!p1 s16, $0x7F;
	p3 =	sgt.s32 @!p1 s17, $0x3F  }
0x13: {  	s14 =	ssub.s32 @!p1 $0x80, s14;
	p2 =	por !p2, p1;
	p3 =	por !p3, p1  }
0x14: {  	s16 =	sadd.s32 $0x1000, s11;
	s15 =	simm.s32 @!p2 $0x0;
	s14 =	simm.s32 @!p3 $0x0  }
0x15: {  	p2 =	sgt.s32 s16, $0xF423F;
	s14 =	smul.u32 @!p1 s14, s15;
	s15 =	sadd.s32 $0x40, s12  }
0x16: {  	s18 =	smov.u32 @p2 s15  }
0x17: {  	s16 =	smov.u32 @p2 s3;
	p2 =	sgt.s32 s18, $0x3F  }
0x18: {  	s18 =	simm.s32 @p2 $0x0;
	p2 =	sne.s32 s13, s7  }
.Ltmp1:
0x19: {  	p0 =	por !p0, !p0;
	s17 =	simm.s32 @!p1 $0x2;
	(pc) =	sbr.rel @!p2 .LBB1_6-.Ltmp1, $4  }
0x1a: {  	s15 =	smov.u32 s9;
	s9 =	smov.u32 s11;
	s14 =	sand.u32 @!p1 $0x3FFFFFFF, s14  }
0x1b: {  	s11 =	smov.u32 s16;
	_ =	swait.ge @!p1 [sflag:s17], s14;
	s19 =	ssub.s32 @!p1 $0x0, s14  }
0x1c: {  	s14 =	smov.u32 s10;
	s13 =	sadd.s32 $0x1, s13;
	[sflag:s17] =	ssyncset.done @!p1 $0x0  }
0x1d: {  	s10 =	smov.u32 s12;
	s12 =	smov.u32 s18;
	[sflag:s17] =	ssyncadd.s32 @!p1 s19  }
.LBB1_1:
0x1e: {  	p1 =	sgt.u32 s13, s6  }
0x1f: {  	s16 =	sshrl.u32 @!p1 s12, $0x3  }
0x20: {  	s17 =	sshll.u32 @!p1 s11, $0x3;
	s16 =	smul.u32 @!p1 $0x7A1400, s16  }
0x21: {  	s18 =	sshll.u32 @!p1 s12, $0x7;
	s17 =	sand.u32 @!p1 $0xFFFFFC00, s17  }
0x22: {  	s16 =	sadd.s32 @!p1 s16, s17;
	s17 =	sand.u32 @!p1 $0x380, s18  }
0x23: {  	s18 =	sand.u32 @!p1 $0x7F, s11;
	s16 =	sor.u32 @!p1 s17, s16  }
0x24: {  	s17 =	sor.u32 @!p1 s18, s16  }
0x25: {  	s18 =	smulhi.u32 @!p1 $0x218D6287, s17;
	_ =	sdelay $0x1  }
0x26: {  	s16 =	smulhi.u32 @!p1 $0x218D6287, s16;
	s18 =	sshrl.u32 @!p1 s18, $0x11  }
0x27: {  	s18 =	smul.u32 @!p1 $0xF4280, s18  }
0x28: {  	s19 =	sxor.u32 @!p1 $0xFFFFFFFF, s13;
	s16 =	sshrl.u32 @!p1 s16, $0x11  }
0x29: {  	s19 =	sshll.u32 @!p1 s19, $0xD;
	s16 =	sand.u32 @!p1 $0x3F, s16;
	s17 =	ssub.s32 @!p1 s17, s18  }
0x2a: {  	s16 =	smul.u32 @!p1 $0x1E850, s16;
	s18 =	sshrl.u32 @!p1 s17, $0x3;
	s17 =	sand.u32 @!p1 $0x7, s17  }
0x2b: {  	s19 =	sand.u32 @!p1 $0x2000, s19;
	s18 =	sadd.s32 @!p1 s2, s18;
	s17 =	sshll.u32 @!p1 s17, $0x12  }
0x2c: {  	s16 =	sadd.s32 @!p1 s16, s18;
	s17 =	sor.u32 @!p1 $0x400, s17;
	s18 =	simm.s32 @!p1 $0x7A1400  }
0x2d: {  	[tilespmem:s19], [sflag:$0x1] =	stream.strided.gather @!p1 [hbm4b:s16+s17], $0x2000, s18, s17, $0x38;
	[tilespmem:$0x8100] =	vst v63  }
0x2e: {  	p1 =	seq.s32 s13, $0x0  }
0x2f: {  	p2 =	sge.u32 @!p1 s13, s7  }
0x30: {  	p1 =	por p1, p2  }
.Ltmp2:
0x31: {  	_ = 	snop;
	(pc) =	sbr.rel @p1 .LBB1_5-.Ltmp2, $1  }
0x32: {  	_ =	sdelay $0x3  }
0x33: {  	s16 =	simm.s32 $0x1  }
0x34: {  	_ =	swait.ge [sflag:s4], $0x2000;
	s16 =	simm.s32 @!p0 $0x0  }
0x35: {  	[sflag:s4] =	ssyncset.done $0x0;
	s17 =	sshll.u32 s16, $0xD  }
0x36: {  	[sflag:s4] =	ssyncadd.s32 $0xFFFFE000;
	s17 =	sor.u32 $0x40, s17  }
0x37: {  	s16 =	smul.u32 $0x8200, s16;
	v0 =	vld [tilespmem:s17+$0x30]  }
0x38: {  	v1 =	vld [tilespmem:s17+$0xFFFFFFD0]  }
0x39: {  	s16 =	sshrl.u32 s16, $0x2;
	v5 =	vld [tilespmem:s17+$0xFFFFFFE0]  }
0x3a: {  	v6 =	vld [tilespmem:s17+$0xFFFFFFF0];
	s19 =	sor.u32 $0x4000, s16  }
0x3b: {  	s31 =	sand.u32 $0x1, s13;
	v4 =	vld [tilespmem:s17+$0x0];
	s18 =	sadd.s32 $0x0, s19  }
0x3c: {  	v3 =	vld [tilespmem:s17+$0x10];
	s16 =	smul.u32 $0x8200, s31;
	[tilespmem:s18+$0x1C70 ss:$0x41] =	vst.msk $0xffff, v0  }
0x3d: {  	v2 =	vld [tilespmem:s17+$0x20];
	[tilespmem:s18+$0x410 ss:$0x41] =	vst.msk $0xffff, v1  }
0x3e: {  	s16 =	sshrl.u32 s16, $0x2;
	v1 =	vld [tilespmem:s17+$0xFFFFFFC0];
	[tilespmem:s18+$0x820 ss:$0x41] =	vst.msk $0xffff, v5;
	s17 =	sadd.s32 $0x80, s17  }
0x3f: {  	s20 =	simm.s32 $0x4;
	s21 =	simm.s32 $0x8;
	s16 =	sor.u32 $0x4000, s16;
	[tilespmem:s18+$0xC30 ss:$0x41] =	vst.msk $0xffff, v6;
	v0 =	vld [tilespmem:s17+$0x30]  }
.LBB1_3:
0x40: {  	p1 =	sne.s32 s21, $0xFC;
	v5 =	vld [tilespmem:s17+$0xFFFFFFD0];
	[tilespmem:s18+$0x1040 ss:$0x41] =	vst.msk $0xffff, v4  }
0x41: {  	v6 =	vld [tilespmem:s17+$0xFFFFFFE0];
	[tilespmem:s18+$0x1450 ss:$0x41] =	vst.msk $0xffff, v3  }
0x42: {  	s22 =	sshra.s32 s20, $0x2;
	s20 =	smov.u32 s21;
	v7 =	vld [tilespmem:s17+$0xFFFFFFF0];
	[tilespmem:s18+$0x1860 ss:$0x41] =	vst.msk $0xffff, v2  }
.Ltmp3:
0x43: {  	v4 =	vld [tilespmem:s17+$0x0];
	[tilespmem:s18+$0x0 ss:$0x41] =	vst.msk $0xffff, v1;
	s18 =	sadd.s32 s22, s19;
	(pc) =	sbr.rel @p1 .LBB1_3-.Ltmp3, $4  }
0x44: {  	v3 =	vld [tilespmem:s17+$0x10];
	[tilespmem:s18+$0x1C70 ss:$0x41] =	vst.msk $0xffff, v0  }
0x45: {  	[tilespmem:s18+$0x410 ss:$0x41] =	vst.msk $0xffff, v5;
	v2 =	vld [tilespmem:s17+$0x20]  }
0x46: {  	v1 =	vld [tilespmem:s17+$0xFFFFFFC0];
	[tilespmem:s18+$0x820 ss:$0x41] =	vst.msk $0xffff, v6;
	s17 =	sadd.s32 $0x80, s17  }
0x47: {  	s21 =	sadd.s32 $0x4, s21;
	v0 =	vld [tilespmem:s17+$0x30];
	[tilespmem:s18+$0xC30 ss:$0x41] =	vst.msk $0xffff, v7  }
0x48: {  	s21 =	sshll.u32 s9, $0x7;
	s22 =	sshll.u32 s10, $0x3;
	s20 =	sshra.s32 s20, $0x2  }
0x49: {  	p1 =	sgt.s32 s9, $0xF41C0;
	s30 =	sshra.s32 s9, $0x1F;
	s25 =	sshra.s32 s10, $0x1F  }
0x4a: {  	v5 =	vld [tilespmem:s17+$0xFFFFFFD0];
	s28 =	sshrl.u32 s10, $0x3;
	s23 =	sand.u32 $0xFFFFFC00, s21;
	s22 =	sand.u32 $0xFFFFFC00, s22  }
0x4b: {  	[tilespmem:s18+$0x1040 ss:$0x41] =	vst.msk $0xffff, v4;
	v58 =	vld [tilespmem:s17+$0xFFFFFFE0];
	s21 =	sand.u32 $0x380, s21;
	s19 =	sadd.s32 s20, s19;
	s22 =	sadd.s32 s22, s23  }
0x4c: {  	v59 =	vld [tilespmem:s17+$0xFFFFFFF0];
	[tilespmem:s18+$0x1450 ss:$0x41] =	vst.msk $0xffff, v3;
	s29 =	sor.u32 s21, s22;
	s21 =	smov.u32 s9;
	s22 =	sand.u32 s30, s9  }
0x4d: {  	v60 =	vld [tilespmem:s17+$0x0];
	[tilespmem:s18+$0x1860 ss:$0x41] =	vst.msk $0xffff, v2;
	s30 =	sand.u32 $0x7, s10;
	s20 =	sshrl.u32 s29, $0x7;
	s21 =	simm.s32 @!p1 $0xF41C0  }
0x4e: {  	v61 =	vld [tilespmem:s17+$0x10];
	[tilespmem:s18+$0x0 ss:$0x41] =	vst.msk $0xffff, v1;
	p1 =	sgt.s32 s10, $0x40;
	s24 =	ssub.s32 s21, s22;
	s21 =	smov.u32 s10  }
0x4f: {  	v62 =	vld [tilespmem:s17+$0x20];
	[tilespmem:s19+$0x1C70 ss:$0x41] =	vst.msk $0xffff, v0;
	s31 =	smulhi.u32 $0x218DEF5, s20;
	s22 =	sand.u32 s25, s10;
	s21 =	simm.s32 @!p1 $0x40  }
0x50: {  	v63 =	vld [tilespmem:s17+$0xFFFFFFC0];
	[tilespmem:s19+$0x410 ss:$0x41] =	vst.msk $0xffff, v5;
	s26 =	sadd.s32 $0xFFF0BE40, s24;
	s17 =	ssub.s32 $0xF4240, s24;
	s21 =	ssub.s32 s21, s22  }
0x51: {  	[tilespmem:s19+$0x820 ss:$0x41] =	vst.msk $0xffff, v58;
	s23 =	sshrl.u32 s31, $0xD;
	p1 =	sgt.s32 s26, $0x7F;
	s27 =	sadd.s32 $0xFFFFFFC0, s21  }
0x52: {  	[tilespmem:s19+$0xC30 ss:$0x41] =	vst.msk $0xffff, v59;
	s23 =	smul.u32 $0xF4240, s23;
	s18 =	ssub.s32 $0x80, s21;
	p2 =	sgt.s32 s27, $0x3F  }
.Ltmp4:
0x53: {  	[tilespmem:s19+$0x1040 ss:$0x41] =	vst.msk $0xffff, v60;
	s17 =	simm.s32 @p1 $0x0;
	s18 =	simm.s32 @p2 $0x0;
	(pc) =	sbr.rel .LBB1_5-.Ltmp4, $4  }
0x54: {  	s29 =	sand.u32 $0xF, s28;
	[tilespmem:s19+$0x1450 ss:$0x41] =	vst.msk $0xffff, v61;
	s20 =	ssub.s32 s20, s23;
	s17 =	smul.u32 s18, s17  }
0x55: {  	[tilespmem:s19+$0x1860 ss:$0x41] =	vst.msk $0xffff, v62;
	s21 =	sshll.u32 s30, $0x12;
	s20 =	sshll.u32 s20, $0x4;
	s18 =	sadd.s32 s5, s29  }
0x56: {  	[tilespmem:s19+$0x0 ss:$0x41] =	vst.msk $0xffff, v63;
	s31 =	sor.u32 $0x40, s21;
	s18 =	sadd.s32 s20, s18;
	s17 =	sand.u32 $0x3FFFFFFF, s17  }
0x57: {  	[hbm4b:s18+s31] =	stream.strided.scatter [tilespmem:s16], [sflag:$0x2], s17, s8, s31, $0x18;
	[tilespmem:$0x8100] =	vst v63  }
.LBB1_6:
0x58: {  	_ =	sfence.sel $0x180000  }
0x59: {  	s2 =	simm.s32 $0x1;
	[bflag:$0x0] =	sbarrier.arrive $0xFFFF  }
0x5a: {  	s31 =	simm.s32 $0x2;
	[sflag:s2] =	ssyncpa.u1 $0x1  }
0x5b: {  	[sflag:s31] =	ssyncpa.u1 $0x1  }
0x5c: {  	p0 =	sne.s32 s1, $0x0;
	_ =	strace $0x90000047  }
0x5d: {  	s0 =	sadd.s32 @!p0 $0x100000, s0;
	[bflag:$0x2] =	sbarrier.arrive $0xFFFF  }
0x5e: {  	[sflag:s0] =	ssyncadd.tile.s32 @!p0 $0x1;
	_ =	shalt  }
.Lfunc_end1:
_tile_overlayer_lowered:
.L_overlay_start_2:
0x5f: {  	(tag) =	ssettag $0x2  }
0x60: {  	s0 =	rddreg [dreg:$0x0];
	s2 =	stileid.u32  }
0x61: {  	s1 =	rddreg [dreg:$0x1];
	p0 =	sne.s32 s2, $0x0  }
0x62: {  	s3 =	rddreg [dreg:$0x2];
	[bflag:$0x3] =	sbarrier.arrive $0xFFFF;
	s2 =	simm.s32 @!p0 $0x1C01  }
0x63: {  	[timem:s3], [sflag:s2] =	dma.local @!p0 [hbm:s0], s1  }
0x64: {  	s0 =	simm.s32 @!p0 $0x1  }
0x65: {  	_ =	swait.ge @!p0 [sflag:s0], s1  }
0x66: {  	s1 =	ssub.s32 @!p0 $0x0, s1;
	[sflag:s0] =	ssyncset.done @!p0 $0x0  }
0x67: {  	[sflag:s0] =	ssyncadd.s32 @!p0 s1  }
0x68: {  	[bflag:$0x3] =	sbarrier.arrive $0xFFFF  }
0x69: {  	_ =	shalt  }

</sc_bundles>
